<compile_context>
chip_gen: v7x
topology: tpu7x:2x2x1
jax: 0.10.2.dev20260603
libtpu: 0.0.44.dev20260713+nightly
codegen_flags: <defaults>
</compile_context>

<pallas_src>
import jax
import jax.numpy as jnp
from jax import lax
from jax.experimental import pallas as pl
from jax.experimental.pallas import tpu as pltpu
from jax.experimental.pallas import tpu_sc as plsc

KK = 1000000
MM = 500000
LL = 4096
OO = 4

NC = 2
NS = 16
NW = NC * NS
KW = KK // NW
KR = 31360
NKV = ((KW + 15) // 16)
MCH = 2048
MPAD = 501760
NMC = MPAD // MCH
BCH = 1024
MAXCH = 32
CAP = MAXCH * BCH * OO
HALF = LL // 2
RPP = 256
NPASS = HALF // RPP
ACC = RPP * LL

_mesh = plsc.VectorSubcoreMesh(core_axis_name="c", subcore_axis_name="s",
                               num_cores=NC, num_subcores=NS)
_params = pltpu.CompilerParams(needs_layout_passes=False)
_params_tc = pltpu.CompilerParams(needs_layout_passes=False,
                                 use_tc_tiling_on_sc=True)


def _k1_body(mk, mv, c1h, c2h, r1h, kp2f, items_idx, items_w, ccnt,
             lookup, c1b, r1b, kb, vb,
             smx0, smx1, sc10, sc11, sr0, sr1,
             gidx, gidx4, c2g, labs, iout, wout, cntb, sem1, sem2):
    smx = (smx0, smx1)
    sc1 = (sc10, sc11)
    sr = (sr0, sr1)
    wid = lax.axis_index("s") * NC + lax.axis_index("c")
    lo = wid * KW
    iota16 = lax.iota(jnp.int32, 16)

    def init_vec(i, _):
        sl = pl.ds(i * 16, 16)
        lookup[sl] = jnp.full((16,), -1, jnp.int32)
        return _
    lax.fori_loop(0, KR // 16, init_vec, 0)

    def init_stg(i, _):
        sl = pl.ds(i * 16, 16)
        for h in (0, 1):
            smx[h][sl] = jnp.zeros((16,), jnp.int32)
            sr[h][sl] = jnp.zeros((16,), jnp.int32)
            sc1[h][sl] = jnp.zeros((16,), jnp.float32)
        return _
    lax.fori_loop(0, (BCH + 16) // 16, init_stg, 0)

    pltpu.sync_copy(c1h.at[wid], c1b)
    pltpu.sync_copy(r1h.at[wid], r1b)

    def ph_a(i, _):
        off = i * MCH
        pltpu.sync_copy(mk.at[pl.ds(off, MCH)], kb)
        pltpu.sync_copy(mv.at[pl.ds(off, MCH)], vb)

        def vec(j, __):
            for u in range(4):
                sl = pl.ds(j * 64 + u * 16, 16)
                k = kb[sl] - lo
                msk = k.astype(jnp.uint32) < jnp.uint32(KW)
                plsc.store_scatter(lookup, [jnp.where(msk, k, 0)], vb[sl],
                                   mask=msk)
            return __
        lax.fori_loop(0, MCH // 64, vec, 0)
        return _
    lax.fori_loop(0, NMC, ph_a, 0)

    def flush(h, nch, climit):
        def cp(i, _):
            for u in range(4):
                sl = pl.ds(i * 64 + u * 16, 16)
                m = smx[h][sl]
                gidx[sl] = m
                m4 = m * OO
                for o in range(OO):
                    gidx4[pl.ds(o * BCH + i * 64 + u * 16, 16)] = m4 + o
            return _
        lax.fori_loop(0, BCH // 64, cp, 0)
        cp1 = pltpu.async_copy(c2h.at[gidx], c2g, sem1)
        cp2 = pltpu.async_copy(kp2f.at[gidx4], labs, sem2)
        cp1.wait()
        cp2.wait()

        def comp(j, _):
            for u in range(2):
                sl = pl.ds(j * 32 + u * 16, 16)
                pos = j * 32 + u * 16 + iota16
                live = pos < climit
                w = jnp.where(live, sc1[h][sl] * c2g[sl], 0.0)
                base = sr[h][sl] * LL
                for o in range(OO):
                    osl = pl.ds(o * BCH + j * 32 + u * 16, 16)
                    iout[osl] = base + labs[osl]
                wout[sl] = w
            return _
        lax.fori_loop(0, BCH // 32, comp, 0)

        off = nch * (BCH * OO)
        pltpu.sync_copy(iout, items_idx.at[h, wid, pl.ds(off, BCH * OO)])
        for o in range(OO):
            pltpu.sync_copy(wout,
                            items_w.at[h, wid, pl.ds(off + o * BCH, BCH)])

    def move_rem(h):
        for buf in (smx[h], sc1[h], sr[h]):
            v = buf[pl.ds(BCH, 16)]
            buf[pl.ds(0, 16)] = v

    def ph_b(i, carry):
        c0, c1c, n0, n1 = carry
        sl = pl.ds(i * 16, 16)
        m = lookup[sl]
        valid = m >= 0
        rv = r1b[sl]
        c1v = c1b[sl]
        cs = [c0, c1c]
        ns = [n0, n1]
        for h in (0, 1):
            mh = valid & ((rv >= HALF) if h == 1 else (rv < HALF))
            plsc.store_compressed(smx[h].at[pl.ds(cs[h], 16)], m, mask=mh)
            plsc.store_compressed(sc1[h].at[pl.ds(cs[h], 16)], c1v, mask=mh)
            plsc.store_compressed(sr[h].at[pl.ds(cs[h], 16)], rv, mask=mh)
            cs[h] = cs[h] + jnp.sum(mh.astype(jnp.int32))

        for h in (0, 1):
            def do_flush(c=cs[h], n=ns[h], h=h):
                flush(h, n, BCH)
                move_rem(h)
                return c - BCH, n + 1

            def no_flush(c=cs[h], n=ns[h]):
                return c, n
            cs[h], ns[h] = lax.cond(cs[h] >= BCH, do_flush, no_flush)
        return cs[0], cs[1], ns[0], ns[1]

    c0, c1c, n0, n1 = lax.fori_loop(0, NKV, ph_b, (0, 0, 0, 0))

    cs = [c0, c1c]
    ns = [n0, n1]
    for h in (0, 1):
        def do_final(c=cs[h], n=ns[h], h=h):
            flush(h, n, c)
            return n + 1

        def no_final(n=ns[h]):
            return n
        ns[h] = lax.cond(cs[h] > 0, do_final, no_final)

    cnt_vec = jnp.where(iota16 == 0, ns[0],
                        jnp.where(iota16 == 1, ns[1], 0)).astype(jnp.int32)
    def zcnt(i, _):
        cntb[pl.ds(i * 16, 16)] = jnp.zeros((16,), jnp.int32)
        return _
    lax.fori_loop(0, 8, zcnt, 0)
    cntb[pl.ds(0, 16)] = cnt_vec
    pltpu.sync_copy(cntb, ccnt.at[wid])


def _k2_body(items_idx, items_w, ccnt, scores,
             spacc, cidx, cw, cidx2, rowb, zb, cntb):
    core = lax.axis_index("c")
    sid = lax.axis_index("s")
    iota16 = lax.iota(jnp.int32, 16)
    tile_words = ACC // NS

    def zvec(i, _):
        zb[pl.ds(i * 16, 16)] = jnp.zeros((16,), jnp.float32)
        return _
    lax.fori_loop(0, LL // 16, zvec, 0)

    def zcp(q, _):
        pltpu.sync_copy(zb, spacc.at[pl.ds(sid * tile_words + q * LL, LL)])
        return _
    lax.fori_loop(0, tile_words // LL, zcp, 0)
    plsc.subcore_barrier()

    def do_pass(p, _):
        row_lo = core * HALF + p * RPP
        base_flat = row_lo * LL

        def do_region(rw, __):
            w = sid * 2 + rw
            pltpu.sync_copy(ccnt.at[w], cntb)
            cv = cntb[pl.ds(0, 16)]
            nch = jnp.sum(jnp.where(iota16 == core, cv, 0))

            def chunk(ch, ___):
                off = ch * (BCH * OO)
                pltpu.sync_copy(items_idx.at[core, w, pl.ds(off, BCH * OO)],
                                cidx)
                pltpu.sync_copy(items_w.at[core, w, pl.ds(off, BCH * OO)],
                                cw)

                def adj(j, ____):
                    for u in range(4):
                        sl = pl.ds(j * 64 + u * 16, 16)
                        pos = j * 64 + u * 16 + iota16
                        fl = cidx[sl] - base_flat
                        inb = fl.astype(jnp.uint32) < jnp.uint32(ACC)
                        cidx2[sl] = jnp.where(inb, fl, pos)
                        cw[sl] = jnp.where(inb, cw[sl], 0.0)
                    return ____
                lax.fori_loop(0, (BCH * OO) // 64, adj, 0)
                pltpu.sync_copy(cw, spacc.at[cidx2], add=True)
                return ___
            lax.fori_loop(0, nch, chunk, 0)
            return __
        lax.fori_loop(0, 2, do_region, 0)
        plsc.subcore_barrier()

        def frow(q, __):
            lrow = sid * 16 + q
            pltpu.sync_copy(spacc.at[pl.ds(lrow * LL, LL)], rowb)
            pltpu.sync_copy(zb, spacc.at[pl.ds(lrow * LL, LL)])

            def rsum(j, accs):
                return tuple(accs[u] + rowb[pl.ds(j * 64 + u * 16, 16)]
                             for u in range(4))
            accs = lax.fori_loop(0, LL // 64, rsum,
                                 tuple(jnp.zeros((16,), jnp.float32)
                                       for _ in range(4)))
            acc = accs[0] + accs[1] + accs[2] + accs[3]
            tot = jnp.sum(acc)
            denv = jnp.maximum(jnp.full((16,), tot, jnp.float32) * 0.25,
                               1e-6)
            inv = jnp.ones((16,), jnp.float32) / denv

            def scale(j, ___):
                for u in range(4):
                    sl = pl.ds(j * 64 + u * 16, 16)
                    rowb[sl] = rowb[sl] * inv
                return ___
            lax.fori_loop(0, LL // 64, scale, 0)
            pltpu.sync_copy(rowb, scores.at[row_lo + lrow])
            return __
        lax.fori_loop(0, 16, frow, 0)
        plsc.subcore_barrier()
        return _
    lax.fori_loop(0, NPASS, do_pass, 0)


def _build():
  k1 = pl.kernel(
      _k1_body,
      out_type=(
          jax.ShapeDtypeStruct((2, NW, CAP), jnp.int32),
          jax.ShapeDtypeStruct((2, NW, CAP), jnp.float32),
          jax.ShapeDtypeStruct((NW, 128), jnp.int32),
      ),
      mesh=_mesh,
      compiler_params=_params,
      scratch_types=[
          pltpu.VMEM((KR,), jnp.int32),
          pltpu.VMEM((KR,), jnp.float32),
          pltpu.VMEM((KR,), jnp.int32),
          pltpu.VMEM((MCH,), jnp.int32),
          pltpu.VMEM((MCH,), jnp.int32),
          pltpu.VMEM((BCH + 16,), jnp.int32),
          pltpu.VMEM((BCH + 16,), jnp.int32),
          pltpu.VMEM((BCH + 16,), jnp.float32),
          pltpu.VMEM((BCH + 16,), jnp.float32),
          pltpu.VMEM((BCH + 16,), jnp.int32),
          pltpu.VMEM((BCH + 16,), jnp.int32),
          pltpu.VMEM((BCH,), jnp.int32),
          pltpu.VMEM((OO * BCH,), jnp.int32),
          pltpu.VMEM((BCH,), jnp.float32),
          pltpu.VMEM((OO * BCH,), jnp.int32),
          pltpu.VMEM((OO * BCH,), jnp.int32),
          pltpu.VMEM((BCH,), jnp.float32),
          pltpu.VMEM((128,), jnp.int32),
          pltpu.SemaphoreType.DMA,
          pltpu.SemaphoreType.DMA,
      ],
  )

  k2 = pl.kernel(
      _k2_body,
      out_type=jax.ShapeDtypeStruct((LL, LL), jnp.float32),
      mesh=_mesh,
      compiler_params=_params,
      scratch_types=[
          pltpu.VMEM_SHARED((ACC,), jnp.float32),
          pltpu.VMEM((BCH * OO,), jnp.int32),
          pltpu.VMEM((BCH * OO,), jnp.float32),
          pltpu.VMEM((BCH * OO,), jnp.int32),
          pltpu.VMEM((LL,), jnp.float32),
          pltpu.VMEM((LL,), jnp.float32),
          pltpu.VMEM((128,), jnp.int32),
      ],
  )


  return k1, k2


_cache = []


def kernel(conf1, conf2, matches, kp_bmask1, kp2bmask2):
    mk = jnp.pad(matches[:, 0], (0, MPAD - MM), constant_values=KK)
    mv = jnp.pad(matches[:, 1], (0, MPAD - MM))
    c1h = jnp.pad(conf1.reshape(NW, KW), ((0, 0), (0, KR - KW)))
    r1h = jnp.pad(kp_bmask1.reshape(NW, KW), ((0, 0), (0, KR - KW)))
    if not _cache:
        _cache.extend(_build())
    k1, k2 = _cache
    items_idx, items_w, ccnt = k1(mk, mv, c1h, conf2, r1h,
                                  kp2bmask2.reshape(-1))
    return k2(items_idx, items_w, ccnt)

# --- scband reference (transcript-rebuilt; emitter-appended) ---
"""Pipeline reference for scband-sequence-segmentation-41077067219192 (READ-ONLY COPY).

The authoritative reference and input builder live on the scoring server;
editing this copy changes nothing except your own understanding.
"""

import jax, jax.numpy as jnp
import numpy as np

K = 1000000
M = 500000
L = 4096
O = 4

def setup_inputs(seed: int = 0) -> dict:
    key = jax.random.key(seed)
    k1, k2, k3, k4, k5 = jax.random.split(key, 5)
    conf1 = jax.random.uniform(k1, (K,), dtype=jnp.float32)
    conf2 = jax.random.uniform(k2, (K,), dtype=jnp.float32)
    matches = jax.random.randint(k3, (M, 2), 0, K, dtype=jnp.int32)
    kp_bmask1 = jax.random.randint(k4, (K,), 0, L, dtype=jnp.int32)
    kp2bmask2 = jax.random.randint(k5, (K, O), 0, L, dtype=jnp.int32)
    return {"conf1": conf1, "conf2": conf2, "matches": matches,
            "kp_bmask1": kp_bmask1, "kp2bmask2": kp2bmask2}


def reference(conf1, conf2, matches, kp_bmask1, kp2bmask2):
    # matches_lookup[matches[:,0]] = matches[:,1]  (scatter-overwrite, -1 init)
    matches_lookup = jnp.full((K,), -1, dtype=jnp.int32)
    matches_lookup = matches_lookup.at[matches[:, 0]].set(matches[:, 1])
    matched = matches_lookup                       # [K] matched kp idx in frame2, -1 if none
    valid = matched >= 0
    midx = jnp.where(valid, matched, 0)
    # labels = other_frame.keypoints2bmask_tensor[match_kpnts]  (gather)
    labels2 = jnp.take(kp2bmask2, midx, axis=0)    # [K, O]
    # confidence-weighted match count (bincount analogue)
    w = conf1 * jnp.take(conf2, midx)              # [K]
    w = jnp.where(valid, w, 0.0)
    l1 = kp_bmask1                                 # [K] region id in frame1 per keypoint
    flat_idx = l1[:, None] * L + labels2           # [K, O]
    wts = jnp.broadcast_to(w[:, None], (K, O))
    counts = jax.ops.segment_sum(wts.reshape(-1), flat_idx.reshape(-1), num_segments=L * L)
    counts = counts.reshape(L, L)                  # counter per (bmask1, bmask2)
    # denom: total matched weight per bmask1 (len(match_kpnts) analogue)
    denom = jax.ops.segment_sum(w, l1, num_segments=L)
    scores = counts / jnp.maximum(denom[:, None], 1e-6)
    return scores

if __name__ == "__main__":
    import jax
    _d = setup_inputs()
    print(jax.jit(kernel)(*tuple(_d.values())))

</pallas_src>

<mosaic_0001>
#map = affine_map<(d0, d1) -> (0, 0, 0)>
#map1 = affine_map<(d0, d1) -> (0, 0)>
module attributes {stable_mosaic.version = 14 : i64} {
  func.func @_k2_body(%arg0: i32, %arg1: i32, %arg2: memref<2x32x131072xi32, #tpu.memory_space<hbm>>, %arg3: memref<2x32x131072xf32, #tpu.memory_space<hbm>>, %arg4: memref<32x128xi32, #tpu.memory_space<hbm>>, %arg5: memref<4096x4096xf32, #tpu.memory_space<hbm>>, %arg6: memref<1048576xf32, #tpu.memory_space<vmem_shared>>, %arg7: memref<4096xi32, #tpu.memory_space<vmem>>, %arg8: memref<4096xf32, #tpu.memory_space<vmem>>, %arg9: memref<4096xi32, #tpu.memory_space<vmem>>, %arg10: memref<4096xf32, #tpu.memory_space<vmem>>, %arg11: memref<4096xf32, #tpu.memory_space<vmem>>, %arg12: memref<128xi32, #tpu.memory_space<vmem>>) attributes {dimension_semantics = [#tpu.dimension_semantics<core_parallel>, #tpu.dimension_semantics<subcore_parallel>], iteration_bounds = array<i64: 2, 16>, scalar_prefetch = 0 : i64, scratch_operands = 7 : i64, tpu.core_type = #tpu.core_type<sc_vector_subcore>, window_params = [{transform_indices = #map}, {transform_indices = #map}, {transform_indices = #map1}, {transform_indices = #map1}]} {
    %iota3A = tpu.iota {dimensions = array<i32: 0>} : vector<16xi32>
    %scan3A = arith.constant 0 : i32
    %scan3A_0 = arith.constant 0 : i32
    %scan3A_1 = arith.constant 256 : i32
    %scan3A_2 = arith.addi %scan3A_0, %scan3A_1 : i32
    %scan3A_3 = arith.constant 1 : i32
    scf.for %scan3A_17 = %scan3A_0 to %scan3A_2 step %scan3A_3  : i32 {
      %broadcast_in_dim3A = arith.constant 0.000000e+00 : f32
      %broadcast_in_dim3A_18 = vector.broadcast %broadcast_in_dim3A : f32 to vector<16xf32>
      %mul3A = arith.constant 16 : i32
      %mul3A_19 = arith.muli %scan3A_17, %mul3A : i32
      %swap3A = arith.index_cast %mul3A_19 : i32 to index
      %swap3A_20 = tpu.vector_load %arg11[%swap3A] {strides = array<i32>} : memref<4096xf32, #tpu.memory_space<vmem>>, vector<16xf32>,
      tpu.vector_store %arg11[%swap3A], %broadcast_in_dim3A_18 {strides = array<i32>} : memref<4096xf32, #tpu.memory_space<vmem>>, vector<16xf32>,
    }
    %scan3A_4 = arith.constant 256 : i32
    %scan3A_5 = arith.constant 0 : i32
    %scan3A_6 = arith.constant 0 : i32
    %scan3A_7 = arith.constant 16 : i32
    %scan3A_8 = arith.addi %scan3A_6, %scan3A_7 : i32
    %scan3A_9 = arith.constant 1 : i32
    scf.for %scan3A_17 = %scan3A_6 to %scan3A_8 step %scan3A_9  : i32 {
      %mul3A = arith.constant 65536 : i32
      %mul3A_18 = arith.muli %arg1, %mul3A : i32
      %mul3A_19 = arith.constant 4096 : i32
      %mul3A_20 = arith.muli %scan3A_17, %mul3A_19 : i32
      %add3A = arith.addi %mul3A_18, %mul3A_20 : i32
      "tpu.region"() ({
        %run_scoped3A = tpu.sem_alloc : memref<!tpu.dma_semaphore, #tpu.memory_space<semaphore_mem>>
        %dma_start3A = tpu.memref_slice %arg6[%add3A] : memref<1048576xf32, #tpu.memory_space<vmem_shared>> -> memref<4096xf32, #tpu.memory_space<vmem_shared>>
        %dma_start3A_21 = tpu.memref_slice %arg6[%add3A] : memref<1048576xf32, #tpu.memory_space<vmem_shared>> -> memref<4096xf32, #tpu.memory_space<vmem_shared>>
        tpu.enqueue_dma source(%arg11 : memref<4096xf32, #tpu.memory_space<vmem>>) target(%dma_start3A_21 : memref<4096xf32, #tpu.memory_space<vmem_shared>>) target_semaphore(%run_scoped3A : memref<!tpu.dma_semaphore, #tpu.memory_space<semaphore_mem>>)
        %dma_wait3A = tpu.memref_slice %arg6[%add3A] : memref<1048576xf32, #tpu.memory_space<vmem_shared>> -> memref<4096xf32, #tpu.memory_space<vmem_shared>>
        %dma_wait3A_22 = tpu.memref_slice %arg6[%add3A] : memref<1048576xf32, #tpu.memory_space<vmem_shared>> -> memref<4096xf32, #tpu.memory_space<vmem_shared>>
        tpu.wait_dma2 semaphore(%run_scoped3A : memref<!tpu.dma_semaphore, #tpu.memory_space<semaphore_mem>>) src(%arg11 : memref<4096xf32, #tpu.memory_space<vmem>>) dst(%dma_wait3A_22 : memref<4096xf32, #tpu.memory_space<vmem_shared>>)
        tpu.yield
      }) : () -> ()
    }
    %scan3A_10 = arith.constant 16 : i32
    %barrier3A = arith.constant 0 : index
    tpu.barrier barrier_id(%barrier3A)
    %scan3A_11 = arith.constant 0 : i32
    %scan3A_12 = arith.constant 0 : i32
    %scan3A_13 = arith.constant 8 : i32
    %scan3A_14 = arith.addi %scan3A_12, %scan3A_13 : i32
    %scan3A_15 = arith.constant 1 : i32
    scf.for %scan3A_17 = %scan3A_12 to %scan3A_14 step %scan3A_15  : i32 {
      %mul3A = arith.constant 2048 : i32
      %mul3A_18 = arith.muli %arg0, %mul3A : i32
      %mul3A_19 = arith.constant 256 : i32
      %mul3A_20 = arith.muli %scan3A_17, %mul3A_19 : i32
      %add3A = arith.addi %mul3A_18, %mul3A_20 : i32
      %mul3A_21 = arith.constant 4096 : i32
      %mul3A_22 = arith.muli %add3A, %mul3A_21 : i32
      %scan3A_23 = arith.constant 0 : i32
      %scan3A_24 = arith.constant 0 : i32
      %scan3A_25 = arith.constant 2 : i32
      %scan3A_26 = arith.addi %scan3A_24, %scan3A_25 : i32
      %scan3A_27 = arith.constant 1 : i32
      scf.for %scan3A_37 = %scan3A_24 to %scan3A_26 step %scan3A_27  : i32 {
        %mul3A_38 = arith.constant 2 : i32
        %mul3A_39 = arith.muli %arg1, %mul3A_38 : i32
        %add3A_40 = arith.addi %mul3A_39, %scan3A_37 : i32
        "tpu.region"() ({
          %run_scoped3A = tpu.sem_alloc : memref<!tpu.dma_semaphore, #tpu.memory_space<semaphore_mem>>
          %dma_start3A = arith.constant 0 : i32
          %dma_start3A_55 = tpu.memref_slice %arg4[%add3A_40, %dma_start3A] : memref<32x128xi32, #tpu.memory_space<hbm>> -> memref<1x128xi32, #tpu.memory_space<hbm>>
          %dma_start3A_56 = tpu.memref_squeeze %dma_start3A_55 : memref<1x128xi32, #tpu.memory_space<hbm>> -> memref<128xi32, #tpu.memory_space<hbm>>
          %dma_start3A_57 = arith.constant 0 : i32
          %dma_start3A_58 = tpu.memref_slice %arg4[%add3A_40, %dma_start3A_57] : memref<32x128xi32, #tpu.memory_space<hbm>> -> memref<1x128xi32, #tpu.memory_space<hbm>>
          %dma_start3A_59 = tpu.memref_squeeze %dma_start3A_58 : memref<1x128xi32, #tpu.memory_space<hbm>> -> memref<128xi32, #tpu.memory_space<hbm>>
          tpu.enqueue_dma source(%dma_start3A_59 : memref<128xi32, #tpu.memory_space<hbm>>) target(%arg12 : memref<128xi32, #tpu.memory_space<vmem>>) target_semaphore(%run_scoped3A : memref<!tpu.dma_semaphore, #tpu.memory_space<semaphore_mem>>)
          %dma_wait3A = arith.constant 0 : i32
          %dma_wait3A_60 = tpu.memref_slice %arg4[%add3A_40, %dma_wait3A] : memref<32x128xi32, #tpu.memory_space<hbm>> -> memref<1x128xi32, #tpu.memory_space<hbm>>
          %dma_wait3A_61 = tpu.memref_squeeze %dma_wait3A_60 : memref<1x128xi32, #tpu.memory_space<hbm>> -> memref<128xi32, #tpu.memory_space<hbm>>
          %dma_wait3A_62 = arith.constant 0 : i32
          %dma_wait3A_63 = tpu.memref_slice %arg4[%add3A_40, %dma_wait3A_62] : memref<32x128xi32, #tpu.memory_space<hbm>> -> memref<1x128xi32, #tpu.memory_space<hbm>>
          %dma_wait3A_64 = tpu.memref_squeeze %dma_wait3A_63 : memref<1x128xi32, #tpu.memory_space<hbm>> -> memref<128xi32, #tpu.memory_space<hbm>>
          tpu.wait_dma2 semaphore(%run_scoped3A : memref<!tpu.dma_semaphore, #tpu.memory_space<semaphore_mem>>) src(%dma_wait3A_64 : memref<128xi32, #tpu.memory_space<hbm>>) dst(%arg12 : memref<128xi32, #tpu.memory_space<vmem>>)
          tpu.yield
        }) : () -> ()
        %get3A = arith.constant 0 : index
        %get3A_41 = tpu.vector_load %arg12[%get3A] {strides = array<i32>} : memref<128xi32, #tpu.memory_space<vmem>>, vector<16xi32>,
        %eq3A = vector.broadcast %arg0 : i32 to vector<16xi32>
        %eq3A_42 = arith.cmpi eq, %iota3A, %eq3A : vector<16xi32>
        %jit3A = arith.constant 0 : i32
        %broadcast_in_dim3A = vector.broadcast %jit3A : i32 to vector<16xi32>
        %select_n3A = arith.select %eq3A_42, %get3A_41, %broadcast_in_dim3A : vector<16xi1>, vector<16xi32>
        %reduce_sum3A = arith.constant true
        %reduce_sum3A_43 = vector.broadcast %reduce_sum3A : i1 to vector<16xi1>
        %reduce_sum3A_44 = tpu.scan <sum>, %select_n3A masked %reduce_sum3A_43 : vector<16xi32>, vector<16xi1> -> vector<16xi32>
        %reduce_sum3A_45 = vector.extract %reduce_sum3A_44[15] : i32 from vector<16xi32>
        %while3A = arith.constant 0 : i32
        %while3A_46 = arith.constant 0 : i32
        %while3A_47 = arith.subi %reduce_sum3A_45, %while3A_46 : i32
        %while3A_48 = arith.addi %while3A_46, %while3A_47 : i32
        %while3A_49 = arith.constant 1 : i32
        %while3A_50 = arith.divsi %while3A_47, %while3A_49 : i32
        %while3A_51 = arith.muli %while3A_50, %while3A_49 : i32
        %while3A_52 = arith.addi %while3A_46, %while3A_51 : i32
        %while3A_53 = arith.constant 1 : i32
        scf.for %while3A_55 = %while3A_46 to %while3A_52 step %while3A_53  : i32 {
          %mul3A_56 = arith.constant 4096 : i32
          %mul3A_57 = arith.muli %while3A_55, %mul3A_56 : i32
          "tpu.region"() ({
            %run_scoped3A = tpu.sem_alloc : memref<!tpu.dma_semaphore, #tpu.memory_space<semaphore_mem>>
            %dma_start3A = tpu.memref_slice %arg2[%arg0, %add3A_40, %mul3A_57] : memref<2x32x131072xi32, #tpu.memory_space<hbm>> -> memref<1x1x4096xi32, #tpu.memory_space<hbm>>
            %dma_start3A_64 = tpu.memref_squeeze %dma_start3A : memref<1x1x4096xi32, #tpu.memory_space<hbm>> -> memref<4096xi32, #tpu.memory_space<hbm>>
            %dma_start3A_65 = tpu.memref_slice %arg2[%arg0, %add3A_40, %mul3A_57] : memref<2x32x131072xi32, #tpu.memory_space<hbm>> -> memref<1x1x4096xi32, #tpu.memory_space<hbm>>
            %dma_start3A_66 = tpu.memref_squeeze %dma_start3A_65 : memref<1x1x4096xi32, #tpu.memory_space<hbm>> -> memref<4096xi32, #tpu.memory_space<hbm>>
            tpu.enqueue_dma source(%dma_start3A_66 : memref<4096xi32, #tpu.memory_space<hbm>>) target(%arg7 : memref<4096xi32, #tpu.memory_space<vmem>>) target_semaphore(%run_scoped3A : memref<!tpu.dma_semaphore, #tpu.memory_space<semaphore_mem>>)
            %dma_wait3A = tpu.memref_slice %arg2[%arg0, %add3A_40, %mul3A_57] : memref<2x32x131072xi32, #tpu.memory_space<hbm>> -> memref<1x1x4096xi32, #tpu.memory_space<hbm>>
            %dma_wait3A_67 = tpu.memref_squeeze %dma_wait3A : memref<1x1x4096xi32, #tpu.memory_space<hbm>> -> memref<4096xi32, #tpu.memory_space<hbm>>
            %dma_wait3A_68 = tpu.memref_slice %arg2[%arg0, %add3A_40, %mul3A_57] : memref<2x32x131072xi32, #tpu.memory_space<hbm>> -> memref<1x1x4096xi32, #tpu.memory_space<hbm>>
            %dma_wait3A_69 = tpu.memref_squeeze %dma_wait3A_68 : memref<1x1x4096xi32, #tpu.memory_space<hbm>> -> memref<4096xi32, #tpu.memory_space<hbm>>
            tpu.wait_dma2 semaphore(%run_scoped3A : memref<!tpu.dma_semaphore, #tpu.memory_space<semaphore_mem>>) src(%dma_wait3A_69 : memref<4096xi32, #tpu.memory_space<hbm>>) dst(%arg7 : memref<4096xi32, #tpu.memory_space<vmem>>)
            tpu.yield
          }) : () -> ()
          "tpu.region"() ({
            %run_scoped3A = tpu.sem_alloc : memref<!tpu.dma_semaphore, #tpu.memory_space<semaphore_mem>>
            %dma_start3A = tpu.memref_slice %arg3[%arg0, %add3A_40, %mul3A_57] : memref<2x32x131072xf32, #tpu.memory_space<hbm>> -> memref<1x1x4096xf32, #tpu.memory_space<hbm>>
            %dma_start3A_64 = tpu.memref_squeeze %dma_start3A : memref<1x1x4096xf32, #tpu.memory_space<hbm>> -> memref<4096xf32, #tpu.memory_space<hbm>>
            %dma_start3A_65 = tpu.memref_slice %arg3[%arg0, %add3A_40, %mul3A_57] : memref<2x32x131072xf32, #tpu.memory_space<hbm>> -> memref<1x1x4096xf32, #tpu.memory_space<hbm>>
            %dma_start3A_66 = tpu.memref_squeeze %dma_start3A_65 : memref<1x1x4096xf32, #tpu.memory_space<hbm>> -> memref<4096xf32, #tpu.memory_space<hbm>>
            tpu.enqueue_dma source(%dma_start3A_66 : memref<4096xf32, #tpu.memory_space<hbm>>) target(%arg8 : memref<4096xf32, #tpu.memory_space<vmem>>) target_semaphore(%run_scoped3A : memref<!tpu.dma_semaphore, #tpu.memory_space<semaphore_mem>>)
            %dma_wait3A = tpu.memref_slice %arg3[%arg0, %add3A_40, %mul3A_57] : memref<2x32x131072xf32, #tpu.memory_space<hbm>> -> memref<1x1x4096xf32, #tpu.memory_space<hbm>>
            %dma_wait3A_67 = tpu.memref_squeeze %dma_wait3A : memref<1x1x4096xf32, #tpu.memory_space<hbm>> -> memref<4096xf32, #tpu.memory_space<hbm>>
            %dma_wait3A_68 = tpu.memref_slice %arg3[%arg0, %add3A_40, %mul3A_57] : memref<2x32x131072xf32, #tpu.memory_space<hbm>> -> memref<1x1x4096xf32, #tpu.memory_space<hbm>>
            %dma_wait3A_69 = tpu.memref_squeeze %dma_wait3A_68 : memref<1x1x4096xf32, #tpu.memory_space<hbm>> -> memref<4096xf32, #tpu.memory_space<hbm>>
            tpu.wait_dma2 semaphore(%run_scoped3A : memref<!tpu.dma_semaphore, #tpu.memory_space<semaphore_mem>>) src(%dma_wait3A_69 : memref<4096xf32, #tpu.memory_space<hbm>>) dst(%arg8 : memref<4096xf32, #tpu.memory_space<vmem>>)
            tpu.yield
          }) : () -> ()
          %scan3A_58 = arith.constant 0 : i32
          %scan3A_59 = arith.constant 0 : i32
          %scan3A_60 = arith.constant 64 : i32
          %scan3A_61 = arith.addi %scan3A_59, %scan3A_60 : i32
          %scan3A_62 = arith.constant 1 : i32
          scf.for %scan3A_64 = %scan3A_59 to %scan3A_61 step %scan3A_62  : i32 {
            %mul3A_65 = arith.constant 64 : i32
            %mul3A_66 = arith.muli %scan3A_64, %mul3A_65 : i32
            %add3A_67 = arith.constant 0 : i32
            %add3A_68 = arith.addi %mul3A_66, %add3A_67 : i32
            %mul3A_69 = arith.constant 64 : i32
            %mul3A_70 = arith.muli %scan3A_64, %mul3A_69 : i32
            %add3A_71 = arith.constant 0 : i32
            %add3A_72 = arith.addi %mul3A_70, %add3A_71 : i32
            %add3A_73 = vector.broadcast %add3A_72 : i32 to vector<16xi32>
            %add3A_74 = arith.addi %add3A_73, %iota3A : vector<16xi32>
            %get3A_75 = arith.index_cast %add3A_68 : i32 to index
            %get3A_76 = tpu.vector_load %arg7[%get3A_75] {strides = array<i32>} : memref<4096xi32, #tpu.memory_space<vmem>>, vector<16xi32>,
            %sub3A = vector.broadcast %mul3A_22 : i32 to vector<16xi32>
            %sub3A_77 = arith.subi %get3A_76, %sub3A : vector<16xi32>
            %lt3A = arith.constant 1048576 : i32
            %lt3A_78 = vector.broadcast %lt3A : i32 to vector<16xi32>
            %lt3A_79 = arith.cmpi ult, %sub3A_77, %lt3A_78 : vector<16xi32>
            %select_n3A_80 = arith.select %lt3A_79, %sub3A_77, %add3A_74 : vector<16xi1>, vector<16xi32>
            %swap3A = arith.index_cast %add3A_68 : i32 to index
            %swap3A_81 = tpu.vector_load %arg9[%swap3A] {strides = array<i32>} : memref<4096xi32, #tpu.memory_space<vmem>>, vector<16xi32>,
            tpu.vector_store %arg9[%swap3A], %select_n3A_80 {strides = array<i32>} : memref<4096xi32, #tpu.memory_space<vmem>>, vector<16xi32>,
            %get3A_82 = arith.index_cast %add3A_68 : i32 to index
            %get3A_83 = tpu.vector_load %arg8[%get3A_82] {strides = array<i32>} : memref<4096xf32, #tpu.memory_space<vmem>>, vector<16xf32>,
            %jit3A_84 = arith.constant 0.000000e+00 : f32
            %broadcast_in_dim3A_85 = vector.broadcast %jit3A_84 : f32 to vector<16xf32>
            %select_n3A_86 = arith.select %lt3A_79, %get3A_83, %broadcast_in_dim3A_85 : vector<16xi1>, vector<16xf32>
            %swap3A_87 = arith.index_cast %add3A_68 : i32 to index
            %swap3A_88 = tpu.vector_load %arg8[%swap3A_87] {strides = array<i32>} : memref<4096xf32, #tpu.memory_space<vmem>>, vector<16xf32>,
            tpu.vector_store %arg8[%swap3A_87], %select_n3A_86 {strides = array<i32>} : memref<4096xf32, #tpu.memory_space<vmem>>, vector<16xf32>,
            %mul3A_89 = arith.constant 64 : i32
            %mul3A_90 = arith.muli %scan3A_64, %mul3A_89 : i32
            %add3A_91 = arith.constant 16 : i32
            %add3A_92 = arith.addi %mul3A_90, %add3A_91 : i32
            %mul3A_93 = arith.constant 64 : i32
            %mul3A_94 = arith.muli %scan3A_64, %mul3A_93 : i32
            %add3A_95 = arith.constant 16 : i32
            %add3A_96 = arith.addi %mul3A_94, %add3A_95 : i32
            %add3A_97 = vector.broadcast %add3A_96 : i32 to vector<16xi32>
            %add3A_98 = arith.addi %add3A_97, %iota3A : vector<16xi32>
            %get3A_99 = arith.index_cast %add3A_92 : i32 to index
            %get3A_100 = tpu.vector_load %arg7[%get3A_99] {strides = array<i32>} : memref<4096xi32, #tpu.memory_space<vmem>>, vector<16xi32>,
            %sub3A_101 = vector.broadcast %mul3A_22 : i32 to vector<16xi32>
            %sub3A_102 = arith.subi %get3A_100, %sub3A_101 : vector<16xi32>
            %lt3A_103 = arith.constant 1048576 : i32
            %lt3A_104 = vector.broadcast %lt3A_103 : i32 to vector<16xi32>
            %lt3A_105 = arith.cmpi ult, %sub3A_102, %lt3A_104 : vector<16xi32>
            %select_n3A_106 = arith.select %lt3A_105, %sub3A_102, %add3A_98 : vector<16xi1>, vector<16xi32>
            %swap3A_107 = arith.index_cast %add3A_92 : i32 to index
            %swap3A_108 = tpu.vector_load %arg9[%swap3A_107] {strides = array<i32>} : memref<4096xi32, #tpu.memory_space<vmem>>, vector<16xi32>,
            tpu.vector_store %arg9[%swap3A_107], %select_n3A_106 {strides = array<i32>} : memref<4096xi32, #tpu.memory_space<vmem>>, vector<16xi32>,
            %get3A_109 = arith.index_cast %add3A_92 : i32 to index
            %get3A_110 = tpu.vector_load %arg8[%get3A_109] {strides = array<i32>} : memref<4096xf32, #tpu.memory_space<vmem>>, vector<16xf32>,
            %jit3A_111 = arith.constant 0.000000e+00 : f32
            %broadcast_in_dim3A_112 = vector.broadcast %jit3A_111 : f32 to vector<16xf32>
            %select_n3A_113 = arith.select %lt3A_105, %get3A_110, %broadcast_in_dim3A_112 : vector<16xi1>, vector<16xf32>
            %swap3A_114 = arith.index_cast %add3A_92 : i32 to index
            %swap3A_115 = tpu.vector_load %arg8[%swap3A_114] {strides = array<i32>} : memref<4096xf32, #tpu.memory_space<vmem>>, vector<16xf32>,
            tpu.vector_store %arg8[%swap3A_114], %select_n3A_113 {strides = array<i32>} : memref<4096xf32, #tpu.memory_space<vmem>>, vector<16xf32>,
            %mul3A_116 = arith.constant 64 : i32
            %mul3A_117 = arith.muli %scan3A_64, %mul3A_116 : i32
            %add3A_118 = arith.constant 32 : i32
            %add3A_119 = arith.addi %mul3A_117, %add3A_118 : i32
            %mul3A_120 = arith.constant 64 : i32
            %mul3A_121 = arith.muli %scan3A_64, %mul3A_120 : i32
            %add3A_122 = arith.constant 32 : i32
            %add3A_123 = arith.addi %mul3A_121, %add3A_122 : i32
            %add3A_124 = vector.broadcast %add3A_123 : i32 to vector<16xi32>
            %add3A_125 = arith.addi %add3A_124, %iota3A : vector<16xi32>
            %get3A_126 = arith.index_cast %add3A_119 : i32 to index
            %get3A_127 = tpu.vector_load %arg7[%get3A_126] {strides = array<i32>} : memref<4096xi32, #tpu.memory_space<vmem>>, vector<16xi32>,
            %sub3A_128 = vector.broadcast %mul3A_22 : i32 to vector<16xi32>
            %sub3A_129 = arith.subi %get3A_127, %sub3A_128 : vector<16xi32>
            %lt3A_130 = arith.constant 1048576 : i32
            %lt3A_131 = vector.broadcast %lt3A_130 : i32 to vector<16xi32>
            %lt3A_132 = arith.cmpi ult, %sub3A_129, %lt3A_131 : vector<16xi32>
            %select_n3A_133 = arith.select %lt3A_132, %sub3A_129, %add3A_125 : vector<16xi1>, vector<16xi32>
            %swap3A_134 = arith.index_cast %add3A_119 : i32 to index
            %swap3A_135 = tpu.vector_load %arg9[%swap3A_134] {strides = array<i32>} : memref<4096xi32, #tpu.memory_space<vmem>>, vector<16xi32>,
            tpu.vector_store %arg9[%swap3A_134], %select_n3A_133 {strides = array<i32>} : memref<4096xi32, #tpu.memory_space<vmem>>, vector<16xi32>,
            %get3A_136 = arith.index_cast %add3A_119 : i32 to index
            %get3A_137 = tpu.vector_load %arg8[%get3A_136] {strides = array<i32>} : memref<4096xf32, #tpu.memory_space<vmem>>, vector<16xf32>,
            %jit3A_138 = arith.constant 0.000000e+00 : f32
            %broadcast_in_dim3A_139 = vector.broadcast %jit3A_138 : f32 to vector<16xf32>
            %select_n3A_140 = arith.select %lt3A_132, %get3A_137, %broadcast_in_dim3A_139 : vector<16xi1>, vector<16xf32>
            %swap3A_141 = arith.index_cast %add3A_119 : i32 to index
            %swap3A_142 = tpu.vector_load %arg8[%swap3A_141] {strides = array<i32>} : memref<4096xf32, #tpu.memory_space<vmem>>, vector<16xf32>,
            tpu.vector_store %arg8[%swap3A_141], %select_n3A_140 {strides = array<i32>} : memref<4096xf32, #tpu.memory_space<vmem>>, vector<16xf32>,
            %mul3A_143 = arith.constant 64 : i32
            %mul3A_144 = arith.muli %scan3A_64, %mul3A_143 : i32
            %add3A_145 = arith.constant 48 : i32
            %add3A_146 = arith.addi %mul3A_144, %add3A_145 : i32
            %mul3A_147 = arith.constant 64 : i32
            %mul3A_148 = arith.muli %scan3A_64, %mul3A_147 : i32
            %add3A_149 = arith.constant 48 : i32
            %add3A_150 = arith.addi %mul3A_148, %add3A_149 : i32
            %add3A_151 = vector.broadcast %add3A_150 : i32 to vector<16xi32>
            %add3A_152 = arith.addi %add3A_151, %iota3A : vector<16xi32>
            %get3A_153 = arith.index_cast %add3A_146 : i32 to index
            %get3A_154 = tpu.vector_load %arg7[%get3A_153] {strides = array<i32>} : memref<4096xi32, #tpu.memory_space<vmem>>, vector<16xi32>,
            %sub3A_155 = vector.broadcast %mul3A_22 : i32 to vector<16xi32>
            %sub3A_156 = arith.subi %get3A_154, %sub3A_155 : vector<16xi32>
            %lt3A_157 = arith.constant 1048576 : i32
            %lt3A_158 = vector.broadcast %lt3A_157 : i32 to vector<16xi32>
            %lt3A_159 = arith.cmpi ult, %sub3A_156, %lt3A_158 : vector<16xi32>
            %select_n3A_160 = arith.select %lt3A_159, %sub3A_156, %add3A_152 : vector<16xi1>, vector<16xi32>
            %swap3A_161 = arith.index_cast %add3A_146 : i32 to index
            %swap3A_162 = tpu.vector_load %arg9[%swap3A_161] {strides = array<i32>} : memref<4096xi32, #tpu.memory_space<vmem>>, vector<16xi32>,
            tpu.vector_store %arg9[%swap3A_161], %select_n3A_160 {strides = array<i32>} : memref<4096xi32, #tpu.memory_space<vmem>>, vector<16xi32>,
            %get3A_163 = arith.index_cast %add3A_146 : i32 to index
            %get3A_164 = tpu.vector_load %arg8[%get3A_163] {strides = array<i32>} : memref<4096xf32, #tpu.memory_space<vmem>>, vector<16xf32>,
            %jit3A_165 = arith.constant 0.000000e+00 : f32
            %broadcast_in_dim3A_166 = vector.broadcast %jit3A_165 : f32 to vector<16xf32>
            %select_n3A_167 = arith.select %lt3A_159, %get3A_164, %broadcast_in_dim3A_166 : vector<16xi1>, vector<16xf32>
            %swap3A_168 = arith.index_cast %add3A_146 : i32 to index
            %swap3A_169 = tpu.vector_load %arg8[%swap3A_168] {strides = array<i32>} : memref<4096xf32, #tpu.memory_space<vmem>>, vector<16xf32>,
            tpu.vector_store %arg8[%swap3A_168], %select_n3A_167 {strides = array<i32>} : memref<4096xf32, #tpu.memory_space<vmem>>, vector<16xf32>,
          }
          %scan3A_63 = arith.constant 64 : i32
          "tpu.region"() ({
            %run_scoped3A = tpu.sem_alloc : memref<!tpu.dma_semaphore, #tpu.memory_space<semaphore_mem>>
            %dma_start3A = arith.constant 0 : i32
            %dma_start3A_64 = tpu.memref_slice %arg6[%dma_start3A] : memref<1048576xf32, #tpu.memory_space<vmem_shared>> -> memref<1048576xf32, #tpu.memory_space<vmem_shared>>
            tpu.enqueue_indirect_dma source(%arg8 : memref<4096xf32, #tpu.memory_space<vmem>>) target(%dma_start3A_64 : memref<1048576xf32, #tpu.memory_space<vmem_shared>>) offsets(%arg9 : memref<4096xi32, #tpu.memory_space<vmem>>) semaphore(%run_scoped3A : memref<!tpu.dma_semaphore, #tpu.memory_space<semaphore_mem>>) {add = true}
            %dma_wait3A = arith.constant 0 : i32
            %dma_wait3A_65 = tpu.memref_slice %arg6[%dma_wait3A] : memref<1048576xf32, #tpu.memory_space<vmem_shared>> -> memref<1048576xf32, #tpu.memory_space<vmem_shared>>
            tpu.wait_indirect_dma semaphore(%run_scoped3A : memref<!tpu.dma_semaphore, #tpu.memory_space<semaphore_mem>>) src(%arg8 : memref<4096xf32, #tpu.memory_space<vmem>>) dst(%dma_wait3A_65 : memref<1048576xf32, #tpu.memory_space<vmem_shared>>)
            tpu.yield
          }) : () -> ()
        }
        %while3A_54 = arith.constant 1 : i32
        scf.for %while3A_55 = %while3A_52 to %while3A_48 step %while3A_54  : i32 {
          %mul3A_56 = arith.constant 4096 : i32
          %mul3A_57 = arith.muli %while3A_55, %mul3A_56 : i32
          "tpu.region"() ({
            %run_scoped3A = tpu.sem_alloc : memref<!tpu.dma_semaphore, #tpu.memory_space<semaphore_mem>>
            %dma_start3A = tpu.memref_slice %arg2[%arg0, %add3A_40, %mul3A_57] : memref<2x32x131072xi32, #tpu.memory_space<hbm>> -> memref<1x1x4096xi32, #tpu.memory_space<hbm>>
            %dma_start3A_64 = tpu.memref_squeeze %dma_start3A : memref<1x1x4096xi32, #tpu.memory_space<hbm>> -> memref<4096xi32, #tpu.memory_space<hbm>>
            %dma_start3A_65 = tpu.memref_slice %arg2[%arg0, %add3A_40, %mul3A_57] : memref<2x32x131072xi32, #tpu.memory_space<hbm>> -> memref<1x1x4096xi32, #tpu.memory_space<hbm>>
            %dma_start3A_66 = tpu.memref_squeeze %dma_start3A_65 : memref<1x1x4096xi32, #tpu.memory_space<hbm>> -> memref<4096xi32, #tpu.memory_space<hbm>>
            tpu.enqueue_dma source(%dma_start3A_66 : memref<4096xi32, #tpu.memory_space<hbm>>) target(%arg7 : memref<4096xi32, #tpu.memory_space<vmem>>) target_semaphore(%run_scoped3A : memref<!tpu.dma_semaphore, #tpu.memory_space<semaphore_mem>>)
            %dma_wait3A = tpu.memref_slice %arg2[%arg0, %add3A_40, %mul3A_57] : memref<2x32x131072xi32, #tpu.memory_space<hbm>> -> memref<1x1x4096xi32, #tpu.memory_space<hbm>>
            %dma_wait3A_67 = tpu.memref_squeeze %dma_wait3A : memref<1x1x4096xi32, #tpu.memory_space<hbm>> -> memref<4096xi32, #tpu.memory_space<hbm>>
            %dma_wait3A_68 = tpu.memref_slice %arg2[%arg0, %add3A_40, %mul3A_57] : memref<2x32x131072xi32, #tpu.memory_space<hbm>> -> memref<1x1x4096xi32, #tpu.memory_space<hbm>>
            %dma_wait3A_69 = tpu.memref_squeeze %dma_wait3A_68 : memref<1x1x4096xi32, #tpu.memory_space<hbm>> -> memref<4096xi32, #tpu.memory_space<hbm>>
            tpu.wait_dma2 semaphore(%run_scoped3A : memref<!tpu.dma_semaphore, #tpu.memory_space<semaphore_mem>>) src(%dma_wait3A_69 : memref<4096xi32, #tpu.memory_space<hbm>>) dst(%arg7 : memref<4096xi32, #tpu.memory_space<vmem>>)
            tpu.yield
          }) : () -> ()
          "tpu.region"() ({
            %run_scoped3A = tpu.sem_alloc : memref<!tpu.dma_semaphore, #tpu.memory_space<semaphore_mem>>
            %dma_start3A = tpu.memref_slice %arg3[%arg0, %add3A_40, %mul3A_57] : memref<2x32x131072xf32, #tpu.memory_space<hbm>> -> memref<1x1x4096xf32, #tpu.memory_space<hbm>>
            %dma_start3A_64 = tpu.memref_squeeze %dma_start3A : memref<1x1x4096xf32, #tpu.memory_space<hbm>> -> memref<4096xf32, #tpu.memory_space<hbm>>
            %dma_start3A_65 = tpu.memref_slice %arg3[%arg0, %add3A_40, %mul3A_57] : memref<2x32x131072xf32, #tpu.memory_space<hbm>> -> memref<1x1x4096xf32, #tpu.memory_space<hbm>>
            %dma_start3A_66 = tpu.memref_squeeze %dma_start3A_65 : memref<1x1x4096xf32, #tpu.memory_space<hbm>> -> memref<4096xf32, #tpu.memory_space<hbm>>
            tpu.enqueue_dma source(%dma_start3A_66 : memref<4096xf32, #tpu.memory_space<hbm>>) target(%arg8 : memref<4096xf32, #tpu.memory_space<vmem>>) target_semaphore(%run_scoped3A : memref<!tpu.dma_semaphore, #tpu.memory_space<semaphore_mem>>)
            %dma_wait3A = tpu.memref_slice %arg3[%arg0, %add3A_40, %mul3A_57] : memref<2x32x131072xf32, #tpu.memory_space<hbm>> -> memref<1x1x4096xf32, #tpu.memory_space<hbm>>
            %dma_wait3A_67 = tpu.memref_squeeze %dma_wait3A : memref<1x1x4096xf32, #tpu.memory_space<hbm>> -> memref<4096xf32, #tpu.memory_space<hbm>>
            %dma_wait3A_68 = tpu.memref_slice %arg3[%arg0, %add3A_40, %mul3A_57] : memref<2x32x131072xf32, #tpu.memory_space<hbm>> -> memref<1x1x4096xf32, #tpu.memory_space<hbm>>
            %dma_wait3A_69 = tpu.memref_squeeze %dma_wait3A_68 : memref<1x1x4096xf32, #tpu.memory_space<hbm>> -> memref<4096xf32, #tpu.memory_space<hbm>>
            tpu.wait_dma2 semaphore(%run_scoped3A : memref<!tpu.dma_semaphore, #tpu.memory_space<semaphore_mem>>) src(%dma_wait3A_69 : memref<4096xf32, #tpu.memory_space<hbm>>) dst(%arg8 : memref<4096xf32, #tpu.memory_space<vmem>>)
            tpu.yield
          }) : () -> ()
          %scan3A_58 = arith.constant 0 : i32
          %scan3A_59 = arith.constant 0 : i32
          %scan3A_60 = arith.constant 64 : i32
          %scan3A_61 = arith.addi %scan3A_59, %scan3A_60 : i32
          %scan3A_62 = arith.constant 1 : i32
          scf.for %scan3A_64 = %scan3A_59 to %scan3A_61 step %scan3A_62  : i32 {
            %mul3A_65 = arith.constant 64 : i32
            %mul3A_66 = arith.muli %scan3A_64, %mul3A_65 : i32
            %add3A_67 = arith.constant 0 : i32
            %add3A_68 = arith.addi %mul3A_66, %add3A_67 : i32
            %mul3A_69 = arith.constant 64 : i32
            %mul3A_70 = arith.muli %scan3A_64, %mul3A_69 : i32
            %add3A_71 = arith.constant 0 : i32
            %add3A_72 = arith.addi %mul3A_70, %add3A_71 : i32
            %add3A_73 = vector.broadcast %add3A_72 : i32 to vector<16xi32>
            %add3A_74 = arith.addi %add3A_73, %iota3A : vector<16xi32>
            %get3A_75 = arith.index_cast %add3A_68 : i32 to index
            %get3A_76 = tpu.vector_load %arg7[%get3A_75] {strides = array<i32>} : memref<4096xi32, #tpu.memory_space<vmem>>, vector<16xi32>,
            %sub3A = vector.broadcast %mul3A_22 : i32 to vector<16xi32>
            %sub3A_77 = arith.subi %get3A_76, %sub3A : vector<16xi32>
            %lt3A = arith.constant 1048576 : i32
            %lt3A_78 = vector.broadcast %lt3A : i32 to vector<16xi32>
            %lt3A_79 = arith.cmpi ult, %sub3A_77, %lt3A_78 : vector<16xi32>
            %select_n3A_80 = arith.select %lt3A_79, %sub3A_77, %add3A_74 : vector<16xi1>, vector<16xi32>
            %swap3A = arith.index_cast %add3A_68 : i32 to index
            %swap3A_81 = tpu.vector_load %arg9[%swap3A] {strides = array<i32>} : memref<4096xi32, #tpu.memory_space<vmem>>, vector<16xi32>,
            tpu.vector_store %arg9[%swap3A], %select_n3A_80 {strides = array<i32>} : memref<4096xi32, #tpu.memory_space<vmem>>, vector<16xi32>,
            %get3A_82 = arith.index_cast %add3A_68 : i32 to index
            %get3A_83 = tpu.vector_load %arg8[%get3A_82] {strides = array<i32>} : memref<4096xf32, #tpu.memory_space<vmem>>, vector<16xf32>,
            %jit3A_84 = arith.constant 0.000000e+00 : f32
            %broadcast_in_dim3A_85 = vector.broadcast %jit3A_84 : f32 to vector<16xf32>
            %select_n3A_86 = arith.select %lt3A_79, %get3A_83, %broadcast_in_dim3A_85 : vector<16xi1>, vector<16xf32>
            %swap3A_87 = arith.index_cast %add3A_68 : i32 to index
            %swap3A_88 = tpu.vector_load %arg8[%swap3A_87] {strides = array<i32>} : memref<4096xf32, #tpu.memory_space<vmem>>, vector<16xf32>,
            tpu.vector_store %arg8[%swap3A_87], %select_n3A_86 {strides = array<i32>} : memref<4096xf32, #tpu.memory_space<vmem>>, vector<16xf32>,
            %mul3A_89 = arith.constant 64 : i32
            %mul3A_90 = arith.muli %scan3A_64, %mul3A_89 : i32
            %add3A_91 = arith.constant 16 : i32
            %add3A_92 = arith.addi %mul3A_90, %add3A_91 : i32
            %mul3A_93 = arith.constant 64 : i32
            %mul3A_94 = arith.muli %scan3A_64, %mul3A_93 : i32
            %add3A_95 = arith.constant 16 : i32
            %add3A_96 = arith.addi %mul3A_94, %add3A_95 : i32
            %add3A_97 = vector.broadcast %add3A_96 : i32 to vector<16xi32>
            %add3A_98 = arith.addi %add3A_97, %iota3A : vector<16xi32>
            %get3A_99 = arith.index_cast %add3A_92 : i32 to index
            %get3A_100 = tpu.vector_load %arg7[%get3A_99] {strides = array<i32>} : memref<4096xi32, #tpu.memory_space<vmem>>, vector<16xi32>,
            %sub3A_101 = vector.broadcast %mul3A_22 : i32 to vector<16xi32>
            %sub3A_102 = arith.subi %get3A_100, %sub3A_101 : vector<16xi32>
            %lt3A_103 = arith.constant 1048576 : i32
            %lt3A_104 = vector.broadcast %lt3A_103 : i32 to vector<16xi32>
            %lt3A_105 = arith.cmpi ult, %sub3A_102, %lt3A_104 : vector<16xi32>
            %select_n3A_106 = arith.select %lt3A_105, %sub3A_102, %add3A_98 : vector<16xi1>, vector<16xi32>
            %swap3A_107 = arith.index_cast %add3A_92 : i32 to index
            %swap3A_108 = tpu.vector_load %arg9[%swap3A_107] {strides = array<i32>} : memref<4096xi32, #tpu.memory_space<vmem>>, vector<16xi32>,
            tpu.vector_store %arg9[%swap3A_107], %select_n3A_106 {strides = array<i32>} : memref<4096xi32, #tpu.memory_space<vmem>>, vector<16xi32>,
            %get3A_109 = arith.index_cast %add3A_92 : i32 to index
            %get3A_110 = tpu.vector_load %arg8[%get3A_109] {strides = array<i32>} : memref<4096xf32, #tpu.memory_space<vmem>>, vector<16xf32>,
            %jit3A_111 = arith.constant 0.000000e+00 : f32
            %broadcast_in_dim3A_112 = vector.broadcast %jit3A_111 : f32 to vector<16xf32>
            %select_n3A_113 = arith.select %lt3A_105, %get3A_110, %broadcast_in_dim3A_112 : vector<16xi1>, vector<16xf32>
            %swap3A_114 = arith.index_cast %add3A_92 : i32 to index
            %swap3A_115 = tpu.vector_load %arg8[%swap3A_114] {strides = array<i32>} : memref<4096xf32, #tpu.memory_space<vmem>>, vector<16xf32>,
            tpu.vector_store %arg8[%swap3A_114], %select_n3A_113 {strides = array<i32>} : memref<4096xf32, #tpu.memory_space<vmem>>, vector<16xf32>,
            %mul3A_116 = arith.constant 64 : i32
            %mul3A_117 = arith.muli %scan3A_64, %mul3A_116 : i32
            %add3A_118 = arith.constant 32 : i32
            %add3A_119 = arith.addi %mul3A_117, %add3A_118 : i32
            %mul3A_120 = arith.constant 64 : i32
            %mul3A_121 = arith.muli %scan3A_64, %mul3A_120 : i32
            %add3A_122 = arith.constant 32 : i32
            %add3A_123 = arith.addi %mul3A_121, %add3A_122 : i32
            %add3A_124 = vector.broadcast %add3A_123 : i32 to vector<16xi32>
            %add3A_125 = arith.addi %add3A_124, %iota3A : vector<16xi32>
            %get3A_126 = arith.index_cast %add3A_119 : i32 to index
            %get3A_127 = tpu.vector_load %arg7[%get3A_126] {strides = array<i32>} : memref<4096xi32, #tpu.memory_space<vmem>>, vector<16xi32>,
            %sub3A_128 = vector.broadcast %mul3A_22 : i32 to vector<16xi32>
            %sub3A_129 = arith.subi %get3A_127, %sub3A_128 : vector<16xi32>
            %lt3A_130 = arith.constant 1048576 : i32
            %lt3A_131 = vector.broadcast %lt3A_130 : i32 to vector<16xi32>
            %lt3A_132 = arith.cmpi ult, %sub3A_129, %lt3A_131 : vector<16xi32>
            %select_n3A_133 = arith.select %lt3A_132, %sub3A_129, %add3A_125 : vector<16xi1>, vector<16xi32>
            %swap3A_134 = arith.index_cast %add3A_119 : i32 to index
            %swap3A_135 = tpu.vector_load %arg9[%swap3A_134] {strides = array<i32>} : memref<4096xi32, #tpu.memory_space<vmem>>, vector<16xi32>,
            tpu.vector_store %arg9[%swap3A_134], %select_n3A_133 {strides = array<i32>} : memref<4096xi32, #tpu.memory_space<vmem>>, vector<16xi32>,
            %get3A_136 = arith.index_cast %add3A_119 : i32 to index
            %get3A_137 = tpu.vector_load %arg8[%get3A_136] {strides = array<i32>} : memref<4096xf32, #tpu.memory_space<vmem>>, vector<16xf32>,
            %jit3A_138 = arith.constant 0.000000e+00 : f32
            %broadcast_in_dim3A_139 = vector.broadcast %jit3A_138 : f32 to vector<16xf32>
            %select_n3A_140 = arith.select %lt3A_132, %get3A_137, %broadcast_in_dim3A_139 : vector<16xi1>, vector<16xf32>
            %swap3A_141 = arith.index_cast %add3A_119 : i32 to index
            %swap3A_142 = tpu.vector_load %arg8[%swap3A_141] {strides = array<i32>} : memref<4096xf32, #tpu.memory_space<vmem>>, vector<16xf32>,
            tpu.vector_store %arg8[%swap3A_141], %select_n3A_140 {strides = array<i32>} : memref<4096xf32, #tpu.memory_space<vmem>>, vector<16xf32>,
            %mul3A_143 = arith.constant 64 : i32
            %mul3A_144 = arith.muli %scan3A_64, %mul3A_143 : i32
            %add3A_145 = arith.constant 48 : i32
            %add3A_146 = arith.addi %mul3A_144, %add3A_145 : i32
            %mul3A_147 = arith.constant 64 : i32
            %mul3A_148 = arith.muli %scan3A_64, %mul3A_147 : i32
            %add3A_149 = arith.constant 48 : i32
            %add3A_150 = arith.addi %mul3A_148, %add3A_149 : i32
            %add3A_151 = vector.broadcast %add3A_150 : i32 to vector<16xi32>
            %add3A_152 = arith.addi %add3A_151, %iota3A : vector<16xi32>
            %get3A_153 = arith.index_cast %add3A_146 : i32 to index
            %get3A_154 = tpu.vector_load %arg7[%get3A_153] {strides = array<i32>} : memref<4096xi32, #tpu.memory_space<vmem>>, vector<16xi32>,
            %sub3A_155 = vector.broadcast %mul3A_22 : i32 to vector<16xi32>
            %sub3A_156 = arith.subi %get3A_154, %sub3A_155 : vector<16xi32>
            %lt3A_157 = arith.constant 1048576 : i32
            %lt3A_158 = vector.broadcast %lt3A_157 : i32 to vector<16xi32>
            %lt3A_159 = arith.cmpi ult, %sub3A_156, %lt3A_158 : vector<16xi32>
            %select_n3A_160 = arith.select %lt3A_159, %sub3A_156, %add3A_152 : vector<16xi1>, vector<16xi32>
            %swap3A_161 = arith.index_cast %add3A_146 : i32 to index
            %swap3A_162 = tpu.vector_load %arg9[%swap3A_161] {strides = array<i32>} : memref<4096xi32, #tpu.memory_space<vmem>>, vector<16xi32>,
            tpu.vector_store %arg9[%swap3A_161], %select_n3A_160 {strides = array<i32>} : memref<4096xi32, #tpu.memory_space<vmem>>, vector<16xi32>,
            %get3A_163 = arith.index_cast %add3A_146 : i32 to index
            %get3A_164 = tpu.vector_load %arg8[%get3A_163] {strides = array<i32>} : memref<4096xf32, #tpu.memory_space<vmem>>, vector<16xf32>,
            %jit3A_165 = arith.constant 0.000000e+00 : f32
            %broadcast_in_dim3A_166 = vector.broadcast %jit3A_165 : f32 to vector<16xf32>
            %select_n3A_167 = arith.select %lt3A_159, %get3A_164, %broadcast_in_dim3A_166 : vector<16xi1>, vector<16xf32>
            %swap3A_168 = arith.index_cast %add3A_146 : i32 to index
            %swap3A_169 = tpu.vector_load %arg8[%swap3A_168] {strides = array<i32>} : memref<4096xf32, #tpu.memory_space<vmem>>, vector<16xf32>,
            tpu.vector_store %arg8[%swap3A_168], %select_n3A_167 {strides = array<i32>} : memref<4096xf32, #tpu.memory_space<vmem>>, vector<16xf32>,
          }
          %scan3A_63 = arith.constant 64 : i32
          "tpu.region"() ({
            %run_scoped3A = tpu.sem_alloc : memref<!tpu.dma_semaphore, #tpu.memory_space<semaphore_mem>>
            %dma_start3A = arith.constant 0 : i32
            %dma_start3A_64 = tpu.memref_slice %arg6[%dma_start3A] : memref<1048576xf32, #tpu.memory_space<vmem_shared>> -> memref<1048576xf32, #tpu.memory_space<vmem_shared>>
            tpu.enqueue_indirect_dma source(%arg8 : memref<4096xf32, #tpu.memory_space<vmem>>) target(%dma_start3A_64 : memref<1048576xf32, #tpu.memory_space<vmem_shared>>) offsets(%arg9 : memref<4096xi32, #tpu.memory_space<vmem>>) semaphore(%run_scoped3A : memref<!tpu.dma_semaphore, #tpu.memory_space<semaphore_mem>>) {add = true}
            %dma_wait3A = arith.constant 0 : i32
            %dma_wait3A_65 = tpu.memref_slice %arg6[%dma_wait3A] : memref<1048576xf32, #tpu.memory_space<vmem_shared>> -> memref<1048576xf32, #tpu.memory_space<vmem_shared>>
            tpu.wait_indirect_dma semaphore(%run_scoped3A : memref<!tpu.dma_semaphore, #tpu.memory_space<semaphore_mem>>) src(%arg8 : memref<4096xf32, #tpu.memory_space<vmem>>) dst(%dma_wait3A_65 : memref<1048576xf32, #tpu.memory_space<vmem_shared>>)
            tpu.yield
          }) : () -> ()
        }
      }
      %scan3A_28 = arith.constant 2 : i32
      %barrier3A_29 = arith.constant 0 : index
      tpu.barrier barrier_id(%barrier3A_29)
      %scan3A_30 = arith.constant 0 : i32
      %scan3A_31 = arith.constant 0 : i32
      %scan3A_32 = arith.constant 16 : i32
      %scan3A_33 = arith.addi %scan3A_31, %scan3A_32 : i32
      %scan3A_34 = arith.constant 1 : i32
      scf.for %scan3A_37 = %scan3A_31 to %scan3A_33 step %scan3A_34  : i32 {
        %mul3A_38 = arith.constant 16 : i32
        %mul3A_39 = arith.muli %arg1, %mul3A_38 : i32
        %add3A_40 = arith.addi %mul3A_39, %scan3A_37 : i32
        %mul3A_41 = arith.constant 4096 : i32
        %mul3A_42 = arith.muli %add3A_40, %mul3A_41 : i32
        "tpu.region"() ({
          %run_scoped3A = tpu.sem_alloc : memref<!tpu.dma_semaphore, #tpu.memory_space<semaphore_mem>>
          %dma_start3A = tpu.memref_slice %arg6[%mul3A_42] : memref<1048576xf32, #tpu.memory_space<vmem_shared>> -> memref<4096xf32, #tpu.memory_space<vmem_shared>>
          %dma_start3A_79 = tpu.memref_slice %arg6[%mul3A_42] : memref<1048576xf32, #tpu.memory_space<vmem_shared>> -> memref<4096xf32, #tpu.memory_space<vmem_shared>>
          tpu.enqueue_dma source(%dma_start3A_79 : memref<4096xf32, #tpu.memory_space<vmem_shared>>) target(%arg10 : memref<4096xf32, #tpu.memory_space<vmem>>) target_semaphore(%run_scoped3A : memref<!tpu.dma_semaphore, #tpu.memory_space<semaphore_mem>>)
          %dma_wait3A = tpu.memref_slice %arg6[%mul3A_42] : memref<1048576xf32, #tpu.memory_space<vmem_shared>> -> memref<4096xf32, #tpu.memory_space<vmem_shared>>
          %dma_wait3A_80 = tpu.memref_slice %arg6[%mul3A_42] : memref<1048576xf32, #tpu.memory_space<vmem_shared>> -> memref<4096xf32, #tpu.memory_space<vmem_shared>>
          tpu.wait_dma2 semaphore(%run_scoped3A : memref<!tpu.dma_semaphore, #tpu.memory_space<semaphore_mem>>) src(%dma_wait3A_80 : memref<4096xf32, #tpu.memory_space<vmem_shared>>) dst(%arg10 : memref<4096xf32, #tpu.memory_space<vmem>>)
          tpu.yield
        }) : () -> ()
        %mul3A_43 = arith.constant 4096 : i32
        %mul3A_44 = arith.muli %add3A_40, %mul3A_43 : i32
        "tpu.region"() ({
          %run_scoped3A = tpu.sem_alloc : memref<!tpu.dma_semaphore, #tpu.memory_space<semaphore_mem>>
          %dma_start3A = tpu.memref_slice %arg6[%mul3A_44] : memref<1048576xf32, #tpu.memory_space<vmem_shared>> -> memref<4096xf32, #tpu.memory_space<vmem_shared>>
          %dma_start3A_79 = tpu.memref_slice %arg6[%mul3A_44] : memref<1048576xf32, #tpu.memory_space<vmem_shared>> -> memref<4096xf32, #tpu.memory_space<vmem_shared>>
          tpu.enqueue_dma source(%arg11 : memref<4096xf32, #tpu.memory_space<vmem>>) target(%dma_start3A_79 : memref<4096xf32, #tpu.memory_space<vmem_shared>>) target_semaphore(%run_scoped3A : memref<!tpu.dma_semaphore, #tpu.memory_space<semaphore_mem>>)
          %dma_wait3A = tpu.memref_slice %arg6[%mul3A_44] : memref<1048576xf32, #tpu.memory_space<vmem_shared>> -> memref<4096xf32, #tpu.memory_space<vmem_shared>>
          %dma_wait3A_80 = tpu.memref_slice %arg6[%mul3A_44] : memref<1048576xf32, #tpu.memory_space<vmem_shared>> -> memref<4096xf32, #tpu.memory_space<vmem_shared>>
          tpu.wait_dma2 semaphore(%run_scoped3A : memref<!tpu.dma_semaphore, #tpu.memory_space<semaphore_mem>>) src(%arg11 : memref<4096xf32, #tpu.memory_space<vmem>>) dst(%dma_wait3A_80 : memref<4096xf32, #tpu.memory_space<vmem_shared>>)
          tpu.yield
        }) : () -> ()
        %broadcast_in_dim3A = arith.constant 0.000000e+00 : f32
        %broadcast_in_dim3A_45 = vector.broadcast %broadcast_in_dim3A : f32 to vector<16xf32>
        %broadcast_in_dim3A_46 = arith.constant 0.000000e+00 : f32
        %broadcast_in_dim3A_47 = vector.broadcast %broadcast_in_dim3A_46 : f32 to vector<16xf32>
        %broadcast_in_dim3A_48 = arith.constant 0.000000e+00 : f32
        %broadcast_in_dim3A_49 = vector.broadcast %broadcast_in_dim3A_48 : f32 to vector<16xf32>
        %broadcast_in_dim3A_50 = arith.constant 0.000000e+00 : f32
        %broadcast_in_dim3A_51 = vector.broadcast %broadcast_in_dim3A_50 : f32 to vector<16xf32>
        %scan3A_52 = arith.constant 0 : i32
        %scan3A_53 = arith.constant 64 : i32
        %scan3A_54 = arith.addi %scan3A_52, %scan3A_53 : i32
        %scan3A_55 = arith.constant 1 : i32
        %scan3A_56:4 = scf.for %scan3A_79 = %scan3A_52 to %scan3A_54 step %scan3A_55 iter_args(%scan3A_80 = %broadcast_in_dim3A_45, %scan3A_81 = %broadcast_in_dim3A_47, %scan3A_82 = %broadcast_in_dim3A_49, %scan3A_83 = %broadcast_in_dim3A_51) -> (vector<16xf32>, vector<16xf32>, vector<16xf32>, vector<16xf32>)  : i32 {
          %mul3A_84 = arith.constant 64 : i32
          %mul3A_85 = arith.muli %scan3A_79, %mul3A_84 : i32
          %add3A_86 = arith.constant 0 : i32
          %add3A_87 = arith.addi %mul3A_85, %add3A_86 : i32
          %get3A = arith.index_cast %add3A_87 : i32 to index
          %get3A_88 = tpu.vector_load %arg10[%get3A] {strides = array<i32>} : memref<4096xf32, #tpu.memory_space<vmem>>, vector<16xf32>,
          %add3A_89 = arith.addf %scan3A_80, %get3A_88 : vector<16xf32>
          %mul3A_90 = arith.constant 64 : i32
          %mul3A_91 = arith.muli %scan3A_79, %mul3A_90 : i32
          %add3A_92 = arith.constant 16 : i32
          %add3A_93 = arith.addi %mul3A_91, %add3A_92 : i32
          %get3A_94 = arith.index_cast %add3A_93 : i32 to index
          %get3A_95 = tpu.vector_load %arg10[%get3A_94] {strides = array<i32>} : memref<4096xf32, #tpu.memory_space<vmem>>, vector<16xf32>,
          %add3A_96 = arith.addf %scan3A_81, %get3A_95 : vector<16xf32>
          %mul3A_97 = arith.constant 64 : i32
          %mul3A_98 = arith.muli %scan3A_79, %mul3A_97 : i32
          %add3A_99 = arith.constant 32 : i32
          %add3A_100 = arith.addi %mul3A_98, %add3A_99 : i32
          %get3A_101 = arith.index_cast %add3A_100 : i32 to index
          %get3A_102 = tpu.vector_load %arg10[%get3A_101] {strides = array<i32>} : memref<4096xf32, #tpu.memory_space<vmem>>, vector<16xf32>,
          %add3A_103 = arith.addf %scan3A_82, %get3A_102 : vector<16xf32>
          %mul3A_104 = arith.constant 64 : i32
          %mul3A_105 = arith.muli %scan3A_79, %mul3A_104 : i32
          %add3A_106 = arith.constant 48 : i32
          %add3A_107 = arith.addi %mul3A_105, %add3A_106 : i32
          %get3A_108 = arith.index_cast %add3A_107 : i32 to index
          %get3A_109 = tpu.vector_load %arg10[%get3A_108] {strides = array<i32>} : memref<4096xf32, #tpu.memory_space<vmem>>, vector<16xf32>,
          %add3A_110 = arith.addf %scan3A_83, %get3A_109 : vector<16xf32>
          scf.yield %add3A_89, %add3A_96, %add3A_103, %add3A_110 : vector<16xf32>, vector<16xf32>, vector<16xf32>, vector<16xf32>
        }
        %scan3A_57 = arith.constant 64 : i32
        %add3A_58 = arith.addf %scan3A_56#0, %scan3A_56#1 : vector<16xf32>
        %add3A_59 = arith.addf %add3A_58, %scan3A_56#2 : vector<16xf32>
        %add3A_60 = arith.addf %add3A_59, %scan3A_56#3 : vector<16xf32>
        %reduce_sum3A = arith.constant true
        %reduce_sum3A_61 = vector.broadcast %reduce_sum3A : i1 to vector<16xi1>
        %reduce_sum3A_62 = tpu.scan <sum>, %add3A_60 masked %reduce_sum3A_61 : vector<16xf32>, vector<16xi1> -> vector<16xf32>
        %reduce_sum3A_63 = vector.extract %reduce_sum3A_62[15] : f32 from vector<16xf32>
        %broadcast_in_dim3A_64 = vector.broadcast %reduce_sum3A_63 : f32 to vector<16xf32>
        %mul3A_65 = arith.constant 2.500000e-01 : f32
        %mul3A_66 = vector.broadcast %mul3A_65 : f32 to vector<16xf32>
        %mul3A_67 = arith.mulf %broadcast_in_dim3A_64, %mul3A_66 : vector<16xf32>
        %max3A = arith.constant 9.99999997E-7 : f32
        %max3A_68 = vector.broadcast %max3A : f32 to vector<16xf32>
        %max3A_69 = arith.maximumf %mul3A_67, %max3A_68 : vector<16xf32>
        %broadcast_in_dim3A_70 = arith.constant 1.000000e+00 : f32
        %broadcast_in_dim3A_71 = vector.broadcast %broadcast_in_dim3A_70 : f32 to vector<16xf32>
        %div3A = arith.divf %broadcast_in_dim3A_71, %max3A_69 : vector<16xf32>
        %scan3A_72 = arith.constant 0 : i32
        %scan3A_73 = arith.constant 0 : i32
        %scan3A_74 = arith.constant 64 : i32
        %scan3A_75 = arith.addi %scan3A_73, %scan3A_74 : i32
        %scan3A_76 = arith.constant 1 : i32
        scf.for %scan3A_79 = %scan3A_73 to %scan3A_75 step %scan3A_76  : i32 {
          %mul3A_80 = arith.constant 64 : i32
          %mul3A_81 = arith.muli %scan3A_79, %mul3A_80 : i32
          %add3A_82 = arith.constant 0 : i32
          %add3A_83 = arith.addi %mul3A_81, %add3A_82 : i32
          %get3A = arith.index_cast %add3A_83 : i32 to index
          %get3A_84 = tpu.vector_load %arg10[%get3A] {strides = array<i32>} : memref<4096xf32, #tpu.memory_space<vmem>>, vector<16xf32>,
          %mul3A_85 = arith.mulf %get3A_84, %div3A : vector<16xf32>
          %swap3A = arith.index_cast %add3A_83 : i32 to index
          %swap3A_86 = tpu.vector_load %arg10[%swap3A] {strides = array<i32>} : memref<4096xf32, #tpu.memory_space<vmem>>, vector<16xf32>,
          tpu.vector_store %arg10[%swap3A], %mul3A_85 {strides = array<i32>} : memref<4096xf32, #tpu.memory_space<vmem>>, vector<16xf32>,
          %mul3A_87 = arith.constant 64 : i32
          %mul3A_88 = arith.muli %scan3A_79, %mul3A_87 : i32
          %add3A_89 = arith.constant 16 : i32
          %add3A_90 = arith.addi %mul3A_88, %add3A_89 : i32
          %get3A_91 = arith.index_cast %add3A_90 : i32 to index
          %get3A_92 = tpu.vector_load %arg10[%get3A_91] {strides = array<i32>} : memref<4096xf32, #tpu.memory_space<vmem>>, vector<16xf32>,
          %mul3A_93 = arith.mulf %get3A_92, %div3A : vector<16xf32>
          %swap3A_94 = arith.index_cast %add3A_90 : i32 to index
          %swap3A_95 = tpu.vector_load %arg10[%swap3A_94] {strides = array<i32>} : memref<4096xf32, #tpu.memory_space<vmem>>, vector<16xf32>,
          tpu.vector_store %arg10[%swap3A_94], %mul3A_93 {strides = array<i32>} : memref<4096xf32, #tpu.memory_space<vmem>>, vector<16xf32>,
          %mul3A_96 = arith.constant 64 : i32
          %mul3A_97 = arith.muli %scan3A_79, %mul3A_96 : i32
          %add3A_98 = arith.constant 32 : i32
          %add3A_99 = arith.addi %mul3A_97, %add3A_98 : i32
          %get3A_100 = arith.index_cast %add3A_99 : i32 to index
          %get3A_101 = tpu.vector_load %arg10[%get3A_100] {strides = array<i32>} : memref<4096xf32, #tpu.memory_space<vmem>>, vector<16xf32>,
          %mul3A_102 = arith.mulf %get3A_101, %div3A : vector<16xf32>
          %swap3A_103 = arith.index_cast %add3A_99 : i32 to index
          %swap3A_104 = tpu.vector_load %arg10[%swap3A_103] {strides = array<i32>} : memref<4096xf32, #tpu.memory_space<vmem>>, vector<16xf32>,
          tpu.vector_store %arg10[%swap3A_103], %mul3A_102 {strides = array<i32>} : memref<4096xf32, #tpu.memory_space<vmem>>, vector<16xf32>,
          %mul3A_105 = arith.constant 64 : i32
          %mul3A_106 = arith.muli %scan3A_79, %mul3A_105 : i32
          %add3A_107 = arith.constant 48 : i32
          %add3A_108 = arith.addi %mul3A_106, %add3A_107 : i32
          %get3A_109 = arith.index_cast %add3A_108 : i32 to index
          %get3A_110 = tpu.vector_load %arg10[%get3A_109] {strides = array<i32>} : memref<4096xf32, #tpu.memory_space<vmem>>, vector<16xf32>,
          %mul3A_111 = arith.mulf %get3A_110, %div3A : vector<16xf32>
          %swap3A_112 = arith.index_cast %add3A_108 : i32 to index
          %swap3A_113 = tpu.vector_load %arg10[%swap3A_112] {strides = array<i32>} : memref<4096xf32, #tpu.memory_space<vmem>>, vector<16xf32>,
          tpu.vector_store %arg10[%swap3A_112], %mul3A_111 {strides = array<i32>} : memref<4096xf32, #tpu.memory_space<vmem>>, vector<16xf32>,
        }
        %scan3A_77 = arith.constant 64 : i32
        %add3A_78 = arith.addi %add3A, %add3A_40 : i32
        "tpu.region"() ({
          %run_scoped3A = tpu.sem_alloc : memref<!tpu.dma_semaphore, #tpu.memory_space<semaphore_mem>>
          %dma_start3A = arith.constant 0 : i32
          %dma_start3A_79 = tpu.memref_slice %arg5[%add3A_78, %dma_start3A] : memref<4096x4096xf32, #tpu.memory_space<hbm>> -> memref<1x4096xf32, #tpu.memory_space<hbm>>
          %dma_start3A_80 = tpu.memref_squeeze %dma_start3A_79 : memref<1x4096xf32, #tpu.memory_space<hbm>> -> memref<4096xf32, #tpu.memory_space<hbm>>
          %dma_start3A_81 = arith.constant 0 : i32
          %dma_start3A_82 = tpu.memref_slice %arg5[%add3A_78, %dma_start3A_81] : memref<4096x4096xf32, #tpu.memory_space<hbm>> -> memref<1x4096xf32, #tpu.memory_space<hbm>>
          %dma_start3A_83 = tpu.memref_squeeze %dma_start3A_82 : memref<1x4096xf32, #tpu.memory_space<hbm>> -> memref<4096xf32, #tpu.memory_space<hbm>>
          tpu.enqueue_dma source(%arg10 : memref<4096xf32, #tpu.memory_space<vmem>>) target(%dma_start3A_83 : memref<4096xf32, #tpu.memory_space<hbm>>) target_semaphore(%run_scoped3A : memref<!tpu.dma_semaphore, #tpu.memory_space<semaphore_mem>>)
          %dma_wait3A = arith.constant 0 : i32
          %dma_wait3A_84 = tpu.memref_slice %arg5[%add3A_78, %dma_wait3A] : memref<4096x4096xf32, #tpu.memory_space<hbm>> -> memref<1x4096xf32, #tpu.memory_space<hbm>>
          %dma_wait3A_85 = tpu.memref_squeeze %dma_wait3A_84 : memref<1x4096xf32, #tpu.memory_space<hbm>> -> memref<4096xf32, #tpu.memory_space<hbm>>
          %dma_wait3A_86 = arith.constant 0 : i32
          %dma_wait3A_87 = tpu.memref_slice %arg5[%add3A_78, %dma_wait3A_86] : memref<4096x4096xf32, #tpu.memory_space<hbm>> -> memref<1x4096xf32, #tpu.memory_space<hbm>>
          %dma_wait3A_88 = tpu.memref_squeeze %dma_wait3A_87 : memref<1x4096xf32, #tpu.memory_space<hbm>> -> memref<4096xf32, #tpu.memory_space<hbm>>
          tpu.wait_dma2 semaphore(%run_scoped3A : memref<!tpu.dma_semaphore, #tpu.memory_space<semaphore_mem>>) src(%arg10 : memref<4096xf32, #tpu.memory_space<vmem>>) dst(%dma_wait3A_88 : memref<4096xf32, #tpu.memory_space<hbm>>)
          tpu.yield
        }) : () -> ()
      }
      %scan3A_35 = arith.constant 16 : i32
      %barrier3A_36 = arith.constant 0 : index
      tpu.barrier barrier_id(%barrier3A_36)
    }
    %scan3A_16 = arith.constant 8 : i32
    return
  }
}

#map = affine_map<(d0, d1) -> (0)>
#map1 = affine_map<(d0, d1) -> (0, 0)>
#map2 = affine_map<(d0, d1) -> (0, 0, 0)>
module attributes {stable_mosaic.version = 14 : i64} {
  func.func @_k1_body(%arg0: i32, %arg1: i32, %arg2: memref<501760xi32, #tpu.memory_space<hbm>>, %arg3: memref<501760xi32, #tpu.memory_space<hbm>>, %arg4: memref<32x31360xf32, #tpu.memory_space<hbm>>, %arg5: memref<1000000xf32, #tpu.memory_space<hbm>>, %arg6: memref<32x31360xi32, #tpu.memory_space<hbm>>, %arg7: memref<4000000xi32, #tpu.memory_space<hbm>>, %arg8: memref<2x32x131072xi32, #tpu.memory_space<hbm>>, %arg9: memref<2x32x131072xf32, #tpu.memory_space<hbm>>, %arg10: memref<32x128xi32, #tpu.memory_space<hbm>>, %arg11: memref<31360xi32, #tpu.memory_space<vmem>>, %arg12: memref<31360xf32, #tpu.memory_space<vmem>>, %arg13: memref<31360xi32, #tpu.memory_space<vmem>>, %arg14: memref<2048xi32, #tpu.memory_space<vmem>>, %arg15: memref<2048xi32, #tpu.memory_space<vmem>>, %arg16: memref<1040xi32, #tpu.memory_space<vmem>>, %arg17: memref<1040xi32, #tpu.memory_space<vmem>>, %arg18: memref<1040xf32, #tpu.memory_space<vmem>>, %arg19: memref<1040xf32, #tpu.memory_space<vmem>>, %arg20: memref<1040xi32, #tpu.memory_space<vmem>>, %arg21: memref<1040xi32, #tpu.memory_space<vmem>>, %arg22: memref<1024xi32, #tpu.memory_space<vmem>>, %arg23: memref<4096xi32, #tpu.memory_space<vmem>>, %arg24: memref<1024xf32, #tpu.memory_space<vmem>>, %arg25: memref<4096xi32, #tpu.memory_space<vmem>>, %arg26: memref<4096xi32, #tpu.memory_space<vmem>>, %arg27: memref<1024xf32, #tpu.memory_space<vmem>>, %arg28: memref<128xi32, #tpu.memory_space<vmem>>, %arg29: memref<!tpu.dma_semaphore, #tpu.memory_space<semaphore_mem>>, %arg30: memref<!tpu.dma_semaphore, #tpu.memory_space<semaphore_mem>>) attributes {dimension_semantics = [#tpu.dimension_semantics<core_parallel>, #tpu.dimension_semantics<subcore_parallel>], iteration_bounds = array<i64: 2, 16>, scalar_prefetch = 0 : i64, scratch_operands = 20 : i64, tpu.core_type = #tpu.core_type<sc_vector_subcore>, window_params = [{transform_indices = #map}, {transform_indices = #map}, {transform_indices = #map1}, {transform_indices = #map}, {transform_indices = #map1}, {transform_indices = #map}, {transform_indices = #map2}, {transform_indices = #map2}, {transform_indices = #map1}]} {
    %mul3A = arith.constant 2 : i32
    %mul3A_0 = arith.muli %arg1, %mul3A : i32
    %add3A = arith.addi %mul3A_0, %arg0 : i32
    %mul3A_1 = arith.constant 31250 : i32
    %mul3A_2 = arith.muli %add3A, %mul3A_1 : i32
    %iota3A = tpu.iota {dimensions = array<i32: 0>} : vector<16xi32>
    %scan3A = arith.constant 0 : i32
    %scan3A_3 = arith.constant 0 : i32
    %scan3A_4 = arith.constant 1960 : i32
    %scan3A_5 = arith.addi %scan3A_3, %scan3A_4 : i32
    %scan3A_6 = arith.constant 1 : i32
    scf.for %scan3A_54 = %scan3A_3 to %scan3A_5 step %scan3A_6  : i32 {
      %mul3A_55 = arith.constant 16 : i32
      %mul3A_56 = arith.muli %scan3A_54, %mul3A_55 : i32
      %broadcast_in_dim3A_57 = arith.constant -1 : i32
      %broadcast_in_dim3A_58 = vector.broadcast %broadcast_in_dim3A_57 : i32 to vector<16xi32>
      %swap3A_59 = arith.index_cast %mul3A_56 : i32 to index
      %swap3A_60 = tpu.vector_load %arg11[%swap3A_59] {strides = array<i32>} : memref<31360xi32, #tpu.memory_space<vmem>>, vector<16xi32>,
      tpu.vector_store %arg11[%swap3A_59], %broadcast_in_dim3A_58 {strides = array<i32>} : memref<31360xi32, #tpu.memory_space<vmem>>, vector<16xi32>,
    }
    %scan3A_7 = arith.constant 1960 : i32
    %scan3A_8 = arith.constant 0 : i32
    %scan3A_9 = arith.constant 0 : i32
    %scan3A_10 = arith.constant 65 : i32
    %scan3A_11 = arith.addi %scan3A_9, %scan3A_10 : i32
    %scan3A_12 = arith.constant 1 : i32
    scf.for %scan3A_54 = %scan3A_9 to %scan3A_11 step %scan3A_12  : i32 {
      %mul3A_55 = arith.constant 16 : i32
      %mul3A_56 = arith.muli %scan3A_54, %mul3A_55 : i32
      %broadcast_in_dim3A_57 = arith.constant 0 : i32
      %broadcast_in_dim3A_58 = vector.broadcast %broadcast_in_dim3A_57 : i32 to vector<16xi32>
      %swap3A_59 = arith.index_cast %mul3A_56 : i32 to index
      %swap3A_60 = tpu.vector_load %arg16[%swap3A_59] {strides = array<i32>} : memref<1040xi32, #tpu.memory_space<vmem>>, vector<16xi32>,
      tpu.vector_store %arg16[%swap3A_59], %broadcast_in_dim3A_58 {strides = array<i32>} : memref<1040xi32, #tpu.memory_space<vmem>>, vector<16xi32>,
      %broadcast_in_dim3A_61 = arith.constant 0 : i32
      %broadcast_in_dim3A_62 = vector.broadcast %broadcast_in_dim3A_61 : i32 to vector<16xi32>
      %swap3A_63 = arith.index_cast %mul3A_56 : i32 to index
      %swap3A_64 = tpu.vector_load %arg20[%swap3A_63] {strides = array<i32>} : memref<1040xi32, #tpu.memory_space<vmem>>, vector<16xi32>,
      tpu.vector_store %arg20[%swap3A_63], %broadcast_in_dim3A_62 {strides = array<i32>} : memref<1040xi32, #tpu.memory_space<vmem>>, vector<16xi32>,
      %broadcast_in_dim3A_65 = arith.constant 0.000000e+00 : f32
      %broadcast_in_dim3A_66 = vector.broadcast %broadcast_in_dim3A_65 : f32 to vector<16xf32>
      %swap3A_67 = arith.index_cast %mul3A_56 : i32 to index
      %swap3A_68 = tpu.vector_load %arg18[%swap3A_67] {strides = array<i32>} : memref<1040xf32, #tpu.memory_space<vmem>>, vector<16xf32>,
      tpu.vector_store %arg18[%swap3A_67], %broadcast_in_dim3A_66 {strides = array<i32>} : memref<1040xf32, #tpu.memory_space<vmem>>, vector<16xf32>,
      %broadcast_in_dim3A_69 = arith.constant 0 : i32
      %broadcast_in_dim3A_70 = vector.broadcast %broadcast_in_dim3A_69 : i32 to vector<16xi32>
      %swap3A_71 = arith.index_cast %mul3A_56 : i32 to index
      %swap3A_72 = tpu.vector_load %arg17[%swap3A_71] {strides = array<i32>} : memref<1040xi32, #tpu.memory_space<vmem>>, vector<16xi32>,
      tpu.vector_store %arg17[%swap3A_71], %broadcast_in_dim3A_70 {strides = array<i32>} : memref<1040xi32, #tpu.memory_space<vmem>>, vector<16xi32>,
      %broadcast_in_dim3A_73 = arith.constant 0 : i32
      %broadcast_in_dim3A_74 = vector.broadcast %broadcast_in_dim3A_73 : i32 to vector<16xi32>
      %swap3A_75 = arith.index_cast %mul3A_56 : i32 to index
      %swap3A_76 = tpu.vector_load %arg21[%swap3A_75] {strides = array<i32>} : memref<1040xi32, #tpu.memory_space<vmem>>, vector<16xi32>,
      tpu.vector_store %arg21[%swap3A_75], %broadcast_in_dim3A_74 {strides = array<i32>} : memref<1040xi32, #tpu.memory_space<vmem>>, vector<16xi32>,
      %broadcast_in_dim3A_77 = arith.constant 0.000000e+00 : f32
      %broadcast_in_dim3A_78 = vector.broadcast %broadcast_in_dim3A_77 : f32 to vector<16xf32>
      %swap3A_79 = arith.index_cast %mul3A_56 : i32 to index
      %swap3A_80 = tpu.vector_load %arg19[%swap3A_79] {strides = array<i32>} : memref<1040xf32, #tpu.memory_space<vmem>>, vector<16xf32>,
      tpu.vector_store %arg19[%swap3A_79], %broadcast_in_dim3A_78 {strides = array<i32>} : memref<1040xf32, #tpu.memory_space<vmem>>, vector<16xf32>,
    }
    %scan3A_13 = arith.constant 65 : i32
    "tpu.region"() ({
      %run_scoped3A = tpu.sem_alloc : memref<!tpu.dma_semaphore, #tpu.memory_space<semaphore_mem>>
      %dma_start3A = arith.constant 0 : i32
      %dma_start3A_54 = tpu.memref_slice %arg4[%add3A, %dma_start3A] : memref<32x31360xf32, #tpu.memory_space<hbm>> -> memref<1x31360xf32, #tpu.memory_space<hbm>>
      %dma_start3A_55 = tpu.memref_squeeze %dma_start3A_54 : memref<1x31360xf32, #tpu.memory_space<hbm>> -> memref<31360xf32, #tpu.memory_space<hbm>>
      %dma_start3A_56 = arith.constant 0 : i32
      %dma_start3A_57 = tpu.memref_slice %arg4[%add3A, %dma_start3A_56] : memref<32x31360xf32, #tpu.memory_space<hbm>> -> memref<1x31360xf32, #tpu.memory_space<hbm>>
      %dma_start3A_58 = tpu.memref_squeeze %dma_start3A_57 : memref<1x31360xf32, #tpu.memory_space<hbm>> -> memref<31360xf32, #tpu.memory_space<hbm>>
      tpu.enqueue_dma source(%dma_start3A_58 : memref<31360xf32, #tpu.memory_space<hbm>>) target(%arg12 : memref<31360xf32, #tpu.memory_space<vmem>>) target_semaphore(%run_scoped3A : memref<!tpu.dma_semaphore, #tpu.memory_space<semaphore_mem>>)
      %dma_wait3A = arith.constant 0 : i32
      %dma_wait3A_59 = tpu.memref_slice %arg4[%add3A, %dma_wait3A] : memref<32x31360xf32, #tpu.memory_space<hbm>> -> memref<1x31360xf32, #tpu.memory_space<hbm>>
      %dma_wait3A_60 = tpu.memref_squeeze %dma_wait3A_59 : memref<1x31360xf32, #tpu.memory_space<hbm>> -> memref<31360xf32, #tpu.memory_space<hbm>>
      %dma_wait3A_61 = arith.constant 0 : i32
      %dma_wait3A_62 = tpu.memref_slice %arg4[%add3A, %dma_wait3A_61] : memref<32x31360xf32, #tpu.memory_space<hbm>> -> memref<1x31360xf32, #tpu.memory_space<hbm>>
      %dma_wait3A_63 = tpu.memref_squeeze %dma_wait3A_62 : memref<1x31360xf32, #tpu.memory_space<hbm>> -> memref<31360xf32, #tpu.memory_space<hbm>>
      tpu.wait_dma2 semaphore(%run_scoped3A : memref<!tpu.dma_semaphore, #tpu.memory_space<semaphore_mem>>) src(%dma_wait3A_63 : memref<31360xf32, #tpu.memory_space<hbm>>) dst(%arg12 : memref<31360xf32, #tpu.memory_space<vmem>>)
      tpu.yield
    }) : () -> ()
    "tpu.region"() ({
      %run_scoped3A = tpu.sem_alloc : memref<!tpu.dma_semaphore, #tpu.memory_space<semaphore_mem>>
      %dma_start3A = arith.constant 0 : i32
      %dma_start3A_54 = tpu.memref_slice %arg6[%add3A, %dma_start3A] : memref<32x31360xi32, #tpu.memory_space<hbm>> -> memref<1x31360xi32, #tpu.memory_space<hbm>>
      %dma_start3A_55 = tpu.memref_squeeze %dma_start3A_54 : memref<1x31360xi32, #tpu.memory_space<hbm>> -> memref<31360xi32, #tpu.memory_space<hbm>>
      %dma_start3A_56 = arith.constant 0 : i32
      %dma_start3A_57 = tpu.memref_slice %arg6[%add3A, %dma_start3A_56] : memref<32x31360xi32, #tpu.memory_space<hbm>> -> memref<1x31360xi32, #tpu.memory_space<hbm>>
      %dma_start3A_58 = tpu.memref_squeeze %dma_start3A_57 : memref<1x31360xi32, #tpu.memory_space<hbm>> -> memref<31360xi32, #tpu.memory_space<hbm>>
      tpu.enqueue_dma source(%dma_start3A_58 : memref<31360xi32, #tpu.memory_space<hbm>>) target(%arg13 : memref<31360xi32, #tpu.memory_space<vmem>>) target_semaphore(%run_scoped3A : memref<!tpu.dma_semaphore, #tpu.memory_space<semaphore_mem>>)
      %dma_wait3A = arith.constant 0 : i32
      %dma_wait3A_59 = tpu.memref_slice %arg6[%add3A, %dma_wait3A] : memref<32x31360xi32, #tpu.memory_space<hbm>> -> memref<1x31360xi32, #tpu.memory_space<hbm>>
      %dma_wait3A_60 = tpu.memref_squeeze %dma_wait3A_59 : memref<1x31360xi32, #tpu.memory_space<hbm>> -> memref<31360xi32, #tpu.memory_space<hbm>>
      %dma_wait3A_61 = arith.constant 0 : i32
      %dma_wait3A_62 = tpu.memref_slice %arg6[%add3A, %dma_wait3A_61] : memref<32x31360xi32, #tpu.memory_space<hbm>> -> memref<1x31360xi32, #tpu.memory_space<hbm>>
      %dma_wait3A_63 = tpu.memref_squeeze %dma_wait3A_62 : memref<1x31360xi32, #tpu.memory_space<hbm>> -> memref<31360xi32, #tpu.memory_space<hbm>>
      tpu.wait_dma2 semaphore(%run_scoped3A : memref<!tpu.dma_semaphore, #tpu.memory_space<semaphore_mem>>) src(%dma_wait3A_63 : memref<31360xi32, #tpu.memory_space<hbm>>) dst(%arg13 : memref<31360xi32, #tpu.memory_space<vmem>>)
      tpu.yield
    }) : () -> ()
    %scan3A_14 = arith.constant 0 : i32
    %scan3A_15 = arith.constant 0 : i32
    %scan3A_16 = arith.constant 245 : i32
    %scan3A_17 = arith.addi %scan3A_15, %scan3A_16 : i32
    %scan3A_18 = arith.constant 1 : i32
    scf.for %scan3A_54 = %scan3A_15 to %scan3A_17 step %scan3A_18  : i32 {
      %mul3A_55 = arith.constant 2048 : i32
      %mul3A_56 = arith.muli %scan3A_54, %mul3A_55 : i32
      "tpu.region"() ({
        %run_scoped3A = tpu.sem_alloc : memref<!tpu.dma_semaphore, #tpu.memory_space<semaphore_mem>>
        %dma_start3A = tpu.memref_slice %arg2[%mul3A_56] : memref<501760xi32, #tpu.memory_space<hbm>> -> memref<2048xi32, #tpu.memory_space<hbm>>
        %dma_start3A_63 = tpu.memref_slice %arg2[%mul3A_56] : memref<501760xi32, #tpu.memory_space<hbm>> -> memref<2048xi32, #tpu.memory_space<hbm>>
        tpu.enqueue_dma source(%dma_start3A_63 : memref<2048xi32, #tpu.memory_space<hbm>>) target(%arg14 : memref<2048xi32, #tpu.memory_space<vmem>>) target_semaphore(%run_scoped3A : memref<!tpu.dma_semaphore, #tpu.memory_space<semaphore_mem>>)
        %dma_wait3A = tpu.memref_slice %arg2[%mul3A_56] : memref<501760xi32, #tpu.memory_space<hbm>> -> memref<2048xi32, #tpu.memory_space<hbm>>
        %dma_wait3A_64 = tpu.memref_slice %arg2[%mul3A_56] : memref<501760xi32, #tpu.memory_space<hbm>> -> memref<2048xi32, #tpu.memory_space<hbm>>
        tpu.wait_dma2 semaphore(%run_scoped3A : memref<!tpu.dma_semaphore, #tpu.memory_space<semaphore_mem>>) src(%dma_wait3A_64 : memref<2048xi32, #tpu.memory_space<hbm>>) dst(%arg14 : memref<2048xi32, #tpu.memory_space<vmem>>)
        tpu.yield
      }) : () -> ()
      "tpu.region"() ({
        %run_scoped3A = tpu.sem_alloc : memref<!tpu.dma_semaphore, #tpu.memory_space<semaphore_mem>>
        %dma_start3A = tpu.memref_slice %arg3[%mul3A_56] : memref<501760xi32, #tpu.memory_space<hbm>> -> memref<2048xi32, #tpu.memory_space<hbm>>
        %dma_start3A_63 = tpu.memref_slice %arg3[%mul3A_56] : memref<501760xi32, #tpu.memory_space<hbm>> -> memref<2048xi32, #tpu.memory_space<hbm>>
        tpu.enqueue_dma source(%dma_start3A_63 : memref<2048xi32, #tpu.memory_space<hbm>>) target(%arg15 : memref<2048xi32, #tpu.memory_space<vmem>>) target_semaphore(%run_scoped3A : memref<!tpu.dma_semaphore, #tpu.memory_space<semaphore_mem>>)
        %dma_wait3A = tpu.memref_slice %arg3[%mul3A_56] : memref<501760xi32, #tpu.memory_space<hbm>> -> memref<2048xi32, #tpu.memory_space<hbm>>
        %dma_wait3A_64 = tpu.memref_slice %arg3[%mul3A_56] : memref<501760xi32, #tpu.memory_space<hbm>> -> memref<2048xi32, #tpu.memory_space<hbm>>
        tpu.wait_dma2 semaphore(%run_scoped3A : memref<!tpu.dma_semaphore, #tpu.memory_space<semaphore_mem>>) src(%dma_wait3A_64 : memref<2048xi32, #tpu.memory_space<hbm>>) dst(%arg15 : memref<2048xi32, #tpu.memory_space<vmem>>)
        tpu.yield
      }) : () -> ()
      %scan3A_57 = arith.constant 0 : i32
      %scan3A_58 = arith.constant 0 : i32
      %scan3A_59 = arith.constant 32 : i32
      %scan3A_60 = arith.addi %scan3A_58, %scan3A_59 : i32
      %scan3A_61 = arith.constant 1 : i32
      scf.for %scan3A_63 = %scan3A_58 to %scan3A_60 step %scan3A_61  : i32 {
        %mul3A_64 = arith.constant 64 : i32
        %mul3A_65 = arith.muli %scan3A_63, %mul3A_64 : i32
        %add3A_66 = arith.constant 0 : i32
        %add3A_67 = arith.addi %mul3A_65, %add3A_66 : i32
        %get3A = arith.index_cast %add3A_67 : i32 to index
        %get3A_68 = tpu.vector_load %arg14[%get3A] {strides = array<i32>} : memref<2048xi32, #tpu.memory_space<vmem>>, vector<16xi32>,
        %sub3A = vector.broadcast %mul3A_2 : i32 to vector<16xi32>
        %sub3A_69 = arith.subi %get3A_68, %sub3A : vector<16xi32>
        %lt3A = arith.constant 31250 : i32
        %lt3A_70 = vector.broadcast %lt3A : i32 to vector<16xi32>
        %lt3A_71 = arith.cmpi ult, %sub3A_69, %lt3A_70 : vector<16xi32>
        %jit3A_72 = arith.constant 0 : i32
        %broadcast_in_dim3A_73 = vector.broadcast %jit3A_72 : i32 to vector<16xi32>
        %select_n3A_74 = arith.select %lt3A_71, %sub3A_69, %broadcast_in_dim3A_73 : vector<16xi1>, vector<16xi32>
        %get3A_75 = arith.index_cast %add3A_67 : i32 to index
        %get3A_76 = tpu.vector_load %arg15[%get3A_75] {strides = array<i32>} : memref<2048xi32, #tpu.memory_space<vmem>>, vector<16xi32>,
        tpu.vector_store_idx %arg11[%select_n3A_74], %get3A_76 masked %lt3A_71 : memref<31360xi32, #tpu.memory_space<vmem>>[vector<16xi32>], vector<16xi32>, vector<16xi1>
        %mul3A_77 = arith.constant 64 : i32
        %mul3A_78 = arith.muli %scan3A_63, %mul3A_77 : i32
        %add3A_79 = arith.constant 16 : i32
        %add3A_80 = arith.addi %mul3A_78, %add3A_79 : i32
        %get3A_81 = arith.index_cast %add3A_80 : i32 to index
        %get3A_82 = tpu.vector_load %arg14[%get3A_81] {strides = array<i32>} : memref<2048xi32, #tpu.memory_space<vmem>>, vector<16xi32>,
        %sub3A_83 = vector.broadcast %mul3A_2 : i32 to vector<16xi32>
        %sub3A_84 = arith.subi %get3A_82, %sub3A_83 : vector<16xi32>
        %lt3A_85 = arith.constant 31250 : i32
        %lt3A_86 = vector.broadcast %lt3A_85 : i32 to vector<16xi32>
        %lt3A_87 = arith.cmpi ult, %sub3A_84, %lt3A_86 : vector<16xi32>
        %jit3A_88 = arith.constant 0 : i32
        %broadcast_in_dim3A_89 = vector.broadcast %jit3A_88 : i32 to vector<16xi32>
        %select_n3A_90 = arith.select %lt3A_87, %sub3A_84, %broadcast_in_dim3A_89 : vector<16xi1>, vector<16xi32>
        %get3A_91 = arith.index_cast %add3A_80 : i32 to index
        %get3A_92 = tpu.vector_load %arg15[%get3A_91] {strides = array<i32>} : memref<2048xi32, #tpu.memory_space<vmem>>, vector<16xi32>,
        tpu.vector_store_idx %arg11[%select_n3A_90], %get3A_92 masked %lt3A_87 : memref<31360xi32, #tpu.memory_space<vmem>>[vector<16xi32>], vector<16xi32>, vector<16xi1>
        %mul3A_93 = arith.constant 64 : i32
        %mul3A_94 = arith.muli %scan3A_63, %mul3A_93 : i32
        %add3A_95 = arith.constant 32 : i32
        %add3A_96 = arith.addi %mul3A_94, %add3A_95 : i32
        %get3A_97 = arith.index_cast %add3A_96 : i32 to index
        %get3A_98 = tpu.vector_load %arg14[%get3A_97] {strides = array<i32>} : memref<2048xi32, #tpu.memory_space<vmem>>, vector<16xi32>,
        %sub3A_99 = vector.broadcast %mul3A_2 : i32 to vector<16xi32>
        %sub3A_100 = arith.subi %get3A_98, %sub3A_99 : vector<16xi32>
        %lt3A_101 = arith.constant 31250 : i32
        %lt3A_102 = vector.broadcast %lt3A_101 : i32 to vector<16xi32>
        %lt3A_103 = arith.cmpi ult, %sub3A_100, %lt3A_102 : vector<16xi32>
        %jit3A_104 = arith.constant 0 : i32
        %broadcast_in_dim3A_105 = vector.broadcast %jit3A_104 : i32 to vector<16xi32>
        %select_n3A_106 = arith.select %lt3A_103, %sub3A_100, %broadcast_in_dim3A_105 : vector<16xi1>, vector<16xi32>
        %get3A_107 = arith.index_cast %add3A_96 : i32 to index
        %get3A_108 = tpu.vector_load %arg15[%get3A_107] {strides = array<i32>} : memref<2048xi32, #tpu.memory_space<vmem>>, vector<16xi32>,
        tpu.vector_store_idx %arg11[%select_n3A_106], %get3A_108 masked %lt3A_103 : memref<31360xi32, #tpu.memory_space<vmem>>[vector<16xi32>], vector<16xi32>, vector<16xi1>
        %mul3A_109 = arith.constant 64 : i32
        %mul3A_110 = arith.muli %scan3A_63, %mul3A_109 : i32
        %add3A_111 = arith.constant 48 : i32
        %add3A_112 = arith.addi %mul3A_110, %add3A_111 : i32
        %get3A_113 = arith.index_cast %add3A_112 : i32 to index
        %get3A_114 = tpu.vector_load %arg14[%get3A_113] {strides = array<i32>} : memref<2048xi32, #tpu.memory_space<vmem>>, vector<16xi32>,
        %sub3A_115 = vector.broadcast %mul3A_2 : i32 to vector<16xi32>
        %sub3A_116 = arith.subi %get3A_114, %sub3A_115 : vector<16xi32>
        %lt3A_117 = arith.constant 31250 : i32
        %lt3A_118 = vector.broadcast %lt3A_117 : i32 to vector<16xi32>
        %lt3A_119 = arith.cmpi ult, %sub3A_116, %lt3A_118 : vector<16xi32>
        %jit3A_120 = arith.constant 0 : i32
        %broadcast_in_dim3A_121 = vector.broadcast %jit3A_120 : i32 to vector<16xi32>
        %select_n3A_122 = arith.select %lt3A_119, %sub3A_116, %broadcast_in_dim3A_121 : vector<16xi1>, vector<16xi32>
        %get3A_123 = arith.index_cast %add3A_112 : i32 to index
        %get3A_124 = tpu.vector_load %arg15[%get3A_123] {strides = array<i32>} : memref<2048xi32, #tpu.memory_space<vmem>>, vector<16xi32>,
        tpu.vector_store_idx %arg11[%select_n3A_122], %get3A_124 masked %lt3A_119 : memref<31360xi32, #tpu.memory_space<vmem>>[vector<16xi32>], vector<16xi32>, vector<16xi1>
      }
      %scan3A_62 = arith.constant 32 : i32
    }
    %scan3A_19 = arith.constant 245 : i32
    %scan3A_20 = arith.constant 0 : i32
    %scan3A_21 = arith.constant 0 : i32
    %scan3A_22 = arith.constant 0 : i32
    %scan3A_23 = arith.constant 0 : i32
    %scan3A_24 = arith.constant 0 : i32
    %scan3A_25 = arith.constant 1954 : i32
    %scan3A_26 = arith.addi %scan3A_24, %scan3A_25 : i32
    %scan3A_27 = arith.constant 1 : i32
    %scan3A_28:4 = scf.for %scan3A_54 = %scan3A_24 to %scan3A_26 step %scan3A_27 iter_args(%scan3A_55 = %scan3A_20, %scan3A_56 = %scan3A_21, %scan3A_57 = %scan3A_22, %scan3A_58 = %scan3A_23) -> (i32, i32, i32, i32)  : i32 {
      %mul3A_59 = arith.constant 16 : i32
      %mul3A_60 = arith.muli %scan3A_54, %mul3A_59 : i32
      %get3A = arith.index_cast %mul3A_60 : i32 to index
      %get3A_61 = tpu.vector_load %arg11[%get3A] {strides = array<i32>} : memref<31360xi32, #tpu.memory_space<vmem>>, vector<16xi32>,
      %ge3A = arith.constant 0 : i32
      %ge3A_62 = vector.broadcast %ge3A : i32 to vector<16xi32>
      %ge3A_63 = arith.cmpi sge, %get3A_61, %ge3A_62 : vector<16xi32>
      %get3A_64 = arith.index_cast %mul3A_60 : i32 to index
      %get3A_65 = tpu.vector_load %arg13[%get3A_64] {strides = array<i32>} : memref<31360xi32, #tpu.memory_space<vmem>>, vector<16xi32>,
      %get3A_66 = arith.index_cast %mul3A_60 : i32 to index
      %get3A_67 = tpu.vector_load %arg12[%get3A_66] {strides = array<i32>} : memref<31360xf32, #tpu.memory_space<vmem>>, vector<16xf32>,
      %lt3A = arith.constant 2048 : i32
      %lt3A_68 = vector.broadcast %lt3A : i32 to vector<16xi32>
      %lt3A_69 = arith.cmpi slt, %get3A_65, %lt3A_68 : vector<16xi32>
      %and3A = arith.andi %ge3A_63, %lt3A_69 : vector<16xi1>
      %swap3A_70 = arith.index_cast %scan3A_55 : i32 to index
      %swap3A_71 = tpu.vector_load %arg16[%swap3A_70] masked %and3A {strides = array<i32>} : memref<1040xi32, #tpu.memory_space<vmem>>, vector<16xi32>, vector<16xi1>
      tpu.vector_store %arg16[%swap3A_70], %get3A_61 masked %and3A {strides = array<i32>} : memref<1040xi32, #tpu.memory_space<vmem>>, vector<16xi32>, vector<16xi1>
      %swap3A_72 = arith.index_cast %scan3A_55 : i32 to index
      %swap3A_73 = tpu.vector_load %arg18[%swap3A_72] masked %and3A {strides = array<i32>} : memref<1040xf32, #tpu.memory_space<vmem>>, vector<16xf32>, vector<16xi1>
      tpu.vector_store %arg18[%swap3A_72], %get3A_67 masked %and3A {strides = array<i32>} : memref<1040xf32, #tpu.memory_space<vmem>>, vector<16xf32>, vector<16xi1>
      %swap3A_74 = arith.index_cast %scan3A_55 : i32 to index
      %swap3A_75 = tpu.vector_load %arg20[%swap3A_74] masked %and3A {strides = array<i32>} : memref<1040xi32, #tpu.memory_space<vmem>>, vector<16xi32>, vector<16xi1>
      tpu.vector_store %arg20[%swap3A_74], %get3A_65 masked %and3A {strides = array<i32>} : memref<1040xi32, #tpu.memory_space<vmem>>, vector<16xi32>, vector<16xi1>
      %convert_element_type3A_76 = arith.extui %and3A : vector<16xi1> to vector<16xi32>
      %reduce_sum3A = arith.constant true
      %reduce_sum3A_77 = vector.broadcast %reduce_sum3A : i1 to vector<16xi1>
      %reduce_sum3A_78 = tpu.scan <sum>, %convert_element_type3A_76 masked %reduce_sum3A_77 : vector<16xi32>, vector<16xi1> -> vector<16xi32>
      %reduce_sum3A_79 = vector.extract %reduce_sum3A_78[15] : i32 from vector<16xi32>
      %add3A_80 = arith.addi %scan3A_55, %reduce_sum3A_79 : i32
      %ge3A_81 = arith.constant 2048 : i32
      %ge3A_82 = vector.broadcast %ge3A_81 : i32 to vector<16xi32>
      %ge3A_83 = arith.cmpi sge, %get3A_65, %ge3A_82 : vector<16xi32>
      %and3A_84 = arith.andi %ge3A_63, %ge3A_83 : vector<16xi1>
      %swap3A_85 = arith.index_cast %scan3A_56 : i32 to index
      %swap3A_86 = tpu.vector_load %arg17[%swap3A_85] masked %and3A_84 {strides = array<i32>} : memref<1040xi32, #tpu.memory_space<vmem>>, vector<16xi32>, vector<16xi1>
      tpu.vector_store %arg17[%swap3A_85], %get3A_61 masked %and3A_84 {strides = array<i32>} : memref<1040xi32, #tpu.memory_space<vmem>>, vector<16xi32>, vector<16xi1>
      %swap3A_87 = arith.index_cast %scan3A_56 : i32 to index
      %swap3A_88 = tpu.vector_load %arg19[%swap3A_87] masked %and3A_84 {strides = array<i32>} : memref<1040xf32, #tpu.memory_space<vmem>>, vector<16xf32>, vector<16xi1>
      tpu.vector_store %arg19[%swap3A_87], %get3A_67 masked %and3A_84 {strides = array<i32>} : memref<1040xf32, #tpu.memory_space<vmem>>, vector<16xf32>, vector<16xi1>
      %swap3A_89 = arith.index_cast %scan3A_56 : i32 to index
      %swap3A_90 = tpu.vector_load %arg21[%swap3A_89] masked %and3A_84 {strides = array<i32>} : memref<1040xi32, #tpu.memory_space<vmem>>, vector<16xi32>, vector<16xi1>
      tpu.vector_store %arg21[%swap3A_89], %get3A_65 masked %and3A_84 {strides = array<i32>} : memref<1040xi32, #tpu.memory_space<vmem>>, vector<16xi32>, vector<16xi1>
      %convert_element_type3A_91 = arith.extui %and3A_84 : vector<16xi1> to vector<16xi32>
      %reduce_sum3A_92 = arith.constant true
      %reduce_sum3A_93 = vector.broadcast %reduce_sum3A_92 : i1 to vector<16xi1>
      %reduce_sum3A_94 = tpu.scan <sum>, %convert_element_type3A_91 masked %reduce_sum3A_93 : vector<16xi32>, vector<16xi1> -> vector<16xi32>
      %reduce_sum3A_95 = vector.extract %reduce_sum3A_94[15] : i32 from vector<16xi32>
      %add3A_96 = arith.addi %scan3A_56, %reduce_sum3A_95 : i32
      %ge3A_97 = arith.constant 1024 : i32
      %ge3A_98 = arith.cmpi sge, %add3A_80, %ge3A_97 : i32
      %convert_element_type3A_99 = arith.extui %ge3A_98 : i1 to i32
      %cond3A_100 = arith.constant 0 : i32
      %cond3A_101 = arith.cmpi ne, %convert_element_type3A_99, %cond3A_100 : i32
      %cond3A_102:2 = scf.if %cond3A_101 -> (i32, i32) {
        %scan3A_109 = arith.constant 0 : i32
        %scan3A_110 = arith.constant 0 : i32
        %scan3A_111 = arith.constant 16 : i32
        %scan3A_112 = arith.addi %scan3A_110, %scan3A_111 : i32
        %scan3A_113 = arith.constant 1 : i32
        scf.for %scan3A_156 = %scan3A_110 to %scan3A_112 step %scan3A_113  : i32 {
          %mul3A_157 = arith.constant 64 : i32
          %mul3A_158 = arith.muli %scan3A_156, %mul3A_157 : i32
          %add3A_159 = arith.constant 0 : i32
          %add3A_160 = arith.addi %mul3A_158, %add3A_159 : i32
          %get3A_161 = arith.index_cast %add3A_160 : i32 to index
          %get3A_162 = tpu.vector_load %arg16[%get3A_161] {strides = array<i32>} : memref<1040xi32, #tpu.memory_space<vmem>>, vector<16xi32>,
          %swap3A_163 = arith.index_cast %add3A_160 : i32 to index
          %swap3A_164 = tpu.vector_load %arg22[%swap3A_163] {strides = array<i32>} : memref<1024xi32, #tpu.memory_space<vmem>>, vector<16xi32>,
          tpu.vector_store %arg22[%swap3A_163], %get3A_162 {strides = array<i32>} : memref<1024xi32, #tpu.memory_space<vmem>>, vector<16xi32>,
          %mul3A_165 = arith.constant 4 : i32
          %mul3A_166 = vector.broadcast %mul3A_165 : i32 to vector<16xi32>
          %mul3A_167 = arith.muli %get3A_162, %mul3A_166 : vector<16xi32>
          %add3A_168 = arith.constant 0 : i32
          %add3A_169 = vector.broadcast %add3A_168 : i32 to vector<16xi32>
          %add3A_170 = arith.addi %mul3A_167, %add3A_169 : vector<16xi32>
          %mul3A_171 = arith.constant 64 : i32
          %mul3A_172 = arith.muli %scan3A_156, %mul3A_171 : i32
          %add3A_173 = arith.constant 0 : i32
          %add3A_174 = arith.addi %add3A_173, %mul3A_172 : i32
          %add3A_175 = arith.constant 0 : i32
          %add3A_176 = arith.addi %add3A_174, %add3A_175 : i32
          %swap3A_177 = arith.index_cast %add3A_176 : i32 to index
          %swap3A_178 = tpu.vector_load %arg23[%swap3A_177] {strides = array<i32>} : memref<4096xi32, #tpu.memory_space<vmem>>, vector<16xi32>,
          tpu.vector_store %arg23[%swap3A_177], %add3A_170 {strides = array<i32>} : memref<4096xi32, #tpu.memory_space<vmem>>, vector<16xi32>,
          %add3A_179 = arith.constant 1 : i32
          %add3A_180 = vector.broadcast %add3A_179 : i32 to vector<16xi32>
          %add3A_181 = arith.addi %mul3A_167, %add3A_180 : vector<16xi32>
          %mul3A_182 = arith.constant 64 : i32
          %mul3A_183 = arith.muli %scan3A_156, %mul3A_182 : i32
          %add3A_184 = arith.constant 1024 : i32
          %add3A_185 = arith.addi %add3A_184, %mul3A_183 : i32
          %add3A_186 = arith.constant 0 : i32
          %add3A_187 = arith.addi %add3A_185, %add3A_186 : i32
          %swap3A_188 = arith.index_cast %add3A_187 : i32 to index
          %swap3A_189 = tpu.vector_load %arg23[%swap3A_188] {strides = array<i32>} : memref<4096xi32, #tpu.memory_space<vmem>>, vector<16xi32>,
          tpu.vector_store %arg23[%swap3A_188], %add3A_181 {strides = array<i32>} : memref<4096xi32, #tpu.memory_space<vmem>>, vector<16xi32>,
          %add3A_190 = arith.constant 2 : i32
          %add3A_191 = vector.broadcast %add3A_190 : i32 to vector<16xi32>
          %add3A_192 = arith.addi %mul3A_167, %add3A_191 : vector<16xi32>
          %mul3A_193 = arith.constant 64 : i32
          %mul3A_194 = arith.muli %scan3A_156, %mul3A_193 : i32
          %add3A_195 = arith.constant 2048 : i32
          %add3A_196 = arith.addi %add3A_195, %mul3A_194 : i32
          %add3A_197 = arith.constant 0 : i32
          %add3A_198 = arith.addi %add3A_196, %add3A_197 : i32
          %swap3A_199 = arith.index_cast %add3A_198 : i32 to index
          %swap3A_200 = tpu.vector_load %arg23[%swap3A_199] {strides = array<i32>} : memref<4096xi32, #tpu.memory_space<vmem>>, vector<16xi32>,
          tpu.vector_store %arg23[%swap3A_199], %add3A_192 {strides = array<i32>} : memref<4096xi32, #tpu.memory_space<vmem>>, vector<16xi32>,
          %add3A_201 = arith.constant 3 : i32
          %add3A_202 = vector.broadcast %add3A_201 : i32 to vector<16xi32>
          %add3A_203 = arith.addi %mul3A_167, %add3A_202 : vector<16xi32>
          %mul3A_204 = arith.constant 64 : i32
          %mul3A_205 = arith.muli %scan3A_156, %mul3A_204 : i32
          %add3A_206 = arith.constant 3072 : i32
          %add3A_207 = arith.addi %add3A_206, %mul3A_205 : i32
          %add3A_208 = arith.constant 0 : i32
          %add3A_209 = arith.addi %add3A_207, %add3A_208 : i32
          %swap3A_210 = arith.index_cast %add3A_209 : i32 to index
          %swap3A_211 = tpu.vector_load %arg23[%swap3A_210] {strides = array<i32>} : memref<4096xi32, #tpu.memory_space<vmem>>, vector<16xi32>,
          tpu.vector_store %arg23[%swap3A_210], %add3A_203 {strides = array<i32>} : memref<4096xi32, #tpu.memory_space<vmem>>, vector<16xi32>,
          %mul3A_212 = arith.constant 64 : i32
          %mul3A_213 = arith.muli %scan3A_156, %mul3A_212 : i32
          %add3A_214 = arith.constant 16 : i32
          %add3A_215 = arith.addi %mul3A_213, %add3A_214 : i32
          %get3A_216 = arith.index_cast %add3A_215 : i32 to index
          %get3A_217 = tpu.vector_load %arg16[%get3A_216] {strides = array<i32>} : memref<1040xi32, #tpu.memory_space<vmem>>, vector<16xi32>,
          %swap3A_218 = arith.index_cast %add3A_215 : i32 to index
          %swap3A_219 = tpu.vector_load %arg22[%swap3A_218] {strides = array<i32>} : memref<1024xi32, #tpu.memory_space<vmem>>, vector<16xi32>,
          tpu.vector_store %arg22[%swap3A_218], %get3A_217 {strides = array<i32>} : memref<1024xi32, #tpu.memory_space<vmem>>, vector<16xi32>,
          %mul3A_220 = arith.constant 4 : i32
          %mul3A_221 = vector.broadcast %mul3A_220 : i32 to vector<16xi32>
          %mul3A_222 = arith.muli %get3A_217, %mul3A_221 : vector<16xi32>
          %add3A_223 = arith.constant 0 : i32
          %add3A_224 = vector.broadcast %add3A_223 : i32 to vector<16xi32>
          %add3A_225 = arith.addi %mul3A_222, %add3A_224 : vector<16xi32>
          %mul3A_226 = arith.constant 64 : i32
          %mul3A_227 = arith.muli %scan3A_156, %mul3A_226 : i32
          %add3A_228 = arith.constant 0 : i32
          %add3A_229 = arith.addi %add3A_228, %mul3A_227 : i32
          %add3A_230 = arith.constant 16 : i32
          %add3A_231 = arith.addi %add3A_229, %add3A_230 : i32
          %swap3A_232 = arith.index_cast %add3A_231 : i32 to index
          %swap3A_233 = tpu.vector_load %arg23[%swap3A_232] {strides = array<i32>} : memref<4096xi32, #tpu.memory_space<vmem>>, vector<16xi32>,
          tpu.vector_store %arg23[%swap3A_232], %add3A_225 {strides = array<i32>} : memref<4096xi32, #tpu.memory_space<vmem>>, vector<16xi32>,
          %add3A_234 = arith.constant 1 : i32
          %add3A_235 = vector.broadcast %add3A_234 : i32 to vector<16xi32>
          %add3A_236 = arith.addi %mul3A_222, %add3A_235 : vector<16xi32>
          %mul3A_237 = arith.constant 64 : i32
          %mul3A_238 = arith.muli %scan3A_156, %mul3A_237 : i32
          %add3A_239 = arith.constant 1024 : i32
          %add3A_240 = arith.addi %add3A_239, %mul3A_238 : i32
          %add3A_241 = arith.constant 16 : i32
          %add3A_242 = arith.addi %add3A_240, %add3A_241 : i32
          %swap3A_243 = arith.index_cast %add3A_242 : i32 to index
          %swap3A_244 = tpu.vector_load %arg23[%swap3A_243] {strides = array<i32>} : memref<4096xi32, #tpu.memory_space<vmem>>, vector<16xi32>,
          tpu.vector_store %arg23[%swap3A_243], %add3A_236 {strides = array<i32>} : memref<4096xi32, #tpu.memory_space<vmem>>, vector<16xi32>,
          %add3A_245 = arith.constant 2 : i32
          %add3A_246 = vector.broadcast %add3A_245 : i32 to vector<16xi32>
          %add3A_247 = arith.addi %mul3A_222, %add3A_246 : vector<16xi32>
          %mul3A_248 = arith.constant 64 : i32
          %mul3A_249 = arith.muli %scan3A_156, %mul3A_248 : i32
          %add3A_250 = arith.constant 2048 : i32
          %add3A_251 = arith.addi %add3A_250, %mul3A_249 : i32
          %add3A_252 = arith.constant 16 : i32
          %add3A_253 = arith.addi %add3A_251, %add3A_252 : i32
          %swap3A_254 = arith.index_cast %add3A_253 : i32 to index
          %swap3A_255 = tpu.vector_load %arg23[%swap3A_254] {strides = array<i32>} : memref<4096xi32, #tpu.memory_space<vmem>>, vector<16xi32>,
          tpu.vector_store %arg23[%swap3A_254], %add3A_247 {strides = array<i32>} : memref<4096xi32, #tpu.memory_space<vmem>>, vector<16xi32>,
          %add3A_256 = arith.constant 3 : i32
          %add3A_257 = vector.broadcast %add3A_256 : i32 to vector<16xi32>
          %add3A_258 = arith.addi %mul3A_222, %add3A_257 : vector<16xi32>
          %mul3A_259 = arith.constant 64 : i32
          %mul3A_260 = arith.muli %scan3A_156, %mul3A_259 : i32
          %add3A_261 = arith.constant 3072 : i32
          %add3A_262 = arith.addi %add3A_261, %mul3A_260 : i32
          %add3A_263 = arith.constant 16 : i32
          %add3A_264 = arith.addi %add3A_262, %add3A_263 : i32
          %swap3A_265 = arith.index_cast %add3A_264 : i32 to index
          %swap3A_266 = tpu.vector_load %arg23[%swap3A_265] {strides = array<i32>} : memref<4096xi32, #tpu.memory_space<vmem>>, vector<16xi32>,
          tpu.vector_store %arg23[%swap3A_265], %add3A_258 {strides = array<i32>} : memref<4096xi32, #tpu.memory_space<vmem>>, vector<16xi32>,
          %mul3A_267 = arith.constant 64 : i32
          %mul3A_268 = arith.muli %scan3A_156, %mul3A_267 : i32
          %add3A_269 = arith.constant 32 : i32
          %add3A_270 = arith.addi %mul3A_268, %add3A_269 : i32
          %get3A_271 = arith.index_cast %add3A_270 : i32 to index
          %get3A_272 = tpu.vector_load %arg16[%get3A_271] {strides = array<i32>} : memref<1040xi32, #tpu.memory_space<vmem>>, vector<16xi32>,
          %swap3A_273 = arith.index_cast %add3A_270 : i32 to index
          %swap3A_274 = tpu.vector_load %arg22[%swap3A_273] {strides = array<i32>} : memref<1024xi32, #tpu.memory_space<vmem>>, vector<16xi32>,
          tpu.vector_store %arg22[%swap3A_273], %get3A_272 {strides = array<i32>} : memref<1024xi32, #tpu.memory_space<vmem>>, vector<16xi32>,
          %mul3A_275 = arith.constant 4 : i32
          %mul3A_276 = vector.broadcast %mul3A_275 : i32 to vector<16xi32>
          %mul3A_277 = arith.muli %get3A_272, %mul3A_276 : vector<16xi32>
          %add3A_278 = arith.constant 0 : i32
          %add3A_279 = vector.broadcast %add3A_278 : i32 to vector<16xi32>
          %add3A_280 = arith.addi %mul3A_277, %add3A_279 : vector<16xi32>
          %mul3A_281 = arith.constant 64 : i32
          %mul3A_282 = arith.muli %scan3A_156, %mul3A_281 : i32
          %add3A_283 = arith.constant 0 : i32
          %add3A_284 = arith.addi %add3A_283, %mul3A_282 : i32
          %add3A_285 = arith.constant 32 : i32
          %add3A_286 = arith.addi %add3A_284, %add3A_285 : i32
          %swap3A_287 = arith.index_cast %add3A_286 : i32 to index
          %swap3A_288 = tpu.vector_load %arg23[%swap3A_287] {strides = array<i32>} : memref<4096xi32, #tpu.memory_space<vmem>>, vector<16xi32>,
          tpu.vector_store %arg23[%swap3A_287], %add3A_280 {strides = array<i32>} : memref<4096xi32, #tpu.memory_space<vmem>>, vector<16xi32>,
          %add3A_289 = arith.constant 1 : i32
          %add3A_290 = vector.broadcast %add3A_289 : i32 to vector<16xi32>
          %add3A_291 = arith.addi %mul3A_277, %add3A_290 : vector<16xi32>
          %mul3A_292 = arith.constant 64 : i32
          %mul3A_293 = arith.muli %scan3A_156, %mul3A_292 : i32
          %add3A_294 = arith.constant 1024 : i32
          %add3A_295 = arith.addi %add3A_294, %mul3A_293 : i32
          %add3A_296 = arith.constant 32 : i32
          %add3A_297 = arith.addi %add3A_295, %add3A_296 : i32
          %swap3A_298 = arith.index_cast %add3A_297 : i32 to index
          %swap3A_299 = tpu.vector_load %arg23[%swap3A_298] {strides = array<i32>} : memref<4096xi32, #tpu.memory_space<vmem>>, vector<16xi32>,
          tpu.vector_store %arg23[%swap3A_298], %add3A_291 {strides = array<i32>} : memref<4096xi32, #tpu.memory_space<vmem>>, vector<16xi32>,
          %add3A_300 = arith.constant 2 : i32
          %add3A_301 = vector.broadcast %add3A_300 : i32 to vector<16xi32>
          %add3A_302 = arith.addi %mul3A_277, %add3A_301 : vector<16xi32>
          %mul3A_303 = arith.constant 64 : i32
          %mul3A_304 = arith.muli %scan3A_156, %mul3A_303 : i32
          %add3A_305 = arith.constant 2048 : i32
          %add3A_306 = arith.addi %add3A_305, %mul3A_304 : i32
          %add3A_307 = arith.constant 32 : i32
          %add3A_308 = arith.addi %add3A_306, %add3A_307 : i32
          %swap3A_309 = arith.index_cast %add3A_308 : i32 to index
          %swap3A_310 = tpu.vector_load %arg23[%swap3A_309] {strides = array<i32>} : memref<4096xi32, #tpu.memory_space<vmem>>, vector<16xi32>,
          tpu.vector_store %arg23[%swap3A_309], %add3A_302 {strides = array<i32>} : memref<4096xi32, #tpu.memory_space<vmem>>, vector<16xi32>,
          %add3A_311 = arith.constant 3 : i32
          %add3A_312 = vector.broadcast %add3A_311 : i32 to vector<16xi32>
          %add3A_313 = arith.addi %mul3A_277, %add3A_312 : vector<16xi32>
          %mul3A_314 = arith.constant 64 : i32
          %mul3A_315 = arith.muli %scan3A_156, %mul3A_314 : i32
          %add3A_316 = arith.constant 3072 : i32
          %add3A_317 = arith.addi %add3A_316, %mul3A_315 : i32
          %add3A_318 = arith.constant 32 : i32
          %add3A_319 = arith.addi %add3A_317, %add3A_318 : i32
          %swap3A_320 = arith.index_cast %add3A_319 : i32 to index
          %swap3A_321 = tpu.vector_load %arg23[%swap3A_320] {strides = array<i32>} : memref<4096xi32, #tpu.memory_space<vmem>>, vector<16xi32>,
          tpu.vector_store %arg23[%swap3A_320], %add3A_313 {strides = array<i32>} : memref<4096xi32, #tpu.memory_space<vmem>>, vector<16xi32>,
          %mul3A_322 = arith.constant 64 : i32
          %mul3A_323 = arith.muli %scan3A_156, %mul3A_322 : i32
          %add3A_324 = arith.constant 48 : i32
          %add3A_325 = arith.addi %mul3A_323, %add3A_324 : i32
          %get3A_326 = arith.index_cast %add3A_325 : i32 to index
          %get3A_327 = tpu.vector_load %arg16[%get3A_326] {strides = array<i32>} : memref<1040xi32, #tpu.memory_space<vmem>>, vector<16xi32>,
          %swap3A_328 = arith.index_cast %add3A_325 : i32 to index
          %swap3A_329 = tpu.vector_load %arg22[%swap3A_328] {strides = array<i32>} : memref<1024xi32, #tpu.memory_space<vmem>>, vector<16xi32>,
          tpu.vector_store %arg22[%swap3A_328], %get3A_327 {strides = array<i32>} : memref<1024xi32, #tpu.memory_space<vmem>>, vector<16xi32>,
          %mul3A_330 = arith.constant 4 : i32
          %mul3A_331 = vector.broadcast %mul3A_330 : i32 to vector<16xi32>
          %mul3A_332 = arith.muli %get3A_327, %mul3A_331 : vector<16xi32>
          %add3A_333 = arith.constant 0 : i32
          %add3A_334 = vector.broadcast %add3A_333 : i32 to vector<16xi32>
          %add3A_335 = arith.addi %mul3A_332, %add3A_334 : vector<16xi32>
          %mul3A_336 = arith.constant 64 : i32
          %mul3A_337 = arith.muli %scan3A_156, %mul3A_336 : i32
          %add3A_338 = arith.constant 0 : i32
          %add3A_339 = arith.addi %add3A_338, %mul3A_337 : i32
          %add3A_340 = arith.constant 48 : i32
          %add3A_341 = arith.addi %add3A_339, %add3A_340 : i32
          %swap3A_342 = arith.index_cast %add3A_341 : i32 to index
          %swap3A_343 = tpu.vector_load %arg23[%swap3A_342] {strides = array<i32>} : memref<4096xi32, #tpu.memory_space<vmem>>, vector<16xi32>,
          tpu.vector_store %arg23[%swap3A_342], %add3A_335 {strides = array<i32>} : memref<4096xi32, #tpu.memory_space<vmem>>, vector<16xi32>,
          %add3A_344 = arith.constant 1 : i32
          %add3A_345 = vector.broadcast %add3A_344 : i32 to vector<16xi32>
          %add3A_346 = arith.addi %mul3A_332, %add3A_345 : vector<16xi32>
          %mul3A_347 = arith.constant 64 : i32
          %mul3A_348 = arith.muli %scan3A_156, %mul3A_347 : i32
          %add3A_349 = arith.constant 1024 : i32
          %add3A_350 = arith.addi %add3A_349, %mul3A_348 : i32
          %add3A_351 = arith.constant 48 : i32
          %add3A_352 = arith.addi %add3A_350, %add3A_351 : i32
          %swap3A_353 = arith.index_cast %add3A_352 : i32 to index
          %swap3A_354 = tpu.vector_load %arg23[%swap3A_353] {strides = array<i32>} : memref<4096xi32, #tpu.memory_space<vmem>>, vector<16xi32>,
          tpu.vector_store %arg23[%swap3A_353], %add3A_346 {strides = array<i32>} : memref<4096xi32, #tpu.memory_space<vmem>>, vector<16xi32>,
          %add3A_355 = arith.constant 2 : i32
          %add3A_356 = vector.broadcast %add3A_355 : i32 to vector<16xi32>
          %add3A_357 = arith.addi %mul3A_332, %add3A_356 : vector<16xi32>
          %mul3A_358 = arith.constant 64 : i32
          %mul3A_359 = arith.muli %scan3A_156, %mul3A_358 : i32
          %add3A_360 = arith.constant 2048 : i32
          %add3A_361 = arith.addi %add3A_360, %mul3A_359 : i32
          %add3A_362 = arith.constant 48 : i32
          %add3A_363 = arith.addi %add3A_361, %add3A_362 : i32
          %swap3A_364 = arith.index_cast %add3A_363 : i32 to index
          %swap3A_365 = tpu.vector_load %arg23[%swap3A_364] {strides = array<i32>} : memref<4096xi32, #tpu.memory_space<vmem>>, vector<16xi32>,
          tpu.vector_store %arg23[%swap3A_364], %add3A_357 {strides = array<i32>} : memref<4096xi32, #tpu.memory_space<vmem>>, vector<16xi32>,
          %add3A_366 = arith.constant 3 : i32
          %add3A_367 = vector.broadcast %add3A_366 : i32 to vector<16xi32>
          %add3A_368 = arith.addi %mul3A_332, %add3A_367 : vector<16xi32>
          %mul3A_369 = arith.constant 64 : i32
          %mul3A_370 = arith.muli %scan3A_156, %mul3A_369 : i32
          %add3A_371 = arith.constant 3072 : i32
          %add3A_372 = arith.addi %add3A_371, %mul3A_370 : i32
          %add3A_373 = arith.constant 48 : i32
          %add3A_374 = arith.addi %add3A_372, %add3A_373 : i32
          %swap3A_375 = arith.index_cast %add3A_374 : i32 to index
          %swap3A_376 = tpu.vector_load %arg23[%swap3A_375] {strides = array<i32>} : memref<4096xi32, #tpu.memory_space<vmem>>, vector<16xi32>,
          tpu.vector_store %arg23[%swap3A_375], %add3A_368 {strides = array<i32>} : memref<4096xi32, #tpu.memory_space<vmem>>, vector<16xi32>,
        }
        %scan3A_114 = arith.constant 16 : i32
        %dma_start3A = arith.constant 0 : i32
        %dma_start3A_115 = tpu.memref_slice %arg5[%dma_start3A] : memref<1000000xf32, #tpu.memory_space<hbm>> -> memref<1000000xf32, #tpu.memory_space<hbm>>
        tpu.enqueue_indirect_dma source(%dma_start3A_115 : memref<1000000xf32, #tpu.memory_space<hbm>>) target(%arg24 : memref<1024xf32, #tpu.memory_space<vmem>>) offsets(%arg22 : memref<1024xi32, #tpu.memory_space<vmem>>) semaphore(%arg29 : memref<!tpu.dma_semaphore, #tpu.memory_space<semaphore_mem>>)
        %dma_start3A_116 = arith.constant 0 : i32
        %dma_start3A_117 = tpu.memref_slice %arg7[%dma_start3A_116] : memref<4000000xi32, #tpu.memory_space<hbm>> -> memref<4000000xi32, #tpu.memory_space<hbm>>
        tpu.enqueue_indirect_dma source(%dma_start3A_117 : memref<4000000xi32, #tpu.memory_space<hbm>>) target(%arg25 : memref<4096xi32, #tpu.memory_space<vmem>>) offsets(%arg23 : memref<4096xi32, #tpu.memory_space<vmem>>) semaphore(%arg30 : memref<!tpu.dma_semaphore, #tpu.memory_space<semaphore_mem>>)
        %dma_wait3A = arith.constant 0 : i32
        %dma_wait3A_118 = tpu.memref_slice %arg5[%dma_wait3A] : memref<1000000xf32, #tpu.memory_space<hbm>> -> memref<1000000xf32, #tpu.memory_space<hbm>>
        tpu.wait_indirect_dma semaphore(%arg29 : memref<!tpu.dma_semaphore, #tpu.memory_space<semaphore_mem>>) src(%dma_wait3A_118 : memref<1000000xf32, #tpu.memory_space<hbm>>) dst(%arg24 : memref<1024xf32, #tpu.memory_space<vmem>>)
        %dma_wait3A_119 = arith.constant 0 : i32
        %dma_wait3A_120 = tpu.memref_slice %arg7[%dma_wait3A_119] : memref<4000000xi32, #tpu.memory_space<hbm>> -> memref<4000000xi32, #tpu.memory_space<hbm>>
        tpu.wait_indirect_dma semaphore(%arg30 : memref<!tpu.dma_semaphore, #tpu.memory_space<semaphore_mem>>) src(%dma_wait3A_120 : memref<4000000xi32, #tpu.memory_space<hbm>>) dst(%arg25 : memref<4096xi32, #tpu.memory_space<vmem>>)
        %scan3A_121 = arith.constant 0 : i32
        %scan3A_122 = arith.constant 0 : i32
        %scan3A_123 = arith.constant 32 : i32
        %scan3A_124 = arith.addi %scan3A_122, %scan3A_123 : i32
        %scan3A_125 = arith.constant 1 : i32
        scf.for %scan3A_156 = %scan3A_122 to %scan3A_124 step %scan3A_125  : i32 {
          %mul3A_157 = arith.constant 32 : i32
          %mul3A_158 = arith.muli %scan3A_156, %mul3A_157 : i32
          %add3A_159 = arith.constant 0 : i32
          %add3A_160 = arith.addi %mul3A_158, %add3A_159 : i32
          %mul3A_161 = arith.constant 32 : i32
          %mul3A_162 = arith.muli %scan3A_156, %mul3A_161 : i32
          %add3A_163 = arith.constant 0 : i32
          %add3A_164 = arith.addi %mul3A_162, %add3A_163 : i32
          %add3A_165 = vector.broadcast %add3A_164 : i32 to vector<16xi32>
          %add3A_166 = arith.addi %add3A_165, %iota3A : vector<16xi32>
          %lt3A_167 = arith.constant 1024 : i32
          %lt3A_168 = vector.broadcast %lt3A_167 : i32 to vector<16xi32>
          %lt3A_169 = arith.cmpi slt, %add3A_166, %lt3A_168 : vector<16xi32>
          %get3A_170 = arith.index_cast %add3A_160 : i32 to index
          %get3A_171 = tpu.vector_load %arg18[%get3A_170] {strides = array<i32>} : memref<1040xf32, #tpu.memory_space<vmem>>, vector<16xf32>,
          %get3A_172 = arith.index_cast %add3A_160 : i32 to index
          %get3A_173 = tpu.vector_load %arg24[%get3A_172] {strides = array<i32>} : memref<1024xf32, #tpu.memory_space<vmem>>, vector<16xf32>,
          %mul3A_174 = arith.mulf %get3A_171, %get3A_173 : vector<16xf32>
          %jit3A_175 = arith.constant 0.000000e+00 : f32
          %broadcast_in_dim3A_176 = vector.broadcast %jit3A_175 : f32 to vector<16xf32>
          %select_n3A_177 = arith.select %lt3A_169, %mul3A_174, %broadcast_in_dim3A_176 : vector<16xi1>, vector<16xf32>
          %get3A_178 = arith.index_cast %add3A_160 : i32 to index
          %get3A_179 = tpu.vector_load %arg20[%get3A_178] {strides = array<i32>} : memref<1040xi32, #tpu.memory_space<vmem>>, vector<16xi32>,
          %mul3A_180 = arith.constant 4096 : i32
          %mul3A_181 = vector.broadcast %mul3A_180 : i32 to vector<16xi32>
          %mul3A_182 = arith.muli %get3A_179, %mul3A_181 : vector<16xi32>
          %mul3A_183 = arith.constant 32 : i32
          %mul3A_184 = arith.muli %scan3A_156, %mul3A_183 : i32
          %add3A_185 = arith.constant 0 : i32
          %add3A_186 = arith.addi %add3A_185, %mul3A_184 : i32
          %add3A_187 = arith.constant 0 : i32
          %add3A_188 = arith.addi %add3A_186, %add3A_187 : i32
          %get3A_189 = arith.index_cast %add3A_188 : i32 to index
          %get3A_190 = tpu.vector_load %arg25[%get3A_189] {strides = array<i32>} : memref<4096xi32, #tpu.memory_space<vmem>>, vector<16xi32>,
          %add3A_191 = arith.addi %mul3A_182, %get3A_190 : vector<16xi32>
          %swap3A_192 = arith.index_cast %add3A_188 : i32 to index
          %swap3A_193 = tpu.vector_load %arg26[%swap3A_192] {strides = array<i32>} : memref<4096xi32, #tpu.memory_space<vmem>>, vector<16xi32>,
          tpu.vector_store %arg26[%swap3A_192], %add3A_191 {strides = array<i32>} : memref<4096xi32, #tpu.memory_space<vmem>>, vector<16xi32>,
          %mul3A_194 = arith.constant 32 : i32
          %mul3A_195 = arith.muli %scan3A_156, %mul3A_194 : i32
          %add3A_196 = arith.constant 1024 : i32
          %add3A_197 = arith.addi %add3A_196, %mul3A_195 : i32
          %add3A_198 = arith.constant 0 : i32
          %add3A_199 = arith.addi %add3A_197, %add3A_198 : i32
          %get3A_200 = arith.index_cast %add3A_199 : i32 to index
          %get3A_201 = tpu.vector_load %arg25[%get3A_200] {strides = array<i32>} : memref<4096xi32, #tpu.memory_space<vmem>>, vector<16xi32>,
          %add3A_202 = arith.addi %mul3A_182, %get3A_201 : vector<16xi32>
          %swap3A_203 = arith.index_cast %add3A_199 : i32 to index
          %swap3A_204 = tpu.vector_load %arg26[%swap3A_203] {strides = array<i32>} : memref<4096xi32, #tpu.memory_space<vmem>>, vector<16xi32>,
          tpu.vector_store %arg26[%swap3A_203], %add3A_202 {strides = array<i32>} : memref<4096xi32, #tpu.memory_space<vmem>>, vector<16xi32>,
          %mul3A_205 = arith.constant 32 : i32
          %mul3A_206 = arith.muli %scan3A_156, %mul3A_205 : i32
          %add3A_207 = arith.constant 2048 : i32
          %add3A_208 = arith.addi %add3A_207, %mul3A_206 : i32
          %add3A_209 = arith.constant 0 : i32
          %add3A_210 = arith.addi %add3A_208, %add3A_209 : i32
          %get3A_211 = arith.index_cast %add3A_210 : i32 to index
          %get3A_212 = tpu.vector_load %arg25[%get3A_211] {strides = array<i32>} : memref<4096xi32, #tpu.memory_space<vmem>>, vector<16xi32>,
          %add3A_213 = arith.addi %mul3A_182, %get3A_212 : vector<16xi32>
          %swap3A_214 = arith.index_cast %add3A_210 : i32 to index
          %swap3A_215 = tpu.vector_load %arg26[%swap3A_214] {strides = array<i32>} : memref<4096xi32, #tpu.memory_space<vmem>>, vector<16xi32>,
          tpu.vector_store %arg26[%swap3A_214], %add3A_213 {strides = array<i32>} : memref<4096xi32, #tpu.memory_space<vmem>>, vector<16xi32>,
          %mul3A_216 = arith.constant 32 : i32
          %mul3A_217 = arith.muli %scan3A_156, %mul3A_216 : i32
          %add3A_218 = arith.constant 3072 : i32
          %add3A_219 = arith.addi %add3A_218, %mul3A_217 : i32
          %add3A_220 = arith.constant 0 : i32
          %add3A_221 = arith.addi %add3A_219, %add3A_220 : i32
          %get3A_222 = arith.index_cast %add3A_221 : i32 to index
          %get3A_223 = tpu.vector_load %arg25[%get3A_222] {strides = array<i32>} : memref<4096xi32, #tpu.memory_space<vmem>>, vector<16xi32>,
          %add3A_224 = arith.addi %mul3A_182, %get3A_223 : vector<16xi32>
          %swap3A_225 = arith.index_cast %add3A_221 : i32 to index
          %swap3A_226 = tpu.vector_load %arg26[%swap3A_225] {strides = array<i32>} : memref<4096xi32, #tpu.memory_space<vmem>>, vector<16xi32>,
          tpu.vector_store %arg26[%swap3A_225], %add3A_224 {strides = array<i32>} : memref<4096xi32, #tpu.memory_space<vmem>>, vector<16xi32>,
          %swap3A_227 = arith.index_cast %add3A_160 : i32 to index
          %swap3A_228 = tpu.vector_load %arg27[%swap3A_227] {strides = array<i32>} : memref<1024xf32, #tpu.memory_space<vmem>>, vector<16xf32>,
          tpu.vector_store %arg27[%swap3A_227], %select_n3A_177 {strides = array<i32>} : memref<1024xf32, #tpu.memory_space<vmem>>, vector<16xf32>,
          %mul3A_229 = arith.constant 32 : i32
          %mul3A_230 = arith.muli %scan3A_156, %mul3A_229 : i32
          %add3A_231 = arith.constant 16 : i32
          %add3A_232 = arith.addi %mul3A_230, %add3A_231 : i32
          %mul3A_233 = arith.constant 32 : i32
          %mul3A_234 = arith.muli %scan3A_156, %mul3A_233 : i32
          %add3A_235 = arith.constant 16 : i32
          %add3A_236 = arith.addi %mul3A_234, %add3A_235 : i32
          %add3A_237 = vector.broadcast %add3A_236 : i32 to vector<16xi32>
          %add3A_238 = arith.addi %add3A_237, %iota3A : vector<16xi32>
          %lt3A_239 = arith.constant 1024 : i32
          %lt3A_240 = vector.broadcast %lt3A_239 : i32 to vector<16xi32>
          %lt3A_241 = arith.cmpi slt, %add3A_238, %lt3A_240 : vector<16xi32>
          %get3A_242 = arith.index_cast %add3A_232 : i32 to index
          %get3A_243 = tpu.vector_load %arg18[%get3A_242] {strides = array<i32>} : memref<1040xf32, #tpu.memory_space<vmem>>, vector<16xf32>,
          %get3A_244 = arith.index_cast %add3A_232 : i32 to index
          %get3A_245 = tpu.vector_load %arg24[%get3A_244] {strides = array<i32>} : memref<1024xf32, #tpu.memory_space<vmem>>, vector<16xf32>,
          %mul3A_246 = arith.mulf %get3A_243, %get3A_245 : vector<16xf32>
          %jit3A_247 = arith.constant 0.000000e+00 : f32
          %broadcast_in_dim3A_248 = vector.broadcast %jit3A_247 : f32 to vector<16xf32>
          %select_n3A_249 = arith.select %lt3A_241, %mul3A_246, %broadcast_in_dim3A_248 : vector<16xi1>, vector<16xf32>
          %get3A_250 = arith.index_cast %add3A_232 : i32 to index
          %get3A_251 = tpu.vector_load %arg20[%get3A_250] {strides = array<i32>} : memref<1040xi32, #tpu.memory_space<vmem>>, vector<16xi32>,
          %mul3A_252 = arith.constant 4096 : i32
          %mul3A_253 = vector.broadcast %mul3A_252 : i32 to vector<16xi32>
          %mul3A_254 = arith.muli %get3A_251, %mul3A_253 : vector<16xi32>
          %mul3A_255 = arith.constant 32 : i32
          %mul3A_256 = arith.muli %scan3A_156, %mul3A_255 : i32
          %add3A_257 = arith.constant 0 : i32
          %add3A_258 = arith.addi %add3A_257, %mul3A_256 : i32
          %add3A_259 = arith.constant 16 : i32
          %add3A_260 = arith.addi %add3A_258, %add3A_259 : i32
          %get3A_261 = arith.index_cast %add3A_260 : i32 to index
          %get3A_262 = tpu.vector_load %arg25[%get3A_261] {strides = array<i32>} : memref<4096xi32, #tpu.memory_space<vmem>>, vector<16xi32>,
          %add3A_263 = arith.addi %mul3A_254, %get3A_262 : vector<16xi32>
          %swap3A_264 = arith.index_cast %add3A_260 : i32 to index
          %swap3A_265 = tpu.vector_load %arg26[%swap3A_264] {strides = array<i32>} : memref<4096xi32, #tpu.memory_space<vmem>>, vector<16xi32>,
          tpu.vector_store %arg26[%swap3A_264], %add3A_263 {strides = array<i32>} : memref<4096xi32, #tpu.memory_space<vmem>>, vector<16xi32>,
          %mul3A_266 = arith.constant 32 : i32
          %mul3A_267 = arith.muli %scan3A_156, %mul3A_266 : i32
          %add3A_268 = arith.constant 1024 : i32
          %add3A_269 = arith.addi %add3A_268, %mul3A_267 : i32
          %add3A_270 = arith.constant 16 : i32
          %add3A_271 = arith.addi %add3A_269, %add3A_270 : i32
          %get3A_272 = arith.index_cast %add3A_271 : i32 to index
          %get3A_273 = tpu.vector_load %arg25[%get3A_272] {strides = array<i32>} : memref<4096xi32, #tpu.memory_space<vmem>>, vector<16xi32>,
          %add3A_274 = arith.addi %mul3A_254, %get3A_273 : vector<16xi32>
          %swap3A_275 = arith.index_cast %add3A_271 : i32 to index
          %swap3A_276 = tpu.vector_load %arg26[%swap3A_275] {strides = array<i32>} : memref<4096xi32, #tpu.memory_space<vmem>>, vector<16xi32>,
          tpu.vector_store %arg26[%swap3A_275], %add3A_274 {strides = array<i32>} : memref<4096xi32, #tpu.memory_space<vmem>>, vector<16xi32>,
          %mul3A_277 = arith.constant 32 : i32
          %mul3A_278 = arith.muli %scan3A_156, %mul3A_277 : i32
          %add3A_279 = arith.constant 2048 : i32
          %add3A_280 = arith.addi %add3A_279, %mul3A_278 : i32
          %add3A_281 = arith.constant 16 : i32
          %add3A_282 = arith.addi %add3A_280, %add3A_281 : i32
          %get3A_283 = arith.index_cast %add3A_282 : i32 to index
          %get3A_284 = tpu.vector_load %arg25[%get3A_283] {strides = array<i32>} : memref<4096xi32, #tpu.memory_space<vmem>>, vector<16xi32>,
          %add3A_285 = arith.addi %mul3A_254, %get3A_284 : vector<16xi32>
          %swap3A_286 = arith.index_cast %add3A_282 : i32 to index
          %swap3A_287 = tpu.vector_load %arg26[%swap3A_286] {strides = array<i32>} : memref<4096xi32, #tpu.memory_space<vmem>>, vector<16xi32>,
          tpu.vector_store %arg26[%swap3A_286], %add3A_285 {strides = array<i32>} : memref<4096xi32, #tpu.memory_space<vmem>>, vector<16xi32>,
          %mul3A_288 = arith.constant 32 : i32
          %mul3A_289 = arith.muli %scan3A_156, %mul3A_288 : i32
          %add3A_290 = arith.constant 3072 : i32
          %add3A_291 = arith.addi %add3A_290, %mul3A_289 : i32
          %add3A_292 = arith.constant 16 : i32
          %add3A_293 = arith.addi %add3A_291, %add3A_292 : i32
          %get3A_294 = arith.index_cast %add3A_293 : i32 to index
          %get3A_295 = tpu.vector_load %arg25[%get3A_294] {strides = array<i32>} : memref<4096xi32, #tpu.memory_space<vmem>>, vector<16xi32>,
          %add3A_296 = arith.addi %mul3A_254, %get3A_295 : vector<16xi32>
          %swap3A_297 = arith.index_cast %add3A_293 : i32 to index
          %swap3A_298 = tpu.vector_load %arg26[%swap3A_297] {strides = array<i32>} : memref<4096xi32, #tpu.memory_space<vmem>>, vector<16xi32>,
          tpu.vector_store %arg26[%swap3A_297], %add3A_296 {strides = array<i32>} : memref<4096xi32, #tpu.memory_space<vmem>>, vector<16xi32>,
          %swap3A_299 = arith.index_cast %add3A_232 : i32 to index
          %swap3A_300 = tpu.vector_load %arg27[%swap3A_299] {strides = array<i32>} : memref<1024xf32, #tpu.memory_space<vmem>>, vector<16xf32>,
          tpu.vector_store %arg27[%swap3A_299], %select_n3A_249 {strides = array<i32>} : memref<1024xf32, #tpu.memory_space<vmem>>, vector<16xf32>,
        }
        %scan3A_126 = arith.constant 32 : i32
        %mul3A_127 = arith.constant 4096 : i32
        %mul3A_128 = arith.muli %scan3A_57, %mul3A_127 : i32
        %run_scoped3A = arith.constant 0 : i32
        "tpu.region"() ({
          %run_scoped3A_156 = tpu.sem_alloc : memref<!tpu.dma_semaphore, #tpu.memory_space<semaphore_mem>>
          %dma_start3A_157 = tpu.memref_slice %arg8[%run_scoped3A, %add3A, %mul3A_128] : memref<2x32x131072xi32, #tpu.memory_space<hbm>> -> memref<1x1x4096xi32, #tpu.memory_space<hbm>>
          %dma_start3A_158 = tpu.memref_squeeze %dma_start3A_157 : memref<1x1x4096xi32, #tpu.memory_space<hbm>> -> memref<4096xi32, #tpu.memory_space<hbm>>
          %dma_start3A_159 = tpu.memref_slice %arg8[%run_scoped3A, %add3A, %mul3A_128] : memref<2x32x131072xi32, #tpu.memory_space<hbm>> -> memref<1x1x4096xi32, #tpu.memory_space<hbm>>
          %dma_start3A_160 = tpu.memref_squeeze %dma_start3A_159 : memref<1x1x4096xi32, #tpu.memory_space<hbm>> -> memref<4096xi32, #tpu.memory_space<hbm>>
          tpu.enqueue_dma source(%arg26 : memref<4096xi32, #tpu.memory_space<vmem>>) target(%dma_start3A_160 : memref<4096xi32, #tpu.memory_space<hbm>>) target_semaphore(%run_scoped3A_156 : memref<!tpu.dma_semaphore, #tpu.memory_space<semaphore_mem>>)
          %dma_wait3A_161 = tpu.memref_slice %arg8[%run_scoped3A, %add3A, %mul3A_128] : memref<2x32x131072xi32, #tpu.memory_space<hbm>> -> memref<1x1x4096xi32, #tpu.memory_space<hbm>>
          %dma_wait3A_162 = tpu.memref_squeeze %dma_wait3A_161 : memref<1x1x4096xi32, #tpu.memory_space<hbm>> -> memref<4096xi32, #tpu.memory_space<hbm>>
          %dma_wait3A_163 = tpu.memref_slice %arg8[%run_scoped3A, %add3A, %mul3A_128] : memref<2x32x131072xi32, #tpu.memory_space<hbm>> -> memref<1x1x4096xi32, #tpu.memory_space<hbm>>
          %dma_wait3A_164 = tpu.memref_squeeze %dma_wait3A_163 : memref<1x1x4096xi32, #tpu.memory_space<hbm>> -> memref<4096xi32, #tpu.memory_space<hbm>>
          tpu.wait_dma2 semaphore(%run_scoped3A_156 : memref<!tpu.dma_semaphore, #tpu.memory_space<semaphore_mem>>) src(%arg26 : memref<4096xi32, #tpu.memory_space<vmem>>) dst(%dma_wait3A_164 : memref<4096xi32, #tpu.memory_space<hbm>>)
          tpu.yield
        }) : () -> ()
        %add3A_129 = arith.constant 0 : i32
        %add3A_130 = arith.addi %mul3A_128, %add3A_129 : i32
        %run_scoped3A_131 = arith.constant 0 : i32
        "tpu.region"() ({
          %run_scoped3A_156 = tpu.sem_alloc : memref<!tpu.dma_semaphore, #tpu.memory_space<semaphore_mem>>
          %dma_start3A_157 = tpu.memref_slice %arg9[%run_scoped3A_131, %add3A, %add3A_130] : memref<2x32x131072xf32, #tpu.memory_space<hbm>> -> memref<1x1x1024xf32, #tpu.memory_space<hbm>>
          %dma_start3A_158 = tpu.memref_squeeze %dma_start3A_157 : memref<1x1x1024xf32, #tpu.memory_space<hbm>> -> memref<1024xf32, #tpu.memory_space<hbm>>
          %dma_start3A_159 = tpu.memref_slice %arg9[%run_scoped3A_131, %add3A, %add3A_130] : memref<2x32x131072xf32, #tpu.memory_space<hbm>> -> memref<1x1x1024xf32, #tpu.memory_space<hbm>>
          %dma_start3A_160 = tpu.memref_squeeze %dma_start3A_159 : memref<1x1x1024xf32, #tpu.memory_space<hbm>> -> memref<1024xf32, #tpu.memory_space<hbm>>
          tpu.enqueue_dma source(%arg27 : memref<1024xf32, #tpu.memory_space<vmem>>) target(%dma_start3A_160 : memref<1024xf32, #tpu.memory_space<hbm>>) target_semaphore(%run_scoped3A_156 : memref<!tpu.dma_semaphore, #tpu.memory_space<semaphore_mem>>)
          %dma_wait3A_161 = tpu.memref_slice %arg9[%run_scoped3A_131, %add3A, %add3A_130] : memref<2x32x131072xf32, #tpu.memory_space<hbm>> -> memref<1x1x1024xf32, #tpu.memory_space<hbm>>
          %dma_wait3A_162 = tpu.memref_squeeze %dma_wait3A_161 : memref<1x1x1024xf32, #tpu.memory_space<hbm>> -> memref<1024xf32, #tpu.memory_space<hbm>>
          %dma_wait3A_163 = tpu.memref_slice %arg9[%run_scoped3A_131, %add3A, %add3A_130] : memref<2x32x131072xf32, #tpu.memory_space<hbm>> -> memref<1x1x1024xf32, #tpu.memory_space<hbm>>
          %dma_wait3A_164 = tpu.memref_squeeze %dma_wait3A_163 : memref<1x1x1024xf32, #tpu.memory_space<hbm>> -> memref<1024xf32, #tpu.memory_space<hbm>>
          tpu.wait_dma2 semaphore(%run_scoped3A_156 : memref<!tpu.dma_semaphore, #tpu.memory_space<semaphore_mem>>) src(%arg27 : memref<1024xf32, #tpu.memory_space<vmem>>) dst(%dma_wait3A_164 : memref<1024xf32, #tpu.memory_space<hbm>>)
          tpu.yield
        }) : () -> ()
        %add3A_132 = arith.constant 1024 : i32
        %add3A_133 = arith.addi %mul3A_128, %add3A_132 : i32
        %run_scoped3A_134 = arith.constant 0 : i32
        "tpu.region"() ({
          %run_scoped3A_156 = tpu.sem_alloc : memref<!tpu.dma_semaphore, #tpu.memory_space<semaphore_mem>>
          %dma_start3A_157 = tpu.memref_slice %arg9[%run_scoped3A_134, %add3A, %add3A_133] : memref<2x32x131072xf32, #tpu.memory_space<hbm>> -> memref<1x1x1024xf32, #tpu.memory_space<hbm>>
          %dma_start3A_158 = tpu.memref_squeeze %dma_start3A_157 : memref<1x1x1024xf32, #tpu.memory_space<hbm>> -> memref<1024xf32, #tpu.memory_space<hbm>>
          %dma_start3A_159 = tpu.memref_slice %arg9[%run_scoped3A_134, %add3A, %add3A_133] : memref<2x32x131072xf32, #tpu.memory_space<hbm>> -> memref<1x1x1024xf32, #tpu.memory_space<hbm>>
          %dma_start3A_160 = tpu.memref_squeeze %dma_start3A_159 : memref<1x1x1024xf32, #tpu.memory_space<hbm>> -> memref<1024xf32, #tpu.memory_space<hbm>>
          tpu.enqueue_dma source(%arg27 : memref<1024xf32, #tpu.memory_space<vmem>>) target(%dma_start3A_160 : memref<1024xf32, #tpu.memory_space<hbm>>) target_semaphore(%run_scoped3A_156 : memref<!tpu.dma_semaphore, #tpu.memory_space<semaphore_mem>>)
          %dma_wait3A_161 = tpu.memref_slice %arg9[%run_scoped3A_134, %add3A, %add3A_133] : memref<2x32x131072xf32, #tpu.memory_space<hbm>> -> memref<1x1x1024xf32, #tpu.memory_space<hbm>>
          %dma_wait3A_162 = tpu.memref_squeeze %dma_wait3A_161 : memref<1x1x1024xf32, #tpu.memory_space<hbm>> -> memref<1024xf32, #tpu.memory_space<hbm>>
          %dma_wait3A_163 = tpu.memref_slice %arg9[%run_scoped3A_134, %add3A, %add3A_133] : memref<2x32x131072xf32, #tpu.memory_space<hbm>> -> memref<1x1x1024xf32, #tpu.memory_space<hbm>>
          %dma_wait3A_164 = tpu.memref_squeeze %dma_wait3A_163 : memref<1x1x1024xf32, #tpu.memory_space<hbm>> -> memref<1024xf32, #tpu.memory_space<hbm>>
          tpu.wait_dma2 semaphore(%run_scoped3A_156 : memref<!tpu.dma_semaphore, #tpu.memory_space<semaphore_mem>>) src(%arg27 : memref<1024xf32, #tpu.memory_space<vmem>>) dst(%dma_wait3A_164 : memref<1024xf32, #tpu.memory_space<hbm>>)
          tpu.yield
        }) : () -> ()
        %add3A_135 = arith.constant 2048 : i32
        %add3A_136 = arith.addi %mul3A_128, %add3A_135 : i32
        %run_scoped3A_137 = arith.constant 0 : i32
        "tpu.region"() ({
          %run_scoped3A_156 = tpu.sem_alloc : memref<!tpu.dma_semaphore, #tpu.memory_space<semaphore_mem>>
          %dma_start3A_157 = tpu.memref_slice %arg9[%run_scoped3A_137, %add3A, %add3A_136] : memref<2x32x131072xf32, #tpu.memory_space<hbm>> -> memref<1x1x1024xf32, #tpu.memory_space<hbm>>
          %dma_start3A_158 = tpu.memref_squeeze %dma_start3A_157 : memref<1x1x1024xf32, #tpu.memory_space<hbm>> -> memref<1024xf32, #tpu.memory_space<hbm>>
          %dma_start3A_159 = tpu.memref_slice %arg9[%run_scoped3A_137, %add3A, %add3A_136] : memref<2x32x131072xf32, #tpu.memory_space<hbm>> -> memref<1x1x1024xf32, #tpu.memory_space<hbm>>
          %dma_start3A_160 = tpu.memref_squeeze %dma_start3A_159 : memref<1x1x1024xf32, #tpu.memory_space<hbm>> -> memref<1024xf32, #tpu.memory_space<hbm>>
          tpu.enqueue_dma source(%arg27 : memref<1024xf32, #tpu.memory_space<vmem>>) target(%dma_start3A_160 : memref<1024xf32, #tpu.memory_space<hbm>>) target_semaphore(%run_scoped3A_156 : memref<!tpu.dma_semaphore, #tpu.memory_space<semaphore_mem>>)
          %dma_wait3A_161 = tpu.memref_slice %arg9[%run_scoped3A_137, %add3A, %add3A_136] : memref<2x32x131072xf32, #tpu.memory_space<hbm>> -> memref<1x1x1024xf32, #tpu.memory_space<hbm>>
          %dma_wait3A_162 = tpu.memref_squeeze %dma_wait3A_161 : memref<1x1x1024xf32, #tpu.memory_space<hbm>> -> memref<1024xf32, #tpu.memory_space<hbm>>
          %dma_wait3A_163 = tpu.memref_slice %arg9[%run_scoped3A_137, %add3A, %add3A_136] : memref<2x32x131072xf32, #tpu.memory_space<hbm>> -> memref<1x1x1024xf32, #tpu.memory_space<hbm>>
          %dma_wait3A_164 = tpu.memref_squeeze %dma_wait3A_163 : memref<1x1x1024xf32, #tpu.memory_space<hbm>> -> memref<1024xf32, #tpu.memory_space<hbm>>
          tpu.wait_dma2 semaphore(%run_scoped3A_156 : memref<!tpu.dma_semaphore, #tpu.memory_space<semaphore_mem>>) src(%arg27 : memref<1024xf32, #tpu.memory_space<vmem>>) dst(%dma_wait3A_164 : memref<1024xf32, #tpu.memory_space<hbm>>)
          tpu.yield
        }) : () -> ()
        %add3A_138 = arith.constant 3072 : i32
        %add3A_139 = arith.addi %mul3A_128, %add3A_138 : i32
        %run_scoped3A_140 = arith.constant 0 : i32
        "tpu.region"() ({
          %run_scoped3A_156 = tpu.sem_alloc : memref<!tpu.dma_semaphore, #tpu.memory_space<semaphore_mem>>
          %dma_start3A_157 = tpu.memref_slice %arg9[%run_scoped3A_140, %add3A, %add3A_139] : memref<2x32x131072xf32, #tpu.memory_space<hbm>> -> memref<1x1x1024xf32, #tpu.memory_space<hbm>>
          %dma_start3A_158 = tpu.memref_squeeze %dma_start3A_157 : memref<1x1x1024xf32, #tpu.memory_space<hbm>> -> memref<1024xf32, #tpu.memory_space<hbm>>
          %dma_start3A_159 = tpu.memref_slice %arg9[%run_scoped3A_140, %add3A, %add3A_139] : memref<2x32x131072xf32, #tpu.memory_space<hbm>> -> memref<1x1x1024xf32, #tpu.memory_space<hbm>>
          %dma_start3A_160 = tpu.memref_squeeze %dma_start3A_159 : memref<1x1x1024xf32, #tpu.memory_space<hbm>> -> memref<1024xf32, #tpu.memory_space<hbm>>
          tpu.enqueue_dma source(%arg27 : memref<1024xf32, #tpu.memory_space<vmem>>) target(%dma_start3A_160 : memref<1024xf32, #tpu.memory_space<hbm>>) target_semaphore(%run_scoped3A_156 : memref<!tpu.dma_semaphore, #tpu.memory_space<semaphore_mem>>)
          %dma_wait3A_161 = tpu.memref_slice %arg9[%run_scoped3A_140, %add3A, %add3A_139] : memref<2x32x131072xf32, #tpu.memory_space<hbm>> -> memref<1x1x1024xf32, #tpu.memory_space<hbm>>
          %dma_wait3A_162 = tpu.memref_squeeze %dma_wait3A_161 : memref<1x1x1024xf32, #tpu.memory_space<hbm>> -> memref<1024xf32, #tpu.memory_space<hbm>>
          %dma_wait3A_163 = tpu.memref_slice %arg9[%run_scoped3A_140, %add3A, %add3A_139] : memref<2x32x131072xf32, #tpu.memory_space<hbm>> -> memref<1x1x1024xf32, #tpu.memory_space<hbm>>
          %dma_wait3A_164 = tpu.memref_squeeze %dma_wait3A_163 : memref<1x1x1024xf32, #tpu.memory_space<hbm>> -> memref<1024xf32, #tpu.memory_space<hbm>>
          tpu.wait_dma2 semaphore(%run_scoped3A_156 : memref<!tpu.dma_semaphore, #tpu.memory_space<semaphore_mem>>) src(%arg27 : memref<1024xf32, #tpu.memory_space<vmem>>) dst(%dma_wait3A_164 : memref<1024xf32, #tpu.memory_space<hbm>>)
          tpu.yield
        }) : () -> ()
        %get3A_141 = arith.constant 1024 : index
        %get3A_142 = tpu.vector_load %arg16[%get3A_141] {strides = array<i32>} : memref<1040xi32, #tpu.memory_space<vmem>>, vector<16xi32>,
        %swap3A_143 = arith.constant 0 : index
        %swap3A_144 = tpu.vector_load %arg16[%swap3A_143] {strides = array<i32>} : memref<1040xi32, #tpu.memory_space<vmem>>, vector<16xi32>,
        tpu.vector_store %arg16[%swap3A_143], %get3A_142 {strides = array<i32>} : memref<1040xi32, #tpu.memory_space<vmem>>, vector<16xi32>,
        %get3A_145 = arith.constant 1024 : index
        %get3A_146 = tpu.vector_load %arg18[%get3A_145] {strides = array<i32>} : memref<1040xf32, #tpu.memory_space<vmem>>, vector<16xf32>,
        %swap3A_147 = arith.constant 0 : index
        %swap3A_148 = tpu.vector_load %arg18[%swap3A_147] {strides = array<i32>} : memref<1040xf32, #tpu.memory_space<vmem>>, vector<16xf32>,
        tpu.vector_store %arg18[%swap3A_147], %get3A_146 {strides = array<i32>} : memref<1040xf32, #tpu.memory_space<vmem>>, vector<16xf32>,
        %get3A_149 = arith.constant 1024 : index
        %get3A_150 = tpu.vector_load %arg20[%get3A_149] {strides = array<i32>} : memref<1040xi32, #tpu.memory_space<vmem>>, vector<16xi32>,
        %swap3A_151 = arith.constant 0 : index
        %swap3A_152 = tpu.vector_load %arg20[%swap3A_151] {strides = array<i32>} : memref<1040xi32, #tpu.memory_space<vmem>>, vector<16xi32>,
        tpu.vector_store %arg20[%swap3A_151], %get3A_150 {strides = array<i32>} : memref<1040xi32, #tpu.memory_space<vmem>>, vector<16xi32>,
        %sub3A = arith.constant 1024 : i32
        %sub3A_153 = arith.subi %add3A_80, %sub3A : i32
        %add3A_154 = arith.constant 1 : i32
        %add3A_155 = arith.addi %scan3A_57, %add3A_154 : i32
        scf.yield %sub3A_153, %add3A_155 : i32, i32
      } else {
        scf.yield %add3A_80, %scan3A_57 : i32, i32
      }
      %ge3A_103 = arith.constant 1024 : i32
      %ge3A_104 = arith.cmpi sge, %add3A_96, %ge3A_103 : i32
      %convert_element_type3A_105 = arith.extui %ge3A_104 : i1 to i32
      %cond3A_106 = arith.constant 0 : i32
      %cond3A_107 = arith.cmpi ne, %convert_element_type3A_105, %cond3A_106 : i32
      %cond3A_108:2 = scf.if %cond3A_107 -> (i32, i32) {
        %scan3A_109 = arith.constant 0 : i32
        %scan3A_110 = arith.constant 0 : i32
        %scan3A_111 = arith.constant 16 : i32
        %scan3A_112 = arith.addi %scan3A_110, %scan3A_111 : i32
        %scan3A_113 = arith.constant 1 : i32
        scf.for %scan3A_156 = %scan3A_110 to %scan3A_112 step %scan3A_113  : i32 {
          %mul3A_157 = arith.constant 64 : i32
          %mul3A_158 = arith.muli %scan3A_156, %mul3A_157 : i32
          %add3A_159 = arith.constant 0 : i32
          %add3A_160 = arith.addi %mul3A_158, %add3A_159 : i32
          %get3A_161 = arith.index_cast %add3A_160 : i32 to index
          %get3A_162 = tpu.vector_load %arg17[%get3A_161] {strides = array<i32>} : memref<1040xi32, #tpu.memory_space<vmem>>, vector<16xi32>,
          %swap3A_163 = arith.index_cast %add3A_160 : i32 to index
          %swap3A_164 = tpu.vector_load %arg22[%swap3A_163] {strides = array<i32>} : memref<1024xi32, #tpu.memory_space<vmem>>, vector<16xi32>,
          tpu.vector_store %arg22[%swap3A_163], %get3A_162 {strides = array<i32>} : memref<1024xi32, #tpu.memory_space<vmem>>, vector<16xi32>,
          %mul3A_165 = arith.constant 4 : i32
          %mul3A_166 = vector.broadcast %mul3A_165 : i32 to vector<16xi32>
          %mul3A_167 = arith.muli %get3A_162, %mul3A_166 : vector<16xi32>
          %add3A_168 = arith.constant 0 : i32
          %add3A_169 = vector.broadcast %add3A_168 : i32 to vector<16xi32>
          %add3A_170 = arith.addi %mul3A_167, %add3A_169 : vector<16xi32>
          %mul3A_171 = arith.constant 64 : i32
          %mul3A_172 = arith.muli %scan3A_156, %mul3A_171 : i32
          %add3A_173 = arith.constant 0 : i32
          %add3A_174 = arith.addi %add3A_173, %mul3A_172 : i32
          %add3A_175 = arith.constant 0 : i32
          %add3A_176 = arith.addi %add3A_174, %add3A_175 : i32
          %swap3A_177 = arith.index_cast %add3A_176 : i32 to index
          %swap3A_178 = tpu.vector_load %arg23[%swap3A_177] {strides = array<i32>} : memref<4096xi32, #tpu.memory_space<vmem>>, vector<16xi32>,
          tpu.vector_store %arg23[%swap3A_177], %add3A_170 {strides = array<i32>} : memref<4096xi32, #tpu.memory_space<vmem>>, vector<16xi32>,
          %add3A_179 = arith.constant 1 : i32
          %add3A_180 = vector.broadcast %add3A_179 : i32 to vector<16xi32>
          %add3A_181 = arith.addi %mul3A_167, %add3A_180 : vector<16xi32>
          %mul3A_182 = arith.constant 64 : i32
          %mul3A_183 = arith.muli %scan3A_156, %mul3A_182 : i32
          %add3A_184 = arith.constant 1024 : i32
          %add3A_185 = arith.addi %add3A_184, %mul3A_183 : i32
          %add3A_186 = arith.constant 0 : i32
          %add3A_187 = arith.addi %add3A_185, %add3A_186 : i32
          %swap3A_188 = arith.index_cast %add3A_187 : i32 to index
          %swap3A_189 = tpu.vector_load %arg23[%swap3A_188] {strides = array<i32>} : memref<4096xi32, #tpu.memory_space<vmem>>, vector<16xi32>,
          tpu.vector_store %arg23[%swap3A_188], %add3A_181 {strides = array<i32>} : memref<4096xi32, #tpu.memory_space<vmem>>, vector<16xi32>,
          %add3A_190 = arith.constant 2 : i32
          %add3A_191 = vector.broadcast %add3A_190 : i32 to vector<16xi32>
          %add3A_192 = arith.addi %mul3A_167, %add3A_191 : vector<16xi32>
          %mul3A_193 = arith.constant 64 : i32
          %mul3A_194 = arith.muli %scan3A_156, %mul3A_193 : i32
          %add3A_195 = arith.constant 2048 : i32
          %add3A_196 = arith.addi %add3A_195, %mul3A_194 : i32
          %add3A_197 = arith.constant 0 : i32
          %add3A_198 = arith.addi %add3A_196, %add3A_197 : i32
          %swap3A_199 = arith.index_cast %add3A_198 : i32 to index
          %swap3A_200 = tpu.vector_load %arg23[%swap3A_199] {strides = array<i32>} : memref<4096xi32, #tpu.memory_space<vmem>>, vector<16xi32>,
          tpu.vector_store %arg23[%swap3A_199], %add3A_192 {strides = array<i32>} : memref<4096xi32, #tpu.memory_space<vmem>>, vector<16xi32>,
          %add3A_201 = arith.constant 3 : i32
          %add3A_202 = vector.broadcast %add3A_201 : i32 to vector<16xi32>
          %add3A_203 = arith.addi %mul3A_167, %add3A_202 : vector<16xi32>
          %mul3A_204 = arith.constant 64 : i32
          %mul3A_205 = arith.muli %scan3A_156, %mul3A_204 : i32
          %add3A_206 = arith.constant 3072 : i32
          %add3A_207 = arith.addi %add3A_206, %mul3A_205 : i32
          %add3A_208 = arith.constant 0 : i32
          %add3A_209 = arith.addi %add3A_207, %add3A_208 : i32
          %swap3A_210 = arith.index_cast %add3A_209 : i32 to index
          %swap3A_211 = tpu.vector_load %arg23[%swap3A_210] {strides = array<i32>} : memref<4096xi32, #tpu.memory_space<vmem>>, vector<16xi32>,
          tpu.vector_store %arg23[%swap3A_210], %add3A_203 {strides = array<i32>} : memref<4096xi32, #tpu.memory_space<vmem>>, vector<16xi32>,
          %mul3A_212 = arith.constant 64 : i32
          %mul3A_213 = arith.muli %scan3A_156, %mul3A_212 : i32
          %add3A_214 = arith.constant 16 : i32
          %add3A_215 = arith.addi %mul3A_213, %add3A_214 : i32
          %get3A_216 = arith.index_cast %add3A_215 : i32 to index
          %get3A_217 = tpu.vector_load %arg17[%get3A_216] {strides = array<i32>} : memref<1040xi32, #tpu.memory_space<vmem>>, vector<16xi32>,
          %swap3A_218 = arith.index_cast %add3A_215 : i32 to index
          %swap3A_219 = tpu.vector_load %arg22[%swap3A_218] {strides = array<i32>} : memref<1024xi32, #tpu.memory_space<vmem>>, vector<16xi32>,
          tpu.vector_store %arg22[%swap3A_218], %get3A_217 {strides = array<i32>} : memref<1024xi32, #tpu.memory_space<vmem>>, vector<16xi32>,
          %mul3A_220 = arith.constant 4 : i32
          %mul3A_221 = vector.broadcast %mul3A_220 : i32 to vector<16xi32>
          %mul3A_222 = arith.muli %get3A_217, %mul3A_221 : vector<16xi32>
          %add3A_223 = arith.constant 0 : i32
          %add3A_224 = vector.broadcast %add3A_223 : i32 to vector<16xi32>
          %add3A_225 = arith.addi %mul3A_222, %add3A_224 : vector<16xi32>
          %mul3A_226 = arith.constant 64 : i32
          %mul3A_227 = arith.muli %scan3A_156, %mul3A_226 : i32
          %add3A_228 = arith.constant 0 : i32
          %add3A_229 = arith.addi %add3A_228, %mul3A_227 : i32
          %add3A_230 = arith.constant 16 : i32
          %add3A_231 = arith.addi %add3A_229, %add3A_230 : i32
          %swap3A_232 = arith.index_cast %add3A_231 : i32 to index
          %swap3A_233 = tpu.vector_load %arg23[%swap3A_232] {strides = array<i32>} : memref<4096xi32, #tpu.memory_space<vmem>>, vector<16xi32>,
          tpu.vector_store %arg23[%swap3A_232], %add3A_225 {strides = array<i32>} : memref<4096xi32, #tpu.memory_space<vmem>>, vector<16xi32>,
          %add3A_234 = arith.constant 1 : i32
          %add3A_235 = vector.broadcast %add3A_234 : i32 to vector<16xi32>
          %add3A_236 = arith.addi %mul3A_222, %add3A_235 : vector<16xi32>
          %mul3A_237 = arith.constant 64 : i32
          %mul3A_238 = arith.muli %scan3A_156, %mul3A_237 : i32
          %add3A_239 = arith.constant 1024 : i32
          %add3A_240 = arith.addi %add3A_239, %mul3A_238 : i32
          %add3A_241 = arith.constant 16 : i32
          %add3A_242 = arith.addi %add3A_240, %add3A_241 : i32
          %swap3A_243 = arith.index_cast %add3A_242 : i32 to index
          %swap3A_244 = tpu.vector_load %arg23[%swap3A_243] {strides = array<i32>} : memref<4096xi32, #tpu.memory_space<vmem>>, vector<16xi32>,
          tpu.vector_store %arg23[%swap3A_243], %add3A_236 {strides = array<i32>} : memref<4096xi32, #tpu.memory_space<vmem>>, vector<16xi32>,
          %add3A_245 = arith.constant 2 : i32
          %add3A_246 = vector.broadcast %add3A_245 : i32 to vector<16xi32>
          %add3A_247 = arith.addi %mul3A_222, %add3A_246 : vector<16xi32>
          %mul3A_248 = arith.constant 64 : i32
          %mul3A_249 = arith.muli %scan3A_156, %mul3A_248 : i32
          %add3A_250 = arith.constant 2048 : i32
          %add3A_251 = arith.addi %add3A_250, %mul3A_249 : i32
          %add3A_252 = arith.constant 16 : i32
          %add3A_253 = arith.addi %add3A_251, %add3A_252 : i32
          %swap3A_254 = arith.index_cast %add3A_253 : i32 to index
          %swap3A_255 = tpu.vector_load %arg23[%swap3A_254] {strides = array<i32>} : memref<4096xi32, #tpu.memory_space<vmem>>, vector<16xi32>,
          tpu.vector_store %arg23[%swap3A_254], %add3A_247 {strides = array<i32>} : memref<4096xi32, #tpu.memory_space<vmem>>, vector<16xi32>,
          %add3A_256 = arith.constant 3 : i32
          %add3A_257 = vector.broadcast %add3A_256 : i32 to vector<16xi32>
          %add3A_258 = arith.addi %mul3A_222, %add3A_257 : vector<16xi32>
          %mul3A_259 = arith.constant 64 : i32
          %mul3A_260 = arith.muli %scan3A_156, %mul3A_259 : i32
          %add3A_261 = arith.constant 3072 : i32
          %add3A_262 = arith.addi %add3A_261, %mul3A_260 : i32
          %add3A_263 = arith.constant 16 : i32
          %add3A_264 = arith.addi %add3A_262, %add3A_263 : i32
          %swap3A_265 = arith.index_cast %add3A_264 : i32 to index
          %swap3A_266 = tpu.vector_load %arg23[%swap3A_265] {strides = array<i32>} : memref<4096xi32, #tpu.memory_space<vmem>>, vector<16xi32>,
          tpu.vector_store %arg23[%swap3A_265], %add3A_258 {strides = array<i32>} : memref<4096xi32, #tpu.memory_space<vmem>>, vector<16xi32>,
          %mul3A_267 = arith.constant 64 : i32
          %mul3A_268 = arith.muli %scan3A_156, %mul3A_267 : i32
          %add3A_269 = arith.constant 32 : i32
          %add3A_270 = arith.addi %mul3A_268, %add3A_269 : i32
          %get3A_271 = arith.index_cast %add3A_270 : i32 to index
          %get3A_272 = tpu.vector_load %arg17[%get3A_271] {strides = array<i32>} : memref<1040xi32, #tpu.memory_space<vmem>>, vector<16xi32>,
          %swap3A_273 = arith.index_cast %add3A_270 : i32 to index
          %swap3A_274 = tpu.vector_load %arg22[%swap3A_273] {strides = array<i32>} : memref<1024xi32, #tpu.memory_space<vmem>>, vector<16xi32>,
          tpu.vector_store %arg22[%swap3A_273], %get3A_272 {strides = array<i32>} : memref<1024xi32, #tpu.memory_space<vmem>>, vector<16xi32>,
          %mul3A_275 = arith.constant 4 : i32
          %mul3A_276 = vector.broadcast %mul3A_275 : i32 to vector<16xi32>
          %mul3A_277 = arith.muli %get3A_272, %mul3A_276 : vector<16xi32>
          %add3A_278 = arith.constant 0 : i32
          %add3A_279 = vector.broadcast %add3A_278 : i32 to vector<16xi32>
          %add3A_280 = arith.addi %mul3A_277, %add3A_279 : vector<16xi32>
          %mul3A_281 = arith.constant 64 : i32
          %mul3A_282 = arith.muli %scan3A_156, %mul3A_281 : i32
          %add3A_283 = arith.constant 0 : i32
          %add3A_284 = arith.addi %add3A_283, %mul3A_282 : i32
          %add3A_285 = arith.constant 32 : i32
          %add3A_286 = arith.addi %add3A_284, %add3A_285 : i32
          %swap3A_287 = arith.index_cast %add3A_286 : i32 to index
          %swap3A_288 = tpu.vector_load %arg23[%swap3A_287] {strides = array<i32>} : memref<4096xi32, #tpu.memory_space<vmem>>, vector<16xi32>,
          tpu.vector_store %arg23[%swap3A_287], %add3A_280 {strides = array<i32>} : memref<4096xi32, #tpu.memory_space<vmem>>, vector<16xi32>,
          %add3A_289 = arith.constant 1 : i32
          %add3A_290 = vector.broadcast %add3A_289 : i32 to vector<16xi32>
          %add3A_291 = arith.addi %mul3A_277, %add3A_290 : vector<16xi32>
          %mul3A_292 = arith.constant 64 : i32
          %mul3A_293 = arith.muli %scan3A_156, %mul3A_292 : i32
          %add3A_294 = arith.constant 1024 : i32
          %add3A_295 = arith.addi %add3A_294, %mul3A_293 : i32
          %add3A_296 = arith.constant 32 : i32
          %add3A_297 = arith.addi %add3A_295, %add3A_296 : i32
          %swap3A_298 = arith.index_cast %add3A_297 : i32 to index
          %swap3A_299 = tpu.vector_load %arg23[%swap3A_298] {strides = array<i32>} : memref<4096xi32, #tpu.memory_space<vmem>>, vector<16xi32>,
          tpu.vector_store %arg23[%swap3A_298], %add3A_291 {strides = array<i32>} : memref<4096xi32, #tpu.memory_space<vmem>>, vector<16xi32>,
          %add3A_300 = arith.constant 2 : i32
          %add3A_301 = vector.broadcast %add3A_300 : i32 to vector<16xi32>
          %add3A_302 = arith.addi %mul3A_277, %add3A_301 : vector<16xi32>
          %mul3A_303 = arith.constant 64 : i32
          %mul3A_304 = arith.muli %scan3A_156, %mul3A_303 : i32
          %add3A_305 = arith.constant 2048 : i32
          %add3A_306 = arith.addi %add3A_305, %mul3A_304 : i32
          %add3A_307 = arith.constant 32 : i32
          %add3A_308 = arith.addi %add3A_306, %add3A_307 : i32
          %swap3A_309 = arith.index_cast %add3A_308 : i32 to index
          %swap3A_310 = tpu.vector_load %arg23[%swap3A_309] {strides = array<i32>} : memref<4096xi32, #tpu.memory_space<vmem>>, vector<16xi32>,
          tpu.vector_store %arg23[%swap3A_309], %add3A_302 {strides = array<i32>} : memref<4096xi32, #tpu.memory_space<vmem>>, vector<16xi32>,
          %add3A_311 = arith.constant 3 : i32
          %add3A_312 = vector.broadcast %add3A_311 : i32 to vector<16xi32>
          %add3A_313 = arith.addi %mul3A_277, %add3A_312 : vector<16xi32>
          %mul3A_314 = arith.constant 64 : i32
          %mul3A_315 = arith.muli %scan3A_156, %mul3A_314 : i32
          %add3A_316 = arith.constant 3072 : i32
          %add3A_317 = arith.addi %add3A_316, %mul3A_315 : i32
          %add3A_318 = arith.constant 32 : i32
          %add3A_319 = arith.addi %add3A_317, %add3A_318 : i32
          %swap3A_320 = arith.index_cast %add3A_319 : i32 to index
          %swap3A_321 = tpu.vector_load %arg23[%swap3A_320] {strides = array<i32>} : memref<4096xi32, #tpu.memory_space<vmem>>, vector<16xi32>,
          tpu.vector_store %arg23[%swap3A_320], %add3A_313 {strides = array<i32>} : memref<4096xi32, #tpu.memory_space<vmem>>, vector<16xi32>,
          %mul3A_322 = arith.constant 64 : i32
          %mul3A_323 = arith.muli %scan3A_156, %mul3A_322 : i32
          %add3A_324 = arith.constant 48 : i32
          %add3A_325 = arith.addi %mul3A_323, %add3A_324 : i32
          %get3A_326 = arith.index_cast %add3A_325 : i32 to index
          %get3A_327 = tpu.vector_load %arg17[%get3A_326] {strides = array<i32>} : memref<1040xi32, #tpu.memory_space<vmem>>, vector<16xi32>,
          %swap3A_328 = arith.index_cast %add3A_325 : i32 to index
          %swap3A_329 = tpu.vector_load %arg22[%swap3A_328] {strides = array<i32>} : memref<1024xi32, #tpu.memory_space<vmem>>, vector<16xi32>,
          tpu.vector_store %arg22[%swap3A_328], %get3A_327 {strides = array<i32>} : memref<1024xi32, #tpu.memory_space<vmem>>, vector<16xi32>,
          %mul3A_330 = arith.constant 4 : i32
          %mul3A_331 = vector.broadcast %mul3A_330 : i32 to vector<16xi32>
          %mul3A_332 = arith.muli %get3A_327, %mul3A_331 : vector<16xi32>
          %add3A_333 = arith.constant 0 : i32
          %add3A_334 = vector.broadcast %add3A_333 : i32 to vector<16xi32>
          %add3A_335 = arith.addi %mul3A_332, %add3A_334 : vector<16xi32>
          %mul3A_336 = arith.constant 64 : i32
          %mul3A_337 = arith.muli %scan3A_156, %mul3A_336 : i32
          %add3A_338 = arith.constant 0 : i32
          %add3A_339 = arith.addi %add3A_338, %mul3A_337 : i32
          %add3A_340 = arith.constant 48 : i32
          %add3A_341 = arith.addi %add3A_339, %add3A_340 : i32
          %swap3A_342 = arith.index_cast %add3A_341 : i32 to index
          %swap3A_343 = tpu.vector_load %arg23[%swap3A_342] {strides = array<i32>} : memref<4096xi32, #tpu.memory_space<vmem>>, vector<16xi32>,
          tpu.vector_store %arg23[%swap3A_342], %add3A_335 {strides = array<i32>} : memref<4096xi32, #tpu.memory_space<vmem>>, vector<16xi32>,
          %add3A_344 = arith.constant 1 : i32
          %add3A_345 = vector.broadcast %add3A_344 : i32 to vector<16xi32>
          %add3A_346 = arith.addi %mul3A_332, %add3A_345 : vector<16xi32>
          %mul3A_347 = arith.constant 64 : i32
          %mul3A_348 = arith.muli %scan3A_156, %mul3A_347 : i32
          %add3A_349 = arith.constant 1024 : i32
          %add3A_350 = arith.addi %add3A_349, %mul3A_348 : i32
          %add3A_351 = arith.constant 48 : i32
          %add3A_352 = arith.addi %add3A_350, %add3A_351 : i32
          %swap3A_353 = arith.index_cast %add3A_352 : i32 to index
          %swap3A_354 = tpu.vector_load %arg23[%swap3A_353] {strides = array<i32>} : memref<4096xi32, #tpu.memory_space<vmem>>, vector<16xi32>,
          tpu.vector_store %arg23[%swap3A_353], %add3A_346 {strides = array<i32>} : memref<4096xi32, #tpu.memory_space<vmem>>, vector<16xi32>,
          %add3A_355 = arith.constant 2 : i32
          %add3A_356 = vector.broadcast %add3A_355 : i32 to vector<16xi32>
          %add3A_357 = arith.addi %mul3A_332, %add3A_356 : vector<16xi32>
          %mul3A_358 = arith.constant 64 : i32
          %mul3A_359 = arith.muli %scan3A_156, %mul3A_358 : i32
          %add3A_360 = arith.constant 2048 : i32
          %add3A_361 = arith.addi %add3A_360, %mul3A_359 : i32
          %add3A_362 = arith.constant 48 : i32
          %add3A_363 = arith.addi %add3A_361, %add3A_362 : i32
          %swap3A_364 = arith.index_cast %add3A_363 : i32 to index
          %swap3A_365 = tpu.vector_load %arg23[%swap3A_364] {strides = array<i32>} : memref<4096xi32, #tpu.memory_space<vmem>>, vector<16xi32>,
          tpu.vector_store %arg23[%swap3A_364], %add3A_357 {strides = array<i32>} : memref<4096xi32, #tpu.memory_space<vmem>>, vector<16xi32>,
          %add3A_366 = arith.constant 3 : i32
          %add3A_367 = vector.broadcast %add3A_366 : i32 to vector<16xi32>
          %add3A_368 = arith.addi %mul3A_332, %add3A_367 : vector<16xi32>
          %mul3A_369 = arith.constant 64 : i32
          %mul3A_370 = arith.muli %scan3A_156, %mul3A_369 : i32
          %add3A_371 = arith.constant 3072 : i32
          %add3A_372 = arith.addi %add3A_371, %mul3A_370 : i32
          %add3A_373 = arith.constant 48 : i32
          %add3A_374 = arith.addi %add3A_372, %add3A_373 : i32
          %swap3A_375 = arith.index_cast %add3A_374 : i32 to index
          %swap3A_376 = tpu.vector_load %arg23[%swap3A_375] {strides = array<i32>} : memref<4096xi32, #tpu.memory_space<vmem>>, vector<16xi32>,
          tpu.vector_store %arg23[%swap3A_375], %add3A_368 {strides = array<i32>} : memref<4096xi32, #tpu.memory_space<vmem>>, vector<16xi32>,
        }
        %scan3A_114 = arith.constant 16 : i32
        %dma_start3A = arith.constant 0 : i32
        %dma_start3A_115 = tpu.memref_slice %arg5[%dma_start3A] : memref<1000000xf32, #tpu.memory_space<hbm>> -> memref<1000000xf32, #tpu.memory_space<hbm>>
        tpu.enqueue_indirect_dma source(%dma_start3A_115 : memref<1000000xf32, #tpu.memory_space<hbm>>) target(%arg24 : memref<1024xf32, #tpu.memory_space<vmem>>) offsets(%arg22 : memref<1024xi32, #tpu.memory_space<vmem>>) semaphore(%arg29 : memref<!tpu.dma_semaphore, #tpu.memory_space<semaphore_mem>>)
        %dma_start3A_116 = arith.constant 0 : i32
        %dma_start3A_117 = tpu.memref_slice %arg7[%dma_start3A_116] : memref<4000000xi32, #tpu.memory_space<hbm>> -> memref<4000000xi32, #tpu.memory_space<hbm>>
        tpu.enqueue_indirect_dma source(%dma_start3A_117 : memref<4000000xi32, #tpu.memory_space<hbm>>) target(%arg25 : memref<4096xi32, #tpu.memory_space<vmem>>) offsets(%arg23 : memref<4096xi32, #tpu.memory_space<vmem>>) semaphore(%arg30 : memref<!tpu.dma_semaphore, #tpu.memory_space<semaphore_mem>>)
        %dma_wait3A = arith.constant 0 : i32
        %dma_wait3A_118 = tpu.memref_slice %arg5[%dma_wait3A] : memref<1000000xf32, #tpu.memory_space<hbm>> -> memref<1000000xf32, #tpu.memory_space<hbm>>
        tpu.wait_indirect_dma semaphore(%arg29 : memref<!tpu.dma_semaphore, #tpu.memory_space<semaphore_mem>>) src(%dma_wait3A_118 : memref<1000000xf32, #tpu.memory_space<hbm>>) dst(%arg24 : memref<1024xf32, #tpu.memory_space<vmem>>)
        %dma_wait3A_119 = arith.constant 0 : i32
        %dma_wait3A_120 = tpu.memref_slice %arg7[%dma_wait3A_119] : memref<4000000xi32, #tpu.memory_space<hbm>> -> memref<4000000xi32, #tpu.memory_space<hbm>>
        tpu.wait_indirect_dma semaphore(%arg30 : memref<!tpu.dma_semaphore, #tpu.memory_space<semaphore_mem>>) src(%dma_wait3A_120 : memref<4000000xi32, #tpu.memory_space<hbm>>) dst(%arg25 : memref<4096xi32, #tpu.memory_space<vmem>>)
        %scan3A_121 = arith.constant 0 : i32
        %scan3A_122 = arith.constant 0 : i32
        %scan3A_123 = arith.constant 32 : i32
        %scan3A_124 = arith.addi %scan3A_122, %scan3A_123 : i32
        %scan3A_125 = arith.constant 1 : i32
        scf.for %scan3A_156 = %scan3A_122 to %scan3A_124 step %scan3A_125  : i32 {
          %mul3A_157 = arith.constant 32 : i32
          %mul3A_158 = arith.muli %scan3A_156, %mul3A_157 : i32
          %add3A_159 = arith.constant 0 : i32
          %add3A_160 = arith.addi %mul3A_158, %add3A_159 : i32
          %mul3A_161 = arith.constant 32 : i32
          %mul3A_162 = arith.muli %scan3A_156, %mul3A_161 : i32
          %add3A_163 = arith.constant 0 : i32
          %add3A_164 = arith.addi %mul3A_162, %add3A_163 : i32
          %add3A_165 = vector.broadcast %add3A_164 : i32 to vector<16xi32>
          %add3A_166 = arith.addi %add3A_165, %iota3A : vector<16xi32>
          %lt3A_167 = arith.constant 1024 : i32
          %lt3A_168 = vector.broadcast %lt3A_167 : i32 to vector<16xi32>
          %lt3A_169 = arith.cmpi slt, %add3A_166, %lt3A_168 : vector<16xi32>
          %get3A_170 = arith.index_cast %add3A_160 : i32 to index
          %get3A_171 = tpu.vector_load %arg19[%get3A_170] {strides = array<i32>} : memref<1040xf32, #tpu.memory_space<vmem>>, vector<16xf32>,
          %get3A_172 = arith.index_cast %add3A_160 : i32 to index
          %get3A_173 = tpu.vector_load %arg24[%get3A_172] {strides = array<i32>} : memref<1024xf32, #tpu.memory_space<vmem>>, vector<16xf32>,
          %mul3A_174 = arith.mulf %get3A_171, %get3A_173 : vector<16xf32>
          %jit3A_175 = arith.constant 0.000000e+00 : f32
          %broadcast_in_dim3A_176 = vector.broadcast %jit3A_175 : f32 to vector<16xf32>
          %select_n3A_177 = arith.select %lt3A_169, %mul3A_174, %broadcast_in_dim3A_176 : vector<16xi1>, vector<16xf32>
          %get3A_178 = arith.index_cast %add3A_160 : i32 to index
          %get3A_179 = tpu.vector_load %arg21[%get3A_178] {strides = array<i32>} : memref<1040xi32, #tpu.memory_space<vmem>>, vector<16xi32>,
          %mul3A_180 = arith.constant 4096 : i32
          %mul3A_181 = vector.broadcast %mul3A_180 : i32 to vector<16xi32>
          %mul3A_182 = arith.muli %get3A_179, %mul3A_181 : vector<16xi32>
          %mul3A_183 = arith.constant 32 : i32
          %mul3A_184 = arith.muli %scan3A_156, %mul3A_183 : i32
          %add3A_185 = arith.constant 0 : i32
          %add3A_186 = arith.addi %add3A_185, %mul3A_184 : i32
          %add3A_187 = arith.constant 0 : i32
          %add3A_188 = arith.addi %add3A_186, %add3A_187 : i32
          %get3A_189 = arith.index_cast %add3A_188 : i32 to index
          %get3A_190 = tpu.vector_load %arg25[%get3A_189] {strides = array<i32>} : memref<4096xi32, #tpu.memory_space<vmem>>, vector<16xi32>,
          %add3A_191 = arith.addi %mul3A_182, %get3A_190 : vector<16xi32>
          %swap3A_192 = arith.index_cast %add3A_188 : i32 to index
          %swap3A_193 = tpu.vector_load %arg26[%swap3A_192] {strides = array<i32>} : memref<4096xi32, #tpu.memory_space<vmem>>, vector<16xi32>,
          tpu.vector_store %arg26[%swap3A_192], %add3A_191 {strides = array<i32>} : memref<4096xi32, #tpu.memory_space<vmem>>, vector<16xi32>,
          %mul3A_194 = arith.constant 32 : i32
          %mul3A_195 = arith.muli %scan3A_156, %mul3A_194 : i32
          %add3A_196 = arith.constant 1024 : i32
          %add3A_197 = arith.addi %add3A_196, %mul3A_195 : i32
          %add3A_198 = arith.constant 0 : i32
          %add3A_199 = arith.addi %add3A_197, %add3A_198 : i32
          %get3A_200 = arith.index_cast %add3A_199 : i32 to index
          %get3A_201 = tpu.vector_load %arg25[%get3A_200] {strides = array<i32>} : memref<4096xi32, #tpu.memory_space<vmem>>, vector<16xi32>,
          %add3A_202 = arith.addi %mul3A_182, %get3A_201 : vector<16xi32>
          %swap3A_203 = arith.index_cast %add3A_199 : i32 to index
          %swap3A_204 = tpu.vector_load %arg26[%swap3A_203] {strides = array<i32>} : memref<4096xi32, #tpu.memory_space<vmem>>, vector<16xi32>,
          tpu.vector_store %arg26[%swap3A_203], %add3A_202 {strides = array<i32>} : memref<4096xi32, #tpu.memory_space<vmem>>, vector<16xi32>,
          %mul3A_205 = arith.constant 32 : i32
          %mul3A_206 = arith.muli %scan3A_156, %mul3A_205 : i32
          %add3A_207 = arith.constant 2048 : i32
          %add3A_208 = arith.addi %add3A_207, %mul3A_206 : i32
          %add3A_209 = arith.constant 0 : i32
          %add3A_210 = arith.addi %add3A_208, %add3A_209 : i32
          %get3A_211 = arith.index_cast %add3A_210 : i32 to index
          %get3A_212 = tpu.vector_load %arg25[%get3A_211] {strides = array<i32>} : memref<4096xi32, #tpu.memory_space<vmem>>, vector<16xi32>,
          %add3A_213 = arith.addi %mul3A_182, %get3A_212 : vector<16xi32>
          %swap3A_214 = arith.index_cast %add3A_210 : i32 to index
          %swap3A_215 = tpu.vector_load %arg26[%swap3A_214] {strides = array<i32>} : memref<4096xi32, #tpu.memory_space<vmem>>, vector<16xi32>,
          tpu.vector_store %arg26[%swap3A_214], %add3A_213 {strides = array<i32>} : memref<4096xi32, #tpu.memory_space<vmem>>, vector<16xi32>,
          %mul3A_216 = arith.constant 32 : i32
          %mul3A_217 = arith.muli %scan3A_156, %mul3A_216 : i32
          %add3A_218 = arith.constant 3072 : i32
          %add3A_219 = arith.addi %add3A_218, %mul3A_217 : i32
          %add3A_220 = arith.constant 0 : i32
          %add3A_221 = arith.addi %add3A_219, %add3A_220 : i32
          %get3A_222 = arith.index_cast %add3A_221 : i32 to index
          %get3A_223 = tpu.vector_load %arg25[%get3A_222] {strides = array<i32>} : memref<4096xi32, #tpu.memory_space<vmem>>, vector<16xi32>,
          %add3A_224 = arith.addi %mul3A_182, %get3A_223 : vector<16xi32>
          %swap3A_225 = arith.index_cast %add3A_221 : i32 to index
          %swap3A_226 = tpu.vector_load %arg26[%swap3A_225] {strides = array<i32>} : memref<4096xi32, #tpu.memory_space<vmem>>, vector<16xi32>,
          tpu.vector_store %arg26[%swap3A_225], %add3A_224 {strides = array<i32>} : memref<4096xi32, #tpu.memory_space<vmem>>, vector<16xi32>,
          %swap3A_227 = arith.index_cast %add3A_160 : i32 to index
          %swap3A_228 = tpu.vector_load %arg27[%swap3A_227] {strides = array<i32>} : memref<1024xf32, #tpu.memory_space<vmem>>, vector<16xf32>,
          tpu.vector_store %arg27[%swap3A_227], %select_n3A_177 {strides = array<i32>} : memref<1024xf32, #tpu.memory_space<vmem>>, vector<16xf32>,
          %mul3A_229 = arith.constant 32 : i32
          %mul3A_230 = arith.muli %scan3A_156, %mul3A_229 : i32
          %add3A_231 = arith.constant 16 : i32
          %add3A_232 = arith.addi %mul3A_230, %add3A_231 : i32
          %mul3A_233 = arith.constant 32 : i32
          %mul3A_234 = arith.muli %scan3A_156, %mul3A_233 : i32
          %add3A_235 = arith.constant 16 : i32
          %add3A_236 = arith.addi %mul3A_234, %add3A_235 : i32
          %add3A_237 = vector.broadcast %add3A_236 : i32 to vector<16xi32>
          %add3A_238 = arith.addi %add3A_237, %iota3A : vector<16xi32>
          %lt3A_239 = arith.constant 1024 : i32
          %lt3A_240 = vector.broadcast %lt3A_239 : i32 to vector<16xi32>
          %lt3A_241 = arith.cmpi slt, %add3A_238, %lt3A_240 : vector<16xi32>
          %get3A_242 = arith.index_cast %add3A_232 : i32 to index
          %get3A_243 = tpu.vector_load %arg19[%get3A_242] {strides = array<i32>} : memref<1040xf32, #tpu.memory_space<vmem>>, vector<16xf32>,
          %get3A_244 = arith.index_cast %add3A_232 : i32 to index
          %get3A_245 = tpu.vector_load %arg24[%get3A_244] {strides = array<i32>} : memref<1024xf32, #tpu.memory_space<vmem>>, vector<16xf32>,
          %mul3A_246 = arith.mulf %get3A_243, %get3A_245 : vector<16xf32>
          %jit3A_247 = arith.constant 0.000000e+00 : f32
          %broadcast_in_dim3A_248 = vector.broadcast %jit3A_247 : f32 to vector<16xf32>
          %select_n3A_249 = arith.select %lt3A_241, %mul3A_246, %broadcast_in_dim3A_248 : vector<16xi1>, vector<16xf32>
          %get3A_250 = arith.index_cast %add3A_232 : i32 to index
          %get3A_251 = tpu.vector_load %arg21[%get3A_250] {strides = array<i32>} : memref<1040xi32, #tpu.memory_space<vmem>>, vector<16xi32>,
          %mul3A_252 = arith.constant 4096 : i32
          %mul3A_253 = vector.broadcast %mul3A_252 : i32 to vector<16xi32>
          %mul3A_254 = arith.muli %get3A_251, %mul3A_253 : vector<16xi32>
          %mul3A_255 = arith.constant 32 : i32
          %mul3A_256 = arith.muli %scan3A_156, %mul3A_255 : i32
          %add3A_257 = arith.constant 0 : i32
          %add3A_258 = arith.addi %add3A_257, %mul3A_256 : i32
          %add3A_259 = arith.constant 16 : i32
          %add3A_260 = arith.addi %add3A_258, %add3A_259 : i32
          %get3A_261 = arith.index_cast %add3A_260 : i32 to index
          %get3A_262 = tpu.vector_load %arg25[%get3A_261] {strides = array<i32>} : memref<4096xi32, #tpu.memory_space<vmem>>, vector<16xi32>,
          %add3A_263 = arith.addi %mul3A_254, %get3A_262 : vector<16xi32>
          %swap3A_264 = arith.index_cast %add3A_260 : i32 to index
          %swap3A_265 = tpu.vector_load %arg26[%swap3A_264] {strides = array<i32>} : memref<4096xi32, #tpu.memory_space<vmem>>, vector<16xi32>,
          tpu.vector_store %arg26[%swap3A_264], %add3A_263 {strides = array<i32>} : memref<4096xi32, #tpu.memory_space<vmem>>, vector<16xi32>,
          %mul3A_266 = arith.constant 32 : i32
          %mul3A_267 = arith.muli %scan3A_156, %mul3A_266 : i32
          %add3A_268 = arith.constant 1024 : i32
          %add3A_269 = arith.addi %add3A_268, %mul3A_267 : i32
          %add3A_270 = arith.constant 16 : i32
          %add3A_271 = arith.addi %add3A_269, %add3A_270 : i32
          %get3A_272 = arith.index_cast %add3A_271 : i32 to index
          %get3A_273 = tpu.vector_load %arg25[%get3A_272] {strides = array<i32>} : memref<4096xi32, #tpu.memory_space<vmem>>, vector<16xi32>,
          %add3A_274 = arith.addi %mul3A_254, %get3A_273 : vector<16xi32>
          %swap3A_275 = arith.index_cast %add3A_271 : i32 to index
          %swap3A_276 = tpu.vector_load %arg26[%swap3A_275] {strides = array<i32>} : memref<4096xi32, #tpu.memory_space<vmem>>, vector<16xi32>,
          tpu.vector_store %arg26[%swap3A_275], %add3A_274 {strides = array<i32>} : memref<4096xi32, #tpu.memory_space<vmem>>, vector<16xi32>,
          %mul3A_277 = arith.constant 32 : i32
          %mul3A_278 = arith.muli %scan3A_156, %mul3A_277 : i32
          %add3A_279 = arith.constant 2048 : i32
          %add3A_280 = arith.addi %add3A_279, %mul3A_278 : i32
          %add3A_281 = arith.constant 16 : i32
          %add3A_282 = arith.addi %add3A_280, %add3A_281 : i32
          %get3A_283 = arith.index_cast %add3A_282 : i32 to index
          %get3A_284 = tpu.vector_load %arg25[%get3A_283] {strides = array<i32>} : memref<4096xi32, #tpu.memory_space<vmem>>, vector<16xi32>,
          %add3A_285 = arith.addi %mul3A_254, %get3A_284 : vector<16xi32>
          %swap3A_286 = arith.index_cast %add3A_282 : i32 to index
          %swap3A_287 = tpu.vector_load %arg26[%swap3A_286] {strides = array<i32>} : memref<4096xi32, #tpu.memory_space<vmem>>, vector<16xi32>,
          tpu.vector_store %arg26[%swap3A_286], %add3A_285 {strides = array<i32>} : memref<4096xi32, #tpu.memory_space<vmem>>, vector<16xi32>,
          %mul3A_288 = arith.constant 32 : i32
          %mul3A_289 = arith.muli %scan3A_156, %mul3A_288 : i32
          %add3A_290 = arith.constant 3072 : i32
          %add3A_291 = arith.addi %add3A_290, %mul3A_289 : i32
          %add3A_292 = arith.constant 16 : i32
          %add3A_293 = arith.addi %add3A_291, %add3A_292 : i32
          %get3A_294 = arith.index_cast %add3A_293 : i32 to index
          %get3A_295 = tpu.vector_load %arg25[%get3A_294] {strides = array<i32>} : memref<4096xi32, #tpu.memory_space<vmem>>, vector<16xi32>,
          %add3A_296 = arith.addi %mul3A_254, %get3A_295 : vector<16xi32>
          %swap3A_297 = arith.index_cast %add3A_293 : i32 to index
          %swap3A_298 = tpu.vector_load %arg26[%swap3A_297] {strides = array<i32>} : memref<4096xi32, #tpu.memory_space<vmem>>, vector<16xi32>,
          tpu.vector_store %arg26[%swap3A_297], %add3A_296 {strides = array<i32>} : memref<4096xi32, #tpu.memory_space<vmem>>, vector<16xi32>,
          %swap3A_299 = arith.index_cast %add3A_232 : i32 to index
          %swap3A_300 = tpu.vector_load %arg27[%swap3A_299] {strides = array<i32>} : memref<1024xf32, #tpu.memory_space<vmem>>, vector<16xf32>,
          tpu.vector_store %arg27[%swap3A_299], %select_n3A_249 {strides = array<i32>} : memref<1024xf32, #tpu.memory_space<vmem>>, vector<16xf32>,
        }
        %scan3A_126 = arith.constant 32 : i32
        %mul3A_127 = arith.constant 4096 : i32
        %mul3A_128 = arith.muli %scan3A_58, %mul3A_127 : i32
        %run_scoped3A = arith.constant 1 : i32
        "tpu.region"() ({
          %run_scoped3A_156 = tpu.sem_alloc : memref<!tpu.dma_semaphore, #tpu.memory_space<semaphore_mem>>
          %dma_start3A_157 = tpu.memref_slice %arg8[%run_scoped3A, %add3A, %mul3A_128] : memref<2x32x131072xi32, #tpu.memory_space<hbm>> -> memref<1x1x4096xi32, #tpu.memory_space<hbm>>
          %dma_start3A_158 = tpu.memref_squeeze %dma_start3A_157 : memref<1x1x4096xi32, #tpu.memory_space<hbm>> -> memref<4096xi32, #tpu.memory_space<hbm>>
          %dma_start3A_159 = tpu.memref_slice %arg8[%run_scoped3A, %add3A, %mul3A_128] : memref<2x32x131072xi32, #tpu.memory_space<hbm>> -> memref<1x1x4096xi32, #tpu.memory_space<hbm>>
          %dma_start3A_160 = tpu.memref_squeeze %dma_start3A_159 : memref<1x1x4096xi32, #tpu.memory_space<hbm>> -> memref<4096xi32, #tpu.memory_space<hbm>>
          tpu.enqueue_dma source(%arg26 : memref<4096xi32, #tpu.memory_space<vmem>>) target(%dma_start3A_160 : memref<4096xi32, #tpu.memory_space<hbm>>) target_semaphore(%run_scoped3A_156 : memref<!tpu.dma_semaphore, #tpu.memory_space<semaphore_mem>>)
          %dma_wait3A_161 = tpu.memref_slice %arg8[%run_scoped3A, %add3A, %mul3A_128] : memref<2x32x131072xi32, #tpu.memory_space<hbm>> -> memref<1x1x4096xi32, #tpu.memory_space<hbm>>
          %dma_wait3A_162 = tpu.memref_squeeze %dma_wait3A_161 : memref<1x1x4096xi32, #tpu.memory_space<hbm>> -> memref<4096xi32, #tpu.memory_space<hbm>>
          %dma_wait3A_163 = tpu.memref_slice %arg8[%run_scoped3A, %add3A, %mul3A_128] : memref<2x32x131072xi32, #tpu.memory_space<hbm>> -> memref<1x1x4096xi32, #tpu.memory_space<hbm>>
          %dma_wait3A_164 = tpu.memref_squeeze %dma_wait3A_163 : memref<1x1x4096xi32, #tpu.memory_space<hbm>> -> memref<4096xi32, #tpu.memory_space<hbm>>
          tpu.wait_dma2 semaphore(%run_scoped3A_156 : memref<!tpu.dma_semaphore, #tpu.memory_space<semaphore_mem>>) src(%arg26 : memref<4096xi32, #tpu.memory_space<vmem>>) dst(%dma_wait3A_164 : memref<4096xi32, #tpu.memory_space<hbm>>)
          tpu.yield
        }) : () -> ()
        %add3A_129 = arith.constant 0 : i32
        %add3A_130 = arith.addi %mul3A_128, %add3A_129 : i32
        %run_scoped3A_131 = arith.constant 1 : i32
        "tpu.region"() ({
          %run_scoped3A_156 = tpu.sem_alloc : memref<!tpu.dma_semaphore, #tpu.memory_space<semaphore_mem>>
          %dma_start3A_157 = tpu.memref_slice %arg9[%run_scoped3A_131, %add3A, %add3A_130] : memref<2x32x131072xf32, #tpu.memory_space<hbm>> -> memref<1x1x1024xf32, #tpu.memory_space<hbm>>
          %dma_start3A_158 = tpu.memref_squeeze %dma_start3A_157 : memref<1x1x1024xf32, #tpu.memory_space<hbm>> -> memref<1024xf32, #tpu.memory_space<hbm>>
          %dma_start3A_159 = tpu.memref_slice %arg9[%run_scoped3A_131, %add3A, %add3A_130] : memref<2x32x131072xf32, #tpu.memory_space<hbm>> -> memref<1x1x1024xf32, #tpu.memory_space<hbm>>
          %dma_start3A_160 = tpu.memref_squeeze %dma_start3A_159 : memref<1x1x1024xf32, #tpu.memory_space<hbm>> -> memref<1024xf32, #tpu.memory_space<hbm>>
          tpu.enqueue_dma source(%arg27 : memref<1024xf32, #tpu.memory_space<vmem>>) target(%dma_start3A_160 : memref<1024xf32, #tpu.memory_space<hbm>>) target_semaphore(%run_scoped3A_156 : memref<!tpu.dma_semaphore, #tpu.memory_space<semaphore_mem>>)
          %dma_wait3A_161 = tpu.memref_slice %arg9[%run_scoped3A_131, %add3A, %add3A_130] : memref<2x32x131072xf32, #tpu.memory_space<hbm>> -> memref<1x1x1024xf32, #tpu.memory_space<hbm>>
          %dma_wait3A_162 = tpu.memref_squeeze %dma_wait3A_161 : memref<1x1x1024xf32, #tpu.memory_space<hbm>> -> memref<1024xf32, #tpu.memory_space<hbm>>
          %dma_wait3A_163 = tpu.memref_slice %arg9[%run_scoped3A_131, %add3A, %add3A_130] : memref<2x32x131072xf32, #tpu.memory_space<hbm>> -> memref<1x1x1024xf32, #tpu.memory_space<hbm>>
          %dma_wait3A_164 = tpu.memref_squeeze %dma_wait3A_163 : memref<1x1x1024xf32, #tpu.memory_space<hbm>> -> memref<1024xf32, #tpu.memory_space<hbm>>
          tpu.wait_dma2 semaphore(%run_scoped3A_156 : memref<!tpu.dma_semaphore, #tpu.memory_space<semaphore_mem>>) src(%arg27 : memref<1024xf32, #tpu.memory_space<vmem>>) dst(%dma_wait3A_164 : memref<1024xf32, #tpu.memory_space<hbm>>)
          tpu.yield
        }) : () -> ()
        %add3A_132 = arith.constant 1024 : i32
        %add3A_133 = arith.addi %mul3A_128, %add3A_132 : i32
        %run_scoped3A_134 = arith.constant 1 : i32
        "tpu.region"() ({
          %run_scoped3A_156 = tpu.sem_alloc : memref<!tpu.dma_semaphore, #tpu.memory_space<semaphore_mem>>
          %dma_start3A_157 = tpu.memref_slice %arg9[%run_scoped3A_134, %add3A, %add3A_133] : memref<2x32x131072xf32, #tpu.memory_space<hbm>> -> memref<1x1x1024xf32, #tpu.memory_space<hbm>>
          %dma_start3A_158 = tpu.memref_squeeze %dma_start3A_157 : memref<1x1x1024xf32, #tpu.memory_space<hbm>> -> memref<1024xf32, #tpu.memory_space<hbm>>
          %dma_start3A_159 = tpu.memref_slice %arg9[%run_scoped3A_134, %add3A, %add3A_133] : memref<2x32x131072xf32, #tpu.memory_space<hbm>> -> memref<1x1x1024xf32, #tpu.memory_space<hbm>>
          %dma_start3A_160 = tpu.memref_squeeze %dma_start3A_159 : memref<1x1x1024xf32, #tpu.memory_space<hbm>> -> memref<1024xf32, #tpu.memory_space<hbm>>
          tpu.enqueue_dma source(%arg27 : memref<1024xf32, #tpu.memory_space<vmem>>) target(%dma_start3A_160 : memref<1024xf32, #tpu.memory_space<hbm>>) target_semaphore(%run_scoped3A_156 : memref<!tpu.dma_semaphore, #tpu.memory_space<semaphore_mem>>)
          %dma_wait3A_161 = tpu.memref_slice %arg9[%run_scoped3A_134, %add3A, %add3A_133] : memref<2x32x131072xf32, #tpu.memory_space<hbm>> -> memref<1x1x1024xf32, #tpu.memory_space<hbm>>
          %dma_wait3A_162 = tpu.memref_squeeze %dma_wait3A_161 : memref<1x1x1024xf32, #tpu.memory_space<hbm>> -> memref<1024xf32, #tpu.memory_space<hbm>>
          %dma_wait3A_163 = tpu.memref_slice %arg9[%run_scoped3A_134, %add3A, %add3A_133] : memref<2x32x131072xf32, #tpu.memory_space<hbm>> -> memref<1x1x1024xf32, #tpu.memory_space<hbm>>
          %dma_wait3A_164 = tpu.memref_squeeze %dma_wait3A_163 : memref<1x1x1024xf32, #tpu.memory_space<hbm>> -> memref<1024xf32, #tpu.memory_space<hbm>>
          tpu.wait_dma2 semaphore(%run_scoped3A_156 : memref<!tpu.dma_semaphore, #tpu.memory_space<semaphore_mem>>) src(%arg27 : memref<1024xf32, #tpu.memory_space<vmem>>) dst(%dma_wait3A_164 : memref<1024xf32, #tpu.memory_space<hbm>>)
          tpu.yield
        }) : () -> ()
        %add3A_135 = arith.constant 2048 : i32
        %add3A_136 = arith.addi %mul3A_128, %add3A_135 : i32
        %run_scoped3A_137 = arith.constant 1 : i32
        "tpu.region"() ({
          %run_scoped3A_156 = tpu.sem_alloc : memref<!tpu.dma_semaphore, #tpu.memory_space<semaphore_mem>>
          %dma_start3A_157 = tpu.memref_slice %arg9[%run_scoped3A_137, %add3A, %add3A_136] : memref<2x32x131072xf32, #tpu.memory_space<hbm>> -> memref<1x1x1024xf32, #tpu.memory_space<hbm>>
          %dma_start3A_158 = tpu.memref_squeeze %dma_start3A_157 : memref<1x1x1024xf32, #tpu.memory_space<hbm>> -> memref<1024xf32, #tpu.memory_space<hbm>>
          %dma_start3A_159 = tpu.memref_slice %arg9[%run_scoped3A_137, %add3A, %add3A_136] : memref<2x32x131072xf32, #tpu.memory_space<hbm>> -> memref<1x1x1024xf32, #tpu.memory_space<hbm>>
          %dma_start3A_160 = tpu.memref_squeeze %dma_start3A_159 : memref<1x1x1024xf32, #tpu.memory_space<hbm>> -> memref<1024xf32, #tpu.memory_space<hbm>>
          tpu.enqueue_dma source(%arg27 : memref<1024xf32, #tpu.memory_space<vmem>>) target(%dma_start3A_160 : memref<1024xf32, #tpu.memory_space<hbm>>) target_semaphore(%run_scoped3A_156 : memref<!tpu.dma_semaphore, #tpu.memory_space<semaphore_mem>>)
          %dma_wait3A_161 = tpu.memref_slice %arg9[%run_scoped3A_137, %add3A, %add3A_136] : memref<2x32x131072xf32, #tpu.memory_space<hbm>> -> memref<1x1x1024xf32, #tpu.memory_space<hbm>>
          %dma_wait3A_162 = tpu.memref_squeeze %dma_wait3A_161 : memref<1x1x1024xf32, #tpu.memory_space<hbm>> -> memref<1024xf32, #tpu.memory_space<hbm>>
          %dma_wait3A_163 = tpu.memref_slice %arg9[%run_scoped3A_137, %add3A, %add3A_136] : memref<2x32x131072xf32, #tpu.memory_space<hbm>> -> memref<1x1x1024xf32, #tpu.memory_space<hbm>>
          %dma_wait3A_164 = tpu.memref_squeeze %dma_wait3A_163 : memref<1x1x1024xf32, #tpu.memory_space<hbm>> -> memref<1024xf32, #tpu.memory_space<hbm>>
          tpu.wait_dma2 semaphore(%run_scoped3A_156 : memref<!tpu.dma_semaphore, #tpu.memory_space<semaphore_mem>>) src(%arg27 : memref<1024xf32, #tpu.memory_space<vmem>>) dst(%dma_wait3A_164 : memref<1024xf32, #tpu.memory_space<hbm>>)
          tpu.yield
        }) : () -> ()
        %add3A_138 = arith.constant 3072 : i32
        %add3A_139 = arith.addi %mul3A_128, %add3A_138 : i32
        %run_scoped3A_140 = arith.constant 1 : i32
        "tpu.region"() ({
          %run_scoped3A_156 = tpu.sem_alloc : memref<!tpu.dma_semaphore, #tpu.memory_space<semaphore_mem>>
          %dma_start3A_157 = tpu.memref_slice %arg9[%run_scoped3A_140, %add3A, %add3A_139] : memref<2x32x131072xf32, #tpu.memory_space<hbm>> -> memref<1x1x1024xf32, #tpu.memory_space<hbm>>
          %dma_start3A_158 = tpu.memref_squeeze %dma_start3A_157 : memref<1x1x1024xf32, #tpu.memory_space<hbm>> -> memref<1024xf32, #tpu.memory_space<hbm>>
          %dma_start3A_159 = tpu.memref_slice %arg9[%run_scoped3A_140, %add3A, %add3A_139] : memref<2x32x131072xf32, #tpu.memory_space<hbm>> -> memref<1x1x1024xf32, #tpu.memory_space<hbm>>
          %dma_start3A_160 = tpu.memref_squeeze %dma_start3A_159 : memref<1x1x1024xf32, #tpu.memory_space<hbm>> -> memref<1024xf32, #tpu.memory_space<hbm>>
          tpu.enqueue_dma source(%arg27 : memref<1024xf32, #tpu.memory_space<vmem>>) target(%dma_start3A_160 : memref<1024xf32, #tpu.memory_space<hbm>>) target_semaphore(%run_scoped3A_156 : memref<!tpu.dma_semaphore, #tpu.memory_space<semaphore_mem>>)
          %dma_wait3A_161 = tpu.memref_slice %arg9[%run_scoped3A_140, %add3A, %add3A_139] : memref<2x32x131072xf32, #tpu.memory_space<hbm>> -> memref<1x1x1024xf32, #tpu.memory_space<hbm>>
          %dma_wait3A_162 = tpu.memref_squeeze %dma_wait3A_161 : memref<1x1x1024xf32, #tpu.memory_space<hbm>> -> memref<1024xf32, #tpu.memory_space<hbm>>
          %dma_wait3A_163 = tpu.memref_slice %arg9[%run_scoped3A_140, %add3A, %add3A_139] : memref<2x32x131072xf32, #tpu.memory_space<hbm>> -> memref<1x1x1024xf32, #tpu.memory_space<hbm>>
          %dma_wait3A_164 = tpu.memref_squeeze %dma_wait3A_163 : memref<1x1x1024xf32, #tpu.memory_space<hbm>> -> memref<1024xf32, #tpu.memory_space<hbm>>
          tpu.wait_dma2 semaphore(%run_scoped3A_156 : memref<!tpu.dma_semaphore, #tpu.memory_space<semaphore_mem>>) src(%arg27 : memref<1024xf32, #tpu.memory_space<vmem>>) dst(%dma_wait3A_164 : memref<1024xf32, #tpu.memory_space<hbm>>)
          tpu.yield
        }) : () -> ()
        %get3A_141 = arith.constant 1024 : index
        %get3A_142 = tpu.vector_load %arg17[%get3A_141] {strides = array<i32>} : memref<1040xi32, #tpu.memory_space<vmem>>, vector<16xi32>,
        %swap3A_143 = arith.constant 0 : index
        %swap3A_144 = tpu.vector_load %arg17[%swap3A_143] {strides = array<i32>} : memref<1040xi32, #tpu.memory_space<vmem>>, vector<16xi32>,
        tpu.vector_store %arg17[%swap3A_143], %get3A_142 {strides = array<i32>} : memref<1040xi32, #tpu.memory_space<vmem>>, vector<16xi32>,
        %get3A_145 = arith.constant 1024 : index
        %get3A_146 = tpu.vector_load %arg19[%get3A_145] {strides = array<i32>} : memref<1040xf32, #tpu.memory_space<vmem>>, vector<16xf32>,
        %swap3A_147 = arith.constant 0 : index
        %swap3A_148 = tpu.vector_load %arg19[%swap3A_147] {strides = array<i32>} : memref<1040xf32, #tpu.memory_space<vmem>>, vector<16xf32>,
        tpu.vector_store %arg19[%swap3A_147], %get3A_146 {strides = array<i32>} : memref<1040xf32, #tpu.memory_space<vmem>>, vector<16xf32>,
        %get3A_149 = arith.constant 1024 : index
        %get3A_150 = tpu.vector_load %arg21[%get3A_149] {strides = array<i32>} : memref<1040xi32, #tpu.memory_space<vmem>>, vector<16xi32>,
        %swap3A_151 = arith.constant 0 : index
        %swap3A_152 = tpu.vector_load %arg21[%swap3A_151] {strides = array<i32>} : memref<1040xi32, #tpu.memory_space<vmem>>, vector<16xi32>,
        tpu.vector_store %arg21[%swap3A_151], %get3A_150 {strides = array<i32>} : memref<1040xi32, #tpu.memory_space<vmem>>, vector<16xi32>,
        %sub3A = arith.constant 1024 : i32
        %sub3A_153 = arith.subi %add3A_96, %sub3A : i32
        %add3A_154 = arith.constant 1 : i32
        %add3A_155 = arith.addi %scan3A_58, %add3A_154 : i32
        scf.yield %sub3A_153, %add3A_155 : i32, i32
      } else {
        scf.yield %add3A_96, %scan3A_58 : i32, i32
      }
      scf.yield %cond3A_102#0, %cond3A_108#0, %cond3A_102#1, %cond3A_108#1 : i32, i32, i32, i32
    }
    %scan3A_29 = arith.constant 1954 : i32
    %gt3A = arith.constant 0 : i32
    %gt3A_30 = arith.cmpi sgt, %scan3A_28#0, %gt3A : i32
    %convert_element_type3A = arith.extui %gt3A_30 : i1 to i32
    %cond3A = arith.constant 0 : i32
    %cond3A_31 = arith.cmpi ne, %convert_element_type3A, %cond3A : i32
    %cond3A_32 = scf.if %cond3A_31 -> (i32) {
      %scan3A_54 = arith.constant 0 : i32
      %scan3A_55 = arith.constant 0 : i32
      %scan3A_56 = arith.constant 16 : i32
      %scan3A_57 = arith.addi %scan3A_55, %scan3A_56 : i32
      %scan3A_58 = arith.constant 1 : i32
      scf.for %scan3A_88 = %scan3A_55 to %scan3A_57 step %scan3A_58  : i32 {
        %mul3A_89 = arith.constant 64 : i32
        %mul3A_90 = arith.muli %scan3A_88, %mul3A_89 : i32
        %add3A_91 = arith.constant 0 : i32
        %add3A_92 = arith.addi %mul3A_90, %add3A_91 : i32
        %get3A = arith.index_cast %add3A_92 : i32 to index
        %get3A_93 = tpu.vector_load %arg16[%get3A] {strides = array<i32>} : memref<1040xi32, #tpu.memory_space<vmem>>, vector<16xi32>,
        %swap3A_94 = arith.index_cast %add3A_92 : i32 to index
        %swap3A_95 = tpu.vector_load %arg22[%swap3A_94] {strides = array<i32>} : memref<1024xi32, #tpu.memory_space<vmem>>, vector<16xi32>,
        tpu.vector_store %arg22[%swap3A_94], %get3A_93 {strides = array<i32>} : memref<1024xi32, #tpu.memory_space<vmem>>, vector<16xi32>,
        %mul3A_96 = arith.constant 4 : i32
        %mul3A_97 = vector.broadcast %mul3A_96 : i32 to vector<16xi32>
        %mul3A_98 = arith.muli %get3A_93, %mul3A_97 : vector<16xi32>
        %add3A_99 = arith.constant 0 : i32
        %add3A_100 = vector.broadcast %add3A_99 : i32 to vector<16xi32>
        %add3A_101 = arith.addi %mul3A_98, %add3A_100 : vector<16xi32>
        %mul3A_102 = arith.constant 64 : i32
        %mul3A_103 = arith.muli %scan3A_88, %mul3A_102 : i32
        %add3A_104 = arith.constant 0 : i32
        %add3A_105 = arith.addi %add3A_104, %mul3A_103 : i32
        %add3A_106 = arith.constant 0 : i32
        %add3A_107 = arith.addi %add3A_105, %add3A_106 : i32
        %swap3A_108 = arith.index_cast %add3A_107 : i32 to index
        %swap3A_109 = tpu.vector_load %arg23[%swap3A_108] {strides = array<i32>} : memref<4096xi32, #tpu.memory_space<vmem>>, vector<16xi32>,
        tpu.vector_store %arg23[%swap3A_108], %add3A_101 {strides = array<i32>} : memref<4096xi32, #tpu.memory_space<vmem>>, vector<16xi32>,
        %add3A_110 = arith.constant 1 : i32
        %add3A_111 = vector.broadcast %add3A_110 : i32 to vector<16xi32>
        %add3A_112 = arith.addi %mul3A_98, %add3A_111 : vector<16xi32>
        %mul3A_113 = arith.constant 64 : i32
        %mul3A_114 = arith.muli %scan3A_88, %mul3A_113 : i32
        %add3A_115 = arith.constant 1024 : i32
        %add3A_116 = arith.addi %add3A_115, %mul3A_114 : i32
        %add3A_117 = arith.constant 0 : i32
        %add3A_118 = arith.addi %add3A_116, %add3A_117 : i32
        %swap3A_119 = arith.index_cast %add3A_118 : i32 to index
        %swap3A_120 = tpu.vector_load %arg23[%swap3A_119] {strides = array<i32>} : memref<4096xi32, #tpu.memory_space<vmem>>, vector<16xi32>,
        tpu.vector_store %arg23[%swap3A_119], %add3A_112 {strides = array<i32>} : memref<4096xi32, #tpu.memory_space<vmem>>, vector<16xi32>,
        %add3A_121 = arith.constant 2 : i32
        %add3A_122 = vector.broadcast %add3A_121 : i32 to vector<16xi32>
        %add3A_123 = arith.addi %mul3A_98, %add3A_122 : vector<16xi32>
        %mul3A_124 = arith.constant 64 : i32
        %mul3A_125 = arith.muli %scan3A_88, %mul3A_124 : i32
        %add3A_126 = arith.constant 2048 : i32
        %add3A_127 = arith.addi %add3A_126, %mul3A_125 : i32
        %add3A_128 = arith.constant 0 : i32
        %add3A_129 = arith.addi %add3A_127, %add3A_128 : i32
        %swap3A_130 = arith.index_cast %add3A_129 : i32 to index
        %swap3A_131 = tpu.vector_load %arg23[%swap3A_130] {strides = array<i32>} : memref<4096xi32, #tpu.memory_space<vmem>>, vector<16xi32>,
        tpu.vector_store %arg23[%swap3A_130], %add3A_123 {strides = array<i32>} : memref<4096xi32, #tpu.memory_space<vmem>>, vector<16xi32>,
        %add3A_132 = arith.constant 3 : i32
        %add3A_133 = vector.broadcast %add3A_132 : i32 to vector<16xi32>
        %add3A_134 = arith.addi %mul3A_98, %add3A_133 : vector<16xi32>
        %mul3A_135 = arith.constant 64 : i32
        %mul3A_136 = arith.muli %scan3A_88, %mul3A_135 : i32
        %add3A_137 = arith.constant 3072 : i32
        %add3A_138 = arith.addi %add3A_137, %mul3A_136 : i32
        %add3A_139 = arith.constant 0 : i32
        %add3A_140 = arith.addi %add3A_138, %add3A_139 : i32
        %swap3A_141 = arith.index_cast %add3A_140 : i32 to index
        %swap3A_142 = tpu.vector_load %arg23[%swap3A_141] {strides = array<i32>} : memref<4096xi32, #tpu.memory_space<vmem>>, vector<16xi32>,
        tpu.vector_store %arg23[%swap3A_141], %add3A_134 {strides = array<i32>} : memref<4096xi32, #tpu.memory_space<vmem>>, vector<16xi32>,
        %mul3A_143 = arith.constant 64 : i32
        %mul3A_144 = arith.muli %scan3A_88, %mul3A_143 : i32
        %add3A_145 = arith.constant 16 : i32
        %add3A_146 = arith.addi %mul3A_144, %add3A_145 : i32
        %get3A_147 = arith.index_cast %add3A_146 : i32 to index
        %get3A_148 = tpu.vector_load %arg16[%get3A_147] {strides = array<i32>} : memref<1040xi32, #tpu.memory_space<vmem>>, vector<16xi32>,
        %swap3A_149 = arith.index_cast %add3A_146 : i32 to index
        %swap3A_150 = tpu.vector_load %arg22[%swap3A_149] {strides = array<i32>} : memref<1024xi32, #tpu.memory_space<vmem>>, vector<16xi32>,
        tpu.vector_store %arg22[%swap3A_149], %get3A_148 {strides = array<i32>} : memref<1024xi32, #tpu.memory_space<vmem>>, vector<16xi32>,
        %mul3A_151 = arith.constant 4 : i32
        %mul3A_152 = vector.broadcast %mul3A_151 : i32 to vector<16xi32>
        %mul3A_153 = arith.muli %get3A_148, %mul3A_152 : vector<16xi32>
        %add3A_154 = arith.constant 0 : i32
        %add3A_155 = vector.broadcast %add3A_154 : i32 to vector<16xi32>
        %add3A_156 = arith.addi %mul3A_153, %add3A_155 : vector<16xi32>
        %mul3A_157 = arith.constant 64 : i32
        %mul3A_158 = arith.muli %scan3A_88, %mul3A_157 : i32
        %add3A_159 = arith.constant 0 : i32
        %add3A_160 = arith.addi %add3A_159, %mul3A_158 : i32
        %add3A_161 = arith.constant 16 : i32
        %add3A_162 = arith.addi %add3A_160, %add3A_161 : i32
        %swap3A_163 = arith.index_cast %add3A_162 : i32 to index
        %swap3A_164 = tpu.vector_load %arg23[%swap3A_163] {strides = array<i32>} : memref<4096xi32, #tpu.memory_space<vmem>>, vector<16xi32>,
        tpu.vector_store %arg23[%swap3A_163], %add3A_156 {strides = array<i32>} : memref<4096xi32, #tpu.memory_space<vmem>>, vector<16xi32>,
        %add3A_165 = arith.constant 1 : i32
        %add3A_166 = vector.broadcast %add3A_165 : i32 to vector<16xi32>
        %add3A_167 = arith.addi %mul3A_153, %add3A_166 : vector<16xi32>
        %mul3A_168 = arith.constant 64 : i32
        %mul3A_169 = arith.muli %scan3A_88, %mul3A_168 : i32
        %add3A_170 = arith.constant 1024 : i32
        %add3A_171 = arith.addi %add3A_170, %mul3A_169 : i32
        %add3A_172 = arith.constant 16 : i32
        %add3A_173 = arith.addi %add3A_171, %add3A_172 : i32
        %swap3A_174 = arith.index_cast %add3A_173 : i32 to index
        %swap3A_175 = tpu.vector_load %arg23[%swap3A_174] {strides = array<i32>} : memref<4096xi32, #tpu.memory_space<vmem>>, vector<16xi32>,
        tpu.vector_store %arg23[%swap3A_174], %add3A_167 {strides = array<i32>} : memref<4096xi32, #tpu.memory_space<vmem>>, vector<16xi32>,
        %add3A_176 = arith.constant 2 : i32
        %add3A_177 = vector.broadcast %add3A_176 : i32 to vector<16xi32>
        %add3A_178 = arith.addi %mul3A_153, %add3A_177 : vector<16xi32>
        %mul3A_179 = arith.constant 64 : i32
        %mul3A_180 = arith.muli %scan3A_88, %mul3A_179 : i32
        %add3A_181 = arith.constant 2048 : i32
        %add3A_182 = arith.addi %add3A_181, %mul3A_180 : i32
        %add3A_183 = arith.constant 16 : i32
        %add3A_184 = arith.addi %add3A_182, %add3A_183 : i32
        %swap3A_185 = arith.index_cast %add3A_184 : i32 to index
        %swap3A_186 = tpu.vector_load %arg23[%swap3A_185] {strides = array<i32>} : memref<4096xi32, #tpu.memory_space<vmem>>, vector<16xi32>,
        tpu.vector_store %arg23[%swap3A_185], %add3A_178 {strides = array<i32>} : memref<4096xi32, #tpu.memory_space<vmem>>, vector<16xi32>,
        %add3A_187 = arith.constant 3 : i32
        %add3A_188 = vector.broadcast %add3A_187 : i32 to vector<16xi32>
        %add3A_189 = arith.addi %mul3A_153, %add3A_188 : vector<16xi32>
        %mul3A_190 = arith.constant 64 : i32
        %mul3A_191 = arith.muli %scan3A_88, %mul3A_190 : i32
        %add3A_192 = arith.constant 3072 : i32
        %add3A_193 = arith.addi %add3A_192, %mul3A_191 : i32
        %add3A_194 = arith.constant 16 : i32
        %add3A_195 = arith.addi %add3A_193, %add3A_194 : i32
        %swap3A_196 = arith.index_cast %add3A_195 : i32 to index
        %swap3A_197 = tpu.vector_load %arg23[%swap3A_196] {strides = array<i32>} : memref<4096xi32, #tpu.memory_space<vmem>>, vector<16xi32>,
        tpu.vector_store %arg23[%swap3A_196], %add3A_189 {strides = array<i32>} : memref<4096xi32, #tpu.memory_space<vmem>>, vector<16xi32>,
        %mul3A_198 = arith.constant 64 : i32
        %mul3A_199 = arith.muli %scan3A_88, %mul3A_198 : i32
        %add3A_200 = arith.constant 32 : i32
        %add3A_201 = arith.addi %mul3A_199, %add3A_200 : i32
        %get3A_202 = arith.index_cast %add3A_201 : i32 to index
        %get3A_203 = tpu.vector_load %arg16[%get3A_202] {strides = array<i32>} : memref<1040xi32, #tpu.memory_space<vmem>>, vector<16xi32>,
        %swap3A_204 = arith.index_cast %add3A_201 : i32 to index
        %swap3A_205 = tpu.vector_load %arg22[%swap3A_204] {strides = array<i32>} : memref<1024xi32, #tpu.memory_space<vmem>>, vector<16xi32>,
        tpu.vector_store %arg22[%swap3A_204], %get3A_203 {strides = array<i32>} : memref<1024xi32, #tpu.memory_space<vmem>>, vector<16xi32>,
        %mul3A_206 = arith.constant 4 : i32
        %mul3A_207 = vector.broadcast %mul3A_206 : i32 to vector<16xi32>
        %mul3A_208 = arith.muli %get3A_203, %mul3A_207 : vector<16xi32>
        %add3A_209 = arith.constant 0 : i32
        %add3A_210 = vector.broadcast %add3A_209 : i32 to vector<16xi32>
        %add3A_211 = arith.addi %mul3A_208, %add3A_210 : vector<16xi32>
        %mul3A_212 = arith.constant 64 : i32
        %mul3A_213 = arith.muli %scan3A_88, %mul3A_212 : i32
        %add3A_214 = arith.constant 0 : i32
        %add3A_215 = arith.addi %add3A_214, %mul3A_213 : i32
        %add3A_216 = arith.constant 32 : i32
        %add3A_217 = arith.addi %add3A_215, %add3A_216 : i32
        %swap3A_218 = arith.index_cast %add3A_217 : i32 to index
        %swap3A_219 = tpu.vector_load %arg23[%swap3A_218] {strides = array<i32>} : memref<4096xi32, #tpu.memory_space<vmem>>, vector<16xi32>,
        tpu.vector_store %arg23[%swap3A_218], %add3A_211 {strides = array<i32>} : memref<4096xi32, #tpu.memory_space<vmem>>, vector<16xi32>,
        %add3A_220 = arith.constant 1 : i32
        %add3A_221 = vector.broadcast %add3A_220 : i32 to vector<16xi32>
        %add3A_222 = arith.addi %mul3A_208, %add3A_221 : vector<16xi32>
        %mul3A_223 = arith.constant 64 : i32
        %mul3A_224 = arith.muli %scan3A_88, %mul3A_223 : i32
        %add3A_225 = arith.constant 1024 : i32
        %add3A_226 = arith.addi %add3A_225, %mul3A_224 : i32
        %add3A_227 = arith.constant 32 : i32
        %add3A_228 = arith.addi %add3A_226, %add3A_227 : i32
        %swap3A_229 = arith.index_cast %add3A_228 : i32 to index
        %swap3A_230 = tpu.vector_load %arg23[%swap3A_229] {strides = array<i32>} : memref<4096xi32, #tpu.memory_space<vmem>>, vector<16xi32>,
        tpu.vector_store %arg23[%swap3A_229], %add3A_222 {strides = array<i32>} : memref<4096xi32, #tpu.memory_space<vmem>>, vector<16xi32>,
        %add3A_231 = arith.constant 2 : i32
        %add3A_232 = vector.broadcast %add3A_231 : i32 to vector<16xi32>
        %add3A_233 = arith.addi %mul3A_208, %add3A_232 : vector<16xi32>
        %mul3A_234 = arith.constant 64 : i32
        %mul3A_235 = arith.muli %scan3A_88, %mul3A_234 : i32
        %add3A_236 = arith.constant 2048 : i32
        %add3A_237 = arith.addi %add3A_236, %mul3A_235 : i32
        %add3A_238 = arith.constant 32 : i32
        %add3A_239 = arith.addi %add3A_237, %add3A_238 : i32
        %swap3A_240 = arith.index_cast %add3A_239 : i32 to index
        %swap3A_241 = tpu.vector_load %arg23[%swap3A_240] {strides = array<i32>} : memref<4096xi32, #tpu.memory_space<vmem>>, vector<16xi32>,
        tpu.vector_store %arg23[%swap3A_240], %add3A_233 {strides = array<i32>} : memref<4096xi32, #tpu.memory_space<vmem>>, vector<16xi32>,
        %add3A_242 = arith.constant 3 : i32
        %add3A_243 = vector.broadcast %add3A_242 : i32 to vector<16xi32>
        %add3A_244 = arith.addi %mul3A_208, %add3A_243 : vector<16xi32>
        %mul3A_245 = arith.constant 64 : i32
        %mul3A_246 = arith.muli %scan3A_88, %mul3A_245 : i32
        %add3A_247 = arith.constant 3072 : i32
        %add3A_248 = arith.addi %add3A_247, %mul3A_246 : i32
        %add3A_249 = arith.constant 32 : i32
        %add3A_250 = arith.addi %add3A_248, %add3A_249 : i32
        %swap3A_251 = arith.index_cast %add3A_250 : i32 to index
        %swap3A_252 = tpu.vector_load %arg23[%swap3A_251] {strides = array<i32>} : memref<4096xi32, #tpu.memory_space<vmem>>, vector<16xi32>,
        tpu.vector_store %arg23[%swap3A_251], %add3A_244 {strides = array<i32>} : memref<4096xi32, #tpu.memory_space<vmem>>, vector<16xi32>,
        %mul3A_253 = arith.constant 64 : i32
        %mul3A_254 = arith.muli %scan3A_88, %mul3A_253 : i32
        %add3A_255 = arith.constant 48 : i32
        %add3A_256 = arith.addi %mul3A_254, %add3A_255 : i32
        %get3A_257 = arith.index_cast %add3A_256 : i32 to index
        %get3A_258 = tpu.vector_load %arg16[%get3A_257] {strides = array<i32>} : memref<1040xi32, #tpu.memory_space<vmem>>, vector<16xi32>,
        %swap3A_259 = arith.index_cast %add3A_256 : i32 to index
        %swap3A_260 = tpu.vector_load %arg22[%swap3A_259] {strides = array<i32>} : memref<1024xi32, #tpu.memory_space<vmem>>, vector<16xi32>,
        tpu.vector_store %arg22[%swap3A_259], %get3A_258 {strides = array<i32>} : memref<1024xi32, #tpu.memory_space<vmem>>, vector<16xi32>,
        %mul3A_261 = arith.constant 4 : i32
        %mul3A_262 = vector.broadcast %mul3A_261 : i32 to vector<16xi32>
        %mul3A_263 = arith.muli %get3A_258, %mul3A_262 : vector<16xi32>
        %add3A_264 = arith.constant 0 : i32
        %add3A_265 = vector.broadcast %add3A_264 : i32 to vector<16xi32>
        %add3A_266 = arith.addi %mul3A_263, %add3A_265 : vector<16xi32>
        %mul3A_267 = arith.constant 64 : i32
        %mul3A_268 = arith.muli %scan3A_88, %mul3A_267 : i32
        %add3A_269 = arith.constant 0 : i32
        %add3A_270 = arith.addi %add3A_269, %mul3A_268 : i32
        %add3A_271 = arith.constant 48 : i32
        %add3A_272 = arith.addi %add3A_270, %add3A_271 : i32
        %swap3A_273 = arith.index_cast %add3A_272 : i32 to index
        %swap3A_274 = tpu.vector_load %arg23[%swap3A_273] {strides = array<i32>} : memref<4096xi32, #tpu.memory_space<vmem>>, vector<16xi32>,
        tpu.vector_store %arg23[%swap3A_273], %add3A_266 {strides = array<i32>} : memref<4096xi32, #tpu.memory_space<vmem>>, vector<16xi32>,
        %add3A_275 = arith.constant 1 : i32
        %add3A_276 = vector.broadcast %add3A_275 : i32 to vector<16xi32>
        %add3A_277 = arith.addi %mul3A_263, %add3A_276 : vector<16xi32>
        %mul3A_278 = arith.constant 64 : i32
        %mul3A_279 = arith.muli %scan3A_88, %mul3A_278 : i32
        %add3A_280 = arith.constant 1024 : i32
        %add3A_281 = arith.addi %add3A_280, %mul3A_279 : i32
        %add3A_282 = arith.constant 48 : i32
        %add3A_283 = arith.addi %add3A_281, %add3A_282 : i32
        %swap3A_284 = arith.index_cast %add3A_283 : i32 to index
        %swap3A_285 = tpu.vector_load %arg23[%swap3A_284] {strides = array<i32>} : memref<4096xi32, #tpu.memory_space<vmem>>, vector<16xi32>,
        tpu.vector_store %arg23[%swap3A_284], %add3A_277 {strides = array<i32>} : memref<4096xi32, #tpu.memory_space<vmem>>, vector<16xi32>,
        %add3A_286 = arith.constant 2 : i32
        %add3A_287 = vector.broadcast %add3A_286 : i32 to vector<16xi32>
        %add3A_288 = arith.addi %mul3A_263, %add3A_287 : vector<16xi32>
        %mul3A_289 = arith.constant 64 : i32
        %mul3A_290 = arith.muli %scan3A_88, %mul3A_289 : i32
        %add3A_291 = arith.constant 2048 : i32
        %add3A_292 = arith.addi %add3A_291, %mul3A_290 : i32
        %add3A_293 = arith.constant 48 : i32
        %add3A_294 = arith.addi %add3A_292, %add3A_293 : i32
        %swap3A_295 = arith.index_cast %add3A_294 : i32 to index
        %swap3A_296 = tpu.vector_load %arg23[%swap3A_295] {strides = array<i32>} : memref<4096xi32, #tpu.memory_space<vmem>>, vector<16xi32>,
        tpu.vector_store %arg23[%swap3A_295], %add3A_288 {strides = array<i32>} : memref<4096xi32, #tpu.memory_space<vmem>>, vector<16xi32>,
        %add3A_297 = arith.constant 3 : i32
        %add3A_298 = vector.broadcast %add3A_297 : i32 to vector<16xi32>
        %add3A_299 = arith.addi %mul3A_263, %add3A_298 : vector<16xi32>
        %mul3A_300 = arith.constant 64 : i32
        %mul3A_301 = arith.muli %scan3A_88, %mul3A_300 : i32
        %add3A_302 = arith.constant 3072 : i32
        %add3A_303 = arith.addi %add3A_302, %mul3A_301 : i32
        %add3A_304 = arith.constant 48 : i32
        %add3A_305 = arith.addi %add3A_303, %add3A_304 : i32
        %swap3A_306 = arith.index_cast %add3A_305 : i32 to index
        %swap3A_307 = tpu.vector_load %arg23[%swap3A_306] {strides = array<i32>} : memref<4096xi32, #tpu.memory_space<vmem>>, vector<16xi32>,
        tpu.vector_store %arg23[%swap3A_306], %add3A_299 {strides = array<i32>} : memref<4096xi32, #tpu.memory_space<vmem>>, vector<16xi32>,
      }
      %scan3A_59 = arith.constant 16 : i32
      %dma_start3A = arith.constant 0 : i32
      %dma_start3A_60 = tpu.memref_slice %arg5[%dma_start3A] : memref<1000000xf32, #tpu.memory_space<hbm>> -> memref<1000000xf32, #tpu.memory_space<hbm>>
      tpu.enqueue_indirect_dma source(%dma_start3A_60 : memref<1000000xf32, #tpu.memory_space<hbm>>) target(%arg24 : memref<1024xf32, #tpu.memory_space<vmem>>) offsets(%arg22 : memref<1024xi32, #tpu.memory_space<vmem>>) semaphore(%arg29 : memref<!tpu.dma_semaphore, #tpu.memory_space<semaphore_mem>>)
      %dma_start3A_61 = arith.constant 0 : i32
      %dma_start3A_62 = tpu.memref_slice %arg7[%dma_start3A_61] : memref<4000000xi32, #tpu.memory_space<hbm>> -> memref<4000000xi32, #tpu.memory_space<hbm>>
      tpu.enqueue_indirect_dma source(%dma_start3A_62 : memref<4000000xi32, #tpu.memory_space<hbm>>) target(%arg25 : memref<4096xi32, #tpu.memory_space<vmem>>) offsets(%arg23 : memref<4096xi32, #tpu.memory_space<vmem>>) semaphore(%arg30 : memref<!tpu.dma_semaphore, #tpu.memory_space<semaphore_mem>>)
      %dma_wait3A = arith.constant 0 : i32
      %dma_wait3A_63 = tpu.memref_slice %arg5[%dma_wait3A] : memref<1000000xf32, #tpu.memory_space<hbm>> -> memref<1000000xf32, #tpu.memory_space<hbm>>
      tpu.wait_indirect_dma semaphore(%arg29 : memref<!tpu.dma_semaphore, #tpu.memory_space<semaphore_mem>>) src(%dma_wait3A_63 : memref<1000000xf32, #tpu.memory_space<hbm>>) dst(%arg24 : memref<1024xf32, #tpu.memory_space<vmem>>)
      %dma_wait3A_64 = arith.constant 0 : i32
      %dma_wait3A_65 = tpu.memref_slice %arg7[%dma_wait3A_64] : memref<4000000xi32, #tpu.memory_space<hbm>> -> memref<4000000xi32, #tpu.memory_space<hbm>>
      tpu.wait_indirect_dma semaphore(%arg30 : memref<!tpu.dma_semaphore, #tpu.memory_space<semaphore_mem>>) src(%dma_wait3A_65 : memref<4000000xi32, #tpu.memory_space<hbm>>) dst(%arg25 : memref<4096xi32, #tpu.memory_space<vmem>>)
      %scan3A_66 = arith.constant 0 : i32
      %scan3A_67 = arith.constant 0 : i32
      %scan3A_68 = arith.constant 32 : i32
      %scan3A_69 = arith.addi %scan3A_67, %scan3A_68 : i32
      %scan3A_70 = arith.constant 1 : i32
      scf.for %scan3A_88 = %scan3A_67 to %scan3A_69 step %scan3A_70  : i32 {
        %mul3A_89 = arith.constant 32 : i32
        %mul3A_90 = arith.muli %scan3A_88, %mul3A_89 : i32
        %add3A_91 = arith.constant 0 : i32
        %add3A_92 = arith.addi %mul3A_90, %add3A_91 : i32
        %mul3A_93 = arith.constant 32 : i32
        %mul3A_94 = arith.muli %scan3A_88, %mul3A_93 : i32
        %add3A_95 = arith.constant 0 : i32
        %add3A_96 = arith.addi %mul3A_94, %add3A_95 : i32
        %add3A_97 = vector.broadcast %add3A_96 : i32 to vector<16xi32>
        %add3A_98 = arith.addi %add3A_97, %iota3A : vector<16xi32>
        %lt3A = vector.broadcast %scan3A_28#0 : i32 to vector<16xi32>
        %lt3A_99 = arith.cmpi slt, %add3A_98, %lt3A : vector<16xi32>
        %get3A = arith.index_cast %add3A_92 : i32 to index
        %get3A_100 = tpu.vector_load %arg18[%get3A] {strides = array<i32>} : memref<1040xf32, #tpu.memory_space<vmem>>, vector<16xf32>,
        %get3A_101 = arith.index_cast %add3A_92 : i32 to index
        %get3A_102 = tpu.vector_load %arg24[%get3A_101] {strides = array<i32>} : memref<1024xf32, #tpu.memory_space<vmem>>, vector<16xf32>,
        %mul3A_103 = arith.mulf %get3A_100, %get3A_102 : vector<16xf32>
        %jit3A_104 = arith.constant 0.000000e+00 : f32
        %broadcast_in_dim3A_105 = vector.broadcast %jit3A_104 : f32 to vector<16xf32>
        %select_n3A_106 = arith.select %lt3A_99, %mul3A_103, %broadcast_in_dim3A_105 : vector<16xi1>, vector<16xf32>
        %get3A_107 = arith.index_cast %add3A_92 : i32 to index
        %get3A_108 = tpu.vector_load %arg20[%get3A_107] {strides = array<i32>} : memref<1040xi32, #tpu.memory_space<vmem>>, vector<16xi32>,
        %mul3A_109 = arith.constant 4096 : i32
        %mul3A_110 = vector.broadcast %mul3A_109 : i32 to vector<16xi32>
        %mul3A_111 = arith.muli %get3A_108, %mul3A_110 : vector<16xi32>
        %mul3A_112 = arith.constant 32 : i32
        %mul3A_113 = arith.muli %scan3A_88, %mul3A_112 : i32
        %add3A_114 = arith.constant 0 : i32
        %add3A_115 = arith.addi %add3A_114, %mul3A_113 : i32
        %add3A_116 = arith.constant 0 : i32
        %add3A_117 = arith.addi %add3A_115, %add3A_116 : i32
        %get3A_118 = arith.index_cast %add3A_117 : i32 to index
        %get3A_119 = tpu.vector_load %arg25[%get3A_118] {strides = array<i32>} : memref<4096xi32, #tpu.memory_space<vmem>>, vector<16xi32>,
        %add3A_120 = arith.addi %mul3A_111, %get3A_119 : vector<16xi32>
        %swap3A_121 = arith.index_cast %add3A_117 : i32 to index
        %swap3A_122 = tpu.vector_load %arg26[%swap3A_121] {strides = array<i32>} : memref<4096xi32, #tpu.memory_space<vmem>>, vector<16xi32>,
        tpu.vector_store %arg26[%swap3A_121], %add3A_120 {strides = array<i32>} : memref<4096xi32, #tpu.memory_space<vmem>>, vector<16xi32>,
        %mul3A_123 = arith.constant 32 : i32
        %mul3A_124 = arith.muli %scan3A_88, %mul3A_123 : i32
        %add3A_125 = arith.constant 1024 : i32
        %add3A_126 = arith.addi %add3A_125, %mul3A_124 : i32
        %add3A_127 = arith.constant 0 : i32
        %add3A_128 = arith.addi %add3A_126, %add3A_127 : i32
        %get3A_129 = arith.index_cast %add3A_128 : i32 to index
        %get3A_130 = tpu.vector_load %arg25[%get3A_129] {strides = array<i32>} : memref<4096xi32, #tpu.memory_space<vmem>>, vector<16xi32>,
        %add3A_131 = arith.addi %mul3A_111, %get3A_130 : vector<16xi32>
        %swap3A_132 = arith.index_cast %add3A_128 : i32 to index
        %swap3A_133 = tpu.vector_load %arg26[%swap3A_132] {strides = array<i32>} : memref<4096xi32, #tpu.memory_space<vmem>>, vector<16xi32>,
        tpu.vector_store %arg26[%swap3A_132], %add3A_131 {strides = array<i32>} : memref<4096xi32, #tpu.memory_space<vmem>>, vector<16xi32>,
        %mul3A_134 = arith.constant 32 : i32
        %mul3A_135 = arith.muli %scan3A_88, %mul3A_134 : i32
        %add3A_136 = arith.constant 2048 : i32
        %add3A_137 = arith.addi %add3A_136, %mul3A_135 : i32
        %add3A_138 = arith.constant 0 : i32
        %add3A_139 = arith.addi %add3A_137, %add3A_138 : i32
        %get3A_140 = arith.index_cast %add3A_139 : i32 to index
        %get3A_141 = tpu.vector_load %arg25[%get3A_140] {strides = array<i32>} : memref<4096xi32, #tpu.memory_space<vmem>>, vector<16xi32>,
        %add3A_142 = arith.addi %mul3A_111, %get3A_141 : vector<16xi32>
        %swap3A_143 = arith.index_cast %add3A_139 : i32 to index
        %swap3A_144 = tpu.vector_load %arg26[%swap3A_143] {strides = array<i32>} : memref<4096xi32, #tpu.memory_space<vmem>>, vector<16xi32>,
        tpu.vector_store %arg26[%swap3A_143], %add3A_142 {strides = array<i32>} : memref<4096xi32, #tpu.memory_space<vmem>>, vector<16xi32>,
        %mul3A_145 = arith.constant 32 : i32
        %mul3A_146 = arith.muli %scan3A_88, %mul3A_145 : i32
        %add3A_147 = arith.constant 3072 : i32
        %add3A_148 = arith.addi %add3A_147, %mul3A_146 : i32
        %add3A_149 = arith.constant 0 : i32
        %add3A_150 = arith.addi %add3A_148, %add3A_149 : i32
        %get3A_151 = arith.index_cast %add3A_150 : i32 to index
        %get3A_152 = tpu.vector_load %arg25[%get3A_151] {strides = array<i32>} : memref<4096xi32, #tpu.memory_space<vmem>>, vector<16xi32>,
        %add3A_153 = arith.addi %mul3A_111, %get3A_152 : vector<16xi32>
        %swap3A_154 = arith.index_cast %add3A_150 : i32 to index
        %swap3A_155 = tpu.vector_load %arg26[%swap3A_154] {strides = array<i32>} : memref<4096xi32, #tpu.memory_space<vmem>>, vector<16xi32>,
        tpu.vector_store %arg26[%swap3A_154], %add3A_153 {strides = array<i32>} : memref<4096xi32, #tpu.memory_space<vmem>>, vector<16xi32>,
        %swap3A_156 = arith.index_cast %add3A_92 : i32 to index
        %swap3A_157 = tpu.vector_load %arg27[%swap3A_156] {strides = array<i32>} : memref<1024xf32, #tpu.memory_space<vmem>>, vector<16xf32>,
        tpu.vector_store %arg27[%swap3A_156], %select_n3A_106 {strides = array<i32>} : memref<1024xf32, #tpu.memory_space<vmem>>, vector<16xf32>,
        %mul3A_158 = arith.constant 32 : i32
        %mul3A_159 = arith.muli %scan3A_88, %mul3A_158 : i32
        %add3A_160 = arith.constant 16 : i32
        %add3A_161 = arith.addi %mul3A_159, %add3A_160 : i32
        %mul3A_162 = arith.constant 32 : i32
        %mul3A_163 = arith.muli %scan3A_88, %mul3A_162 : i32
        %add3A_164 = arith.constant 16 : i32
        %add3A_165 = arith.addi %mul3A_163, %add3A_164 : i32
        %add3A_166 = vector.broadcast %add3A_165 : i32 to vector<16xi32>
        %add3A_167 = arith.addi %add3A_166, %iota3A : vector<16xi32>
        %lt3A_168 = vector.broadcast %scan3A_28#0 : i32 to vector<16xi32>
        %lt3A_169 = arith.cmpi slt, %add3A_167, %lt3A_168 : vector<16xi32>
        %get3A_170 = arith.index_cast %add3A_161 : i32 to index
        %get3A_171 = tpu.vector_load %arg18[%get3A_170] {strides = array<i32>} : memref<1040xf32, #tpu.memory_space<vmem>>, vector<16xf32>,
        %get3A_172 = arith.index_cast %add3A_161 : i32 to index
        %get3A_173 = tpu.vector_load %arg24[%get3A_172] {strides = array<i32>} : memref<1024xf32, #tpu.memory_space<vmem>>, vector<16xf32>,
        %mul3A_174 = arith.mulf %get3A_171, %get3A_173 : vector<16xf32>
        %jit3A_175 = arith.constant 0.000000e+00 : f32
        %broadcast_in_dim3A_176 = vector.broadcast %jit3A_175 : f32 to vector<16xf32>
        %select_n3A_177 = arith.select %lt3A_169, %mul3A_174, %broadcast_in_dim3A_176 : vector<16xi1>, vector<16xf32>
        %get3A_178 = arith.index_cast %add3A_161 : i32 to index
        %get3A_179 = tpu.vector_load %arg20[%get3A_178] {strides = array<i32>} : memref<1040xi32, #tpu.memory_space<vmem>>, vector<16xi32>,
        %mul3A_180 = arith.constant 4096 : i32
        %mul3A_181 = vector.broadcast %mul3A_180 : i32 to vector<16xi32>
        %mul3A_182 = arith.muli %get3A_179, %mul3A_181 : vector<16xi32>
        %mul3A_183 = arith.constant 32 : i32
        %mul3A_184 = arith.muli %scan3A_88, %mul3A_183 : i32
        %add3A_185 = arith.constant 0 : i32
        %add3A_186 = arith.addi %add3A_185, %mul3A_184 : i32
        %add3A_187 = arith.constant 16 : i32
        %add3A_188 = arith.addi %add3A_186, %add3A_187 : i32
        %get3A_189 = arith.index_cast %add3A_188 : i32 to index
        %get3A_190 = tpu.vector_load %arg25[%get3A_189] {strides = array<i32>} : memref<4096xi32, #tpu.memory_space<vmem>>, vector<16xi32>,
        %add3A_191 = arith.addi %mul3A_182, %get3A_190 : vector<16xi32>
        %swap3A_192 = arith.index_cast %add3A_188 : i32 to index
        %swap3A_193 = tpu.vector_load %arg26[%swap3A_192] {strides = array<i32>} : memref<4096xi32, #tpu.memory_space<vmem>>, vector<16xi32>,
        tpu.vector_store %arg26[%swap3A_192], %add3A_191 {strides = array<i32>} : memref<4096xi32, #tpu.memory_space<vmem>>, vector<16xi32>,
        %mul3A_194 = arith.constant 32 : i32
        %mul3A_195 = arith.muli %scan3A_88, %mul3A_194 : i32
        %add3A_196 = arith.constant 1024 : i32
        %add3A_197 = arith.addi %add3A_196, %mul3A_195 : i32
        %add3A_198 = arith.constant 16 : i32
        %add3A_199 = arith.addi %add3A_197, %add3A_198 : i32
        %get3A_200 = arith.index_cast %add3A_199 : i32 to index
        %get3A_201 = tpu.vector_load %arg25[%get3A_200] {strides = array<i32>} : memref<4096xi32, #tpu.memory_space<vmem>>, vector<16xi32>,
        %add3A_202 = arith.addi %mul3A_182, %get3A_201 : vector<16xi32>
        %swap3A_203 = arith.index_cast %add3A_199 : i32 to index
        %swap3A_204 = tpu.vector_load %arg26[%swap3A_203] {strides = array<i32>} : memref<4096xi32, #tpu.memory_space<vmem>>, vector<16xi32>,
        tpu.vector_store %arg26[%swap3A_203], %add3A_202 {strides = array<i32>} : memref<4096xi32, #tpu.memory_space<vmem>>, vector<16xi32>,
        %mul3A_205 = arith.constant 32 : i32
        %mul3A_206 = arith.muli %scan3A_88, %mul3A_205 : i32
        %add3A_207 = arith.constant 2048 : i32
        %add3A_208 = arith.addi %add3A_207, %mul3A_206 : i32
        %add3A_209 = arith.constant 16 : i32
        %add3A_210 = arith.addi %add3A_208, %add3A_209 : i32
        %get3A_211 = arith.index_cast %add3A_210 : i32 to index
        %get3A_212 = tpu.vector_load %arg25[%get3A_211] {strides = array<i32>} : memref<4096xi32, #tpu.memory_space<vmem>>, vector<16xi32>,
        %add3A_213 = arith.addi %mul3A_182, %get3A_212 : vector<16xi32>
        %swap3A_214 = arith.index_cast %add3A_210 : i32 to index
        %swap3A_215 = tpu.vector_load %arg26[%swap3A_214] {strides = array<i32>} : memref<4096xi32, #tpu.memory_space<vmem>>, vector<16xi32>,
        tpu.vector_store %arg26[%swap3A_214], %add3A_213 {strides = array<i32>} : memref<4096xi32, #tpu.memory_space<vmem>>, vector<16xi32>,
        %mul3A_216 = arith.constant 32 : i32
        %mul3A_217 = arith.muli %scan3A_88, %mul3A_216 : i32
        %add3A_218 = arith.constant 3072 : i32
        %add3A_219 = arith.addi %add3A_218, %mul3A_217 : i32
        %add3A_220 = arith.constant 16 : i32
        %add3A_221 = arith.addi %add3A_219, %add3A_220 : i32
        %get3A_222 = arith.index_cast %add3A_221 : i32 to index
        %get3A_223 = tpu.vector_load %arg25[%get3A_222] {strides = array<i32>} : memref<4096xi32, #tpu.memory_space<vmem>>, vector<16xi32>,
        %add3A_224 = arith.addi %mul3A_182, %get3A_223 : vector<16xi32>
        %swap3A_225 = arith.index_cast %add3A_221 : i32 to index
        %swap3A_226 = tpu.vector_load %arg26[%swap3A_225] {strides = array<i32>} : memref<4096xi32, #tpu.memory_space<vmem>>, vector<16xi32>,
        tpu.vector_store %arg26[%swap3A_225], %add3A_224 {strides = array<i32>} : memref<4096xi32, #tpu.memory_space<vmem>>, vector<16xi32>,
        %swap3A_227 = arith.index_cast %add3A_161 : i32 to index
        %swap3A_228 = tpu.vector_load %arg27[%swap3A_227] {strides = array<i32>} : memref<1024xf32, #tpu.memory_space<vmem>>, vector<16xf32>,
        tpu.vector_store %arg27[%swap3A_227], %select_n3A_177 {strides = array<i32>} : memref<1024xf32, #tpu.memory_space<vmem>>, vector<16xf32>,
      }
      %scan3A_71 = arith.constant 32 : i32
      %mul3A_72 = arith.constant 4096 : i32
      %mul3A_73 = arith.muli %scan3A_28#2, %mul3A_72 : i32
      %run_scoped3A = arith.constant 0 : i32
      "tpu.region"() ({
        %run_scoped3A_88 = tpu.sem_alloc : memref<!tpu.dma_semaphore, #tpu.memory_space<semaphore_mem>>
        %dma_start3A_89 = tpu.memref_slice %arg8[%run_scoped3A, %add3A, %mul3A_73] : memref<2x32x131072xi32, #tpu.memory_space<hbm>> -> memref<1x1x4096xi32, #tpu.memory_space<hbm>>
        %dma_start3A_90 = tpu.memref_squeeze %dma_start3A_89 : memref<1x1x4096xi32, #tpu.memory_space<hbm>> -> memref<4096xi32, #tpu.memory_space<hbm>>
        %dma_start3A_91 = tpu.memref_slice %arg8[%run_scoped3A, %add3A, %mul3A_73] : memref<2x32x131072xi32, #tpu.memory_space<hbm>> -> memref<1x1x4096xi32, #tpu.memory_space<hbm>>
        %dma_start3A_92 = tpu.memref_squeeze %dma_start3A_91 : memref<1x1x4096xi32, #tpu.memory_space<hbm>> -> memref<4096xi32, #tpu.memory_space<hbm>>
        tpu.enqueue_dma source(%arg26 : memref<4096xi32, #tpu.memory_space<vmem>>) target(%dma_start3A_92 : memref<4096xi32, #tpu.memory_space<hbm>>) target_semaphore(%run_scoped3A_88 : memref<!tpu.dma_semaphore, #tpu.memory_space<semaphore_mem>>)
        %dma_wait3A_93 = tpu.memref_slice %arg8[%run_scoped3A, %add3A, %mul3A_73] : memref<2x32x131072xi32, #tpu.memory_space<hbm>> -> memref<1x1x4096xi32, #tpu.memory_space<hbm>>
        %dma_wait3A_94 = tpu.memref_squeeze %dma_wait3A_93 : memref<1x1x4096xi32, #tpu.memory_space<hbm>> -> memref<4096xi32, #tpu.memory_space<hbm>>
        %dma_wait3A_95 = tpu.memref_slice %arg8[%run_scoped3A, %add3A, %mul3A_73] : memref<2x32x131072xi32, #tpu.memory_space<hbm>> -> memref<1x1x4096xi32, #tpu.memory_space<hbm>>
        %dma_wait3A_96 = tpu.memref_squeeze %dma_wait3A_95 : memref<1x1x4096xi32, #tpu.memory_space<hbm>> -> memref<4096xi32, #tpu.memory_space<hbm>>
        tpu.wait_dma2 semaphore(%run_scoped3A_88 : memref<!tpu.dma_semaphore, #tpu.memory_space<semaphore_mem>>) src(%arg26 : memref<4096xi32, #tpu.memory_space<vmem>>) dst(%dma_wait3A_96 : memref<4096xi32, #tpu.memory_space<hbm>>)
        tpu.yield
      }) : () -> ()
      %add3A_74 = arith.constant 0 : i32
      %add3A_75 = arith.addi %mul3A_73, %add3A_74 : i32
      %run_scoped3A_76 = arith.constant 0 : i32
      "tpu.region"() ({
        %run_scoped3A_88 = tpu.sem_alloc : memref<!tpu.dma_semaphore, #tpu.memory_space<semaphore_mem>>
        %dma_start3A_89 = tpu.memref_slice %arg9[%run_scoped3A_76, %add3A, %add3A_75] : memref<2x32x131072xf32, #tpu.memory_space<hbm>> -> memref<1x1x1024xf32, #tpu.memory_space<hbm>>
        %dma_start3A_90 = tpu.memref_squeeze %dma_start3A_89 : memref<1x1x1024xf32, #tpu.memory_space<hbm>> -> memref<1024xf32, #tpu.memory_space<hbm>>
        %dma_start3A_91 = tpu.memref_slice %arg9[%run_scoped3A_76, %add3A, %add3A_75] : memref<2x32x131072xf32, #tpu.memory_space<hbm>> -> memref<1x1x1024xf32, #tpu.memory_space<hbm>>
        %dma_start3A_92 = tpu.memref_squeeze %dma_start3A_91 : memref<1x1x1024xf32, #tpu.memory_space<hbm>> -> memref<1024xf32, #tpu.memory_space<hbm>>
        tpu.enqueue_dma source(%arg27 : memref<1024xf32, #tpu.memory_space<vmem>>) target(%dma_start3A_92 : memref<1024xf32, #tpu.memory_space<hbm>>) target_semaphore(%run_scoped3A_88 : memref<!tpu.dma_semaphore, #tpu.memory_space<semaphore_mem>>)
        %dma_wait3A_93 = tpu.memref_slice %arg9[%run_scoped3A_76, %add3A, %add3A_75] : memref<2x32x131072xf32, #tpu.memory_space<hbm>> -> memref<1x1x1024xf32, #tpu.memory_space<hbm>>
        %dma_wait3A_94 = tpu.memref_squeeze %dma_wait3A_93 : memref<1x1x1024xf32, #tpu.memory_space<hbm>> -> memref<1024xf32, #tpu.memory_space<hbm>>
        %dma_wait3A_95 = tpu.memref_slice %arg9[%run_scoped3A_76, %add3A, %add3A_75] : memref<2x32x131072xf32, #tpu.memory_space<hbm>> -> memref<1x1x1024xf32, #tpu.memory_space<hbm>>
        %dma_wait3A_96 = tpu.memref_squeeze %dma_wait3A_95 : memref<1x1x1024xf32, #tpu.memory_space<hbm>> -> memref<1024xf32, #tpu.memory_space<hbm>>
        tpu.wait_dma2 semaphore(%run_scoped3A_88 : memref<!tpu.dma_semaphore, #tpu.memory_space<semaphore_mem>>) src(%arg27 : memref<1024xf32, #tpu.memory_space<vmem>>) dst(%dma_wait3A_96 : memref<1024xf32, #tpu.memory_space<hbm>>)
        tpu.yield
      }) : () -> ()
      %add3A_77 = arith.constant 1024 : i32
      %add3A_78 = arith.addi %mul3A_73, %add3A_77 : i32
      %run_scoped3A_79 = arith.constant 0 : i32
      "tpu.region"() ({
        %run_scoped3A_88 = tpu.sem_alloc : memref<!tpu.dma_semaphore, #tpu.memory_space<semaphore_mem>>
        %dma_start3A_89 = tpu.memref_slice %arg9[%run_scoped3A_79, %add3A, %add3A_78] : memref<2x32x131072xf32, #tpu.memory_space<hbm>> -> memref<1x1x1024xf32, #tpu.memory_space<hbm>>
        %dma_start3A_90 = tpu.memref_squeeze %dma_start3A_89 : memref<1x1x1024xf32, #tpu.memory_space<hbm>> -> memref<1024xf32, #tpu.memory_space<hbm>>
        %dma_start3A_91 = tpu.memref_slice %arg9[%run_scoped3A_79, %add3A, %add3A_78] : memref<2x32x131072xf32, #tpu.memory_space<hbm>> -> memref<1x1x1024xf32, #tpu.memory_space<hbm>>
        %dma_start3A_92 = tpu.memref_squeeze %dma_start3A_91 : memref<1x1x1024xf32, #tpu.memory_space<hbm>> -> memref<1024xf32, #tpu.memory_space<hbm>>
        tpu.enqueue_dma source(%arg27 : memref<1024xf32, #tpu.memory_space<vmem>>) target(%dma_start3A_92 : memref<1024xf32, #tpu.memory_space<hbm>>) target_semaphore(%run_scoped3A_88 : memref<!tpu.dma_semaphore, #tpu.memory_space<semaphore_mem>>)
        %dma_wait3A_93 = tpu.memref_slice %arg9[%run_scoped3A_79, %add3A, %add3A_78] : memref<2x32x131072xf32, #tpu.memory_space<hbm>> -> memref<1x1x1024xf32, #tpu.memory_space<hbm>>
        %dma_wait3A_94 = tpu.memref_squeeze %dma_wait3A_93 : memref<1x1x1024xf32, #tpu.memory_space<hbm>> -> memref<1024xf32, #tpu.memory_space<hbm>>
        %dma_wait3A_95 = tpu.memref_slice %arg9[%run_scoped3A_79, %add3A, %add3A_78] : memref<2x32x131072xf32, #tpu.memory_space<hbm>> -> memref<1x1x1024xf32, #tpu.memory_space<hbm>>
        %dma_wait3A_96 = tpu.memref_squeeze %dma_wait3A_95 : memref<1x1x1024xf32, #tpu.memory_space<hbm>> -> memref<1024xf32, #tpu.memory_space<hbm>>
        tpu.wait_dma2 semaphore(%run_scoped3A_88 : memref<!tpu.dma_semaphore, #tpu.memory_space<semaphore_mem>>) src(%arg27 : memref<1024xf32, #tpu.memory_space<vmem>>) dst(%dma_wait3A_96 : memref<1024xf32, #tpu.memory_space<hbm>>)
        tpu.yield
      }) : () -> ()
      %add3A_80 = arith.constant 2048 : i32
      %add3A_81 = arith.addi %mul3A_73, %add3A_80 : i32
      %run_scoped3A_82 = arith.constant 0 : i32
      "tpu.region"() ({
        %run_scoped3A_88 = tpu.sem_alloc : memref<!tpu.dma_semaphore, #tpu.memory_space<semaphore_mem>>
        %dma_start3A_89 = tpu.memref_slice %arg9[%run_scoped3A_82, %add3A, %add3A_81] : memref<2x32x131072xf32, #tpu.memory_space<hbm>> -> memref<1x1x1024xf32, #tpu.memory_space<hbm>>
        %dma_start3A_90 = tpu.memref_squeeze %dma_start3A_89 : memref<1x1x1024xf32, #tpu.memory_space<hbm>> -> memref<1024xf32, #tpu.memory_space<hbm>>
        %dma_start3A_91 = tpu.memref_slice %arg9[%run_scoped3A_82, %add3A, %add3A_81] : memref<2x32x131072xf32, #tpu.memory_space<hbm>> -> memref<1x1x1024xf32, #tpu.memory_space<hbm>>
        %dma_start3A_92 = tpu.memref_squeeze %dma_start3A_91 : memref<1x1x1024xf32, #tpu.memory_space<hbm>> -> memref<1024xf32, #tpu.memory_space<hbm>>
        tpu.enqueue_dma source(%arg27 : memref<1024xf32, #tpu.memory_space<vmem>>) target(%dma_start3A_92 : memref<1024xf32, #tpu.memory_space<hbm>>) target_semaphore(%run_scoped3A_88 : memref<!tpu.dma_semaphore, #tpu.memory_space<semaphore_mem>>)
        %dma_wait3A_93 = tpu.memref_slice %arg9[%run_scoped3A_82, %add3A, %add3A_81] : memref<2x32x131072xf32, #tpu.memory_space<hbm>> -> memref<1x1x1024xf32, #tpu.memory_space<hbm>>
        %dma_wait3A_94 = tpu.memref_squeeze %dma_wait3A_93 : memref<1x1x1024xf32, #tpu.memory_space<hbm>> -> memref<1024xf32, #tpu.memory_space<hbm>>
        %dma_wait3A_95 = tpu.memref_slice %arg9[%run_scoped3A_82, %add3A, %add3A_81] : memref<2x32x131072xf32, #tpu.memory_space<hbm>> -> memref<1x1x1024xf32, #tpu.memory_space<hbm>>
        %dma_wait3A_96 = tpu.memref_squeeze %dma_wait3A_95 : memref<1x1x1024xf32, #tpu.memory_space<hbm>> -> memref<1024xf32, #tpu.memory_space<hbm>>
        tpu.wait_dma2 semaphore(%run_scoped3A_88 : memref<!tpu.dma_semaphore, #tpu.memory_space<semaphore_mem>>) src(%arg27 : memref<1024xf32, #tpu.memory_space<vmem>>) dst(%dma_wait3A_96 : memref<1024xf32, #tpu.memory_space<hbm>>)
        tpu.yield
      }) : () -> ()
      %add3A_83 = arith.constant 3072 : i32
      %add3A_84 = arith.addi %mul3A_73, %add3A_83 : i32
      %run_scoped3A_85 = arith.constant 0 : i32
      "tpu.region"() ({
        %run_scoped3A_88 = tpu.sem_alloc : memref<!tpu.dma_semaphore, #tpu.memory_space<semaphore_mem>>
        %dma_start3A_89 = tpu.memref_slice %arg9[%run_scoped3A_85, %add3A, %add3A_84] : memref<2x32x131072xf32, #tpu.memory_space<hbm>> -> memref<1x1x1024xf32, #tpu.memory_space<hbm>>
        %dma_start3A_90 = tpu.memref_squeeze %dma_start3A_89 : memref<1x1x1024xf32, #tpu.memory_space<hbm>> -> memref<1024xf32, #tpu.memory_space<hbm>>
        %dma_start3A_91 = tpu.memref_slice %arg9[%run_scoped3A_85, %add3A, %add3A_84] : memref<2x32x131072xf32, #tpu.memory_space<hbm>> -> memref<1x1x1024xf32, #tpu.memory_space<hbm>>
        %dma_start3A_92 = tpu.memref_squeeze %dma_start3A_91 : memref<1x1x1024xf32, #tpu.memory_space<hbm>> -> memref<1024xf32, #tpu.memory_space<hbm>>
        tpu.enqueue_dma source(%arg27 : memref<1024xf32, #tpu.memory_space<vmem>>) target(%dma_start3A_92 : memref<1024xf32, #tpu.memory_space<hbm>>) target_semaphore(%run_scoped3A_88 : memref<!tpu.dma_semaphore, #tpu.memory_space<semaphore_mem>>)
        %dma_wait3A_93 = tpu.memref_slice %arg9[%run_scoped3A_85, %add3A, %add3A_84] : memref<2x32x131072xf32, #tpu.memory_space<hbm>> -> memref<1x1x1024xf32, #tpu.memory_space<hbm>>
        %dma_wait3A_94 = tpu.memref_squeeze %dma_wait3A_93 : memref<1x1x1024xf32, #tpu.memory_space<hbm>> -> memref<1024xf32, #tpu.memory_space<hbm>>
        %dma_wait3A_95 = tpu.memref_slice %arg9[%run_scoped3A_85, %add3A, %add3A_84] : memref<2x32x131072xf32, #tpu.memory_space<hbm>> -> memref<1x1x1024xf32, #tpu.memory_space<hbm>>
        %dma_wait3A_96 = tpu.memref_squeeze %dma_wait3A_95 : memref<1x1x1024xf32, #tpu.memory_space<hbm>> -> memref<1024xf32, #tpu.memory_space<hbm>>
        tpu.wait_dma2 semaphore(%run_scoped3A_88 : memref<!tpu.dma_semaphore, #tpu.memory_space<semaphore_mem>>) src(%arg27 : memref<1024xf32, #tpu.memory_space<vmem>>) dst(%dma_wait3A_96 : memref<1024xf32, #tpu.memory_space<hbm>>)
        tpu.yield
      }) : () -> ()
      %add3A_86 = arith.constant 1 : i32
      %add3A_87 = arith.addi %scan3A_28#2, %add3A_86 : i32
      scf.yield %add3A_87 : i32
    } else {
      scf.yield %scan3A_28#2 : i32
    }
    %gt3A_33 = arith.constant 0 : i32
    %gt3A_34 = arith.cmpi sgt, %scan3A_28#1, %gt3A_33 : i32
    %convert_element_type3A_35 = arith.extui %gt3A_34 : i1 to i32
    %cond3A_36 = arith.constant 0 : i32
    %cond3A_37 = arith.cmpi ne, %convert_element_type3A_35, %cond3A_36 : i32
    %cond3A_38 = scf.if %cond3A_37 -> (i32) {
      %scan3A_54 = arith.constant 0 : i32
      %scan3A_55 = arith.constant 0 : i32
      %scan3A_56 = arith.constant 16 : i32
      %scan3A_57 = arith.addi %scan3A_55, %scan3A_56 : i32
      %scan3A_58 = arith.constant 1 : i32
      scf.for %scan3A_88 = %scan3A_55 to %scan3A_57 step %scan3A_58  : i32 {
        %mul3A_89 = arith.constant 64 : i32
        %mul3A_90 = arith.muli %scan3A_88, %mul3A_89 : i32
        %add3A_91 = arith.constant 0 : i32
        %add3A_92 = arith.addi %mul3A_90, %add3A_91 : i32
        %get3A = arith.index_cast %add3A_92 : i32 to index
        %get3A_93 = tpu.vector_load %arg17[%get3A] {strides = array<i32>} : memref<1040xi32, #tpu.memory_space<vmem>>, vector<16xi32>,
        %swap3A_94 = arith.index_cast %add3A_92 : i32 to index
        %swap3A_95 = tpu.vector_load %arg22[%swap3A_94] {strides = array<i32>} : memref<1024xi32, #tpu.memory_space<vmem>>, vector<16xi32>,
        tpu.vector_store %arg22[%swap3A_94], %get3A_93 {strides = array<i32>} : memref<1024xi32, #tpu.memory_space<vmem>>, vector<16xi32>,
        %mul3A_96 = arith.constant 4 : i32
        %mul3A_97 = vector.broadcast %mul3A_96 : i32 to vector<16xi32>
        %mul3A_98 = arith.muli %get3A_93, %mul3A_97 : vector<16xi32>
        %add3A_99 = arith.constant 0 : i32
        %add3A_100 = vector.broadcast %add3A_99 : i32 to vector<16xi32>
        %add3A_101 = arith.addi %mul3A_98, %add3A_100 : vector<16xi32>
        %mul3A_102 = arith.constant 64 : i32
        %mul3A_103 = arith.muli %scan3A_88, %mul3A_102 : i32
        %add3A_104 = arith.constant 0 : i32
        %add3A_105 = arith.addi %add3A_104, %mul3A_103 : i32
        %add3A_106 = arith.constant 0 : i32
        %add3A_107 = arith.addi %add3A_105, %add3A_106 : i32
        %swap3A_108 = arith.index_cast %add3A_107 : i32 to index
        %swap3A_109 = tpu.vector_load %arg23[%swap3A_108] {strides = array<i32>} : memref<4096xi32, #tpu.memory_space<vmem>>, vector<16xi32>,
        tpu.vector_store %arg23[%swap3A_108], %add3A_101 {strides = array<i32>} : memref<4096xi32, #tpu.memory_space<vmem>>, vector<16xi32>,
        %add3A_110 = arith.constant 1 : i32
        %add3A_111 = vector.broadcast %add3A_110 : i32 to vector<16xi32>
        %add3A_112 = arith.addi %mul3A_98, %add3A_111 : vector<16xi32>
        %mul3A_113 = arith.constant 64 : i32
        %mul3A_114 = arith.muli %scan3A_88, %mul3A_113 : i32
        %add3A_115 = arith.constant 1024 : i32
        %add3A_116 = arith.addi %add3A_115, %mul3A_114 : i32
        %add3A_117 = arith.constant 0 : i32
        %add3A_118 = arith.addi %add3A_116, %add3A_117 : i32
        %swap3A_119 = arith.index_cast %add3A_118 : i32 to index
        %swap3A_120 = tpu.vector_load %arg23[%swap3A_119] {strides = array<i32>} : memref<4096xi32, #tpu.memory_space<vmem>>, vector<16xi32>,
        tpu.vector_store %arg23[%swap3A_119], %add3A_112 {strides = array<i32>} : memref<4096xi32, #tpu.memory_space<vmem>>, vector<16xi32>,
        %add3A_121 = arith.constant 2 : i32
        %add3A_122 = vector.broadcast %add3A_121 : i32 to vector<16xi32>
        %add3A_123 = arith.addi %mul3A_98, %add3A_122 : vector<16xi32>
        %mul3A_124 = arith.constant 64 : i32
        %mul3A_125 = arith.muli %scan3A_88, %mul3A_124 : i32
        %add3A_126 = arith.constant 2048 : i32
        %add3A_127 = arith.addi %add3A_126, %mul3A_125 : i32
        %add3A_128 = arith.constant 0 : i32
        %add3A_129 = arith.addi %add3A_127, %add3A_128 : i32
        %swap3A_130 = arith.index_cast %add3A_129 : i32 to index
        %swap3A_131 = tpu.vector_load %arg23[%swap3A_130] {strides = array<i32>} : memref<4096xi32, #tpu.memory_space<vmem>>, vector<16xi32>,
        tpu.vector_store %arg23[%swap3A_130], %add3A_123 {strides = array<i32>} : memref<4096xi32, #tpu.memory_space<vmem>>, vector<16xi32>,
        %add3A_132 = arith.constant 3 : i32
        %add3A_133 = vector.broadcast %add3A_132 : i32 to vector<16xi32>
        %add3A_134 = arith.addi %mul3A_98, %add3A_133 : vector<16xi32>
        %mul3A_135 = arith.constant 64 : i32
        %mul3A_136 = arith.muli %scan3A_88, %mul3A_135 : i32
        %add3A_137 = arith.constant 3072 : i32
        %add3A_138 = arith.addi %add3A_137, %mul3A_136 : i32
        %add3A_139 = arith.constant 0 : i32
        %add3A_140 = arith.addi %add3A_138, %add3A_139 : i32
        %swap3A_141 = arith.index_cast %add3A_140 : i32 to index
        %swap3A_142 = tpu.vector_load %arg23[%swap3A_141] {strides = array<i32>} : memref<4096xi32, #tpu.memory_space<vmem>>, vector<16xi32>,
        tpu.vector_store %arg23[%swap3A_141], %add3A_134 {strides = array<i32>} : memref<4096xi32, #tpu.memory_space<vmem>>, vector<16xi32>,
        %mul3A_143 = arith.constant 64 : i32
        %mul3A_144 = arith.muli %scan3A_88, %mul3A_143 : i32
        %add3A_145 = arith.constant 16 : i32
        %add3A_146 = arith.addi %mul3A_144, %add3A_145 : i32
        %get3A_147 = arith.index_cast %add3A_146 : i32 to index
        %get3A_148 = tpu.vector_load %arg17[%get3A_147] {strides = array<i32>} : memref<1040xi32, #tpu.memory_space<vmem>>, vector<16xi32>,
        %swap3A_149 = arith.index_cast %add3A_146 : i32 to index
        %swap3A_150 = tpu.vector_load %arg22[%swap3A_149] {strides = array<i32>} : memref<1024xi32, #tpu.memory_space<vmem>>, vector<16xi32>,
        tpu.vector_store %arg22[%swap3A_149], %get3A_148 {strides = array<i32>} : memref<1024xi32, #tpu.memory_space<vmem>>, vector<16xi32>,
        %mul3A_151 = arith.constant 4 : i32
        %mul3A_152 = vector.broadcast %mul3A_151 : i32 to vector<16xi32>
        %mul3A_153 = arith.muli %get3A_148, %mul3A_152 : vector<16xi32>
        %add3A_154 = arith.constant 0 : i32
        %add3A_155 = vector.broadcast %add3A_154 : i32 to vector<16xi32>
        %add3A_156 = arith.addi %mul3A_153, %add3A_155 : vector<16xi32>
        %mul3A_157 = arith.constant 64 : i32
        %mul3A_158 = arith.muli %scan3A_88, %mul3A_157 : i32
        %add3A_159 = arith.constant 0 : i32
        %add3A_160 = arith.addi %add3A_159, %mul3A_158 : i32
        %add3A_161 = arith.constant 16 : i32
        %add3A_162 = arith.addi %add3A_160, %add3A_161 : i32
        %swap3A_163 = arith.index_cast %add3A_162 : i32 to index
        %swap3A_164 = tpu.vector_load %arg23[%swap3A_163] {strides = array<i32>} : memref<4096xi32, #tpu.memory_space<vmem>>, vector<16xi32>,
        tpu.vector_store %arg23[%swap3A_163], %add3A_156 {strides = array<i32>} : memref<4096xi32, #tpu.memory_space<vmem>>, vector<16xi32>,
        %add3A_165 = arith.constant 1 : i32
        %add3A_166 = vector.broadcast %add3A_165 : i32 to vector<16xi32>
        %add3A_167 = arith.addi %mul3A_153, %add3A_166 : vector<16xi32>
        %mul3A_168 = arith.constant 64 : i32
        %mul3A_169 = arith.muli %scan3A_88, %mul3A_168 : i32
        %add3A_170 = arith.constant 1024 : i32
        %add3A_171 = arith.addi %add3A_170, %mul3A_169 : i32
        %add3A_172 = arith.constant 16 : i32
        %add3A_173 = arith.addi %add3A_171, %add3A_172 : i32
        %swap3A_174 = arith.index_cast %add3A_173 : i32 to index
        %swap3A_175 = tpu.vector_load %arg23[%swap3A_174] {strides = array<i32>} : memref<4096xi32, #tpu.memory_space<vmem>>, vector<16xi32>,
        tpu.vector_store %arg23[%swap3A_174], %add3A_167 {strides = array<i32>} : memref<4096xi32, #tpu.memory_space<vmem>>, vector<16xi32>,
        %add3A_176 = arith.constant 2 : i32
        %add3A_177 = vector.broadcast %add3A_176 : i32 to vector<16xi32>
        %add3A_178 = arith.addi %mul3A_153, %add3A_177 : vector<16xi32>
        %mul3A_179 = arith.constant 64 : i32
        %mul3A_180 = arith.muli %scan3A_88, %mul3A_179 : i32
        %add3A_181 = arith.constant 2048 : i32
        %add3A_182 = arith.addi %add3A_181, %mul3A_180 : i32
        %add3A_183 = arith.constant 16 : i32
        %add3A_184 = arith.addi %add3A_182, %add3A_183 : i32
        %swap3A_185 = arith.index_cast %add3A_184 : i32 to index
        %swap3A_186 = tpu.vector_load %arg23[%swap3A_185] {strides = array<i32>} : memref<4096xi32, #tpu.memory_space<vmem>>, vector<16xi32>,
        tpu.vector_store %arg23[%swap3A_185], %add3A_178 {strides = array<i32>} : memref<4096xi32, #tpu.memory_space<vmem>>, vector<16xi32>,
        %add3A_187 = arith.constant 3 : i32
        %add3A_188 = vector.broadcast %add3A_187 : i32 to vector<16xi32>
        %add3A_189 = arith.addi %mul3A_153, %add3A_188 : vector<16xi32>
        %mul3A_190 = arith.constant 64 : i32
        %mul3A_191 = arith.muli %scan3A_88, %mul3A_190 : i32
        %add3A_192 = arith.constant 3072 : i32
        %add3A_193 = arith.addi %add3A_192, %mul3A_191 : i32
        %add3A_194 = arith.constant 16 : i32
        %add3A_195 = arith.addi %add3A_193, %add3A_194 : i32
        %swap3A_196 = arith.index_cast %add3A_195 : i32 to index
        %swap3A_197 = tpu.vector_load %arg23[%swap3A_196] {strides = array<i32>} : memref<4096xi32, #tpu.memory_space<vmem>>, vector<16xi32>,
        tpu.vector_store %arg23[%swap3A_196], %add3A_189 {strides = array<i32>} : memref<4096xi32, #tpu.memory_space<vmem>>, vector<16xi32>,
        %mul3A_198 = arith.constant 64 : i32
        %mul3A_199 = arith.muli %scan3A_88, %mul3A_198 : i32
        %add3A_200 = arith.constant 32 : i32
        %add3A_201 = arith.addi %mul3A_199, %add3A_200 : i32
        %get3A_202 = arith.index_cast %add3A_201 : i32 to index
        %get3A_203 = tpu.vector_load %arg17[%get3A_202] {strides = array<i32>} : memref<1040xi32, #tpu.memory_space<vmem>>, vector<16xi32>,
        %swap3A_204 = arith.index_cast %add3A_201 : i32 to index
        %swap3A_205 = tpu.vector_load %arg22[%swap3A_204] {strides = array<i32>} : memref<1024xi32, #tpu.memory_space<vmem>>, vector<16xi32>,
        tpu.vector_store %arg22[%swap3A_204], %get3A_203 {strides = array<i32>} : memref<1024xi32, #tpu.memory_space<vmem>>, vector<16xi32>,
        %mul3A_206 = arith.constant 4 : i32
        %mul3A_207 = vector.broadcast %mul3A_206 : i32 to vector<16xi32>
        %mul3A_208 = arith.muli %get3A_203, %mul3A_207 : vector<16xi32>
        %add3A_209 = arith.constant 0 : i32
        %add3A_210 = vector.broadcast %add3A_209 : i32 to vector<16xi32>
        %add3A_211 = arith.addi %mul3A_208, %add3A_210 : vector<16xi32>
        %mul3A_212 = arith.constant 64 : i32
        %mul3A_213 = arith.muli %scan3A_88, %mul3A_212 : i32
        %add3A_214 = arith.constant 0 : i32
        %add3A_215 = arith.addi %add3A_214, %mul3A_213 : i32
        %add3A_216 = arith.constant 32 : i32
        %add3A_217 = arith.addi %add3A_215, %add3A_216 : i32
        %swap3A_218 = arith.index_cast %add3A_217 : i32 to index
        %swap3A_219 = tpu.vector_load %arg23[%swap3A_218] {strides = array<i32>} : memref<4096xi32, #tpu.memory_space<vmem>>, vector<16xi32>,
        tpu.vector_store %arg23[%swap3A_218], %add3A_211 {strides = array<i32>} : memref<4096xi32, #tpu.memory_space<vmem>>, vector<16xi32>,
        %add3A_220 = arith.constant 1 : i32
        %add3A_221 = vector.broadcast %add3A_220 : i32 to vector<16xi32>
        %add3A_222 = arith.addi %mul3A_208, %add3A_221 : vector<16xi32>
        %mul3A_223 = arith.constant 64 : i32
        %mul3A_224 = arith.muli %scan3A_88, %mul3A_223 : i32
        %add3A_225 = arith.constant 1024 : i32
        %add3A_226 = arith.addi %add3A_225, %mul3A_224 : i32
        %add3A_227 = arith.constant 32 : i32
        %add3A_228 = arith.addi %add3A_226, %add3A_227 : i32
        %swap3A_229 = arith.index_cast %add3A_228 : i32 to index
        %swap3A_230 = tpu.vector_load %arg23[%swap3A_229] {strides = array<i32>} : memref<4096xi32, #tpu.memory_space<vmem>>, vector<16xi32>,
        tpu.vector_store %arg23[%swap3A_229], %add3A_222 {strides = array<i32>} : memref<4096xi32, #tpu.memory_space<vmem>>, vector<16xi32>,
        %add3A_231 = arith.constant 2 : i32
        %add3A_232 = vector.broadcast %add3A_231 : i32 to vector<16xi32>
        %add3A_233 = arith.addi %mul3A_208, %add3A_232 : vector<16xi32>
        %mul3A_234 = arith.constant 64 : i32
        %mul3A_235 = arith.muli %scan3A_88, %mul3A_234 : i32
        %add3A_236 = arith.constant 2048 : i32
        %add3A_237 = arith.addi %add3A_236, %mul3A_235 : i32
        %add3A_238 = arith.constant 32 : i32
        %add3A_239 = arith.addi %add3A_237, %add3A_238 : i32
        %swap3A_240 = arith.index_cast %add3A_239 : i32 to index
        %swap3A_241 = tpu.vector_load %arg23[%swap3A_240] {strides = array<i32>} : memref<4096xi32, #tpu.memory_space<vmem>>, vector<16xi32>,
        tpu.vector_store %arg23[%swap3A_240], %add3A_233 {strides = array<i32>} : memref<4096xi32, #tpu.memory_space<vmem>>, vector<16xi32>,
        %add3A_242 = arith.constant 3 : i32
        %add3A_243 = vector.broadcast %add3A_242 : i32 to vector<16xi32>
        %add3A_244 = arith.addi %mul3A_208, %add3A_243 : vector<16xi32>
        %mul3A_245 = arith.constant 64 : i32
        %mul3A_246 = arith.muli %scan3A_88, %mul3A_245 : i32
        %add3A_247 = arith.constant 3072 : i32
        %add3A_248 = arith.addi %add3A_247, %mul3A_246 : i32
        %add3A_249 = arith.constant 32 : i32
        %add3A_250 = arith.addi %add3A_248, %add3A_249 : i32
        %swap3A_251 = arith.index_cast %add3A_250 : i32 to index
        %swap3A_252 = tpu.vector_load %arg23[%swap3A_251] {strides = array<i32>} : memref<4096xi32, #tpu.memory_space<vmem>>, vector<16xi32>,
        tpu.vector_store %arg23[%swap3A_251], %add3A_244 {strides = array<i32>} : memref<4096xi32, #tpu.memory_space<vmem>>, vector<16xi32>,
        %mul3A_253 = arith.constant 64 : i32
        %mul3A_254 = arith.muli %scan3A_88, %mul3A_253 : i32
        %add3A_255 = arith.constant 48 : i32
        %add3A_256 = arith.addi %mul3A_254, %add3A_255 : i32
        %get3A_257 = arith.index_cast %add3A_256 : i32 to index
        %get3A_258 = tpu.vector_load %arg17[%get3A_257] {strides = array<i32>} : memref<1040xi32, #tpu.memory_space<vmem>>, vector<16xi32>,
        %swap3A_259 = arith.index_cast %add3A_256 : i32 to index
        %swap3A_260 = tpu.vector_load %arg22[%swap3A_259] {strides = array<i32>} : memref<1024xi32, #tpu.memory_space<vmem>>, vector<16xi32>,
        tpu.vector_store %arg22[%swap3A_259], %get3A_258 {strides = array<i32>} : memref<1024xi32, #tpu.memory_space<vmem>>, vector<16xi32>,
        %mul3A_261 = arith.constant 4 : i32
        %mul3A_262 = vector.broadcast %mul3A_261 : i32 to vector<16xi32>
        %mul3A_263 = arith.muli %get3A_258, %mul3A_262 : vector<16xi32>
        %add3A_264 = arith.constant 0 : i32
        %add3A_265 = vector.broadcast %add3A_264 : i32 to vector<16xi32>
        %add3A_266 = arith.addi %mul3A_263, %add3A_265 : vector<16xi32>
        %mul3A_267 = arith.constant 64 : i32
        %mul3A_268 = arith.muli %scan3A_88, %mul3A_267 : i32
        %add3A_269 = arith.constant 0 : i32
        %add3A_270 = arith.addi %add3A_269, %mul3A_268 : i32
        %add3A_271 = arith.constant 48 : i32
        %add3A_272 = arith.addi %add3A_270, %add3A_271 : i32
        %swap3A_273 = arith.index_cast %add3A_272 : i32 to index
        %swap3A_274 = tpu.vector_load %arg23[%swap3A_273] {strides = array<i32>} : memref<4096xi32, #tpu.memory_space<vmem>>, vector<16xi32>,
        tpu.vector_store %arg23[%swap3A_273], %add3A_266 {strides = array<i32>} : memref<4096xi32, #tpu.memory_space<vmem>>, vector<16xi32>,
        %add3A_275 = arith.constant 1 : i32
        %add3A_276 = vector.broadcast %add3A_275 : i32 to vector<16xi32>
        %add3A_277 = arith.addi %mul3A_263, %add3A_276 : vector<16xi32>
        %mul3A_278 = arith.constant 64 : i32
        %mul3A_279 = arith.muli %scan3A_88, %mul3A_278 : i32
        %add3A_280 = arith.constant 1024 : i32
        %add3A_281 = arith.addi %add3A_280, %mul3A_279 : i32
        %add3A_282 = arith.constant 48 : i32
        %add3A_283 = arith.addi %add3A_281, %add3A_282 : i32
        %swap3A_284 = arith.index_cast %add3A_283 : i32 to index
        %swap3A_285 = tpu.vector_load %arg23[%swap3A_284] {strides = array<i32>} : memref<4096xi32, #tpu.memory_space<vmem>>, vector<16xi32>,
        tpu.vector_store %arg23[%swap3A_284], %add3A_277 {strides = array<i32>} : memref<4096xi32, #tpu.memory_space<vmem>>, vector<16xi32>,
        %add3A_286 = arith.constant 2 : i32
        %add3A_287 = vector.broadcast %add3A_286 : i32 to vector<16xi32>
        %add3A_288 = arith.addi %mul3A_263, %add3A_287 : vector<16xi32>
        %mul3A_289 = arith.constant 64 : i32
        %mul3A_290 = arith.muli %scan3A_88, %mul3A_289 : i32
        %add3A_291 = arith.constant 2048 : i32
        %add3A_292 = arith.addi %add3A_291, %mul3A_290 : i32
        %add3A_293 = arith.constant 48 : i32
        %add3A_294 = arith.addi %add3A_292, %add3A_293 : i32
        %swap3A_295 = arith.index_cast %add3A_294 : i32 to index
        %swap3A_296 = tpu.vector_load %arg23[%swap3A_295] {strides = array<i32>} : memref<4096xi32, #tpu.memory_space<vmem>>, vector<16xi32>,
        tpu.vector_store %arg23[%swap3A_295], %add3A_288 {strides = array<i32>} : memref<4096xi32, #tpu.memory_space<vmem>>, vector<16xi32>,
        %add3A_297 = arith.constant 3 : i32
        %add3A_298 = vector.broadcast %add3A_297 : i32 to vector<16xi32>
        %add3A_299 = arith.addi %mul3A_263, %add3A_298 : vector<16xi32>
        %mul3A_300 = arith.constant 64 : i32
        %mul3A_301 = arith.muli %scan3A_88, %mul3A_300 : i32
        %add3A_302 = arith.constant 3072 : i32
        %add3A_303 = arith.addi %add3A_302, %mul3A_301 : i32
        %add3A_304 = arith.constant 48 : i32
        %add3A_305 = arith.addi %add3A_303, %add3A_304 : i32
        %swap3A_306 = arith.index_cast %add3A_305 : i32 to index
        %swap3A_307 = tpu.vector_load %arg23[%swap3A_306] {strides = array<i32>} : memref<4096xi32, #tpu.memory_space<vmem>>, vector<16xi32>,
        tpu.vector_store %arg23[%swap3A_306], %add3A_299 {strides = array<i32>} : memref<4096xi32, #tpu.memory_space<vmem>>, vector<16xi32>,
      }
      %scan3A_59 = arith.constant 16 : i32
      %dma_start3A = arith.constant 0 : i32
      %dma_start3A_60 = tpu.memref_slice %arg5[%dma_start3A] : memref<1000000xf32, #tpu.memory_space<hbm>> -> memref<1000000xf32, #tpu.memory_space<hbm>>
      tpu.enqueue_indirect_dma source(%dma_start3A_60 : memref<1000000xf32, #tpu.memory_space<hbm>>) target(%arg24 : memref<1024xf32, #tpu.memory_space<vmem>>) offsets(%arg22 : memref<1024xi32, #tpu.memory_space<vmem>>) semaphore(%arg29 : memref<!tpu.dma_semaphore, #tpu.memory_space<semaphore_mem>>)
      %dma_start3A_61 = arith.constant 0 : i32
      %dma_start3A_62 = tpu.memref_slice %arg7[%dma_start3A_61] : memref<4000000xi32, #tpu.memory_space<hbm>> -> memref<4000000xi32, #tpu.memory_space<hbm>>
      tpu.enqueue_indirect_dma source(%dma_start3A_62 : memref<4000000xi32, #tpu.memory_space<hbm>>) target(%arg25 : memref<4096xi32, #tpu.memory_space<vmem>>) offsets(%arg23 : memref<4096xi32, #tpu.memory_space<vmem>>) semaphore(%arg30 : memref<!tpu.dma_semaphore, #tpu.memory_space<semaphore_mem>>)
      %dma_wait3A = arith.constant 0 : i32
      %dma_wait3A_63 = tpu.memref_slice %arg5[%dma_wait3A] : memref<1000000xf32, #tpu.memory_space<hbm>> -> memref<1000000xf32, #tpu.memory_space<hbm>>
      tpu.wait_indirect_dma semaphore(%arg29 : memref<!tpu.dma_semaphore, #tpu.memory_space<semaphore_mem>>) src(%dma_wait3A_63 : memref<1000000xf32, #tpu.memory_space<hbm>>) dst(%arg24 : memref<1024xf32, #tpu.memory_space<vmem>>)
      %dma_wait3A_64 = arith.constant 0 : i32
      %dma_wait3A_65 = tpu.memref_slice %arg7[%dma_wait3A_64] : memref<4000000xi32, #tpu.memory_space<hbm>> -> memref<4000000xi32, #tpu.memory_space<hbm>>
      tpu.wait_indirect_dma semaphore(%arg30 : memref<!tpu.dma_semaphore, #tpu.memory_space<semaphore_mem>>) src(%dma_wait3A_65 : memref<4000000xi32, #tpu.memory_space<hbm>>) dst(%arg25 : memref<4096xi32, #tpu.memory_space<vmem>>)
      %scan3A_66 = arith.constant 0 : i32
      %scan3A_67 = arith.constant 0 : i32
      %scan3A_68 = arith.constant 32 : i32
      %scan3A_69 = arith.addi %scan3A_67, %scan3A_68 : i32
      %scan3A_70 = arith.constant 1 : i32
      scf.for %scan3A_88 = %scan3A_67 to %scan3A_69 step %scan3A_70  : i32 {
        %mul3A_89 = arith.constant 32 : i32
        %mul3A_90 = arith.muli %scan3A_88, %mul3A_89 : i32
        %add3A_91 = arith.constant 0 : i32
        %add3A_92 = arith.addi %mul3A_90, %add3A_91 : i32
        %mul3A_93 = arith.constant 32 : i32
        %mul3A_94 = arith.muli %scan3A_88, %mul3A_93 : i32
        %add3A_95 = arith.constant 0 : i32
        %add3A_96 = arith.addi %mul3A_94, %add3A_95 : i32
        %add3A_97 = vector.broadcast %add3A_96 : i32 to vector<16xi32>
        %add3A_98 = arith.addi %add3A_97, %iota3A : vector<16xi32>
        %lt3A = vector.broadcast %scan3A_28#1 : i32 to vector<16xi32>
        %lt3A_99 = arith.cmpi slt, %add3A_98, %lt3A : vector<16xi32>
        %get3A = arith.index_cast %add3A_92 : i32 to index
        %get3A_100 = tpu.vector_load %arg19[%get3A] {strides = array<i32>} : memref<1040xf32, #tpu.memory_space<vmem>>, vector<16xf32>,
        %get3A_101 = arith.index_cast %add3A_92 : i32 to index
        %get3A_102 = tpu.vector_load %arg24[%get3A_101] {strides = array<i32>} : memref<1024xf32, #tpu.memory_space<vmem>>, vector<16xf32>,
        %mul3A_103 = arith.mulf %get3A_100, %get3A_102 : vector<16xf32>
        %jit3A_104 = arith.constant 0.000000e+00 : f32
        %broadcast_in_dim3A_105 = vector.broadcast %jit3A_104 : f32 to vector<16xf32>
        %select_n3A_106 = arith.select %lt3A_99, %mul3A_103, %broadcast_in_dim3A_105 : vector<16xi1>, vector<16xf32>
        %get3A_107 = arith.index_cast %add3A_92 : i32 to index
        %get3A_108 = tpu.vector_load %arg21[%get3A_107] {strides = array<i32>} : memref<1040xi32, #tpu.memory_space<vmem>>, vector<16xi32>,
        %mul3A_109 = arith.constant 4096 : i32
        %mul3A_110 = vector.broadcast %mul3A_109 : i32 to vector<16xi32>
        %mul3A_111 = arith.muli %get3A_108, %mul3A_110 : vector<16xi32>
        %mul3A_112 = arith.constant 32 : i32
        %mul3A_113 = arith.muli %scan3A_88, %mul3A_112 : i32
        %add3A_114 = arith.constant 0 : i32
        %add3A_115 = arith.addi %add3A_114, %mul3A_113 : i32
        %add3A_116 = arith.constant 0 : i32
        %add3A_117 = arith.addi %add3A_115, %add3A_116 : i32
        %get3A_118 = arith.index_cast %add3A_117 : i32 to index
        %get3A_119 = tpu.vector_load %arg25[%get3A_118] {strides = array<i32>} : memref<4096xi32, #tpu.memory_space<vmem>>, vector<16xi32>,
        %add3A_120 = arith.addi %mul3A_111, %get3A_119 : vector<16xi32>
        %swap3A_121 = arith.index_cast %add3A_117 : i32 to index
        %swap3A_122 = tpu.vector_load %arg26[%swap3A_121] {strides = array<i32>} : memref<4096xi32, #tpu.memory_space<vmem>>, vector<16xi32>,
        tpu.vector_store %arg26[%swap3A_121], %add3A_120 {strides = array<i32>} : memref<4096xi32, #tpu.memory_space<vmem>>, vector<16xi32>,
        %mul3A_123 = arith.constant 32 : i32
        %mul3A_124 = arith.muli %scan3A_88, %mul3A_123 : i32
        %add3A_125 = arith.constant 1024 : i32
        %add3A_126 = arith.addi %add3A_125, %mul3A_124 : i32
        %add3A_127 = arith.constant 0 : i32
        %add3A_128 = arith.addi %add3A_126, %add3A_127 : i32
        %get3A_129 = arith.index_cast %add3A_128 : i32 to index
        %get3A_130 = tpu.vector_load %arg25[%get3A_129] {strides = array<i32>} : memref<4096xi32, #tpu.memory_space<vmem>>, vector<16xi32>,
        %add3A_131 = arith.addi %mul3A_111, %get3A_130 : vector<16xi32>
        %swap3A_132 = arith.index_cast %add3A_128 : i32 to index
        %swap3A_133 = tpu.vector_load %arg26[%swap3A_132] {strides = array<i32>} : memref<4096xi32, #tpu.memory_space<vmem>>, vector<16xi32>,
        tpu.vector_store %arg26[%swap3A_132], %add3A_131 {strides = array<i32>} : memref<4096xi32, #tpu.memory_space<vmem>>, vector<16xi32>,
        %mul3A_134 = arith.constant 32 : i32
        %mul3A_135 = arith.muli %scan3A_88, %mul3A_134 : i32
        %add3A_136 = arith.constant 2048 : i32
        %add3A_137 = arith.addi %add3A_136, %mul3A_135 : i32
        %add3A_138 = arith.constant 0 : i32
        %add3A_139 = arith.addi %add3A_137, %add3A_138 : i32
        %get3A_140 = arith.index_cast %add3A_139 : i32 to index
        %get3A_141 = tpu.vector_load %arg25[%get3A_140] {strides = array<i32>} : memref<4096xi32, #tpu.memory_space<vmem>>, vector<16xi32>,
        %add3A_142 = arith.addi %mul3A_111, %get3A_141 : vector<16xi32>
        %swap3A_143 = arith.index_cast %add3A_139 : i32 to index
        %swap3A_144 = tpu.vector_load %arg26[%swap3A_143] {strides = array<i32>} : memref<4096xi32, #tpu.memory_space<vmem>>, vector<16xi32>,
        tpu.vector_store %arg26[%swap3A_143], %add3A_142 {strides = array<i32>} : memref<4096xi32, #tpu.memory_space<vmem>>, vector<16xi32>,
        %mul3A_145 = arith.constant 32 : i32
        %mul3A_146 = arith.muli %scan3A_88, %mul3A_145 : i32
        %add3A_147 = arith.constant 3072 : i32
        %add3A_148 = arith.addi %add3A_147, %mul3A_146 : i32
        %add3A_149 = arith.constant 0 : i32
        %add3A_150 = arith.addi %add3A_148, %add3A_149 : i32
        %get3A_151 = arith.index_cast %add3A_150 : i32 to index
        %get3A_152 = tpu.vector_load %arg25[%get3A_151] {strides = array<i32>} : memref<4096xi32, #tpu.memory_space<vmem>>, vector<16xi32>,
        %add3A_153 = arith.addi %mul3A_111, %get3A_152 : vector<16xi32>
        %swap3A_154 = arith.index_cast %add3A_150 : i32 to index
        %swap3A_155 = tpu.vector_load %arg26[%swap3A_154] {strides = array<i32>} : memref<4096xi32, #tpu.memory_space<vmem>>, vector<16xi32>,
        tpu.vector_store %arg26[%swap3A_154], %add3A_153 {strides = array<i32>} : memref<4096xi32, #tpu.memory_space<vmem>>, vector<16xi32>,
        %swap3A_156 = arith.index_cast %add3A_92 : i32 to index
        %swap3A_157 = tpu.vector_load %arg27[%swap3A_156] {strides = array<i32>} : memref<1024xf32, #tpu.memory_space<vmem>>, vector<16xf32>,
        tpu.vector_store %arg27[%swap3A_156], %select_n3A_106 {strides = array<i32>} : memref<1024xf32, #tpu.memory_space<vmem>>, vector<16xf32>,
        %mul3A_158 = arith.constant 32 : i32
        %mul3A_159 = arith.muli %scan3A_88, %mul3A_158 : i32
        %add3A_160 = arith.constant 16 : i32
        %add3A_161 = arith.addi %mul3A_159, %add3A_160 : i32
        %mul3A_162 = arith.constant 32 : i32
        %mul3A_163 = arith.muli %scan3A_88, %mul3A_162 : i32
        %add3A_164 = arith.constant 16 : i32
        %add3A_165 = arith.addi %mul3A_163, %add3A_164 : i32
        %add3A_166 = vector.broadcast %add3A_165 : i32 to vector<16xi32>
        %add3A_167 = arith.addi %add3A_166, %iota3A : vector<16xi32>
        %lt3A_168 = vector.broadcast %scan3A_28#1 : i32 to vector<16xi32>
        %lt3A_169 = arith.cmpi slt, %add3A_167, %lt3A_168 : vector<16xi32>
        %get3A_170 = arith.index_cast %add3A_161 : i32 to index
        %get3A_171 = tpu.vector_load %arg19[%get3A_170] {strides = array<i32>} : memref<1040xf32, #tpu.memory_space<vmem>>, vector<16xf32>,
        %get3A_172 = arith.index_cast %add3A_161 : i32 to index
        %get3A_173 = tpu.vector_load %arg24[%get3A_172] {strides = array<i32>} : memref<1024xf32, #tpu.memory_space<vmem>>, vector<16xf32>,
        %mul3A_174 = arith.mulf %get3A_171, %get3A_173 : vector<16xf32>
        %jit3A_175 = arith.constant 0.000000e+00 : f32
        %broadcast_in_dim3A_176 = vector.broadcast %jit3A_175 : f32 to vector<16xf32>
        %select_n3A_177 = arith.select %lt3A_169, %mul3A_174, %broadcast_in_dim3A_176 : vector<16xi1>, vector<16xf32>
        %get3A_178 = arith.index_cast %add3A_161 : i32 to index
        %get3A_179 = tpu.vector_load %arg21[%get3A_178] {strides = array<i32>} : memref<1040xi32, #tpu.memory_space<vmem>>, vector<16xi32>,
        %mul3A_180 = arith.constant 4096 : i32
        %mul3A_181 = vector.broadcast %mul3A_180 : i32 to vector<16xi32>
        %mul3A_182 = arith.muli %get3A_179, %mul3A_181 : vector<16xi32>
        %mul3A_183 = arith.constant 32 : i32
        %mul3A_184 = arith.muli %scan3A_88, %mul3A_183 : i32
        %add3A_185 = arith.constant 0 : i32
        %add3A_186 = arith.addi %add3A_185, %mul3A_184 : i32
        %add3A_187 = arith.constant 16 : i32
        %add3A_188 = arith.addi %add3A_186, %add3A_187 : i32
        %get3A_189 = arith.index_cast %add3A_188 : i32 to index
        %get3A_190 = tpu.vector_load %arg25[%get3A_189] {strides = array<i32>} : memref<4096xi32, #tpu.memory_space<vmem>>, vector<16xi32>,
        %add3A_191 = arith.addi %mul3A_182, %get3A_190 : vector<16xi32>
        %swap3A_192 = arith.index_cast %add3A_188 : i32 to index
        %swap3A_193 = tpu.vector_load %arg26[%swap3A_192] {strides = array<i32>} : memref<4096xi32, #tpu.memory_space<vmem>>, vector<16xi32>,
        tpu.vector_store %arg26[%swap3A_192], %add3A_191 {strides = array<i32>} : memref<4096xi32, #tpu.memory_space<vmem>>, vector<16xi32>,
        %mul3A_194 = arith.constant 32 : i32
        %mul3A_195 = arith.muli %scan3A_88, %mul3A_194 : i32
        %add3A_196 = arith.constant 1024 : i32
        %add3A_197 = arith.addi %add3A_196, %mul3A_195 : i32
        %add3A_198 = arith.constant 16 : i32
        %add3A_199 = arith.addi %add3A_197, %add3A_198 : i32
        %get3A_200 = arith.index_cast %add3A_199 : i32 to index
        %get3A_201 = tpu.vector_load %arg25[%get3A_200] {strides = array<i32>} : memref<4096xi32, #tpu.memory_space<vmem>>, vector<16xi32>,
        %add3A_202 = arith.addi %mul3A_182, %get3A_201 : vector<16xi32>
        %swap3A_203 = arith.index_cast %add3A_199 : i32 to index
        %swap3A_204 = tpu.vector_load %arg26[%swap3A_203] {strides = array<i32>} : memref<4096xi32, #tpu.memory_space<vmem>>, vector<16xi32>,
        tpu.vector_store %arg26[%swap3A_203], %add3A_202 {strides = array<i32>} : memref<4096xi32, #tpu.memory_space<vmem>>, vector<16xi32>,
        %mul3A_205 = arith.constant 32 : i32
        %mul3A_206 = arith.muli %scan3A_88, %mul3A_205 : i32
        %add3A_207 = arith.constant 2048 : i32
        %add3A_208 = arith.addi %add3A_207, %mul3A_206 : i32
        %add3A_209 = arith.constant 16 : i32
        %add3A_210 = arith.addi %add3A_208, %add3A_209 : i32
        %get3A_211 = arith.index_cast %add3A_210 : i32 to index
        %get3A_212 = tpu.vector_load %arg25[%get3A_211] {strides = array<i32>} : memref<4096xi32, #tpu.memory_space<vmem>>, vector<16xi32>,
        %add3A_213 = arith.addi %mul3A_182, %get3A_212 : vector<16xi32>
        %swap3A_214 = arith.index_cast %add3A_210 : i32 to index
        %swap3A_215 = tpu.vector_load %arg26[%swap3A_214] {strides = array<i32>} : memref<4096xi32, #tpu.memory_space<vmem>>, vector<16xi32>,
        tpu.vector_store %arg26[%swap3A_214], %add3A_213 {strides = array<i32>} : memref<4096xi32, #tpu.memory_space<vmem>>, vector<16xi32>,
        %mul3A_216 = arith.constant 32 : i32
        %mul3A_217 = arith.muli %scan3A_88, %mul3A_216 : i32
        %add3A_218 = arith.constant 3072 : i32
        %add3A_219 = arith.addi %add3A_218, %mul3A_217 : i32
        %add3A_220 = arith.constant 16 : i32
        %add3A_221 = arith.addi %add3A_219, %add3A_220 : i32
        %get3A_222 = arith.index_cast %add3A_221 : i32 to index
        %get3A_223 = tpu.vector_load %arg25[%get3A_222] {strides = array<i32>} : memref<4096xi32, #tpu.memory_space<vmem>>, vector<16xi32>,
        %add3A_224 = arith.addi %mul3A_182, %get3A_223 : vector<16xi32>
        %swap3A_225 = arith.index_cast %add3A_221 : i32 to index
        %swap3A_226 = tpu.vector_load %arg26[%swap3A_225] {strides = array<i32>} : memref<4096xi32, #tpu.memory_space<vmem>>, vector<16xi32>,
        tpu.vector_store %arg26[%swap3A_225], %add3A_224 {strides = array<i32>} : memref<4096xi32, #tpu.memory_space<vmem>>, vector<16xi32>,
        %swap3A_227 = arith.index_cast %add3A_161 : i32 to index
        %swap3A_228 = tpu.vector_load %arg27[%swap3A_227] {strides = array<i32>} : memref<1024xf32, #tpu.memory_space<vmem>>, vector<16xf32>,
        tpu.vector_store %arg27[%swap3A_227], %select_n3A_177 {strides = array<i32>} : memref<1024xf32, #tpu.memory_space<vmem>>, vector<16xf32>,
      }
      %scan3A_71 = arith.constant 32 : i32
      %mul3A_72 = arith.constant 4096 : i32
      %mul3A_73 = arith.muli %scan3A_28#3, %mul3A_72 : i32
      %run_scoped3A = arith.constant 1 : i32
      "tpu.region"() ({
        %run_scoped3A_88 = tpu.sem_alloc : memref<!tpu.dma_semaphore, #tpu.memory_space<semaphore_mem>>
        %dma_start3A_89 = tpu.memref_slice %arg8[%run_scoped3A, %add3A, %mul3A_73] : memref<2x32x131072xi32, #tpu.memory_space<hbm>> -> memref<1x1x4096xi32, #tpu.memory_space<hbm>>
        %dma_start3A_90 = tpu.memref_squeeze %dma_start3A_89 : memref<1x1x4096xi32, #tpu.memory_space<hbm>> -> memref<4096xi32, #tpu.memory_space<hbm>>
        %dma_start3A_91 = tpu.memref_slice %arg8[%run_scoped3A, %add3A, %mul3A_73] : memref<2x32x131072xi32, #tpu.memory_space<hbm>> -> memref<1x1x4096xi32, #tpu.memory_space<hbm>>
        %dma_start3A_92 = tpu.memref_squeeze %dma_start3A_91 : memref<1x1x4096xi32, #tpu.memory_space<hbm>> -> memref<4096xi32, #tpu.memory_space<hbm>>
        tpu.enqueue_dma source(%arg26 : memref<4096xi32, #tpu.memory_space<vmem>>) target(%dma_start3A_92 : memref<4096xi32, #tpu.memory_space<hbm>>) target_semaphore(%run_scoped3A_88 : memref<!tpu.dma_semaphore, #tpu.memory_space<semaphore_mem>>)
        %dma_wait3A_93 = tpu.memref_slice %arg8[%run_scoped3A, %add3A, %mul3A_73] : memref<2x32x131072xi32, #tpu.memory_space<hbm>> -> memref<1x1x4096xi32, #tpu.memory_space<hbm>>
        %dma_wait3A_94 = tpu.memref_squeeze %dma_wait3A_93 : memref<1x1x4096xi32, #tpu.memory_space<hbm>> -> memref<4096xi32, #tpu.memory_space<hbm>>
        %dma_wait3A_95 = tpu.memref_slice %arg8[%run_scoped3A, %add3A, %mul3A_73] : memref<2x32x131072xi32, #tpu.memory_space<hbm>> -> memref<1x1x4096xi32, #tpu.memory_space<hbm>>
        %dma_wait3A_96 = tpu.memref_squeeze %dma_wait3A_95 : memref<1x1x4096xi32, #tpu.memory_space<hbm>> -> memref<4096xi32, #tpu.memory_space<hbm>>
        tpu.wait_dma2 semaphore(%run_scoped3A_88 : memref<!tpu.dma_semaphore, #tpu.memory_space<semaphore_mem>>) src(%arg26 : memref<4096xi32, #tpu.memory_space<vmem>>) dst(%dma_wait3A_96 : memref<4096xi32, #tpu.memory_space<hbm>>)
        tpu.yield
      }) : () -> ()
      %add3A_74 = arith.constant 0 : i32
      %add3A_75 = arith.addi %mul3A_73, %add3A_74 : i32
      %run_scoped3A_76 = arith.constant 1 : i32
      "tpu.region"() ({
        %run_scoped3A_88 = tpu.sem_alloc : memref<!tpu.dma_semaphore, #tpu.memory_space<semaphore_mem>>
        %dma_start3A_89 = tpu.memref_slice %arg9[%run_scoped3A_76, %add3A, %add3A_75] : memref<2x32x131072xf32, #tpu.memory_space<hbm>> -> memref<1x1x1024xf32, #tpu.memory_space<hbm>>
        %dma_start3A_90 = tpu.memref_squeeze %dma_start3A_89 : memref<1x1x1024xf32, #tpu.memory_space<hbm>> -> memref<1024xf32, #tpu.memory_space<hbm>>
        %dma_start3A_91 = tpu.memref_slice %arg9[%run_scoped3A_76, %add3A, %add3A_75] : memref<2x32x131072xf32, #tpu.memory_space<hbm>> -> memref<1x1x1024xf32, #tpu.memory_space<hbm>>
        %dma_start3A_92 = tpu.memref_squeeze %dma_start3A_91 : memref<1x1x1024xf32, #tpu.memory_space<hbm>> -> memref<1024xf32, #tpu.memory_space<hbm>>
        tpu.enqueue_dma source(%arg27 : memref<1024xf32, #tpu.memory_space<vmem>>) target(%dma_start3A_92 : memref<1024xf32, #tpu.memory_space<hbm>>) target_semaphore(%run_scoped3A_88 : memref<!tpu.dma_semaphore, #tpu.memory_space<semaphore_mem>>)
        %dma_wait3A_93 = tpu.memref_slice %arg9[%run_scoped3A_76, %add3A, %add3A_75] : memref<2x32x131072xf32, #tpu.memory_space<hbm>> -> memref<1x1x1024xf32, #tpu.memory_space<hbm>>
        %dma_wait3A_94 = tpu.memref_squeeze %dma_wait3A_93 : memref<1x1x1024xf32, #tpu.memory_space<hbm>> -> memref<1024xf32, #tpu.memory_space<hbm>>
        %dma_wait3A_95 = tpu.memref_slice %arg9[%run_scoped3A_76, %add3A, %add3A_75] : memref<2x32x131072xf32, #tpu.memory_space<hbm>> -> memref<1x1x1024xf32, #tpu.memory_space<hbm>>
        %dma_wait3A_96 = tpu.memref_squeeze %dma_wait3A_95 : memref<1x1x1024xf32, #tpu.memory_space<hbm>> -> memref<1024xf32, #tpu.memory_space<hbm>>
        tpu.wait_dma2 semaphore(%run_scoped3A_88 : memref<!tpu.dma_semaphore, #tpu.memory_space<semaphore_mem>>) src(%arg27 : memref<1024xf32, #tpu.memory_space<vmem>>) dst(%dma_wait3A_96 : memref<1024xf32, #tpu.memory_space<hbm>>)
        tpu.yield
      }) : () -> ()
      %add3A_77 = arith.constant 1024 : i32
      %add3A_78 = arith.addi %mul3A_73, %add3A_77 : i32
      %run_scoped3A_79 = arith.constant 1 : i32
      "tpu.region"() ({
        %run_scoped3A_88 = tpu.sem_alloc : memref<!tpu.dma_semaphore, #tpu.memory_space<semaphore_mem>>
        %dma_start3A_89 = tpu.memref_slice %arg9[%run_scoped3A_79, %add3A, %add3A_78] : memref<2x32x131072xf32, #tpu.memory_space<hbm>> -> memref<1x1x1024xf32, #tpu.memory_space<hbm>>
        %dma_start3A_90 = tpu.memref_squeeze %dma_start3A_89 : memref<1x1x1024xf32, #tpu.memory_space<hbm>> -> memref<1024xf32, #tpu.memory_space<hbm>>
        %dma_start3A_91 = tpu.memref_slice %arg9[%run_scoped3A_79, %add3A, %add3A_78] : memref<2x32x131072xf32, #tpu.memory_space<hbm>> -> memref<1x1x1024xf32, #tpu.memory_space<hbm>>
        %dma_start3A_92 = tpu.memref_squeeze %dma_start3A_91 : memref<1x1x1024xf32, #tpu.memory_space<hbm>> -> memref<1024xf32, #tpu.memory_space<hbm>>
        tpu.enqueue_dma source(%arg27 : memref<1024xf32, #tpu.memory_space<vmem>>) target(%dma_start3A_92 : memref<1024xf32, #tpu.memory_space<hbm>>) target_semaphore(%run_scoped3A_88 : memref<!tpu.dma_semaphore, #tpu.memory_space<semaphore_mem>>)
        %dma_wait3A_93 = tpu.memref_slice %arg9[%run_scoped3A_79, %add3A, %add3A_78] : memref<2x32x131072xf32, #tpu.memory_space<hbm>> -> memref<1x1x1024xf32, #tpu.memory_space<hbm>>
        %dma_wait3A_94 = tpu.memref_squeeze %dma_wait3A_93 : memref<1x1x1024xf32, #tpu.memory_space<hbm>> -> memref<1024xf32, #tpu.memory_space<hbm>>
        %dma_wait3A_95 = tpu.memref_slice %arg9[%run_scoped3A_79, %add3A, %add3A_78] : memref<2x32x131072xf32, #tpu.memory_space<hbm>> -> memref<1x1x1024xf32, #tpu.memory_space<hbm>>
        %dma_wait3A_96 = tpu.memref_squeeze %dma_wait3A_95 : memref<1x1x1024xf32, #tpu.memory_space<hbm>> -> memref<1024xf32, #tpu.memory_space<hbm>>
        tpu.wait_dma2 semaphore(%run_scoped3A_88 : memref<!tpu.dma_semaphore, #tpu.memory_space<semaphore_mem>>) src(%arg27 : memref<1024xf32, #tpu.memory_space<vmem>>) dst(%dma_wait3A_96 : memref<1024xf32, #tpu.memory_space<hbm>>)
        tpu.yield
      }) : () -> ()
      %add3A_80 = arith.constant 2048 : i32
      %add3A_81 = arith.addi %mul3A_73, %add3A_80 : i32
      %run_scoped3A_82 = arith.constant 1 : i32
      "tpu.region"() ({
        %run_scoped3A_88 = tpu.sem_alloc : memref<!tpu.dma_semaphore, #tpu.memory_space<semaphore_mem>>
        %dma_start3A_89 = tpu.memref_slice %arg9[%run_scoped3A_82, %add3A, %add3A_81] : memref<2x32x131072xf32, #tpu.memory_space<hbm>> -> memref<1x1x1024xf32, #tpu.memory_space<hbm>>
        %dma_start3A_90 = tpu.memref_squeeze %dma_start3A_89 : memref<1x1x1024xf32, #tpu.memory_space<hbm>> -> memref<1024xf32, #tpu.memory_space<hbm>>
        %dma_start3A_91 = tpu.memref_slice %arg9[%run_scoped3A_82, %add3A, %add3A_81] : memref<2x32x131072xf32, #tpu.memory_space<hbm>> -> memref<1x1x1024xf32, #tpu.memory_space<hbm>>
        %dma_start3A_92 = tpu.memref_squeeze %dma_start3A_91 : memref<1x1x1024xf32, #tpu.memory_space<hbm>> -> memref<1024xf32, #tpu.memory_space<hbm>>
        tpu.enqueue_dma source(%arg27 : memref<1024xf32, #tpu.memory_space<vmem>>) target(%dma_start3A_92 : memref<1024xf32, #tpu.memory_space<hbm>>) target_semaphore(%run_scoped3A_88 : memref<!tpu.dma_semaphore, #tpu.memory_space<semaphore_mem>>)
        %dma_wait3A_93 = tpu.memref_slice %arg9[%run_scoped3A_82, %add3A, %add3A_81] : memref<2x32x131072xf32, #tpu.memory_space<hbm>> -> memref<1x1x1024xf32, #tpu.memory_space<hbm>>
        %dma_wait3A_94 = tpu.memref_squeeze %dma_wait3A_93 : memref<1x1x1024xf32, #tpu.memory_space<hbm>> -> memref<1024xf32, #tpu.memory_space<hbm>>
        %dma_wait3A_95 = tpu.memref_slice %arg9[%run_scoped3A_82, %add3A, %add3A_81] : memref<2x32x131072xf32, #tpu.memory_space<hbm>> -> memref<1x1x1024xf32, #tpu.memory_space<hbm>>
        %dma_wait3A_96 = tpu.memref_squeeze %dma_wait3A_95 : memref<1x1x1024xf32, #tpu.memory_space<hbm>> -> memref<1024xf32, #tpu.memory_space<hbm>>
        tpu.wait_dma2 semaphore(%run_scoped3A_88 : memref<!tpu.dma_semaphore, #tpu.memory_space<semaphore_mem>>) src(%arg27 : memref<1024xf32, #tpu.memory_space<vmem>>) dst(%dma_wait3A_96 : memref<1024xf32, #tpu.memory_space<hbm>>)
        tpu.yield
      }) : () -> ()
      %add3A_83 = arith.constant 3072 : i32
      %add3A_84 = arith.addi %mul3A_73, %add3A_83 : i32
      %run_scoped3A_85 = arith.constant 1 : i32
      "tpu.region"() ({
        %run_scoped3A_88 = tpu.sem_alloc : memref<!tpu.dma_semaphore, #tpu.memory_space<semaphore_mem>>
        %dma_start3A_89 = tpu.memref_slice %arg9[%run_scoped3A_85, %add3A, %add3A_84] : memref<2x32x131072xf32, #tpu.memory_space<hbm>> -> memref<1x1x1024xf32, #tpu.memory_space<hbm>>
        %dma_start3A_90 = tpu.memref_squeeze %dma_start3A_89 : memref<1x1x1024xf32, #tpu.memory_space<hbm>> -> memref<1024xf32, #tpu.memory_space<hbm>>
        %dma_start3A_91 = tpu.memref_slice %arg9[%run_scoped3A_85, %add3A, %add3A_84] : memref<2x32x131072xf32, #tpu.memory_space<hbm>> -> memref<1x1x1024xf32, #tpu.memory_space<hbm>>
        %dma_start3A_92 = tpu.memref_squeeze %dma_start3A_91 : memref<1x1x1024xf32, #tpu.memory_space<hbm>> -> memref<1024xf32, #tpu.memory_space<hbm>>
        tpu.enqueue_dma source(%arg27 : memref<1024xf32, #tpu.memory_space<vmem>>) target(%dma_start3A_92 : memref<1024xf32, #tpu.memory_space<hbm>>) target_semaphore(%run_scoped3A_88 : memref<!tpu.dma_semaphore, #tpu.memory_space<semaphore_mem>>)
        %dma_wait3A_93 = tpu.memref_slice %arg9[%run_scoped3A_85, %add3A, %add3A_84] : memref<2x32x131072xf32, #tpu.memory_space<hbm>> -> memref<1x1x1024xf32, #tpu.memory_space<hbm>>
        %dma_wait3A_94 = tpu.memref_squeeze %dma_wait3A_93 : memref<1x1x1024xf32, #tpu.memory_space<hbm>> -> memref<1024xf32, #tpu.memory_space<hbm>>
        %dma_wait3A_95 = tpu.memref_slice %arg9[%run_scoped3A_85, %add3A, %add3A_84] : memref<2x32x131072xf32, #tpu.memory_space<hbm>> -> memref<1x1x1024xf32, #tpu.memory_space<hbm>>
        %dma_wait3A_96 = tpu.memref_squeeze %dma_wait3A_95 : memref<1x1x1024xf32, #tpu.memory_space<hbm>> -> memref<1024xf32, #tpu.memory_space<hbm>>
        tpu.wait_dma2 semaphore(%run_scoped3A_88 : memref<!tpu.dma_semaphore, #tpu.memory_space<semaphore_mem>>) src(%arg27 : memref<1024xf32, #tpu.memory_space<vmem>>) dst(%dma_wait3A_96 : memref<1024xf32, #tpu.memory_space<hbm>>)
        tpu.yield
      }) : () -> ()
      %add3A_86 = arith.constant 1 : i32
      %add3A_87 = arith.addi %scan3A_28#3, %add3A_86 : i32
      scf.yield %add3A_87 : i32
    } else {
      scf.yield %scan3A_28#3 : i32
    }
    %eq3A = arith.constant 0 : i32
    %eq3A_39 = vector.broadcast %eq3A : i32 to vector<16xi32>
    %eq3A_40 = arith.cmpi eq, %iota3A, %eq3A_39 : vector<16xi32>
    %eq3A_41 = arith.constant 1 : i32
    %eq3A_42 = vector.broadcast %eq3A_41 : i32 to vector<16xi32>
    %eq3A_43 = arith.cmpi eq, %iota3A, %eq3A_42 : vector<16xi32>
    %jit3A = arith.constant 0 : i32
    %broadcast_in_dim3A = vector.broadcast %cond3A_38 : i32 to vector<16xi32>
    %broadcast_in_dim3A_44 = vector.broadcast %jit3A : i32 to vector<16xi32>
    %select_n3A = arith.select %eq3A_43, %broadcast_in_dim3A, %broadcast_in_dim3A_44 : vector<16xi1>, vector<16xi32>
    %broadcast_in_dim3A_45 = vector.broadcast %cond3A_32 : i32 to vector<16xi32>
    %select_n3A_46 = arith.select %eq3A_40, %broadcast_in_dim3A_45, %select_n3A : vector<16xi1>, vector<16xi32>
    %scan3A_47 = arith.constant 0 : i32
    %scan3A_48 = arith.constant 0 : i32
    %scan3A_49 = arith.constant 8 : i32
    %scan3A_50 = arith.addi %scan3A_48, %scan3A_49 : i32
    %scan3A_51 = arith.constant 1 : i32
    scf.for %scan3A_54 = %scan3A_48 to %scan3A_50 step %scan3A_51  : i32 {
      %broadcast_in_dim3A_55 = arith.constant 0 : i32
      %broadcast_in_dim3A_56 = vector.broadcast %broadcast_in_dim3A_55 : i32 to vector<16xi32>
      %mul3A_57 = arith.constant 16 : i32
      %mul3A_58 = arith.muli %scan3A_54, %mul3A_57 : i32
      %swap3A_59 = arith.index_cast %mul3A_58 : i32 to index
      %swap3A_60 = tpu.vector_load %arg28[%swap3A_59] {strides = array<i32>} : memref<128xi32, #tpu.memory_space<vmem>>, vector<16xi32>,
      tpu.vector_store %arg28[%swap3A_59], %broadcast_in_dim3A_56 {strides = array<i32>} : memref<128xi32, #tpu.memory_space<vmem>>, vector<16xi32>,
    }
    %scan3A_52 = arith.constant 8 : i32
    %swap3A = arith.constant 0 : index
    %swap3A_53 = tpu.vector_load %arg28[%swap3A] {strides = array<i32>} : memref<128xi32, #tpu.memory_space<vmem>>, vector<16xi32>,
    tpu.vector_store %arg28[%swap3A], %select_n3A_46 {strides = array<i32>} : memref<128xi32, #tpu.memory_space<vmem>>, vector<16xi32>,
    "tpu.region"() ({
      %run_scoped3A = tpu.sem_alloc : memref<!tpu.dma_semaphore, #tpu.memory_space<semaphore_mem>>
      %dma_start3A = arith.constant 0 : i32
      %dma_start3A_54 = tpu.memref_slice %arg10[%add3A, %dma_start3A] : memref<32x128xi32, #tpu.memory_space<hbm>> -> memref<1x128xi32, #tpu.memory_space<hbm>>
      %dma_start3A_55 = tpu.memref_squeeze %dma_start3A_54 : memref<1x128xi32, #tpu.memory_space<hbm>> -> memref<128xi32, #tpu.memory_space<hbm>>
      %dma_start3A_56 = arith.constant 0 : i32
      %dma_start3A_57 = tpu.memref_slice %arg10[%add3A, %dma_start3A_56] : memref<32x128xi32, #tpu.memory_space<hbm>> -> memref<1x128xi32, #tpu.memory_space<hbm>>
      %dma_start3A_58 = tpu.memref_squeeze %dma_start3A_57 : memref<1x128xi32, #tpu.memory_space<hbm>> -> memref<128xi32, #tpu.memory_space<hbm>>
      tpu.enqueue_dma source(%arg28 : memref<128xi32, #tpu.memory_space<vmem>>) target(%dma_start3A_58 : memref<128xi32, #tpu.memory_space<hbm>>) target_semaphore(%run_scoped3A : memref<!tpu.dma_semaphore, #tpu.memory_space<semaphore_mem>>)
      %dma_wait3A = arith.constant 0 : i32
      %dma_wait3A_59 = tpu.memref_slice %arg10[%add3A, %dma_wait3A] : memref<32x128xi32, #tpu.memory_space<hbm>> -> memref<1x128xi32, #tpu.memory_space<hbm>>
      %dma_wait3A_60 = tpu.memref_squeeze %dma_wait3A_59 : memref<1x128xi32, #tpu.memory_space<hbm>> -> memref<128xi32, #tpu.memory_space<hbm>>
      %dma_wait3A_61 = arith.constant 0 : i32
      %dma_wait3A_62 = tpu.memref_slice %arg10[%add3A, %dma_wait3A_61] : memref<32x128xi32, #tpu.memory_space<hbm>> -> memref<1x128xi32, #tpu.memory_space<hbm>>
      %dma_wait3A_63 = tpu.memref_squeeze %dma_wait3A_62 : memref<1x128xi32, #tpu.memory_space<hbm>> -> memref<128xi32, #tpu.memory_space<hbm>>
      tpu.wait_dma2 semaphore(%run_scoped3A : memref<!tpu.dma_semaphore, #tpu.memory_space<semaphore_mem>>) src(%arg28 : memref<128xi32, #tpu.memory_space<vmem>>) dst(%dma_wait3A_63 : memref<128xi32, #tpu.memory_space<hbm>>)
      tpu.yield
    }) : () -> ()
    return
  }
}

</mosaic_0001>

<sc_bundles>
// kernel: kernel.4.cloned.1.call-start
scs
__scs_entry_jumppad:
0x0: {  	(pc) =	sbr.rel $0x88, $3  }
0x1: {  	(tag) =	ssettag $0x0;
	lr =	simm.s32 $0x1  }
0x2: {  	[smem:$0x3F9C] =	sst lr;
	_ =	strace $0xD0000000  }
0x3: {  	_ = 	snop  }
0x4: {  	_ = 	snop  }
0x5: {  	_ = 	snop  }
0x6: {  	_ = 	snop  }
0x7: {  	_ = 	snop  }
__scs_overlays_trampoline_lowered:
0x8: {  	[smem:$0x3FAB] =	sst s0  }
0x9: {  	[smem:$0x3FAC] =	sst s1  }
0xa: {  	[smem:$0x3FAD] =	sst s2  }
0xb: {  	[smem:$0x3FAE] =	sst s3  }
0xc: {  	[smem:$0x3FAF] =	sst s4  }
0xd: {  	[smem:$0x3FB0] =	sst s5  }
0xe: {  	[smem:$0x3FB1] =	sst s6  }
0xf: {  	[smem:$0x3FB2] =	sst s7  }
0x10: {  	[smem:$0x3FB3] =	sst s8  }
0x11: {  	[smem:$0x3FB4] =	sst s9;
	s0 =	simm.s32 @!p0 $0x0  }
0x12: {  	s1 =	sld [smem:$0x3F9A];
	s0 =	simm.s32 @p0 $0x1  }
0x13: {  	[smem:$0x3FB5] =	sst s0;
	s0 =	simm.s32 @!p1 $0x0  }
0x14: {  	s2 =	sld [smem:$0x3F99];
	s0 =	simm.s32 @p1 $0x1  }
0x15: {  	[smem:$0x3FB6] =	sst s0;
	s0 =	simm.s32 @!p2 $0x0  }
0x16: {  	s3 =	sld [smem:$0x3FDB];
	s0 =	simm.s32 @p2 $0x1  }
0x17: {  	s4 =	simm.s32 $0x1BF5;
	[smem:$0x3FB8] =	sst s0  }
0x18: {  	s0 =	sld [smem:$0x3F9B];
	_ =	swait.ge [sflag:s4], $0x0  }
0x19: {  	s7 =	sld [smem:$0x3F9C]  }
0x1a: {  	s8 =	sadd.s32 $0xFFFFE003, lr  }
0x1b: {  	s9 =	sadd.s32 $0xFFFFFEF7, lr;
	s5 =	simm.s32 $0xFFFFFFFF;
	p2 =	slt.u32 s8, $0xFFFFF086  }
0x1c: {  	p1 =	slt.u32 s9, $0xF7A;
	s5 =	simm.s32 @!p2 $0x0  }
0x1d: {  	s5 =	simm.s32 @p1 $0x1;
	p0 =	seq.s32 s7, s2  }
0x1e: {  	s7 =	smul.u32 @!p0 $0xF7A, s2;
	p2 =	seq.s32 @!p0 s5, $0x0  }
0x1f: {  	s9 =	smul.u32 $0xF7A, s1;
	s8 =	simm.s32 @!p0 $0x1BF5;
	p2 =	por !p2, p0  }
0x20: {  	[sflag:s8] =	ssyncset.s32 @!p0 $0xFFFFF086;
	s6 =	sadd.s32 @!p0 s3, s7;
	s7 =	simm.s32 @!p0 $0x108  }
0x21: {  	s3 =	sadd.s32 s3, s9;
	s6 =	sadd.s32 @!p0 $0x88, s6;
	s7 =	simm.s32 @p2 $0x1082  }
0x22: {  	[simem:s7], [sflag:s8] =	dma.local @!p0 [hbm:s6], $0xF7A  }
0x23: {  	s9 =	sor.u32 $0xD0000000, s2;
	s6 =	simm.s32 $0x108;
	_ =	swait.ge @!p0 [sflag:s8], $0x0  }
0x24: {  	s3 =	sadd.s32 $0x88, s3;
	s6 =	simm.s32 @!p1 $0x1082;
	[sflag:s4] =	ssyncset.s32 $0xFFFFF086  }
0x25: {  	[simem:s6], [sflag:s4] =	dma.local [hbm:s3], $0xF7A  }
0x26: {  	[smem:$0x3F9C] =	sst s1;
	(tag) =	ssettag s2;
	_ =	strace s9  }
0x27: {  	s1 =	sld [smem:$0x3FAC]  }
0x28: {  	s2 =	sld [smem:$0x3FAD]  }
0x29: {  	s4 =	sld [smem:$0x3FAF]  }
0x2a: {  	p0 =	seq.s32 s5, $0x0;
	s5 =	sld [smem:$0x3FB0]  }
0x2b: {  	s6 =	sld [smem:$0x3FB1]  }
0x2c: {  	s7 =	sld [smem:$0x3FB2]  }
0x2d: {  	s3 =	simm.s32 $0x108;
	s8 =	sld [smem:$0x3FB3]  }
0x2e: {  	s3 =	simm.s32 @!p0 $0x1082;
	s9 =	sld [smem:$0x3FB4]  }
0x2f: {  	lr =	sadd.s32 s0, s3;
	s0 =	sld [smem:$0x3FAB]  }
0x30: {  	s3 =	sld [smem:$0x3FAE]  }
0x31: {  	[smem:$0x3FB7] =	sst s10  }
0x32: {  	s10 =	sld [smem:$0x3FB5];
	_ =	sdelay $0x3  }
0x33: {  	p0 =	seq.s32 s10, $0x1;
	s10 =	sld [smem:$0x3FB7];
	_ =	sdelay $0x3  }
0x34: {  	[smem:$0x3FB7] =	sst s10  }
0x35: {  	s10 =	sld [smem:$0x3FB6];
	_ =	sdelay $0x3  }
0x36: {  	p1 =	seq.s32 s10, $0x1;
	s10 =	sld [smem:$0x3FB7];
	_ =	sdelay $0x3  }
0x37: {  	[smem:$0x3FB7] =	sst s10  }
0x38: {  	s10 =	sld [smem:$0x3FB8]  }
0x39: {  	_ = 	snop;
	(pc) =	sbr.ind lr, $3  }
0x3a: {  	_ = 	snop  }
0x3b: {  	_ = 	snop  }
0x3c: {  	p2 =	seq.s32 s10, $0x1;
	s10 =	sld [smem:$0x3FB7]  }
0x3d: {  	_ =	shalt  }
0x3e: {  	_ =	shalt  }
0x3f: {  	_ =	shalt  }
0x40: {  	_ =	shalt  }
0x41: {  	_ =	shalt  }
0x42: {  	_ =	shalt  }
0x43: {  	_ =	shalt  }
0x44: {  	_ =	shalt  }
0x45: {  	_ =	shalt  }
0x46: {  	_ =	shalt  }
0x47: {  	_ =	shalt  }
0x48: {  	_ =	shalt  }
0x49: {  	_ =	shalt  }
0x4a: {  	_ =	shalt  }
0x4b: {  	_ =	shalt  }
0x4c: {  	_ =	shalt  }
0x4d: {  	_ =	shalt  }
0x4e: {  	_ =	shalt  }
0x4f: {  	_ =	shalt  }
0x50: {  	_ =	shalt  }
0x51: {  	_ =	shalt  }
0x52: {  	_ =	shalt  }
0x53: {  	_ =	shalt  }
0x54: {  	_ =	shalt  }
0x55: {  	_ =	shalt  }
0x56: {  	_ =	shalt  }
0x57: {  	_ =	shalt  }
0x58: {  	_ =	shalt  }
0x59: {  	_ =	shalt  }
0x5a: {  	_ =	shalt  }
0x5b: {  	_ =	shalt  }
0x5c: {  	_ =	shalt  }
0x5d: {  	_ =	shalt  }
0x5e: {  	_ =	shalt  }
0x5f: {  	_ =	shalt  }
0x60: {  	_ =	shalt  }
0x61: {  	_ =	shalt  }
0x62: {  	_ =	shalt  }
0x63: {  	_ =	shalt  }
0x64: {  	_ =	shalt  }
0x65: {  	_ =	shalt  }
0x66: {  	_ =	shalt  }
0x67: {  	_ =	shalt  }
0x68: {  	_ =	shalt  }
0x69: {  	_ =	shalt  }
0x6a: {  	_ =	shalt  }
0x6b: {  	_ =	shalt  }
0x6c: {  	_ =	shalt  }
0x6d: {  	_ =	shalt  }
0x6e: {  	_ =	shalt  }
0x6f: {  	_ =	shalt  }
0x70: {  	_ =	shalt  }
0x71: {  	_ =	shalt  }
0x72: {  	_ =	shalt  }
0x73: {  	_ =	shalt  }
0x74: {  	_ =	shalt  }
0x75: {  	_ =	shalt  }
0x76: {  	_ =	shalt  }
0x77: {  	_ =	shalt  }
0x78: {  	_ =	shalt  }
0x79: {  	_ =	shalt  }
0x7a: {  	_ =	shalt  }
0x7b: {  	_ =	shalt  }
0x7c: {  	_ =	shalt  }
0x7d: {  	_ =	shalt  }
0x7e: {  	_ =	shalt  }
0x7f: {  	_ =	shalt  }
0x80: {  	_ =	shalt  }
0x81: {  	_ =	shalt  }
0x82: {  	_ =	shalt  }
0x83: {  	_ =	shalt  }
0x84: {  	_ =	shalt  }
0x85: {  	_ =	shalt  }
0x86: {  	_ =	shalt  }
0x87: {  	_ =	shalt  }
.Lfunc_end0:
.L_simem_size_0:
called_computation_lowered:
.L_overlay_start_0:
0x88: {  	s2 =	sld [smem:$0x3FD9]  }
0x89: {  	s3 =	sld [smem:$0x3FFE];
	_ =	sdelay $0x1  }
0x8a: {  	s1 =	srdreg.scid  }
0x8b: {  	s0 =	sand.u32 $0x1, s1  }
0x8c: {  	s17 =	sshll.u32 s0, $0xA;
	s2 =	sadd.s32 s3, s2  }
0x8d: {  	s2 =	sadd.s32 s2, s17  }
0x8e: {  	[smem:$0x3FC3] =	sst s2  }
0x8f: {  	_ = 	snop  }
0x90: {  	s2 =	sld [smem:$0x3FC8]  }
0x91: {  	s18 =	sld [smem:$0x3FD0];
	(tm) =	ssettm $0x1  }
0x92: {  	s4 =	sld [smem:$0x3FFB];
	_ =	sdelay $0x3  }
0x93: {  	_ =	strace s4  }
0x94: {  	s4 =	sld [smem:$0x3FFC];
	_ =	sdelay $0x3  }
0x95: {  	_ =	strace s4  }
0x96: {  	s4 =	sld [smem:$0x3FFD];
	_ =	sdelay $0x3  }
0x97: {  	_ =	strace s4  }
0x98: {  	_ =	strace $0x8FFFFFFF  }
0x99: {  	s19 =	sld [smem:$0x3FDB];
	_ =	sdelay $0x1  }
0x9a: {  	s5 =	simm.s32 $_scs_section_size  }
0x9b: {  	s6 =	simm.s32 $_size__tile_overlayer_lowered;
	s7 =	simm.s32 $_tile_overlayer_lowered  }
0x9c: {  	s22 =	simm.s32 $0x1BFF;
	s21 =	sshll.u32 s7, $0x1;
	s4 =	sadd.s32 s5, s19  }
0x9d: {  	s8 =	simm.s32 $0x0;
	s20 =	sshll.u32 s6, $0x1;
	s6 =	sadd.s32 s21, s4  }
0x9e: {  	[timem:s8], [sflag:s22] =	dma.local [hbm:s6], s20  }
0x9f: {  	_ =	swait.ge [sflag:s22], s20  }
0xa0: {  	s5 =	ssub.s32 $0x0, s20;
	[sflag:s22] =	ssyncset.done $0x0  }
0xa1: {  	[sflag:s22] =	ssyncadd.s32 s5;
	_ =	sdelay $0x1  }
0xa2: {  	s23 =	simm.s32 $0x1B8B  }
0xa3: {  	_ =	swait.ge [sflag:s23], $0x1  }
0xa4: {  	[sflag:s23] =	ssyncset.done $0x0  }
0xa5: {  	s25 =	simm.s32 $0x1B8E;
	s24 =	sld [smem:$0x3FFE];
	[sflag:s23] =	ssyncadd.s32 $0xFFFFFFFF  }
0xa6: {  	s26 =	simm.s32 $execute0_lowered;
	[smem:$0x3FD2] =	sst s25  }
0xa7: {  	s6 =	sshll.u32 s26, $0x1;
	_ =	strace $0x80000046;
	[dreg:$0x1] =	wrdreg $0xFFFFFFFF  }
0xa8: {  	s28 =	simm.s32 $_size_execute0_lowered;
	s4 =	sadd.s32 s4, s6;
	[dreg:$0x0] =	wrdreg $0x0  }
0xa9: {  	s6 =	sshll.u32 s28, $0x1;
	[dreg:$0x2] =	wrdreg s4  }
0xaa: {  	[dreg:$0x3] =	wrdreg s6  }
0xab: {  	[dreg:$0x4] =	wrdreg $0xC0  }
0xac: {  	_ =	task [dreg:s8], $0x5FFFF  }
0xad: {  	[dreg:$0x1] =	wrdreg $0xFFFFFFFF  }
0xae: {  	[dreg:$0x0] =	wrdreg $0x60  }
0xaf: {  	[dreg:$0x2] =	wrdreg s24  }
0xb0: {  	[dreg:$0x3] =	wrdreg s2  }
0xb1: {  	[dreg:$0x4] =	wrdreg s18  }
0xb2: {  	[dreg:$0x5] =	wrdreg $0x9  }
0xb3: {  	_ =	task.clear_ibuf [dreg:s8], $0x6FFFF;
	_ =	strace $0x90000046  }
0xb4: {  	s29 =	simm.s32 $0x9;
	_ =	strace $0x80000048  }
0xb5: {  	_ =	swait.ge [sflag:s29], $0x1  }
0xb6: {  	[sflag:s29] =	ssyncadd.s32 $0xFFFFFFFF  }
0xb7: {  	_ =	strace $0x90000048  }
0xb8: {  	_ =	sfence  }
0xb9: {  	s30 =	sld [smem:$0x0];
	_ =	sdelay $0x2  }
0xba: {  	s31 =	sshll.u32 s1, $0xD;
	s1 =	sshrl.u32 s1, $0x2  }
0xbb: {  	s3 =	sand.u32 $0x4000, s31;
	s1 =	sadd.s32 s1, s30  }
0xbc: {  	s0 =	sor.u32 s3, s0;
	s1 =	sshll.u32 s1, $0x11  }
0xbd: {  	s0 =	sor.u32 s1, s0  }
0xbe: {  	s0 =	sadd.s32 $0x8F2B, s0  }
0xbf: {  	[sflag:s0] =	ssyncadd.remote.s32 $0x1  }
0xc0: {  	_ =	sfence.sel $0xFFFF  }
0xc1: {  	[dreg:$0x0] =	wrdreg $0xFFFFFFFF;
	(pc) =	sbr.abs _section_cstart, $3  }
0xc2: {  	[dreg:$0x1] =	wrdreg $0xFFFFFFFF  }
0xc3: {  	_ =	task.clear_ibuf [dreg:s8], $0x2FFFF;
	_ =	strace $0x9FFFFFFF  }
0xc4: {  	(tm) =	ssettm $0x7FFFFFFF  }
0xc5: {  	_ =	shalt  }
tec
execute0_lowered:
.L_overlay_start_1:
0x0: {  	(tag) =	ssettag $0x1  }
0x1: {  	s1 =	rddreg [dreg:$0x0]  }
0x2: {  	s0 =	srdreg.scid;
	s31 =	rddreg [dreg:$0x1]  }
0x3: {  	s3 =	stileid.u32;
	s19 =	rddreg [dreg:$0x2];
	s4 =	simm.s32 $0x0  }
0x4: {  	s0 =	sand.u32 $0x1, s0;
	s2 =	sshll.u32 s3, $0x1;
	s3 =	sshrl.u32 s3, $0x2  }
0x5: {  	[smem:$0x7FF] =	sst s4;
	s2 =	sor.u32 s0, s2;
	s6 =	smul.u32 $0x3D400, s3  }
0x6: {  	_ =	strace $0x80000047;
	s8 =	sshll.u32 s3, $0xA;
	s0 =	ssub.s32 $0x2, s0  }
0x7: {  	s3 =	sshll.u32 s3, $0x14;
	s5 =	sshll.u32 s2, $0x7;
	s12 =	sshrl.u32 s0, $0x1  }
0x8: {  	s26 =	sor.u32 $0x400000, s3;
	s9 =	sand.u32 $0x380, s5;
	s5 =	sadd.s32 $0xC00, s1  }
0x9: {  	s0 =	ssub.s32 s0, s12;
	s6 =	sor.u32 s6, s9;
	s11 =	sor.u32 s8, s9  }
0xa: {  	s8 =	sadd.s32 $0x16C200, s1;
	s24 =	sor.u32 $0x2000, s9;
	s25 =	sor.u32 $0x4000, s9  }
0xb: {  	s13 =	sor.u32 $0x6000, s9;
	s0 =	smax.u32 s0, $0x1;
	s7 =	sshrl.u32 s6, $0x3  }
0xc: {  	s6 =	sadd.s32 $0x1F800, s1;
	s14 =	sor.u32 s24, s3;
	[dreg:$0x12] =	wrdreg s0  }
0xd: {  	s11 =	sshrl.u32 s11, $0x3;
	s15 =	sor.u32 s25, s3;
	[dreg:$0x6] =	wrdreg s14  }
0xe: {  	s16 =	sor.u32 s24, s26;
	s17 =	sor.u32 s25, s26;
	[dreg:$0x7] =	wrdreg s15  }
0xf: {  	s18 =	sor.u32 s13, s26;
	s10 =	sadd.s32 s7, s1;
	[dreg:$0xa] =	wrdreg s16  }
0x10: {  	s7 =	sadd.s32 $0x6C200, s1;
	s1 =	sadd.s32 s11, s1;
	[dreg:$0xb] =	wrdreg s17  }
0x11: {  	s11 =	sor.u32 s9, s3;
	s3 =	sor.u32 s13, s3;
	[dreg:$0xc] =	wrdreg s18  }
0x12: {  	s29 =	simm.s32 $0x80;
	s15 =	sor.u32 s9, s26;
	[dreg:$0x8] =	wrdreg s3  }
0x13: {  	s30 =	simm.s32 $0x400;
	s23 =	sadd.s32 $0x4D800, s10;
	[dreg:$0x9] =	wrdreg s15  }
0x14: {  	s28 =	simm.s32 $0x2;
	s10 =	sadd.s32 $0x2EE00, s10;
	[dreg:$0x4] =	wrdreg s23  }
0x15: {  	s2 =	smul.u32 $0x7A12, s2;
	s20 =	sor.u32 $0x2000, s11;
	[dreg:$0x5] =	wrdreg s10  }
0x16: {  	s13 =	simm.s32 $0x17780;
	s21 =	sor.u32 $0x4000, s11;
	[dreg:$0xd] =	wrdreg s20  }
0x17: {  	s9 =	simm.s32 $0x1C280;
	s22 =	sor.u32 $0x6000, s11;
	[dreg:$0xe] =	wrdreg s21  }
0x18: {  	s1 =	sadd.s32 $0x10200, s1;
	s24 =	sor.u32 $0x402000, s11;
	[dreg:$0xf] =	wrdreg s22  }
0x19: {  	s25 =	sor.u32 $0x404000, s11;
	s26 =	sor.u32 $0x406000, s11;
	[dreg:$0x11] =	wrdreg s1  }
.Ltmp0:
0x1a: {  	s3 =	simm.s32 $0x0;
	[dreg:$0x13] =	wrdreg s24;
	(pc) =	sbr.rel .LBB2_1-.Ltmp0, $4  }
0x1b: {  	s23 =	sor.u32 $0x400000, s11;
	[dreg:$0x14] =	wrdreg s25;
	s21 =	smov.u32 s11  }
0x1c: {  	v1 =	vimm.s32 $0xFFFFFFFF;
	[dreg:$0x15] =	wrdreg s26;
	s1 =	simm.s32 $0x3;
	s11 =	simm.s32 $0x16F80  }
0x1d: {  	v2 =	vimm.s32 $0x0;
	v3 =	vimm.f32 $0.0e+00;
	v4 =	vlaneseq.u32;
	s20 =	simm.s32 $0x1000;
	s22 =	simm.s32 $0x19E80;
	s25 =	simm.s32 $0x1B280  }
0x1e: {  	vm0 =	vcmask $0x300;
	vm1 =	vcmask $0x704;
	v0 =	vmov s2;
	s26 =	simm.s32 $0x1;
	s10 =	simm.s32 $0x1D280;
	[dreg:$0x10] =	wrdreg s23  }
.LBB2_30:
0x1f: {  	s3 =	rddreg [dreg:$0x16]  }
.LBB2_36:
0x20: {  	[tilespmem:$0x1D690] =	vst v2  }
0x21: {  	[tilespmem:$0x1D6A0] =	vst v2  }
0x22: {  	[tilespmem:$0x1D6B0] =	vst v2  }
0x23: {  	[tilespmem:$0x1D6C0] =	vst v2  }
0x24: {  	[tilespmem:$0x1D6D0] =	vst v2;
	v5 =	vmov s23  }
0x25: {  	[tilespmem:$0x1D6E0] =	vst v2;
	v5 =	vnsel vm0, $0x0, v5  }
0x26: {  	[tilespmem:$0x1D6F0] =	vst v2;
	v5 =	vsel vm1, s24, v5  }
0x27: {  	s0 =	rddreg [dreg:$0x11];
	s2 =	simm.s32 $0x1D680;
	[tilespmem:$0x1D680] =	vst v5  }
0x28: {  	[hbm4b:s0+s4] =	stream.linear.scatter [tilespmem:s2], [sflag:$0x3], $0x80, $0x38;
	[tilespmem:$0x1D700] =	vst v63  }
0x29: {  	_ =	swait.ge [sflag:s1], $0x80  }
0x2a: {  	s3 =	sadd.s32 $0x1, s3;
	s24 =	rddreg [dreg:$0x12]  }
0x2b: {  	p0 =	sne.s32 s3, s24  }
.Ltmp1:
0x2c: {  	_ = 	snop;
	(pc) =	sbr.rel @!p0 .LBB2_37-.Ltmp1, $3  }
0x2d: {  	_ =	sdelay $0x1  }
0x2e: {  	[sflag:s1] =	ssyncset.done $0x0  }
0x2f: {  	s11 =	simm.s32 $0x16F80;
	s13 =	simm.s32 $0x17780;
	[sflag:s1] =	ssyncadd.s32 $0xFFFFFF80  }
.LBB2_1:
0x30: {  	[dreg:$0x16] =	wrdreg s3;
	s0 =	simm.s32 $0x0  }
.LBB2_2:
0x31: {  	p0 =	sne.s32 s0, $0x1E9C0  }
.Ltmp2:
0x32: {  	_ = 	snop;
	(pc) =	sbr.rel @p0 .LBB2_2-.Ltmp2, $3  }
0x33: {  	_ =	sdelay $0x1  }
0x34: {  	s2 =	sshra.s32 s0, $0x2  }
0x35: {  	s0 =	sadd.s32 $0x40, s0;
	[tilespmem:s2+$0x0] =	vst v1  }
0x36: {  	s0 =	simm.s32 $0x0  }
0x37: {  	[tilespmem:s0+$0x18D00] =	vst v3  }
0x38: {  	[tilespmem:s0+$0x17F80] =	vst v2  }
0x39: {  	[tilespmem:s0+$0x19180] =	vst v2  }
0x3a: {  	[tilespmem:s0+$0x18880] =	vst v3  }
0x3b: {  	s2 =	simm.s32 $0x40;
	[tilespmem:s0+$0x18400] =	vst v2  }
.LBB2_4:
0x3c: {  	p0 =	sne.s32 s2, $0x1000;
	[tilespmem:s0+$0x19600] =	vst v2;
	s0 =	sshra.s32 s2, $0x2;
	s2 =	sadd.s32 $0x40, s2  }
.Ltmp3:
0x3d: {  	[tilespmem:s0+$0x18D00] =	vst v3;
	(pc) =	sbr.rel @p0 .LBB2_4-.Ltmp3, $4  }
0x3e: {  	[tilespmem:s0+$0x17F80] =	vst v2  }
0x3f: {  	[tilespmem:s0+$0x19180] =	vst v2  }
0x40: {  	[tilespmem:s0+$0x18880] =	vst v3  }
0x41: {  	[tilespmem:s0+$0x18400] =	vst v2  }
0x42: {  	[tilespmem:s0+$0x19600] =	vst v2;
	s18 =	rddreg [dreg:$0x4];
	s2 =	simm.s32 $0x7A80  }
0x43: {  	[tilespmem:s2], [sflag:$0x3] =	stream.strided.gather [hbm4b:s18+s29], $0x7A80, s30, s29, $0x38;
	[tilespmem:$0x1D700] =	vst v63  }
0x44: {  	_ =	swait.ge [sflag:s1], $0x7A80  }
0x45: {  	[sflag:s1] =	ssyncset.done $0x0  }
0x46: {  	s24 =	simm.s32 $0xF500;
	s23 =	rddreg [dreg:$0x5];
	[sflag:s1] =	ssyncadd.s32 $0xFFFF8580  }
0x47: {  	[tilespmem:s24], [sflag:$0x3] =	stream.strided.gather [hbm4b:s23+s29], $0x7A80, s30, s29, $0x38;
	[tilespmem:$0x1D700] =	vst v63  }
0x48: {  	_ =	swait.ge [sflag:s1], $0x7A80  }
0x49: {  	[sflag:s1] =	ssyncset.done $0x0  }
0x4a: {  	s0 =	simm.s32 $0x0;
	s2 =	simm.s32 $0x0;
	[sflag:s1] =	ssyncadd.s32 $0xFFFF8580  }
.LBB2_6:
0x4b: {  	s3 =	sshll.u32 s2, $0x8  }
0x4c: {  	s12 =	sadd.s32 s5, s3  }
0x4d: {  	[tilespmem:s11], [sflag:$0x3] =	stream.linear.gather [hbm4b:s12+s0], $0x800, $0x38;
	[tilespmem:$0x1D700] =	vst v63  }
0x4e: {  	_ =	swait.ge [sflag:s1], $0x800  }
0x4f: {  	[sflag:s1] =	ssyncset.done $0x0  }
0x50: {  	s3 =	sadd.s32 s6, s3;
	[sflag:s1] =	ssyncadd.s32 $0xFFFFF800  }
0x51: {  	[tilespmem:s13], [sflag:$0x3] =	stream.linear.gather [hbm4b:s3+s0], $0x800, $0x38;
	[tilespmem:$0x1D700] =	vst v63  }
0x52: {  	_ =	swait.ge [sflag:s1], $0x800  }
0x53: {  	[sflag:s1] =	ssyncset.done $0x0  }
0x54: {  	s3 =	simm.s32 $0x0;
	[sflag:s1] =	ssyncadd.s32 $0xFFFFF800  }
.LBB2_7:
0x55: {  	s12 =	sshra.s32 s3, $0x2  }
0x56: {  	v5 =	vld [tilespmem:s12+$0x16F80];
	_ =	sdelay $0x4  }
0x57: {  	v5 =	vsub.s32 v5, v0  }
0x58: {  	vm2 =	vlt.u32 v5, $0x7A12  }
0x59: {  	v6 =	vld [tilespmem:s12+$0x17780];
	v5 =	vnsel vm2, $0x0, v5;
	_ =	sdelay $0x4  }
0x5a: {  	[tilespmem:v5+s4+$0x0] =	vst.idx.msk vm2, v6  }
0x5b: {  	v5 =	vld [tilespmem:s12+$0x16F90];
	_ =	sdelay $0x4  }
0x5c: {  	v5 =	vsub.s32 v5, v0  }
0x5d: {  	vm2 =	vlt.u32 v5, $0x7A12  }
0x5e: {  	v6 =	vld [tilespmem:s12+$0x17790];
	v5 =	vnsel vm2, $0x0, v5;
	_ =	sdelay $0x4  }
0x5f: {  	[tilespmem:v5+s4+$0x0] =	vst.idx.msk vm2, v6  }
0x60: {  	v5 =	vld [tilespmem:s12+$0x16FA0];
	_ =	sdelay $0x4  }
0x61: {  	v5 =	vsub.s32 v5, v0  }
0x62: {  	vm2 =	vlt.u32 v5, $0x7A12  }
0x63: {  	v6 =	vld [tilespmem:s12+$0x177A0];
	v5 =	vnsel vm2, $0x0, v5;
	_ =	sdelay $0x4  }
0x64: {  	[tilespmem:v5+s4+$0x0] =	vst.idx.msk vm2, v6  }
0x65: {  	v5 =	vld [tilespmem:s12+$0x16FB0];
	_ =	sdelay $0x4  }
0x66: {  	v5 =	vsub.s32 v5, v0  }
0x67: {  	vm2 =	vlt.u32 v5, $0x7A12  }
0x68: {  	p0 =	sne.s32 s3, $0x1F00;
	v6 =	vld [tilespmem:s12+$0x177B0];
	v5 =	vnsel vm2, $0x0, v5  }
.Ltmp4:
0x69: {  	_ = 	snop;
	(pc) =	sbr.rel @p0 .LBB2_7-.Ltmp4, $2  }
0x6a: {  	_ =	sdelay $0x2  }
0x6b: {  	s3 =	sadd.s32 $0x100, s3;
	[tilespmem:v5+s4+$0x0] =	vst.idx.msk vm2, v6  }
0x6c: {  	s2 =	sadd.s32 $0x1, s2  }
0x6d: {  	p0 =	sne.s32 s2, $0xF5  }
.Ltmp5:
0x6e: {  	_ = 	snop;
	(pc) =	sbr.rel @p0 .LBB2_6-.Ltmp5, $2  }
0x6f: {  	_ =	sdelay $0x2  }
0x70: {  	s14 =	simm.s32 $0x0  }
.Ltmp6:
0x71: {  	(pc) =	sbr.rel .LBB2_10-.Ltmp6, $3  }
0x72: {  	_ =	sdelay $0x1  }
0x73: {  	s24 =	simm.s32 $0x0;
	s23 =	simm.s32 $0x0  }
0x74: {  	s12 =	simm.s32 $0x0;
	s13 =	simm.s32 $0x0;
	s15 =	simm.s32 $0x0  }
.LBB2_22:
0x75: {  	s15 =	sadd.s32 $0x1, s15  }
0x76: {  	p0 =	sne.s32 s15, $0x7A2  }
.Ltmp7:
0x77: {  	_ = 	snop;
	(pc) =	sbr.rel @!p0 .LBB2_23-.Ltmp7, $1  }
0x78: {  	_ =	sdelay $0x3  }
.LBB2_10:
0x79: {  	s0 =	sshll.u32 s15, $0x4  }
0x7a: {  	v5 =	vld [tilespmem:s0+$0x0]  }
0x7b: {  	v6 =	vld [tilespmem:s0+$0xF500];
	_ =	sdelay $0x4  }
0x7c: {  	vm2 =	vgt.s32 v5, $0xFFFFFFFF;
	vm3 =	vlt.s32 v6, $0x800  }
0x7d: {  	vm3 =	vmand vm2, vm3  }
0x7e: {  	v7 =	vsel vm3, $0x1, v2  }
0x7f: {  	(xrf0) =	vadd.scan.msk.s32 $0xffff, v7  }
0x80: {  	vm4 =	vgt.s32 v6, $0x7FF  }
0x81: {  	vm2 =	vmand vm2, vm4  }
0x82: {  	v7 =	vsel vm2, $0x1, v2;
	_ =	sdelay $0x2  }
0x83: {  	(xrf0) =	vadd.scan.msk.s32 $0xffff, v7;
	v7, _, _ =	vpop (xrf0)  }
0x84: {  	(v2sf) =	vpush v7, $0xF;
	_ =	sdelay $0x5  }
0x85: {  	v7, _, _ =	vpop (xrf0)  }
0x86: {  	(v2sf) =	vpush v7, $0xF;
	_ =	sdelay $0x2  }
0x87: {  	v7 =	vld [tilespmem:s0+$0x7A80];
	_ =	sdelay $0x3  }
0x88: {  	[tilespmem:s13+$0x17F80] =	vst.msk vm3, v5  }
0x89: {  	[tilespmem:s13+$0x18880] =	vst.msk vm3, v7;
	s18 =	spop (v2sf)  }
0x8a: {  	[tilespmem:s13+$0x19180] =	vst.msk vm3, v6;
	s13 =	sadd.s32 s13, s18  }
0x8b: {  	p0 =	slt.s32 s13, $0x400  }
.Ltmp8:
0x8c: {  	_ = 	snop;
	(pc) =	sbr.rel @p0 .LBB2_16-.Ltmp8, $4  }
0x8d: {  	_ = 	snop  }
0x8e: {  	[tilespmem:s12+$0x18400] =	vst.msk vm2, v5  }
0x8f: {  	[tilespmem:s12+$0x18D00] =	vst.msk vm2, v7  }
0x90: {  	[tilespmem:s12+$0x19600] =	vst.msk vm2, v6;
	s16 =	spop (v2sf)  }
0x91: {  	s17 =	simm.s32 $0x17FA0  }
0x92: {  	v5 =	vld [tilespmem:s17+$0xFFFFFFE0];
	_ =	sdelay $0x3  }
0x93: {  	s18 =	simm.s32 $0x19AA0  }
0x94: {  	s20 =	smov.u32 s19;
	s19 =	smov.u32 s31;
	s31 =	simm.s32 $0x1A690;
	[tilespmem:s18+$0xFFFFFFE0] =	vst v5;
	v5 =	vshll.u32 v5, $0x2  }
0x95: {  	s0 =	sand.u32 $0x3C0, s14;
	[tilespmem:s31+$0xFFFFF7F0] =	vst v5;
	v6 =	vor.u32 $0x3, v5  }
0x96: {  	v7 =	vor.u32 $0x1, v5;
	[tilespmem:s0+$0x1AA80] =	vst v6  }
0x97: {  	v5 =	vor.u32 $0x2, v5;
	[tilespmem:s0+$0x1A280] =	vst v7  }
0x98: {  	[tilespmem:s0+$0x1A680] =	vst v5  }
0x99: {  	v5 =	vld [tilespmem:s17+$0xFFFFFFF0];
	_ =	sdelay $0x4  }
0x9a: {  	[tilespmem:s18+$0xFFFFFFF0] =	vst v5;
	v5 =	vshll.u32 v5, $0x2  }
0x9b: {  	[tilespmem:s31+$0xFFFFF800] =	vst v5;
	v6 =	vor.u32 $0x1, v5  }
0x9c: {  	v7 =	vor.u32 $0x2, v5;
	[tilespmem:s31+$0xFFFFFC00] =	vst v6  }
0x9d: {  	v5 =	vor.u32 $0x3, v5;
	[tilespmem:s31+$0x0] =	vst v7  }
0x9e: {  	[tilespmem:s31+$0x400] =	vst v5  }
0x9f: {  	v5 =	vld [tilespmem:s17+$0x0];
	_ =	sdelay $0x4  }
0xa0: {  	[tilespmem:s18+$0x0] =	vst v5;
	v5 =	vshll.u32 v5, $0x2  }
0xa1: {  	[tilespmem:s31+$0xFFFFF810] =	vst v5;
	v6 =	vor.u32 $0x3, v5  }
0xa2: {  	v7 =	vor.u32 $0x1, v5;
	[tilespmem:s31+$0x410] =	vst v6  }
0xa3: {  	v5 =	vor.u32 $0x2, v5;
	[tilespmem:s31+$0xFFFFFC10] =	vst v7  }
0xa4: {  	[tilespmem:s31+$0x10] =	vst v5  }
0xa5: {  	s2 =	simm.s32 $0x40;
	s3 =	simm.s32 $0x19AA0;
	s0 =	simm.s32 $0x1A690;
	v5 =	vld [tilespmem:s17+$0x10]  }
.LBB2_12:
0xa6: {  	s31 =	sadd.s32 $0x40, s31;
	s17 =	sadd.s32 $0x40, s17;
	s18 =	sadd.s32 $0x40, s18  }
0xa7: {  	p0 =	sne.s32 s2, $0x3C0;
	s11 =	smov.u32 s2;
	s2 =	sadd.s32 $0x40, s2  }
0xa8: {  	_ =	sdelay $0x1  }
0xa9: {  	[tilespmem:s3+$0x10] =	vst v5;
	v5 =	vshll.u32 v5, $0x2;
	s3 =	smov.u32 s18  }
0xaa: {  	[tilespmem:s0+$0xFFFFF820] =	vst v5;
	v6 =	vor.u32 $0x1, v5;
	v7 =	vor.u32 $0x2, v5;
	v5 =	vor.u32 $0x3, v5  }
0xab: {  	[tilespmem:s0+$0xFFFFFC20] =	vst v6  }
0xac: {  	[tilespmem:s0+$0x420] =	vst v5  }
0xad: {  	[tilespmem:s0+$0x20] =	vst v7;
	s0 =	smov.u32 s31  }
0xae: {  	v5 =	vld [tilespmem:s17+$0xFFFFFFE0];
	_ =	sdelay $0x4  }
0xaf: {  	[tilespmem:s18+$0xFFFFFFE0] =	vst v5;
	v5 =	vshll.u32 v5, $0x2  }
0xb0: {  	s11 =	sand.u32 $0x3C0, s11;
	[tilespmem:s31+$0xFFFFF7F0] =	vst v5;
	v6 =	vor.u32 $0x1, v5;
	v7 =	vor.u32 $0x2, v5;
	v5 =	vor.u32 $0x3, v5  }
0xb1: {  	[tilespmem:s11+$0x1AA80] =	vst v5  }
0xb2: {  	[tilespmem:s11+$0x1A280] =	vst v6  }
0xb3: {  	[tilespmem:s11+$0x1A680] =	vst v7  }
0xb4: {  	v5 =	vld [tilespmem:s17+$0xFFFFFFF0];
	_ =	sdelay $0x4  }
0xb5: {  	[tilespmem:s18+$0xFFFFFFF0] =	vst v5;
	v5 =	vshll.u32 v5, $0x2  }
0xb6: {  	[tilespmem:s31+$0xFFFFF800] =	vst v5;
	v6 =	vor.u32 $0x1, v5;
	v7 =	vor.u32 $0x2, v5;
	v5 =	vor.u32 $0x3, v5  }
0xb7: {  	[tilespmem:s31+$0xFFFFFC00] =	vst v6  }
0xb8: {  	[tilespmem:s31+$0x0] =	vst v7  }
0xb9: {  	[tilespmem:s31+$0x400] =	vst v5  }
0xba: {  	v5 =	vld [tilespmem:s17+$0x0];
	_ =	sdelay $0x4  }
0xbb: {  	[tilespmem:s18+$0x0] =	vst v5;
	v5 =	vshll.u32 v5, $0x2  }
.Ltmp9:
0xbc: {  	[tilespmem:s31+$0xFFFFF810] =	vst v5;
	v6 =	vor.u32 $0x1, v5;
	v7 =	vor.u32 $0x2, v5;
	v5 =	vor.u32 $0x3, v5;
	(pc) =	sbr.rel @p0 .LBB2_12-.Ltmp9, $4  }
0xbd: {  	[tilespmem:s31+$0x410] =	vst v5  }
0xbe: {  	[tilespmem:s31+$0xFFFFFC10] =	vst v6  }
0xbf: {  	[tilespmem:s31+$0x10] =	vst v7  }
0xc0: {  	v5 =	vld [tilespmem:s17+$0x10]  }
0xc1: {  	_ =	sdelay $0x3  }
0xc2: {  	[tilespmem:s3+$0x10] =	vst v5;
	v5 =	vshll.u32 v5, $0x2  }
0xc3: {  	[tilespmem:s0+$0xFFFFF820] =	vst v5;
	v6 =	vor.u32 $0x1, v5  }
0xc4: {  	v7 =	vor.u32 $0x3, v5;
	[tilespmem:s0+$0xFFFFFC20] =	vst v6  }
0xc5: {  	v5 =	vor.u32 $0x2, v5;
	[tilespmem:s0+$0x420] =	vst v7  }
0xc6: {  	s18 =	simm.s32 $0x19A80;
	s2 =	simm.s32 $0x1AE80;
	[tilespmem:s0+$0x20] =	vst v5  }
0xc7: {  	[tilespmem:s2], [sflag:$0x1] =	stream.indirect.gather [hbm4b:s19+s30], $0x1, s18, s30, $0xb8;
	[tilespmem:$0x1D700] =	vst v63  }
0xc8: {  	s31 =	smov.u32 s19;
	s19 =	smov.u32 s20;
	s20 =	simm.s32 $0x1000  }
0xc9: {  	[tilespmem:s25], [sflag:$0x2] =	stream.indirect.gather [hbm4b:s19+s20], $0x1, s22, s20, $0xb8;
	[tilespmem:$0x1D700] =	vst v63  }
0xca: {  	_ =	swait.ge [sflag:s26], $0x400  }
0xcb: {  	[sflag:s26] =	ssyncset.done $0x0  }
0xcc: {  	[sflag:s26] =	ssyncadd.s32 $0xFFFFFC00  }
0xcd: {  	_ =	swait.ge [sflag:s28], $0x1000  }
0xce: {  	[sflag:s28] =	ssyncset.done $0x0  }
0xcf: {  	s0 =	simm.s32 $0x0;
	[sflag:s28] =	ssyncadd.s32 $0xFFFFF000  }
0xd0: {  	v5 =	vld [tilespmem:s0+$0x18890]  }
0xd1: {  	v6 =	vld [tilespmem:s0+$0x1AE90]  }
0xd2: {  	v7 =	vld [tilespmem:s0+$0x18880]  }
0xd3: {  	v8 =	vld [tilespmem:s0+$0x1AE80]  }
0xd4: {  	v9 =	vld [tilespmem:s0+$0x19180]  }
0xd5: {  	v11 =	vld [tilespmem:s0+$0x19190]  }
0xd6: {  	v12 =	vld [tilespmem:s0+$0x1B280]  }
0xd7: {  	v5 =	vmul.f32 v6, v5;
	v6 =	vld [tilespmem:s0+$0x1B680]  }
0xd8: {  	v13 =	vld [tilespmem:s0+$0x1BA80]  }
0xd9: {  	v14 =	vld [tilespmem:s0+$0x1BE80];
	v7 =	vmul.f32 v8, v7  }
0xda: {  	v10 =	vld [tilespmem:s0+$0x1B290];
	v15 =	vshll.u32 v9, $0xC;
	[tilespmem:s0+$0x1D290] =	vst v5  }
0xdb: {  	[tilespmem:s0+$0x1D280] =	vst v7;
	v5 =	vadd.s32 v12, v15;
	v7 =	vld [tilespmem:s0+$0x1B690]  }
0xdc: {  	v8 =	vld [tilespmem:s0+$0x1BA90];
	[tilespmem:s0+$0x1C280] =	vst v5;
	v5 =	vadd.s32 v15, v6  }
0xdd: {  	s2 =	simm.s32 $0x20;
	v9 =	vld [tilespmem:s0+$0x1BE90];
	v63 =	vadd.s32 v15, v13;
	[tilespmem:s0+$0x1C680] =	vst v5  }
0xde: {  	s3 =	simm.s32 $0x100;
	v5 =	vshll.u32 v11, $0xC;
	v11 =	vadd.s32 v15, v14;
	v6 =	vld [tilespmem:s2+$0x18890];
	[tilespmem:s0+$0x1CA80] =	vst v63  }
.LBB2_14:
0xdf: {  	p0 =	sne.s32 s3, $0xF80;
	v12 =	vld [tilespmem:s2+$0x1AE90];
	[tilespmem:s0+$0x1CE80] =	vst v11;
	v10 =	vadd.s32 v10, v5  }
0xe0: {  	v11 =	vld [tilespmem:s2+$0x18880];
	[tilespmem:s0+$0x1C290] =	vst v10;
	v7 =	vadd.s32 v5, v7  }
0xe1: {  	v10 =	vld [tilespmem:s2+$0x1AE80];
	[tilespmem:s0+$0x1C690] =	vst v7;
	v7 =	vadd.s32 v5, v8  }
0xe2: {  	v8 =	vld [tilespmem:s2+$0x19180];
	[tilespmem:s0+$0x1CA90] =	vst v7;
	v5 =	vadd.s32 v5, v9  }
0xe3: {  	v7 =	vld [tilespmem:s2+$0x19190];
	[tilespmem:s0+$0x1CE90] =	vst v5;
	s0 =	smov.u32 s2  }
0xe4: {  	v9 =	vld [tilespmem:s0+$0x1B280];
	v5 =	vmul.f32 v12, v6  }
0xe5: {  	v6 =	vld [tilespmem:s0+$0x1B680]  }
0xe6: {  	v10 =	vmul.f32 v10, v11;
	v11 =	vld [tilespmem:s0+$0x1BA80];
	[tilespmem:s0+$0x1D290] =	vst v5  }
0xe7: {  	v12 =	vshll.u32 v8, $0xC;
	v13 =	vld [tilespmem:s0+$0x1BE80]  }
.Ltmp10:
0xe8: {  	[tilespmem:s0+$0x1D280] =	vst v10;
	v5 =	vshll.u32 v7, $0xC;
	v10 =	vld [tilespmem:s0+$0x1B290];
	(pc) =	sbr.rel @p0 .LBB2_14-.Ltmp10, $4  }
0xe9: {  	v8 =	vadd.s32 v9, v12;
	v7 =	vld [tilespmem:s0+$0x1B690]  }
0xea: {  	[tilespmem:s0+$0x1C280] =	vst v8;
	v6 =	vadd.s32 v12, v6;
	v8 =	vld [tilespmem:s0+$0x1BA90]  }
0xeb: {  	s2 =	sshra.s32 s3, $0x2;
	[tilespmem:s0+$0x1C680] =	vst v6;
	v11 =	vadd.s32 v12, v11;
	v9 =	vld [tilespmem:s0+$0x1BE90]  }
0xec: {  	s3 =	sadd.s32 $0x80, s3;
	v6 =	vld [tilespmem:s2+$0x18890];
	[tilespmem:s0+$0x1CA80] =	vst v11;
	v11 =	vadd.s32 v12, v13  }
0xed: {  	v12 =	vld [tilespmem:s2+$0x1AE90];
	[tilespmem:s0+$0x1CE80] =	vst v11;
	v10 =	vadd.s32 v10, v5  }
0xee: {  	v11 =	vld [tilespmem:s2+$0x18880];
	[tilespmem:s0+$0x1C290] =	vst v10;
	v7 =	vadd.s32 v5, v7  }
0xef: {  	v10 =	vld [tilespmem:s2+$0x1AE80];
	[tilespmem:s0+$0x1C690] =	vst v7;
	v7 =	vadd.s32 v5, v8  }
0xf0: {  	v57 =	vld [tilespmem:s2+$0x19180];
	[tilespmem:s0+$0x1CA90] =	vst v7;
	v5 =	vadd.s32 v5, v9  }
0xf1: {  	v7 =	vld [tilespmem:s2+$0x19190];
	[tilespmem:s0+$0x1CE90] =	vst v5  }
0xf2: {  	v5 =	vld [tilespmem:s2+$0x1B280]  }
0xf3: {  	v6 =	vmul.f32 v12, v6;
	v58 =	vld [tilespmem:s2+$0x1B680]  }
0xf4: {  	v59 =	vld [tilespmem:s2+$0x1BA80]  }
0xf5: {  	v10 =	vmul.f32 v10, v11;
	[tilespmem:s2+$0x1D290] =	vst v6;
	v6 =	vld [tilespmem:s2+$0x1BE80]  }
0xf6: {  	v60 =	vld [tilespmem:s2+$0x1B290];
	v8 =	vshll.u32 v57, $0xC  }
0xf7: {  	v61 =	vld [tilespmem:s2+$0x1B690];
	[tilespmem:s2+$0x1D280] =	vst v10;
	v5 =	vadd.s32 v5, v8  }
0xf8: {  	v62 =	vld [tilespmem:s2+$0x1BA90];
	[tilespmem:s2+$0x1C280] =	vst v5;
	v5 =	vadd.s32 v8, v58  }
0xf9: {  	v63 =	vld [tilespmem:s2+$0x1BE90];
	[tilespmem:s2+$0x1C680] =	vst v5;
	v5 =	vadd.s32 v8, v59  }
0xfa: {  	v7 =	vshll.u32 v7, $0xC;
	[tilespmem:s2+$0x1CA80] =	vst v5;
	v5 =	vadd.s32 v8, v6  }
0xfb: {  	[tilespmem:s2+$0x1CE80] =	vst v5;
	v5 =	vadd.s32 v60, v7  }
0xfc: {  	s0 =	sshll.u32 s23, $0xF;
	[tilespmem:s2+$0x1C290] =	vst v5;
	v5 =	vadd.s32 v7, v61  }
0xfd: {  	s3 =	sadd.s32 s21, s0;
	[tilespmem:s2+$0x1C690] =	vst v5;
	v5 =	vadd.s32 v7, v62  }
0xfe: {  	s3 =	sshrl.u32 s3, $0x3;
	[tilespmem:s2+$0x1CA90] =	vst v5;
	v5 =	vadd.s32 v7, v63  }
0xff: {  	s18 =	sadd.s32 s7, s3;
	[tilespmem:s2+$0x1CE90] =	vst v5  }
0x100: {  	[hbm4b:s18+s29] =	stream.strided.scatter [tilespmem:s9], [sflag:$0x3], $0x1000, s30, s29, $0x38;
	[tilespmem:$0x1D700] =	vst v63  }
0x101: {  	_ =	swait.ge [sflag:s1], $0x1000  }
0x102: {  	[sflag:s1] =	ssyncset.done $0x0  }
0x103: {  	s3 =	sadd.s32 s8, s3;
	[sflag:s1] =	ssyncadd.s32 $0xFFFFF000  }
0x104: {  	[hbm4b:s3+s29] =	stream.strided.scatter [tilespmem:s10], [sflag:$0x3], $0x400, s30, s29, $0x38;
	[tilespmem:$0x1D700] =	vst v63  }
0x105: {  	_ =	swait.ge [sflag:s1], $0x400  }
0x106: {  	s11 =	rddreg [dreg:$0x6]  }
0x107: {  	s2 =	sadd.s32 s0, s11  }
0x108: {  	[sflag:s1] =	ssyncset.done $0x0;
	s2 =	sshrl.u32 s2, $0x3  }
0x109: {  	[sflag:s1] =	ssyncadd.s32 $0xFFFFFC00;
	s2 =	sadd.s32 s8, s2  }
0x10a: {  	[hbm4b:s2+s29] =	stream.strided.scatter [tilespmem:s10], [sflag:$0x3], $0x400, s30, s29, $0x38;
	[tilespmem:$0x1D700] =	vst v63  }
0x10b: {  	_ =	swait.ge [sflag:s1], $0x400  }
0x10c: {  	s17 =	rddreg [dreg:$0x7]  }
0x10d: {  	s2 =	sadd.s32 s0, s17  }
0x10e: {  	[sflag:s1] =	ssyncset.done $0x0;
	s2 =	sshrl.u32 s2, $0x3  }
0x10f: {  	[sflag:s1] =	ssyncadd.s32 $0xFFFFFC00;
	s2 =	sadd.s32 s8, s2  }
0x110: {  	[hbm4b:s2+s29] =	stream.strided.scatter [tilespmem:s10], [sflag:$0x3], $0x400, s30, s29, $0x38;
	[tilespmem:$0x1D700] =	vst v63  }
0x111: {  	_ =	swait.ge [sflag:s1], $0x400  }
0x112: {  	s18 =	rddreg [dreg:$0x8]  }
0x113: {  	s0 =	sadd.s32 s0, s18  }
0x114: {  	[sflag:s1] =	ssyncset.done $0x0;
	s0 =	sshrl.u32 s0, $0x3  }
0x115: {  	[sflag:s1] =	ssyncadd.s32 $0xFFFFFC00;
	s0 =	sadd.s32 s8, s0  }
0x116: {  	[hbm4b:s0+s29] =	stream.strided.scatter [tilespmem:s10], [sflag:$0x3], $0x400, s30, s29, $0x38;
	[tilespmem:$0x1D700] =	vst v63  }
0x117: {  	_ =	swait.ge [sflag:s1], $0x400  }
0x118: {  	[sflag:s1] =	ssyncset.done $0x0  }
0x119: {  	[sflag:s1] =	ssyncadd.s32 $0xFFFFFC00  }
0x11a: {  	v5 =	vld [tilespmem:$0x18380]  }
0x11b: {  	v6 =	vld [tilespmem:$0x18C80]  }
0x11c: {  	v7 =	vld [tilespmem:$0x19580];
	_ =	sdelay $0x2  }
0x11d: {  	[tilespmem:$0x17F80] =	vst v5  }
0x11e: {  	[tilespmem:$0x18880] =	vst v6  }
0x11f: {  	s13 =	sadd.s32 $0xFFFFFC00, s13;
	s23 =	sadd.s32 $0x1, s23;
	[tilespmem:$0x19180] =	vst v7  }
.LBB2_16:
0x120: {  	s12 =	sadd.s32 s12, s16  }
0x121: {  	p0 =	slt.s32 s12, $0x400  }
.Ltmp11:
0x122: {  	_ = 	snop;
	(pc) =	sbr.rel @p0 .LBB2_22-.Ltmp11, $1  }
0x123: {  	_ =	sdelay $0x3  }
0x124: {  	s16 =	simm.s32 $0x18420  }
0x125: {  	v5 =	vld [tilespmem:s16+$0xFFFFFFE0];
	_ =	sdelay $0x3  }
0x126: {  	s17 =	simm.s32 $0x19AA0  }
0x127: {  	s0 =	simm.s32 $0x0;
	s18 =	simm.s32 $0x1A690;
	[tilespmem:s17+$0xFFFFFFE0] =	vst v5;
	v5 =	vshll.u32 v5, $0x2  }
0x128: {  	s0 =	sand.u32 $0x3C0, s0;
	[tilespmem:s18+$0xFFFFF7F0] =	vst v5;
	v6 =	vor.u32 $0x3, v5  }
0x129: {  	v7 =	vor.u32 $0x1, v5;
	[tilespmem:s0+$0x1AA80] =	vst v6  }
0x12a: {  	v5 =	vor.u32 $0x2, v5;
	[tilespmem:s0+$0x1A280] =	vst v7  }
0x12b: {  	[tilespmem:s0+$0x1A680] =	vst v5  }
0x12c: {  	v5 =	vld [tilespmem:s16+$0xFFFFFFF0];
	_ =	sdelay $0x4  }
0x12d: {  	[tilespmem:s17+$0xFFFFFFF0] =	vst v5;
	v5 =	vshll.u32 v5, $0x2  }
0x12e: {  	[tilespmem:s18+$0xFFFFF800] =	vst v5;
	v6 =	vor.u32 $0x1, v5  }
0x12f: {  	v7 =	vor.u32 $0x2, v5;
	[tilespmem:s18+$0xFFFFFC00] =	vst v6  }
0x130: {  	v5 =	vor.u32 $0x3, v5;
	[tilespmem:s18+$0x0] =	vst v7  }
0x131: {  	[tilespmem:s18+$0x400] =	vst v5  }
0x132: {  	v5 =	vld [tilespmem:s16+$0x0];
	_ =	sdelay $0x4  }
0x133: {  	[tilespmem:s17+$0x0] =	vst v5;
	v5 =	vshll.u32 v5, $0x2  }
0x134: {  	[tilespmem:s18+$0xFFFFF810] =	vst v5;
	v6 =	vor.u32 $0x3, v5  }
0x135: {  	v7 =	vor.u32 $0x1, v5;
	[tilespmem:s18+$0x410] =	vst v6  }
0x136: {  	v5 =	vor.u32 $0x2, v5;
	[tilespmem:s18+$0xFFFFFC10] =	vst v7  }
0x137: {  	[tilespmem:s18+$0x10] =	vst v5  }
0x138: {  	s2 =	simm.s32 $0x40;
	s3 =	simm.s32 $0x19AA0;
	s0 =	simm.s32 $0x1A690;
	v5 =	vld [tilespmem:s16+$0x10]  }
.LBB2_18:
0x139: {  	s18 =	sadd.s32 $0x40, s18;
	s16 =	sadd.s32 $0x40, s16;
	s17 =	sadd.s32 $0x40, s17  }
0x13a: {  	p0 =	sne.s32 s2, $0x3C0;
	s11 =	smov.u32 s2;
	s2 =	sadd.s32 $0x40, s2  }
0x13b: {  	_ =	sdelay $0x1  }
0x13c: {  	[tilespmem:s3+$0x10] =	vst v5;
	v5 =	vshll.u32 v5, $0x2;
	s3 =	smov.u32 s17  }
0x13d: {  	[tilespmem:s0+$0xFFFFF820] =	vst v5;
	v6 =	vor.u32 $0x1, v5;
	v7 =	vor.u32 $0x2, v5;
	v5 =	vor.u32 $0x3, v5  }
0x13e: {  	[tilespmem:s0+$0xFFFFFC20] =	vst v6  }
0x13f: {  	[tilespmem:s0+$0x420] =	vst v5  }
0x140: {  	[tilespmem:s0+$0x20] =	vst v7;
	s0 =	smov.u32 s18  }
0x141: {  	v5 =	vld [tilespmem:s16+$0xFFFFFFE0];
	_ =	sdelay $0x4  }
0x142: {  	[tilespmem:s17+$0xFFFFFFE0] =	vst v5;
	v5 =	vshll.u32 v5, $0x2  }
0x143: {  	s11 =	sand.u32 $0x3C0, s11;
	[tilespmem:s18+$0xFFFFF7F0] =	vst v5;
	v6 =	vor.u32 $0x1, v5;
	v7 =	vor.u32 $0x2, v5;
	v5 =	vor.u32 $0x3, v5  }
0x144: {  	[tilespmem:s11+$0x1AA80] =	vst v5  }
0x145: {  	[tilespmem:s11+$0x1A280] =	vst v6  }
0x146: {  	[tilespmem:s11+$0x1A680] =	vst v7  }
0x147: {  	v5 =	vld [tilespmem:s16+$0xFFFFFFF0];
	_ =	sdelay $0x4  }
0x148: {  	[tilespmem:s17+$0xFFFFFFF0] =	vst v5;
	v5 =	vshll.u32 v5, $0x2  }
0x149: {  	[tilespmem:s18+$0xFFFFF800] =	vst v5;
	v6 =	vor.u32 $0x1, v5;
	v7 =	vor.u32 $0x2, v5;
	v5 =	vor.u32 $0x3, v5  }
0x14a: {  	[tilespmem:s18+$0xFFFFFC00] =	vst v6  }
0x14b: {  	[tilespmem:s18+$0x0] =	vst v7  }
0x14c: {  	[tilespmem:s18+$0x400] =	vst v5  }
0x14d: {  	v5 =	vld [tilespmem:s16+$0x0];
	_ =	sdelay $0x4  }
0x14e: {  	[tilespmem:s17+$0x0] =	vst v5;
	v5 =	vshll.u32 v5, $0x2  }
.Ltmp12:
0x14f: {  	[tilespmem:s18+$0xFFFFF810] =	vst v5;
	v6 =	vor.u32 $0x1, v5;
	v7 =	vor.u32 $0x2, v5;
	v5 =	vor.u32 $0x3, v5;
	(pc) =	sbr.rel @p0 .LBB2_18-.Ltmp12, $4  }
0x150: {  	[tilespmem:s18+$0x410] =	vst v5  }
0x151: {  	[tilespmem:s18+$0xFFFFFC10] =	vst v6  }
0x152: {  	[tilespmem:s18+$0x10] =	vst v7  }
0x153: {  	v5 =	vld [tilespmem:s16+$0x10]  }
0x154: {  	_ =	sdelay $0x3  }
0x155: {  	[tilespmem:s3+$0x10] =	vst v5;
	v5 =	vshll.u32 v5, $0x2  }
0x156: {  	[tilespmem:s0+$0xFFFFF820] =	vst v5;
	v6 =	vor.u32 $0x1, v5  }
0x157: {  	v7 =	vor.u32 $0x3, v5;
	[tilespmem:s0+$0xFFFFFC20] =	vst v6  }
0x158: {  	v5 =	vor.u32 $0x2, v5;
	[tilespmem:s0+$0x420] =	vst v7  }
0x159: {  	s18 =	simm.s32 $0x19A80;
	s2 =	simm.s32 $0x1AE80;
	[tilespmem:s0+$0x20] =	vst v5  }
0x15a: {  	[tilespmem:s2], [sflag:$0x1] =	stream.indirect.gather [hbm4b:s31+s30], $0x1, s18, s30, $0xb8;
	[tilespmem:$0x1D700] =	vst v63  }
0x15b: {  	_ = 	snop  }
0x15c: {  	[tilespmem:s25], [sflag:$0x2] =	stream.indirect.gather [hbm4b:s19+s20], $0x1, s22, s20, $0xb8;
	[tilespmem:$0x1D700] =	vst v63  }
0x15d: {  	_ =	swait.ge [sflag:s26], $0x400  }
0x15e: {  	[sflag:s26] =	ssyncset.done $0x0  }
0x15f: {  	[sflag:s26] =	ssyncadd.s32 $0xFFFFFC00  }
0x160: {  	_ =	swait.ge [sflag:s28], $0x1000  }
0x161: {  	[sflag:s28] =	ssyncset.done $0x0  }
0x162: {  	s0 =	simm.s32 $0x0;
	[sflag:s28] =	ssyncadd.s32 $0xFFFFF000  }
0x163: {  	v5 =	vld [tilespmem:s0+$0x18D10]  }
0x164: {  	v6 =	vld [tilespmem:s0+$0x1AE90]  }
0x165: {  	v7 =	vld [tilespmem:s0+$0x18D00]  }
0x166: {  	v8 =	vld [tilespmem:s0+$0x1AE80]  }
0x167: {  	v9 =	vld [tilespmem:s0+$0x19600]  }
0x168: {  	v11 =	vld [tilespmem:s0+$0x19610]  }
0x169: {  	v12 =	vld [tilespmem:s0+$0x1B280]  }
0x16a: {  	v5 =	vmul.f32 v6, v5;
	v6 =	vld [tilespmem:s0+$0x1B680]  }
0x16b: {  	v13 =	vld [tilespmem:s0+$0x1BA80]  }
0x16c: {  	v14 =	vld [tilespmem:s0+$0x1BE80];
	v7 =	vmul.f32 v8, v7  }
0x16d: {  	v10 =	vld [tilespmem:s0+$0x1B290];
	v15 =	vshll.u32 v9, $0xC;
	[tilespmem:s0+$0x1D290] =	vst v5  }
0x16e: {  	[tilespmem:s0+$0x1D280] =	vst v7;
	v5 =	vadd.s32 v12, v15;
	v7 =	vld [tilespmem:s0+$0x1B690]  }
0x16f: {  	v8 =	vld [tilespmem:s0+$0x1BA90];
	[tilespmem:s0+$0x1C280] =	vst v5;
	v5 =	vadd.s32 v15, v6  }
0x170: {  	s2 =	simm.s32 $0x20;
	v9 =	vld [tilespmem:s0+$0x1BE90];
	v63 =	vadd.s32 v15, v13;
	[tilespmem:s0+$0x1C680] =	vst v5  }
0x171: {  	s3 =	simm.s32 $0x100;
	v5 =	vshll.u32 v11, $0xC;
	v11 =	vadd.s32 v15, v14;
	v6 =	vld [tilespmem:s2+$0x18D10];
	[tilespmem:s0+$0x1CA80] =	vst v63  }
.LBB2_20:
0x172: {  	p0 =	sne.s32 s3, $0xF80;
	v12 =	vld [tilespmem:s2+$0x1AE90];
	[tilespmem:s0+$0x1CE80] =	vst v11;
	v10 =	vadd.s32 v10, v5  }
0x173: {  	v11 =	vld [tilespmem:s2+$0x18D00];
	[tilespmem:s0+$0x1C290] =	vst v10;
	v7 =	vadd.s32 v5, v7  }
0x174: {  	v10 =	vld [tilespmem:s2+$0x1AE80];
	[tilespmem:s0+$0x1C690] =	vst v7;
	v7 =	vadd.s32 v5, v8  }
0x175: {  	v8 =	vld [tilespmem:s2+$0x19600];
	[tilespmem:s0+$0x1CA90] =	vst v7;
	v5 =	vadd.s32 v5, v9  }
0x176: {  	v7 =	vld [tilespmem:s2+$0x19610];
	[tilespmem:s0+$0x1CE90] =	vst v5;
	s0 =	smov.u32 s2  }
0x177: {  	v9 =	vld [tilespmem:s0+$0x1B280];
	v5 =	vmul.f32 v12, v6  }
0x178: {  	v6 =	vld [tilespmem:s0+$0x1B680]  }
0x179: {  	v10 =	vmul.f32 v10, v11;
	v11 =	vld [tilespmem:s0+$0x1BA80];
	[tilespmem:s0+$0x1D290] =	vst v5  }
0x17a: {  	v12 =	vshll.u32 v8, $0xC;
	v13 =	vld [tilespmem:s0+$0x1BE80]  }
.Ltmp13:
0x17b: {  	[tilespmem:s0+$0x1D280] =	vst v10;
	v5 =	vshll.u32 v7, $0xC;
	v10 =	vld [tilespmem:s0+$0x1B290];
	(pc) =	sbr.rel @p0 .LBB2_20-.Ltmp13, $4  }
0x17c: {  	v8 =	vadd.s32 v9, v12;
	v7 =	vld [tilespmem:s0+$0x1B690]  }
0x17d: {  	[tilespmem:s0+$0x1C280] =	vst v8;
	v6 =	vadd.s32 v12, v6;
	v8 =	vld [tilespmem:s0+$0x1BA90]  }
0x17e: {  	s2 =	sshra.s32 s3, $0x2;
	[tilespmem:s0+$0x1C680] =	vst v6;
	v11 =	vadd.s32 v12, v11;
	v9 =	vld [tilespmem:s0+$0x1BE90]  }
0x17f: {  	s3 =	sadd.s32 $0x80, s3;
	v6 =	vld [tilespmem:s2+$0x18D10];
	[tilespmem:s0+$0x1CA80] =	vst v11;
	v11 =	vadd.s32 v12, v13  }
0x180: {  	v12 =	vld [tilespmem:s2+$0x1AE90];
	[tilespmem:s0+$0x1CE80] =	vst v11;
	v10 =	vadd.s32 v10, v5  }
0x181: {  	v11 =	vld [tilespmem:s2+$0x18D00];
	[tilespmem:s0+$0x1C290] =	vst v10;
	v7 =	vadd.s32 v5, v7  }
0x182: {  	v10 =	vld [tilespmem:s2+$0x1AE80];
	[tilespmem:s0+$0x1C690] =	vst v7;
	v7 =	vadd.s32 v5, v8  }
0x183: {  	v57 =	vld [tilespmem:s2+$0x19600];
	[tilespmem:s0+$0x1CA90] =	vst v7;
	v5 =	vadd.s32 v5, v9  }
0x184: {  	v7 =	vld [tilespmem:s2+$0x19610];
	[tilespmem:s0+$0x1CE90] =	vst v5  }
0x185: {  	v5 =	vld [tilespmem:s2+$0x1B280]  }
0x186: {  	v6 =	vmul.f32 v12, v6;
	v58 =	vld [tilespmem:s2+$0x1B680]  }
0x187: {  	v59 =	vld [tilespmem:s2+$0x1BA80]  }
0x188: {  	v10 =	vmul.f32 v10, v11;
	[tilespmem:s2+$0x1D290] =	vst v6;
	v6 =	vld [tilespmem:s2+$0x1BE80]  }
0x189: {  	v60 =	vld [tilespmem:s2+$0x1B290];
	v8 =	vshll.u32 v57, $0xC  }
0x18a: {  	v61 =	vld [tilespmem:s2+$0x1B690];
	[tilespmem:s2+$0x1D280] =	vst v10;
	v5 =	vadd.s32 v5, v8  }
0x18b: {  	v62 =	vld [tilespmem:s2+$0x1BA90];
	[tilespmem:s2+$0x1C280] =	vst v5;
	v5 =	vadd.s32 v8, v58  }
0x18c: {  	v63 =	vld [tilespmem:s2+$0x1BE90];
	[tilespmem:s2+$0x1C680] =	vst v5;
	v5 =	vadd.s32 v8, v59  }
0x18d: {  	v7 =	vshll.u32 v7, $0xC;
	[tilespmem:s2+$0x1CA80] =	vst v5;
	v5 =	vadd.s32 v8, v6  }
0x18e: {  	[tilespmem:s2+$0x1CE80] =	vst v5;
	v5 =	vadd.s32 v60, v7  }
0x18f: {  	s3 =	rddreg [dreg:$0x9];
	s0 =	sshll.u32 s24, $0xF;
	[tilespmem:s2+$0x1C290] =	vst v5;
	v5 =	vadd.s32 v7, v61  }
0x190: {  	s3 =	sadd.s32 s3, s0;
	[tilespmem:s2+$0x1C690] =	vst v5;
	v5 =	vadd.s32 v7, v62  }
0x191: {  	s3 =	sshrl.u32 s3, $0x3;
	[tilespmem:s2+$0x1CA90] =	vst v5;
	v5 =	vadd.s32 v7, v63  }
0x192: {  	s18 =	sadd.s32 s7, s3;
	[tilespmem:s2+$0x1CE90] =	vst v5  }
0x193: {  	[hbm4b:s18+s29] =	stream.strided.scatter [tilespmem:s9], [sflag:$0x3], $0x1000, s30, s29, $0x38;
	[tilespmem:$0x1D700] =	vst v63  }
0x194: {  	_ =	swait.ge [sflag:s1], $0x1000  }
0x195: {  	[sflag:s1] =	ssyncset.done $0x0  }
0x196: {  	s11 =	sadd.s32 s8, s3;
	[sflag:s1] =	ssyncadd.s32 $0xFFFFF000  }
0x197: {  	[hbm4b:s11+s29] =	stream.strided.scatter [tilespmem:s10], [sflag:$0x3], $0x400, s30, s29, $0x38;
	[tilespmem:$0x1D700] =	vst v63  }
0x198: {  	_ =	swait.ge [sflag:s1], $0x400  }
0x199: {  	s16 =	rddreg [dreg:$0xa]  }
0x19a: {  	s2 =	sadd.s32 s0, s16  }
0x19b: {  	[sflag:s1] =	ssyncset.done $0x0;
	s2 =	sshrl.u32 s2, $0x3  }
0x19c: {  	[sflag:s1] =	ssyncadd.s32 $0xFFFFFC00;
	s2 =	sadd.s32 s8, s2  }
0x19d: {  	[hbm4b:s2+s29] =	stream.strided.scatter [tilespmem:s10], [sflag:$0x3], $0x400, s30, s29, $0x38;
	[tilespmem:$0x1D700] =	vst v63  }
0x19e: {  	_ =	swait.ge [sflag:s1], $0x400  }
0x19f: {  	s17 =	rddreg [dreg:$0xb]  }
0x1a0: {  	s2 =	sadd.s32 s0, s17  }
0x1a1: {  	[sflag:s1] =	ssyncset.done $0x0;
	s2 =	sshrl.u32 s2, $0x3  }
0x1a2: {  	[sflag:s1] =	ssyncadd.s32 $0xFFFFFC00;
	s2 =	sadd.s32 s8, s2  }
0x1a3: {  	[hbm4b:s2+s29] =	stream.strided.scatter [tilespmem:s10], [sflag:$0x3], $0x400, s30, s29, $0x38;
	[tilespmem:$0x1D700] =	vst v63  }
0x1a4: {  	_ =	swait.ge [sflag:s1], $0x400  }
0x1a5: {  	s18 =	rddreg [dreg:$0xc]  }
0x1a6: {  	s0 =	sadd.s32 s0, s18  }
0x1a7: {  	[sflag:s1] =	ssyncset.done $0x0;
	s0 =	sshrl.u32 s0, $0x3  }
0x1a8: {  	[sflag:s1] =	ssyncadd.s32 $0xFFFFFC00;
	s0 =	sadd.s32 s8, s0  }
0x1a9: {  	[hbm4b:s0+s29] =	stream.strided.scatter [tilespmem:s10], [sflag:$0x3], $0x400, s30, s29, $0x38;
	[tilespmem:$0x1D700] =	vst v63  }
0x1aa: {  	_ =	swait.ge [sflag:s1], $0x400  }
0x1ab: {  	[sflag:s1] =	ssyncset.done $0x0  }
0x1ac: {  	[sflag:s1] =	ssyncadd.s32 $0xFFFFFC00  }
0x1ad: {  	v5 =	vld [tilespmem:$0x18800]  }
0x1ae: {  	v6 =	vld [tilespmem:$0x19100]  }
0x1af: {  	v7 =	vld [tilespmem:$0x19A00]  }
.Ltmp14:
0x1b0: {  	_ = 	snop;
	(pc) =	sbr.rel .LBB2_22-.Ltmp14, $4  }
0x1b1: {  	_ = 	snop  }
0x1b2: {  	[tilespmem:$0x18400] =	vst v5  }
0x1b3: {  	[tilespmem:$0x18D00] =	vst v6  }
0x1b4: {  	s12 =	sadd.s32 $0xFFFFFC00, s12;
	s24 =	sadd.s32 $0x1, s24;
	[tilespmem:$0x19600] =	vst v7  }
.LBB2_23:
0x1b5: {  	p0 =	slt.s32 s13, $0x1  }
.Ltmp15:
0x1b6: {  	_ = 	snop;
	(pc) =	sbr.rel @p0 .LBB2_29-.Ltmp15, $1  }
0x1b7: {  	_ =	sdelay $0x3  }
0x1b8: {  	s14 =	simm.s32 $0x17FA0  }
0x1b9: {  	v5 =	vld [tilespmem:s14+$0xFFFFFFE0];
	_ =	sdelay $0x3  }
0x1ba: {  	s15 =	simm.s32 $0x19AA0  }
0x1bb: {  	s0 =	simm.s32 $0x0;
	s16 =	simm.s32 $0x1A690;
	[tilespmem:s15+$0xFFFFFFE0] =	vst v5;
	v5 =	vshll.u32 v5, $0x2  }
0x1bc: {  	s0 =	sand.u32 $0x3C0, s0;
	[tilespmem:s16+$0xFFFFF7F0] =	vst v5;
	v6 =	vor.u32 $0x3, v5  }
0x1bd: {  	v7 =	vor.u32 $0x1, v5;
	[tilespmem:s0+$0x1AA80] =	vst v6  }
0x1be: {  	v5 =	vor.u32 $0x2, v5;
	[tilespmem:s0+$0x1A280] =	vst v7  }
0x1bf: {  	[tilespmem:s0+$0x1A680] =	vst v5  }
0x1c0: {  	v5 =	vld [tilespmem:s14+$0xFFFFFFF0];
	_ =	sdelay $0x4  }
0x1c1: {  	[tilespmem:s15+$0xFFFFFFF0] =	vst v5;
	v5 =	vshll.u32 v5, $0x2  }
0x1c2: {  	[tilespmem:s16+$0xFFFFF800] =	vst v5;
	v6 =	vor.u32 $0x1, v5  }
0x1c3: {  	v7 =	vor.u32 $0x2, v5;
	[tilespmem:s16+$0xFFFFFC00] =	vst v6  }
0x1c4: {  	v5 =	vor.u32 $0x3, v5;
	[tilespmem:s16+$0x0] =	vst v7  }
0x1c5: {  	[tilespmem:s16+$0x400] =	vst v5  }
0x1c6: {  	v5 =	vld [tilespmem:s14+$0x0];
	_ =	sdelay $0x4  }
0x1c7: {  	[tilespmem:s15+$0x0] =	vst v5;
	v5 =	vshll.u32 v5, $0x2  }
0x1c8: {  	[tilespmem:s16+$0xFFFFF810] =	vst v5;
	v6 =	vor.u32 $0x3, v5  }
0x1c9: {  	v7 =	vor.u32 $0x1, v5;
	[tilespmem:s16+$0x410] =	vst v6  }
0x1ca: {  	v5 =	vor.u32 $0x2, v5;
	[tilespmem:s16+$0xFFFFFC10] =	vst v7  }
0x1cb: {  	[tilespmem:s16+$0x10] =	vst v5  }
0x1cc: {  	s2 =	simm.s32 $0x40;
	s3 =	simm.s32 $0x19AA0;
	s0 =	simm.s32 $0x1A690;
	v5 =	vld [tilespmem:s14+$0x10]  }
.LBB2_25:
0x1cd: {  	s16 =	sadd.s32 $0x40, s16;
	s14 =	sadd.s32 $0x40, s14;
	s15 =	sadd.s32 $0x40, s15  }
0x1ce: {  	p0 =	sne.s32 s2, $0x3C0;
	s11 =	smov.u32 s2;
	s2 =	sadd.s32 $0x40, s2  }
0x1cf: {  	_ =	sdelay $0x1  }
0x1d0: {  	[tilespmem:s3+$0x10] =	vst v5;
	v5 =	vshll.u32 v5, $0x2;
	s3 =	smov.u32 s15  }
0x1d1: {  	[tilespmem:s0+$0xFFFFF820] =	vst v5;
	v6 =	vor.u32 $0x1, v5;
	v7 =	vor.u32 $0x2, v5;
	v5 =	vor.u32 $0x3, v5  }
0x1d2: {  	[tilespmem:s0+$0xFFFFFC20] =	vst v6  }
0x1d3: {  	[tilespmem:s0+$0x420] =	vst v5  }
0x1d4: {  	[tilespmem:s0+$0x20] =	vst v7;
	s0 =	smov.u32 s16  }
0x1d5: {  	v5 =	vld [tilespmem:s14+$0xFFFFFFE0];
	_ =	sdelay $0x4  }
0x1d6: {  	[tilespmem:s15+$0xFFFFFFE0] =	vst v5;
	v5 =	vshll.u32 v5, $0x2  }
0x1d7: {  	s11 =	sand.u32 $0x3C0, s11;
	[tilespmem:s16+$0xFFFFF7F0] =	vst v5;
	v6 =	vor.u32 $0x1, v5;
	v7 =	vor.u32 $0x2, v5;
	v5 =	vor.u32 $0x3, v5  }
0x1d8: {  	[tilespmem:s11+$0x1AA80] =	vst v5  }
0x1d9: {  	[tilespmem:s11+$0x1A280] =	vst v6  }
0x1da: {  	[tilespmem:s11+$0x1A680] =	vst v7  }
0x1db: {  	v5 =	vld [tilespmem:s14+$0xFFFFFFF0];
	_ =	sdelay $0x4  }
0x1dc: {  	[tilespmem:s15+$0xFFFFFFF0] =	vst v5;
	v5 =	vshll.u32 v5, $0x2  }
0x1dd: {  	[tilespmem:s16+$0xFFFFF800] =	vst v5;
	v6 =	vor.u32 $0x1, v5;
	v7 =	vor.u32 $0x2, v5;
	v5 =	vor.u32 $0x3, v5  }
0x1de: {  	[tilespmem:s16+$0xFFFFFC00] =	vst v6  }
0x1df: {  	[tilespmem:s16+$0x0] =	vst v7  }
0x1e0: {  	[tilespmem:s16+$0x400] =	vst v5  }
0x1e1: {  	v5 =	vld [tilespmem:s14+$0x0];
	_ =	sdelay $0x4  }
0x1e2: {  	[tilespmem:s15+$0x0] =	vst v5;
	v5 =	vshll.u32 v5, $0x2  }
.Ltmp16:
0x1e3: {  	[tilespmem:s16+$0xFFFFF810] =	vst v5;
	v6 =	vor.u32 $0x1, v5;
	v7 =	vor.u32 $0x2, v5;
	v5 =	vor.u32 $0x3, v5;
	(pc) =	sbr.rel @p0 .LBB2_25-.Ltmp16, $4  }
0x1e4: {  	[tilespmem:s16+$0x410] =	vst v5  }
0x1e5: {  	[tilespmem:s16+$0xFFFFFC10] =	vst v6  }
0x1e6: {  	[tilespmem:s16+$0x10] =	vst v7  }
0x1e7: {  	v5 =	vld [tilespmem:s14+$0x10]  }
0x1e8: {  	_ =	sdelay $0x3  }
0x1e9: {  	[tilespmem:s3+$0x10] =	vst v5;
	v5 =	vshll.u32 v5, $0x2  }
0x1ea: {  	[tilespmem:s0+$0xFFFFF820] =	vst v5;
	v6 =	vor.u32 $0x1, v5  }
0x1eb: {  	v7 =	vor.u32 $0x3, v5;
	[tilespmem:s0+$0xFFFFFC20] =	vst v6  }
0x1ec: {  	v5 =	vor.u32 $0x2, v5;
	[tilespmem:s0+$0x420] =	vst v7  }
0x1ed: {  	s17 =	simm.s32 $0x19A80;
	s2 =	simm.s32 $0x1AE80;
	[tilespmem:s0+$0x20] =	vst v5  }
0x1ee: {  	[tilespmem:s2], [sflag:$0x1] =	stream.indirect.gather [hbm4b:s31+s30], $0x1, s17, s30, $0xb8;
	[tilespmem:$0x1D700] =	vst v63  }
0x1ef: {  	_ = 	snop  }
0x1f0: {  	[tilespmem:s25], [sflag:$0x2] =	stream.indirect.gather [hbm4b:s19+s20], $0x1, s22, s20, $0xb8;
	[tilespmem:$0x1D700] =	vst v63  }
0x1f1: {  	_ =	swait.ge [sflag:s26], $0x400  }
0x1f2: {  	[sflag:s26] =	ssyncset.done $0x0  }
0x1f3: {  	[sflag:s26] =	ssyncadd.s32 $0xFFFFFC00  }
0x1f4: {  	_ =	swait.ge [sflag:s28], $0x1000  }
0x1f5: {  	[sflag:s28] =	ssyncset.done $0x0  }
0x1f6: {  	s14 =	simm.s32 $0x0;
	[sflag:s28] =	ssyncadd.s32 $0xFFFFF000  }
0x1f7: {  	v6 =	vld [tilespmem:s14+$0x18890]  }
0x1f8: {  	v7 =	vld [tilespmem:s14+$0x1AE90]  }
0x1f9: {  	v8 =	vld [tilespmem:s14+$0x18880]  }
0x1fa: {  	v9 =	vld [tilespmem:s14+$0x1AE80]  }
0x1fb: {  	v10 =	vld [tilespmem:s14+$0x19180]  }
0x1fc: {  	v12 =	vld [tilespmem:s14+$0x19190]  }
0x1fd: {  	s18 =	simm.s32 $0x10;
	v11 =	vld [tilespmem:s14+$0x1B280]  }
0x1fe: {  	v13 =	vor.u32 s18, v4;
	v5 =	vmov s13;
	s13 =	simm.s32 $0x0;
	v6 =	vmul.f32 v7, v6;
	v7 =	vld [tilespmem:s14+$0x1B680]  }
0x1ff: {  	vm2 =	vlt.s32 v13, v5;
	v13 =	vld [tilespmem:s14+$0x1BA80];
	v8 =	vmul.f32 v9, v8;
	v9 =	vor.u32 s13, v4  }
0x200: {  	v14 =	vld [tilespmem:s14+$0x1BE80];
	v6 =	vnsel vm2, $0x0, v6;
	vm2 =	vlt.s32 v9, v5  }
0x201: {  	v15 =	vshll.u32 v10, $0xC;
	[tilespmem:s14+$0x1D290] =	vst v6;
	v6 =	vnsel vm2, $0x0, v8;
	v8 =	vld [tilespmem:s14+$0x1B290]  }
0x202: {  	v9 =	vld [tilespmem:s14+$0x1B690];
	[tilespmem:s14+$0x1D280] =	vst v6;
	v6 =	vadd.s32 v11, v15  }
0x203: {  	v10 =	vld [tilespmem:s14+$0x1BA90];
	[tilespmem:s14+$0x1C280] =	vst v6;
	v6 =	vadd.s32 v15, v7  }
0x204: {  	s0 =	simm.s32 $0x20;
	v13 =	vadd.s32 v15, v13;
	v11 =	vld [tilespmem:s14+$0x1BE90];
	[tilespmem:s14+$0x1C680] =	vst v6  }
0x205: {  	s2 =	simm.s32 $0x100;
	v7 =	vshll.u32 v12, $0xC;
	v12 =	vadd.s32 v15, v14;
	v6 =	vld [tilespmem:s0+$0x18890];
	[tilespmem:s14+$0x1CA80] =	vst v13  }
.LBB2_27:
0x206: {  	p0 =	sne.s32 s2, $0xF80;
	v13 =	vld [tilespmem:s0+$0x1AE90];
	[tilespmem:s14+$0x1CE80] =	vst v12;
	v8 =	vadd.s32 v8, v7  }
0x207: {  	v12 =	vld [tilespmem:s0+$0x18880];
	[tilespmem:s14+$0x1C290] =	vst v8;
	v8 =	vadd.s32 v7, v9  }
0x208: {  	v9 =	vld [tilespmem:s0+$0x1AE80];
	[tilespmem:s14+$0x1C690] =	vst v8;
	v8 =	vadd.s32 v7, v10  }
0x209: {  	s13 =	sadd.s32 $0x20, s13;
	v10 =	vld [tilespmem:s0+$0x19180];
	[tilespmem:s14+$0x1CA90] =	vst v8;
	v7 =	vadd.s32 v7, v11  }
0x20a: {  	s3 =	sadd.s32 $0x10, s13;
	v8 =	vor.u32 s13, v4;
	v11 =	vld [tilespmem:s0+$0x19190];
	[tilespmem:s14+$0x1CE90] =	vst v7;
	s14 =	smov.u32 s0  }
0x20b: {  	vm2 =	vlt.s32 v8, v5;
	v7 =	vor.u32 s3, v4;
	v14 =	vld [tilespmem:s14+$0x1B280];
	v6 =	vmul.f32 v13, v6  }
0x20c: {  	vm3 =	vlt.s32 v7, v5;
	v13 =	vld [tilespmem:s14+$0x1B680]  }
0x20d: {  	v7 =	vmul.f32 v9, v12;
	v12 =	vld [tilespmem:s14+$0x1BA80];
	v6 =	vnsel vm3, $0x0, v6  }
0x20e: {  	v15 =	vshll.u32 v10, $0xC;
	v16 =	vld [tilespmem:s14+$0x1BE80];
	[tilespmem:s14+$0x1D290] =	vst v6  }
.Ltmp17:
0x20f: {  	v6 =	vnsel vm2, $0x0, v7;
	v7 =	vshll.u32 v11, $0xC;
	v8 =	vld [tilespmem:s14+$0x1B290];
	(pc) =	sbr.rel @p0 .LBB2_27-.Ltmp17, $4  }
0x210: {  	v10 =	vadd.s32 v14, v15;
	[tilespmem:s14+$0x1D280] =	vst v6;
	v9 =	vld [tilespmem:s14+$0x1B690]  }
0x211: {  	[tilespmem:s14+$0x1C280] =	vst v10;
	v6 =	vadd.s32 v15, v13;
	v10 =	vld [tilespmem:s14+$0x1BA90]  }
0x212: {  	s0 =	sshra.s32 s2, $0x2;
	[tilespmem:s14+$0x1C680] =	vst v6;
	v12 =	vadd.s32 v15, v12;
	v11 =	vld [tilespmem:s14+$0x1BE90]  }
0x213: {  	s2 =	sadd.s32 $0x80, s2;
	v6 =	vld [tilespmem:s0+$0x18890];
	[tilespmem:s14+$0x1CA80] =	vst v12;
	v12 =	vadd.s32 v15, v16  }
0x214: {  	v13 =	vld [tilespmem:s0+$0x1AE90];
	[tilespmem:s14+$0x1CE80] =	vst v12;
	v8 =	vadd.s32 v8, v7  }
0x215: {  	v12 =	vld [tilespmem:s0+$0x18880];
	[tilespmem:s14+$0x1C290] =	vst v8;
	v53 =	vadd.s32 v7, v9  }
0x216: {  	v54 =	vld [tilespmem:s0+$0x1AE80];
	[tilespmem:s14+$0x1C690] =	vst v53;
	v55 =	vadd.s32 v7, v10  }
0x217: {  	v56 =	vld [tilespmem:s0+$0x19180];
	[tilespmem:s14+$0x1CA90] =	vst v55;
	v7 =	vadd.s32 v7, v11  }
0x218: {  	s2 =	sadd.s32 $0x20, s13;
	v8 =	vld [tilespmem:s0+$0x19190];
	[tilespmem:s14+$0x1CE90] =	vst v7  }
0x219: {  	s3 =	sadd.s32 $0x10, s2;
	v7 =	vld [tilespmem:s0+$0x1B280]  }
0x21a: {  	v57 =	vor.u32 s3, v4;
	v6 =	vmul.f32 v13, v6;
	v58 =	vld [tilespmem:s0+$0x1B680]  }
0x21b: {  	v60 =	vor.u32 s2, v4;
	vm2 =	vlt.s32 v57, v5;
	v59 =	vld [tilespmem:s0+$0x1BA80];
	v9 =	vmul.f32 v54, v12  }
0x21c: {  	v14 =	vld [tilespmem:s0+$0x1BE80];
	v6 =	vnsel vm2, $0x0, v6;
	vm2 =	vlt.s32 v60, v5  }
0x21d: {  	[tilespmem:s0+$0x1D290] =	vst v6;
	v6 =	vld [tilespmem:s0+$0x1B290];
	v61 =	vshll.u32 v56, $0xC;
	v5 =	vnsel vm2, $0x0, v9  }
0x21e: {  	[tilespmem:s0+$0x1D280] =	vst v5;
	v5 =	vadd.s32 v7, v61;
	v7 =	vld [tilespmem:s0+$0x1B690]  }
0x21f: {  	v62 =	vld [tilespmem:s0+$0x1BA90];
	[tilespmem:s0+$0x1C280] =	vst v5;
	v5 =	vadd.s32 v61, v58  }
0x220: {  	v63 =	vld [tilespmem:s0+$0x1BE90];
	[tilespmem:s0+$0x1C680] =	vst v5;
	v5 =	vadd.s32 v61, v59  }
0x221: {  	v8 =	vshll.u32 v8, $0xC;
	[tilespmem:s0+$0x1CA80] =	vst v5;
	v5 =	vadd.s32 v61, v14  }
0x222: {  	[tilespmem:s0+$0x1CE80] =	vst v5;
	v5 =	vadd.s32 v6, v8  }
0x223: {  	s11 =	sshll.u32 s23, $0xF;
	[tilespmem:s0+$0x1C290] =	vst v5;
	v5 =	vadd.s32 v8, v7  }
0x224: {  	s13 =	sadd.s32 s21, s11;
	[tilespmem:s0+$0x1C690] =	vst v5;
	v5 =	vadd.s32 v8, v62  }
0x225: {  	s3 =	sshrl.u32 s13, $0x3;
	[tilespmem:s0+$0x1CA90] =	vst v5;
	v5 =	vadd.s32 v8, v63  }
0x226: {  	s14 =	sadd.s32 s7, s3;
	[tilespmem:s0+$0x1CE90] =	vst v5  }
0x227: {  	[hbm4b:s14+s29] =	stream.strided.scatter [tilespmem:s9], [sflag:$0x3], $0x1000, s30, s29, $0x38;
	[tilespmem:$0x1D700] =	vst v63  }
0x228: {  	_ =	swait.ge [sflag:s1], $0x1000  }
0x229: {  	[sflag:s1] =	ssyncset.done $0x0  }
0x22a: {  	s15 =	sadd.s32 s8, s3;
	[sflag:s1] =	ssyncadd.s32 $0xFFFFF000  }
0x22b: {  	[hbm4b:s15+s29] =	stream.strided.scatter [tilespmem:s10], [sflag:$0x3], $0x400, s30, s29, $0x38;
	[tilespmem:$0x1D700] =	vst v63  }
0x22c: {  	_ =	swait.ge [sflag:s1], $0x400  }
0x22d: {  	s16 =	rddreg [dreg:$0xd]  }
0x22e: {  	s0 =	sadd.s32 s11, s16  }
0x22f: {  	[sflag:s1] =	ssyncset.done $0x0;
	s0 =	sshrl.u32 s0, $0x3  }
0x230: {  	[sflag:s1] =	ssyncadd.s32 $0xFFFFFC00;
	s0 =	sadd.s32 s8, s0  }
0x231: {  	[hbm4b:s0+s29] =	stream.strided.scatter [tilespmem:s10], [sflag:$0x3], $0x400, s30, s29, $0x38;
	[tilespmem:$0x1D700] =	vst v63  }
0x232: {  	_ =	swait.ge [sflag:s1], $0x400  }
0x233: {  	s17 =	rddreg [dreg:$0xe]  }
0x234: {  	s0 =	sadd.s32 s11, s17  }
0x235: {  	[sflag:s1] =	ssyncset.done $0x0;
	s0 =	sshrl.u32 s0, $0x3  }
0x236: {  	[sflag:s1] =	ssyncadd.s32 $0xFFFFFC00;
	s0 =	sadd.s32 s8, s0  }
0x237: {  	[hbm4b:s0+s29] =	stream.strided.scatter [tilespmem:s10], [sflag:$0x3], $0x400, s30, s29, $0x38;
	[tilespmem:$0x1D700] =	vst v63  }
0x238: {  	_ =	swait.ge [sflag:s1], $0x400  }
0x239: {  	s18 =	rddreg [dreg:$0xf]  }
0x23a: {  	s0 =	sadd.s32 s11, s18  }
0x23b: {  	[sflag:s1] =	ssyncset.done $0x0;
	s0 =	sshrl.u32 s0, $0x3  }
0x23c: {  	[sflag:s1] =	ssyncadd.s32 $0xFFFFFC00;
	s0 =	sadd.s32 s8, s0  }
0x23d: {  	[hbm4b:s0+s29] =	stream.strided.scatter [tilespmem:s10], [sflag:$0x3], $0x400, s30, s29, $0x38;
	[tilespmem:$0x1D700] =	vst v63  }
0x23e: {  	_ =	swait.ge [sflag:s1], $0x400  }
0x23f: {  	[sflag:s1] =	ssyncset.done $0x0  }
0x240: {  	s23 =	sadd.s32 $0x1, s23;
	[sflag:s1] =	ssyncadd.s32 $0xFFFFFC00  }
.LBB2_29:
0x241: {  	p0 =	slt.s32 s12, $0x1  }
.Ltmp18:
0x242: {  	_ = 	snop;
	(pc) =	sbr.rel @p0 .LBB2_30-.Ltmp18, $1  }
0x243: {  	_ =	sdelay $0x3  }
0x244: {  	s13 =	simm.s32 $0x18420  }
0x245: {  	v5 =	vld [tilespmem:s13+$0xFFFFFFE0];
	_ =	sdelay $0x3  }
0x246: {  	s14 =	simm.s32 $0x19AA0  }
0x247: {  	s0 =	simm.s32 $0x0;
	s15 =	simm.s32 $0x1A690;
	[tilespmem:s14+$0xFFFFFFE0] =	vst v5;
	v5 =	vshll.u32 v5, $0x2  }
0x248: {  	s0 =	sand.u32 $0x3C0, s0;
	[tilespmem:s15+$0xFFFFF7F0] =	vst v5;
	v6 =	vor.u32 $0x3, v5  }
0x249: {  	v7 =	vor.u32 $0x1, v5;
	[tilespmem:s0+$0x1AA80] =	vst v6  }
0x24a: {  	v5 =	vor.u32 $0x2, v5;
	[tilespmem:s0+$0x1A280] =	vst v7  }
0x24b: {  	[tilespmem:s0+$0x1A680] =	vst v5  }
0x24c: {  	v5 =	vld [tilespmem:s13+$0xFFFFFFF0];
	_ =	sdelay $0x4  }
0x24d: {  	[tilespmem:s14+$0xFFFFFFF0] =	vst v5;
	v5 =	vshll.u32 v5, $0x2  }
0x24e: {  	[tilespmem:s15+$0xFFFFF800] =	vst v5;
	v6 =	vor.u32 $0x1, v5  }
0x24f: {  	v7 =	vor.u32 $0x2, v5;
	[tilespmem:s15+$0xFFFFFC00] =	vst v6  }
0x250: {  	v5 =	vor.u32 $0x3, v5;
	[tilespmem:s15+$0x0] =	vst v7  }
0x251: {  	[tilespmem:s15+$0x400] =	vst v5  }
0x252: {  	v5 =	vld [tilespmem:s13+$0x0];
	_ =	sdelay $0x4  }
0x253: {  	[tilespmem:s14+$0x0] =	vst v5;
	v5 =	vshll.u32 v5, $0x2  }
0x254: {  	[tilespmem:s15+$0xFFFFF810] =	vst v5;
	v6 =	vor.u32 $0x3, v5  }
0x255: {  	v7 =	vor.u32 $0x1, v5;
	[tilespmem:s15+$0x410] =	vst v6  }
0x256: {  	v5 =	vor.u32 $0x2, v5;
	[tilespmem:s15+$0xFFFFFC10] =	vst v7  }
0x257: {  	[tilespmem:s15+$0x10] =	vst v5  }
0x258: {  	s2 =	simm.s32 $0x40;
	s3 =	simm.s32 $0x19AA0;
	s0 =	simm.s32 $0x1A690;
	v5 =	vld [tilespmem:s13+$0x10]  }
.LBB2_32:
0x259: {  	s15 =	sadd.s32 $0x40, s15;
	s13 =	sadd.s32 $0x40, s13;
	s14 =	sadd.s32 $0x40, s14  }
0x25a: {  	p0 =	sne.s32 s2, $0x3C0;
	s11 =	smov.u32 s2;
	s2 =	sadd.s32 $0x40, s2  }
0x25b: {  	_ =	sdelay $0x1  }
0x25c: {  	[tilespmem:s3+$0x10] =	vst v5;
	v5 =	vshll.u32 v5, $0x2;
	s3 =	smov.u32 s14  }
0x25d: {  	[tilespmem:s0+$0xFFFFF820] =	vst v5;
	v6 =	vor.u32 $0x1, v5;
	v7 =	vor.u32 $0x2, v5;
	v5 =	vor.u32 $0x3, v5  }
0x25e: {  	[tilespmem:s0+$0xFFFFFC20] =	vst v6  }
0x25f: {  	[tilespmem:s0+$0x420] =	vst v5  }
0x260: {  	[tilespmem:s0+$0x20] =	vst v7;
	s0 =	smov.u32 s15  }
0x261: {  	v5 =	vld [tilespmem:s13+$0xFFFFFFE0];
	_ =	sdelay $0x4  }
0x262: {  	[tilespmem:s14+$0xFFFFFFE0] =	vst v5;
	v5 =	vshll.u32 v5, $0x2  }
0x263: {  	s11 =	sand.u32 $0x3C0, s11;
	[tilespmem:s15+$0xFFFFF7F0] =	vst v5;
	v6 =	vor.u32 $0x1, v5;
	v7 =	vor.u32 $0x2, v5;
	v5 =	vor.u32 $0x3, v5  }
0x264: {  	[tilespmem:s11+$0x1AA80] =	vst v5  }
0x265: {  	[tilespmem:s11+$0x1A280] =	vst v6  }
0x266: {  	[tilespmem:s11+$0x1A680] =	vst v7  }
0x267: {  	v5 =	vld [tilespmem:s13+$0xFFFFFFF0];
	_ =	sdelay $0x4  }
0x268: {  	[tilespmem:s14+$0xFFFFFFF0] =	vst v5;
	v5 =	vshll.u32 v5, $0x2  }
0x269: {  	[tilespmem:s15+$0xFFFFF800] =	vst v5;
	v6 =	vor.u32 $0x1, v5;
	v7 =	vor.u32 $0x2, v5;
	v5 =	vor.u32 $0x3, v5  }
0x26a: {  	[tilespmem:s15+$0xFFFFFC00] =	vst v6  }
0x26b: {  	[tilespmem:s15+$0x0] =	vst v7  }
0x26c: {  	[tilespmem:s15+$0x400] =	vst v5  }
0x26d: {  	v5 =	vld [tilespmem:s13+$0x0];
	_ =	sdelay $0x4  }
0x26e: {  	[tilespmem:s14+$0x0] =	vst v5;
	v5 =	vshll.u32 v5, $0x2  }
.Ltmp19:
0x26f: {  	[tilespmem:s15+$0xFFFFF810] =	vst v5;
	v6 =	vor.u32 $0x1, v5;
	v7 =	vor.u32 $0x2, v5;
	v5 =	vor.u32 $0x3, v5;
	(pc) =	sbr.rel @p0 .LBB2_32-.Ltmp19, $4  }
0x270: {  	[tilespmem:s15+$0x410] =	vst v5  }
0x271: {  	[tilespmem:s15+$0xFFFFFC10] =	vst v6  }
0x272: {  	[tilespmem:s15+$0x10] =	vst v7  }
0x273: {  	v5 =	vld [tilespmem:s13+$0x10]  }
0x274: {  	_ =	sdelay $0x3  }
0x275: {  	[tilespmem:s3+$0x10] =	vst v5;
	v5 =	vshll.u32 v5, $0x2  }
0x276: {  	[tilespmem:s0+$0xFFFFF820] =	vst v5;
	v6 =	vor.u32 $0x1, v5  }
0x277: {  	v7 =	vor.u32 $0x3, v5;
	[tilespmem:s0+$0xFFFFFC20] =	vst v6  }
0x278: {  	v5 =	vor.u32 $0x2, v5;
	[tilespmem:s0+$0x420] =	vst v7  }
0x279: {  	s17 =	simm.s32 $0x19A80;
	s2 =	simm.s32 $0x1AE80;
	[tilespmem:s0+$0x20] =	vst v5  }
0x27a: {  	[tilespmem:s2], [sflag:$0x1] =	stream.indirect.gather [hbm4b:s31+s30], $0x1, s17, s30, $0xb8;
	[tilespmem:$0x1D700] =	vst v63  }
0x27b: {  	_ = 	snop  }
0x27c: {  	[tilespmem:s25], [sflag:$0x2] =	stream.indirect.gather [hbm4b:s19+s20], $0x1, s22, s20, $0xb8;
	[tilespmem:$0x1D700] =	vst v63  }
0x27d: {  	_ =	swait.ge [sflag:s26], $0x400  }
0x27e: {  	[sflag:s26] =	ssyncset.done $0x0  }
0x27f: {  	[sflag:s26] =	ssyncadd.s32 $0xFFFFFC00  }
0x280: {  	_ =	swait.ge [sflag:s28], $0x1000  }
0x281: {  	[sflag:s28] =	ssyncset.done $0x0  }
0x282: {  	s13 =	simm.s32 $0x0;
	[sflag:s28] =	ssyncadd.s32 $0xFFFFF000  }
0x283: {  	v6 =	vld [tilespmem:s13+$0x18D10]  }
0x284: {  	v7 =	vld [tilespmem:s13+$0x1AE90]  }
0x285: {  	v8 =	vld [tilespmem:s13+$0x18D00]  }
0x286: {  	v9 =	vld [tilespmem:s13+$0x1AE80]  }
0x287: {  	v10 =	vld [tilespmem:s13+$0x19600]  }
0x288: {  	v12 =	vld [tilespmem:s13+$0x19610]  }
0x289: {  	s18 =	simm.s32 $0x10;
	v11 =	vld [tilespmem:s13+$0x1B280]  }
0x28a: {  	v13 =	vor.u32 s18, v4;
	v5 =	vmov s12;
	s12 =	simm.s32 $0x0;
	v6 =	vmul.f32 v7, v6;
	v7 =	vld [tilespmem:s13+$0x1B680]  }
0x28b: {  	vm2 =	vlt.s32 v13, v5;
	v13 =	vld [tilespmem:s13+$0x1BA80];
	v8 =	vmul.f32 v9, v8;
	v9 =	vor.u32 s12, v4  }
0x28c: {  	v14 =	vld [tilespmem:s13+$0x1BE80];
	v6 =	vnsel vm2, $0x0, v6;
	vm2 =	vlt.s32 v9, v5  }
0x28d: {  	v15 =	vshll.u32 v10, $0xC;
	[tilespmem:s13+$0x1D290] =	vst v6;
	v6 =	vnsel vm2, $0x0, v8;
	v8 =	vld [tilespmem:s13+$0x1B290]  }
0x28e: {  	v9 =	vld [tilespmem:s13+$0x1B690];
	[tilespmem:s13+$0x1D280] =	vst v6;
	v6 =	vadd.s32 v11, v15  }
0x28f: {  	v10 =	vld [tilespmem:s13+$0x1BA90];
	[tilespmem:s13+$0x1C280] =	vst v6;
	v6 =	vadd.s32 v15, v7  }
0x290: {  	s0 =	simm.s32 $0x20;
	v13 =	vadd.s32 v15, v13;
	v11 =	vld [tilespmem:s13+$0x1BE90];
	[tilespmem:s13+$0x1C680] =	vst v6  }
0x291: {  	s2 =	simm.s32 $0x100;
	v7 =	vshll.u32 v12, $0xC;
	v12 =	vadd.s32 v15, v14;
	v6 =	vld [tilespmem:s0+$0x18D10];
	[tilespmem:s13+$0x1CA80] =	vst v13  }
.LBB2_34:
0x292: {  	p0 =	sne.s32 s2, $0xF80;
	v13 =	vld [tilespmem:s0+$0x1AE90];
	[tilespmem:s13+$0x1CE80] =	vst v12;
	v8 =	vadd.s32 v8, v7  }
0x293: {  	v12 =	vld [tilespmem:s0+$0x18D00];
	[tilespmem:s13+$0x1C290] =	vst v8;
	v8 =	vadd.s32 v7, v9  }
0x294: {  	v9 =	vld [tilespmem:s0+$0x1AE80];
	[tilespmem:s13+$0x1C690] =	vst v8;
	v8 =	vadd.s32 v7, v10  }
0x295: {  	s12 =	sadd.s32 $0x20, s12;
	v10 =	vld [tilespmem:s0+$0x19600];
	[tilespmem:s13+$0x1CA90] =	vst v8;
	v7 =	vadd.s32 v7, v11  }
0x296: {  	s3 =	sadd.s32 $0x10, s12;
	v8 =	vor.u32 s12, v4;
	v11 =	vld [tilespmem:s0+$0x19610];
	[tilespmem:s13+$0x1CE90] =	vst v7;
	s13 =	smov.u32 s0  }
0x297: {  	vm2 =	vlt.s32 v8, v5;
	v7 =	vor.u32 s3, v4;
	v14 =	vld [tilespmem:s13+$0x1B280];
	v6 =	vmul.f32 v13, v6  }
0x298: {  	vm3 =	vlt.s32 v7, v5;
	v13 =	vld [tilespmem:s13+$0x1B680]  }
0x299: {  	v7 =	vmul.f32 v9, v12;
	v12 =	vld [tilespmem:s13+$0x1BA80];
	v6 =	vnsel vm3, $0x0, v6  }
0x29a: {  	v15 =	vshll.u32 v10, $0xC;
	v16 =	vld [tilespmem:s13+$0x1BE80];
	[tilespmem:s13+$0x1D290] =	vst v6  }
.Ltmp20:
0x29b: {  	v6 =	vnsel vm2, $0x0, v7;
	v7 =	vshll.u32 v11, $0xC;
	v8 =	vld [tilespmem:s13+$0x1B290];
	(pc) =	sbr.rel @p0 .LBB2_34-.Ltmp20, $4  }
0x29c: {  	v10 =	vadd.s32 v14, v15;
	[tilespmem:s13+$0x1D280] =	vst v6;
	v9 =	vld [tilespmem:s13+$0x1B690]  }
0x29d: {  	[tilespmem:s13+$0x1C280] =	vst v10;
	v6 =	vadd.s32 v15, v13;
	v10 =	vld [tilespmem:s13+$0x1BA90]  }
0x29e: {  	s0 =	sshra.s32 s2, $0x2;
	[tilespmem:s13+$0x1C680] =	vst v6;
	v12 =	vadd.s32 v15, v12;
	v11 =	vld [tilespmem:s13+$0x1BE90]  }
0x29f: {  	s2 =	sadd.s32 $0x80, s2;
	v6 =	vld [tilespmem:s0+$0x18D10];
	[tilespmem:s13+$0x1CA80] =	vst v12;
	v12 =	vadd.s32 v15, v16  }
0x2a0: {  	v13 =	vld [tilespmem:s0+$0x1AE90];
	[tilespmem:s13+$0x1CE80] =	vst v12;
	v8 =	vadd.s32 v8, v7  }
0x2a1: {  	v12 =	vld [tilespmem:s0+$0x18D00];
	[tilespmem:s13+$0x1C290] =	vst v8;
	v53 =	vadd.s32 v7, v9  }
0x2a2: {  	v54 =	vld [tilespmem:s0+$0x1AE80];
	[tilespmem:s13+$0x1C690] =	vst v53;
	v55 =	vadd.s32 v7, v10  }
0x2a3: {  	v56 =	vld [tilespmem:s0+$0x19600];
	[tilespmem:s13+$0x1CA90] =	vst v55;
	v7 =	vadd.s32 v7, v11  }
0x2a4: {  	s2 =	sadd.s32 $0x20, s12;
	v8 =	vld [tilespmem:s0+$0x19610];
	[tilespmem:s13+$0x1CE90] =	vst v7  }
0x2a5: {  	s3 =	sadd.s32 $0x10, s2;
	v7 =	vld [tilespmem:s0+$0x1B280]  }
0x2a6: {  	v57 =	vor.u32 s3, v4;
	v6 =	vmul.f32 v13, v6;
	v58 =	vld [tilespmem:s0+$0x1B680]  }
0x2a7: {  	v60 =	vor.u32 s2, v4;
	vm2 =	vlt.s32 v57, v5;
	v59 =	vld [tilespmem:s0+$0x1BA80];
	v9 =	vmul.f32 v54, v12  }
0x2a8: {  	v14 =	vld [tilespmem:s0+$0x1BE80];
	v6 =	vnsel vm2, $0x0, v6;
	vm2 =	vlt.s32 v60, v5  }
0x2a9: {  	[tilespmem:s0+$0x1D290] =	vst v6;
	v6 =	vld [tilespmem:s0+$0x1B290];
	v61 =	vshll.u32 v56, $0xC;
	v5 =	vnsel vm2, $0x0, v9  }
0x2aa: {  	[tilespmem:s0+$0x1D280] =	vst v5;
	v5 =	vadd.s32 v7, v61;
	v7 =	vld [tilespmem:s0+$0x1B690]  }
0x2ab: {  	v62 =	vld [tilespmem:s0+$0x1BA90];
	[tilespmem:s0+$0x1C280] =	vst v5;
	v5 =	vadd.s32 v61, v58  }
0x2ac: {  	v63 =	vld [tilespmem:s0+$0x1BE90];
	[tilespmem:s0+$0x1C680] =	vst v5;
	v5 =	vadd.s32 v61, v59  }
0x2ad: {  	v8 =	vshll.u32 v8, $0xC;
	[tilespmem:s0+$0x1CA80] =	vst v5;
	v5 =	vadd.s32 v61, v14  }
0x2ae: {  	[tilespmem:s0+$0x1CE80] =	vst v5;
	v5 =	vadd.s32 v6, v8  }
0x2af: {  	s12 =	sshll.u32 s24, $0xF;
	s13 =	rddreg [dreg:$0x10];
	[tilespmem:s0+$0x1C290] =	vst v5;
	v5 =	vadd.s32 v8, v7  }
0x2b0: {  	s3 =	sadd.s32 s13, s12;
	[tilespmem:s0+$0x1C690] =	vst v5;
	v5 =	vadd.s32 v8, v62  }
0x2b1: {  	s3 =	sshrl.u32 s3, $0x3;
	[tilespmem:s0+$0x1CA90] =	vst v5;
	v5 =	vadd.s32 v8, v63  }
0x2b2: {  	s14 =	sadd.s32 s7, s3;
	[tilespmem:s0+$0x1CE90] =	vst v5  }
0x2b3: {  	[hbm4b:s14+s29] =	stream.strided.scatter [tilespmem:s9], [sflag:$0x3], $0x1000, s30, s29, $0x38;
	[tilespmem:$0x1D700] =	vst v63  }
0x2b4: {  	_ =	swait.ge [sflag:s1], $0x1000  }
0x2b5: {  	[sflag:s1] =	ssyncset.done $0x0  }
0x2b6: {  	s15 =	sadd.s32 s8, s3;
	[sflag:s1] =	ssyncadd.s32 $0xFFFFF000  }
0x2b7: {  	[hbm4b:s15+s29] =	stream.strided.scatter [tilespmem:s10], [sflag:$0x3], $0x400, s30, s29, $0x38;
	[tilespmem:$0x1D700] =	vst v63  }
0x2b8: {  	_ =	swait.ge [sflag:s1], $0x400  }
0x2b9: {  	s16 =	rddreg [dreg:$0x13]  }
0x2ba: {  	s0 =	sadd.s32 s12, s16  }
0x2bb: {  	[sflag:s1] =	ssyncset.done $0x0;
	s0 =	sshrl.u32 s0, $0x3  }
0x2bc: {  	[sflag:s1] =	ssyncadd.s32 $0xFFFFFC00;
	s0 =	sadd.s32 s8, s0  }
0x2bd: {  	[hbm4b:s0+s29] =	stream.strided.scatter [tilespmem:s10], [sflag:$0x3], $0x400, s30, s29, $0x38;
	[tilespmem:$0x1D700] =	vst v63  }
0x2be: {  	_ =	swait.ge [sflag:s1], $0x400  }
0x2bf: {  	s17 =	rddreg [dreg:$0x14]  }
0x2c0: {  	s0 =	sadd.s32 s12, s17  }
0x2c1: {  	[sflag:s1] =	ssyncset.done $0x0;
	s0 =	sshrl.u32 s0, $0x3  }
0x2c2: {  	[sflag:s1] =	ssyncadd.s32 $0xFFFFFC00;
	s0 =	sadd.s32 s8, s0  }
0x2c3: {  	[hbm4b:s0+s29] =	stream.strided.scatter [tilespmem:s10], [sflag:$0x3], $0x400, s30, s29, $0x38;
	[tilespmem:$0x1D700] =	vst v63  }
0x2c4: {  	_ =	swait.ge [sflag:s1], $0x400  }
0x2c5: {  	s18 =	rddreg [dreg:$0x15]  }
0x2c6: {  	s0 =	sadd.s32 s12, s18  }
0x2c7: {  	[sflag:s1] =	ssyncset.done $0x0;
	s0 =	sshrl.u32 s0, $0x3  }
.Ltmp21:
0x2c8: {  	[sflag:s1] =	ssyncadd.s32 $0xFFFFFC00;
	s0 =	sadd.s32 s8, s0;
	(pc) =	sbr.rel .LBB2_36-.Ltmp21, $4  }
0x2c9: {  	[hbm4b:s0+s29] =	stream.strided.scatter [tilespmem:s10], [sflag:$0x3], $0x400, s30, s29, $0x38;
	[tilespmem:$0x1D700] =	vst v63  }
0x2ca: {  	_ =	swait.ge [sflag:s1], $0x400  }
0x2cb: {  	[sflag:s1] =	ssyncset.done $0x0  }
0x2cc: {  	s24 =	sadd.s32 $0x1, s24;
	s3 =	rddreg [dreg:$0x16];
	[sflag:s1] =	ssyncadd.s32 $0xFFFFFC00  }
.LBB2_37:
0x2cd: {  	_ =	sfence.sel $0x180000  }
0x2ce: {  	[bflag:$0x0] =	sbarrier.arrive $0xFFFF  }
0x2cf: {  	_ =	strace $0x90000047  }
0x2d0: {  	s0 =	stileid.u32;
	[bflag:$0x2] =	sbarrier.arrive $0xFFFF  }
0x2d1: {  	p0 =	sne.s32 s0, $0x0;
	s0 =	rddreg [dreg:$0x3]  }
0x2d2: {  	s0 =	sadd.s32 @!p0 $0x100000, s0  }
0x2d3: {  	[sflag:s0] =	ssyncadd.tile.s32 @!p0 $0x1;
	_ =	shalt  }
.Lfunc_end2:
_tile_overlayer_lowered:
.L_overlay_start_2:
0x2d4: {  	(tag) =	ssettag $0x2  }
0x2d5: {  	s0 =	rddreg [dreg:$0x0];
	s2 =	stileid.u32  }
0x2d6: {  	s1 =	rddreg [dreg:$0x1];
	p0 =	sne.s32 s2, $0x0  }
0x2d7: {  	s3 =	rddreg [dreg:$0x2];
	[bflag:$0x3] =	sbarrier.arrive $0xFFFF;
	s2 =	simm.s32 @!p0 $0x1C03  }
0x2d8: {  	[timem:s3], [sflag:s2] =	dma.local @!p0 [hbm:s0], s1  }
0x2d9: {  	s0 =	simm.s32 @!p0 $0x3  }
0x2da: {  	_ =	swait.ge @!p0 [sflag:s0], s1  }
0x2db: {  	s1 =	ssub.s32 @!p0 $0x0, s1;
	[sflag:s0] =	ssyncset.done @!p0 $0x0  }
0x2dc: {  	[sflag:s0] =	ssyncadd.s32 @!p0 s1  }
0x2dd: {  	[bflag:$0x3] =	sbarrier.arrive $0xFFFF  }
0x2de: {  	_ =	shalt  }

// kernel: kernel.7.cloned.1.call-start
scs
__scs_entry_jumppad:
0x0: {  	(pc) =	sbr.rel $0x88, $3  }
0x1: {  	(tag) =	ssettag $0x0;
	lr =	simm.s32 $0x1  }
0x2: {  	[smem:$0x3F9C] =	sst lr;
	_ =	strace $0xD0000000  }
0x3: {  	_ = 	snop  }
0x4: {  	_ = 	snop  }
0x5: {  	_ = 	snop  }
0x6: {  	_ = 	snop  }
0x7: {  	_ = 	snop  }
__scs_overlays_trampoline_lowered:
0x8: {  	[smem:$0x3FAB] =	sst s0  }
0x9: {  	[smem:$0x3FAC] =	sst s1  }
0xa: {  	[smem:$0x3FAD] =	sst s2  }
0xb: {  	[smem:$0x3FAE] =	sst s3  }
0xc: {  	[smem:$0x3FAF] =	sst s4  }
0xd: {  	[smem:$0x3FB0] =	sst s5  }
0xe: {  	[smem:$0x3FB1] =	sst s6  }
0xf: {  	[smem:$0x3FB2] =	sst s7  }
0x10: {  	[smem:$0x3FB3] =	sst s8  }
0x11: {  	[smem:$0x3FB4] =	sst s9;
	s0 =	simm.s32 @!p0 $0x0  }
0x12: {  	s1 =	sld [smem:$0x3F9A];
	s0 =	simm.s32 @p0 $0x1  }
0x13: {  	[smem:$0x3FB5] =	sst s0;
	s0 =	simm.s32 @!p1 $0x0  }
0x14: {  	s2 =	sld [smem:$0x3F99];
	s0 =	simm.s32 @p1 $0x1  }
0x15: {  	[smem:$0x3FB6] =	sst s0;
	s0 =	simm.s32 @!p2 $0x0  }
0x16: {  	s3 =	sld [smem:$0x3FDB];
	s0 =	simm.s32 @p2 $0x1  }
0x17: {  	s4 =	simm.s32 $0x1BF5;
	[smem:$0x3FB8] =	sst s0  }
0x18: {  	s0 =	sld [smem:$0x3F9B];
	_ =	swait.ge [sflag:s4], $0x0  }
0x19: {  	s7 =	sld [smem:$0x3F9C]  }
0x1a: {  	s8 =	sadd.s32 $0xFFFFE003, lr  }
0x1b: {  	s9 =	sadd.s32 $0xFFFFFEF7, lr;
	s5 =	simm.s32 $0xFFFFFFFF;
	p2 =	slt.u32 s8, $0xFFFFF086  }
0x1c: {  	p1 =	slt.u32 s9, $0xF7A;
	s5 =	simm.s32 @!p2 $0x0  }
0x1d: {  	s5 =	simm.s32 @p1 $0x1;
	p0 =	seq.s32 s7, s2  }
0x1e: {  	s7 =	smul.u32 @!p0 $0xF7A, s2;
	p2 =	seq.s32 @!p0 s5, $0x0  }
0x1f: {  	s9 =	smul.u32 $0xF7A, s1;
	s8 =	simm.s32 @!p0 $0x1BF5;
	p2 =	por !p2, p0  }
0x20: {  	[sflag:s8] =	ssyncset.s32 @!p0 $0xFFFFF086;
	s6 =	sadd.s32 @!p0 s3, s7;
	s7 =	simm.s32 @!p0 $0x108  }
0x21: {  	s3 =	sadd.s32 s3, s9;
	s6 =	sadd.s32 @!p0 $0x88, s6;
	s7 =	simm.s32 @p2 $0x1082  }
0x22: {  	[simem:s7], [sflag:s8] =	dma.local @!p0 [hbm:s6], $0xF7A  }
0x23: {  	s9 =	sor.u32 $0xD0000000, s2;
	s6 =	simm.s32 $0x108;
	_ =	swait.ge @!p0 [sflag:s8], $0x0  }
0x24: {  	s3 =	sadd.s32 $0x88, s3;
	s6 =	simm.s32 @!p1 $0x1082;
	[sflag:s4] =	ssyncset.s32 $0xFFFFF086  }
0x25: {  	[simem:s6], [sflag:s4] =	dma.local [hbm:s3], $0xF7A  }
0x26: {  	[smem:$0x3F9C] =	sst s1;
	(tag) =	ssettag s2;
	_ =	strace s9  }
0x27: {  	s1 =	sld [smem:$0x3FAC]  }
0x28: {  	s2 =	sld [smem:$0x3FAD]  }
0x29: {  	s4 =	sld [smem:$0x3FAF]  }
0x2a: {  	p0 =	seq.s32 s5, $0x0;
	s5 =	sld [smem:$0x3FB0]  }
0x2b: {  	s6 =	sld [smem:$0x3FB1]  }
0x2c: {  	s7 =	sld [smem:$0x3FB2]  }
0x2d: {  	s3 =	simm.s32 $0x108;
	s8 =	sld [smem:$0x3FB3]  }
0x2e: {  	s3 =	simm.s32 @!p0 $0x1082;
	s9 =	sld [smem:$0x3FB4]  }
0x2f: {  	lr =	sadd.s32 s0, s3;
	s0 =	sld [smem:$0x3FAB]  }
0x30: {  	s3 =	sld [smem:$0x3FAE]  }
0x31: {  	[smem:$0x3FB7] =	sst s10  }
0x32: {  	s10 =	sld [smem:$0x3FB5];
	_ =	sdelay $0x3  }
0x33: {  	p0 =	seq.s32 s10, $0x1;
	s10 =	sld [smem:$0x3FB7];
	_ =	sdelay $0x3  }
0x34: {  	[smem:$0x3FB7] =	sst s10  }
0x35: {  	s10 =	sld [smem:$0x3FB6];
	_ =	sdelay $0x3  }
0x36: {  	p1 =	seq.s32 s10, $0x1;
	s10 =	sld [smem:$0x3FB7];
	_ =	sdelay $0x3  }
0x37: {  	[smem:$0x3FB7] =	sst s10  }
0x38: {  	s10 =	sld [smem:$0x3FB8]  }
0x39: {  	_ = 	snop;
	(pc) =	sbr.ind lr, $3  }
0x3a: {  	_ = 	snop  }
0x3b: {  	_ = 	snop  }
0x3c: {  	p2 =	seq.s32 s10, $0x1;
	s10 =	sld [smem:$0x3FB7]  }
0x3d: {  	_ =	shalt  }
0x3e: {  	_ =	shalt  }
0x3f: {  	_ =	shalt  }
0x40: {  	_ =	shalt  }
0x41: {  	_ =	shalt  }
0x42: {  	_ =	shalt  }
0x43: {  	_ =	shalt  }
0x44: {  	_ =	shalt  }
0x45: {  	_ =	shalt  }
0x46: {  	_ =	shalt  }
0x47: {  	_ =	shalt  }
0x48: {  	_ =	shalt  }
0x49: {  	_ =	shalt  }
0x4a: {  	_ =	shalt  }
0x4b: {  	_ =	shalt  }
0x4c: {  	_ =	shalt  }
0x4d: {  	_ =	shalt  }
0x4e: {  	_ =	shalt  }
0x4f: {  	_ =	shalt  }
0x50: {  	_ =	shalt  }
0x51: {  	_ =	shalt  }
0x52: {  	_ =	shalt  }
0x53: {  	_ =	shalt  }
0x54: {  	_ =	shalt  }
0x55: {  	_ =	shalt  }
0x56: {  	_ =	shalt  }
0x57: {  	_ =	shalt  }
0x58: {  	_ =	shalt  }
0x59: {  	_ =	shalt  }
0x5a: {  	_ =	shalt  }
0x5b: {  	_ =	shalt  }
0x5c: {  	_ =	shalt  }
0x5d: {  	_ =	shalt  }
0x5e: {  	_ =	shalt  }
0x5f: {  	_ =	shalt  }
0x60: {  	_ =	shalt  }
0x61: {  	_ =	shalt  }
0x62: {  	_ =	shalt  }
0x63: {  	_ =	shalt  }
0x64: {  	_ =	shalt  }
0x65: {  	_ =	shalt  }
0x66: {  	_ =	shalt  }
0x67: {  	_ =	shalt  }
0x68: {  	_ =	shalt  }
0x69: {  	_ =	shalt  }
0x6a: {  	_ =	shalt  }
0x6b: {  	_ =	shalt  }
0x6c: {  	_ =	shalt  }
0x6d: {  	_ =	shalt  }
0x6e: {  	_ =	shalt  }
0x6f: {  	_ =	shalt  }
0x70: {  	_ =	shalt  }
0x71: {  	_ =	shalt  }
0x72: {  	_ =	shalt  }
0x73: {  	_ =	shalt  }
0x74: {  	_ =	shalt  }
0x75: {  	_ =	shalt  }
0x76: {  	_ =	shalt  }
0x77: {  	_ =	shalt  }
0x78: {  	_ =	shalt  }
0x79: {  	_ =	shalt  }
0x7a: {  	_ =	shalt  }
0x7b: {  	_ =	shalt  }
0x7c: {  	_ =	shalt  }
0x7d: {  	_ =	shalt  }
0x7e: {  	_ =	shalt  }
0x7f: {  	_ =	shalt  }
0x80: {  	_ =	shalt  }
0x81: {  	_ =	shalt  }
0x82: {  	_ =	shalt  }
0x83: {  	_ =	shalt  }
0x84: {  	_ =	shalt  }
0x85: {  	_ =	shalt  }
0x86: {  	_ =	shalt  }
0x87: {  	_ =	shalt  }
.Lfunc_end0:
.L_simem_size_0:
called_computation.1_lowered:
.L_overlay_start_0:
0x88: {  	s2 =	sld [smem:$0x3FD9]  }
0x89: {  	s3 =	sld [smem:$0x3FFE];
	_ =	sdelay $0x1  }
0x8a: {  	s1 =	srdreg.scid  }
0x8b: {  	s0 =	sand.u32 $0x1, s1  }
0x8c: {  	s17 =	sshll.u32 s0, $0xA;
	s2 =	sadd.s32 s3, s2  }
0x8d: {  	s2 =	sadd.s32 s2, s17  }
0x8e: {  	[smem:$0x3FC3] =	sst s2  }
0x8f: {  	_ = 	snop  }
0x90: {  	s2 =	sld [smem:$0x3FD0];
	(tm) =	ssettm $0x1  }
0x91: {  	s18 =	sld [smem:$0x3FFB];
	_ =	sdelay $0x3  }
0x92: {  	_ =	strace s18  }
0x93: {  	s3 =	sld [smem:$0x3FFC];
	_ =	sdelay $0x3  }
0x94: {  	_ =	strace s3  }
0x95: {  	s3 =	sld [smem:$0x3FFD];
	_ =	sdelay $0x3  }
0x96: {  	_ =	strace s3  }
0x97: {  	_ =	strace $0x8FFFFFFF  }
0x98: {  	s19 =	sld [smem:$0x3FDB];
	_ =	sdelay $0x1  }
0x99: {  	s4 =	simm.s32 $_scs_section_size  }
0x9a: {  	s5 =	simm.s32 $_size__tile_overlayer_lowered;
	s6 =	simm.s32 $_tile_overlayer_lowered  }
0x9b: {  	s22 =	simm.s32 $0x1BFF;
	s21 =	sshll.u32 s6, $0x1;
	s3 =	sadd.s32 s4, s19  }
0x9c: {  	s7 =	simm.s32 $0x0;
	s20 =	sshll.u32 s5, $0x1;
	s5 =	sadd.s32 s21, s3  }
0x9d: {  	[timem:s7], [sflag:s22] =	dma.local [hbm:s5], s20  }
0x9e: {  	_ =	swait.ge [sflag:s22], s20  }
0x9f: {  	s4 =	ssub.s32 $0x0, s20;
	[sflag:s22] =	ssyncset.done $0x0  }
0xa0: {  	[sflag:s22] =	ssyncadd.s32 s4;
	_ =	sdelay $0x1  }
0xa1: {  	s23 =	simm.s32 $0x1B8B  }
0xa2: {  	_ =	swait.ge [sflag:s23], $0x1  }
0xa3: {  	[sflag:s23] =	ssyncset.done $0x0  }
0xa4: {  	s25 =	simm.s32 $0x1B8E;
	s24 =	sld [smem:$0x3FFE];
	[sflag:s23] =	ssyncadd.s32 $0xFFFFFFFF  }
0xa5: {  	s26 =	simm.s32 $execute0_lowered;
	[smem:$0x3FD2] =	sst s25  }
0xa6: {  	s5 =	sshll.u32 s26, $0x1;
	_ =	strace $0x80000049;
	[dreg:$0x1] =	wrdreg $0xFFFFFFFF  }
0xa7: {  	s28 =	simm.s32 $_size_execute0_lowered;
	s3 =	sadd.s32 s3, s5;
	[dreg:$0x0] =	wrdreg $0x0  }
0xa8: {  	s5 =	sshll.u32 s28, $0x1;
	[dreg:$0x2] =	wrdreg s3  }
0xa9: {  	[dreg:$0x3] =	wrdreg s5  }
0xaa: {  	[dreg:$0x4] =	wrdreg $0xC0  }
0xab: {  	_ =	task [dreg:s7], $0x5FFFF  }
0xac: {  	[dreg:$0x1] =	wrdreg $0xFFFFFFFF  }
0xad: {  	[dreg:$0x0] =	wrdreg $0x60  }
0xae: {  	[dreg:$0x2] =	wrdreg s24  }
0xaf: {  	[dreg:$0x3] =	wrdreg s2  }
0xb0: {  	[dreg:$0x4] =	wrdreg $0x0  }
0xb1: {  	[dreg:$0x5] =	wrdreg $0x9  }
0xb2: {  	_ =	task.clear_ibuf [dreg:s7], $0x6FFFF;
	_ =	strace $0x90000049  }
0xb3: {  	s29 =	simm.s32 $0x9;
	_ =	strace $0x8000004B  }
0xb4: {  	_ =	swait.ge [sflag:s29], $0x1  }
0xb5: {  	[sflag:s29] =	ssyncadd.s32 $0xFFFFFFFF  }
0xb6: {  	_ =	strace $0x9000004B  }
0xb7: {  	_ =	sfence  }
0xb8: {  	s30 =	sld [smem:$0x0];
	_ =	sdelay $0x2  }
0xb9: {  	s31 =	sshll.u32 s1, $0xD;
	s1 =	sshrl.u32 s1, $0x2  }
0xba: {  	s3 =	sand.u32 $0x4000, s31;
	s1 =	sadd.s32 s1, s30  }
0xbb: {  	s0 =	sor.u32 s3, s0;
	s1 =	sshll.u32 s1, $0x11  }
0xbc: {  	s0 =	sor.u32 s1, s0  }
0xbd: {  	s0 =	sadd.s32 $0x8F2B, s0  }
0xbe: {  	[sflag:s0] =	ssyncadd.remote.s32 $0x1  }
0xbf: {  	_ =	sfence.sel $0xFFFF  }
0xc0: {  	[dreg:$0x0] =	wrdreg $0xFFFFFFFF;
	(pc) =	sbr.abs _section_cstart, $3  }
0xc1: {  	[dreg:$0x1] =	wrdreg $0xFFFFFFFF  }
0xc2: {  	_ =	task.clear_ibuf [dreg:s7], $0x2FFFF;
	_ =	strace $0x9FFFFFFF  }
0xc3: {  	(tm) =	ssettm $0x7FFFFFFF  }
tec
execute0_lowered:
.L_overlay_start_1:
0x0: {  	(tag) =	ssettag $0x1  }
0x1: {  	s0 =	rddreg [dreg:$0x0]  }
0x2: {  	s1 =	rddreg [dreg:$0x1]  }
0x3: {  	s2 =	rddreg [dreg:$0x2];
	s4 =	srdreg.scid  }
0x4: {  	s3 =	simm.s32 $0x0;
	s13 =	stileid.u32;
	s8 =	sand.u32 $0x1, s4  }
0x5: {  	[smem:$0x7FF] =	sst s3;
	s10 =	sshll.u32 s13, $0x10;
	s26 =	sshll.u32 s8, $0xB  }
0x6: {  	_ =	strace $0x8000004A;
	s14 =	sadd.s32 s10, s2;
	[dreg:$0x5] =	wrdreg s26  }
0x7: {  	s15 =	sadd.s32 $0x1000, s14;
	[dreg:$0x4] =	wrdreg s14  }
0x8: {  	s31 =	simm.s32 $0x14000;
	s16 =	sadd.s32 $0x2000, s14;
	[dreg:$0x7] =	wrdreg s15  }
0x9: {  	s5 =	sadd.s32 $0x6C200, s0;
	s17 =	sadd.s32 $0x3000, s14;
	[dreg:$0x8] =	wrdreg s16  }
0xa: {  	s6 =	sadd.s32 $0x16C200, s0;
	s18 =	sadd.s32 $0x4000, s14;
	[dreg:$0x9] =	wrdreg s17  }
0xb: {  	s7 =	sadd.s32 $0x10200, s0;
	s19 =	sadd.s32 $0x5000, s14;
	[dreg:$0xa] =	wrdreg s18  }
0xc: {  	s28 =	sshrl.u32 s13, $0x2;
	s20 =	sadd.s32 $0x6000, s14;
	[dreg:$0xb] =	wrdreg s19  }
0xd: {  	s29 =	sshll.u32 s13, $0x8;
	s21 =	sadd.s32 $0x7000, s14;
	[dreg:$0xc] =	wrdreg s20  }
0xe: {  	s4 =	ssub.s32 $0x2, s8;
	s22 =	sadd.s32 $0x8000, s14;
	[dreg:$0xd] =	wrdreg s21  }
0xf: {  	s10 =	sand.u32 $0x300, s29;
	s23 =	sadd.s32 $0x9000, s14;
	[dreg:$0xe] =	wrdreg s22  }
0x10: {  	s30 =	sshll.u32 s8, $0x16;
	s24 =	sadd.s32 $0xA000, s14;
	[dreg:$0xf] =	wrdreg s23  }
0x11: {  	s12 =	sshll.u32 s28, $0x14;
	s26 =	sadd.s32 $0xC000, s14;
	[dreg:$0x10] =	wrdreg s24  }
0x12: {  	s11 =	sshll.u32 s28, $0xA;
	s28 =	sadd.s32 $0xD000, s14;
	[dreg:$0x12] =	wrdreg s26  }
0x13: {  	s9 =	sshrl.u32 s4, $0x1;
	s29 =	sadd.s32 $0xE000, s14;
	[dreg:$0x13] =	wrdreg s28  }
0x14: {  	s12 =	sor.u32 s30, s12;
	s30 =	sadd.s32 $0xF000, s14;
	[dreg:$0x14] =	wrdreg s29  }
0x15: {  	s13 =	sshll.u32 s13, $0x4;
	s25 =	ssub.s32 s4, s9;
	[dreg:$0x15] =	wrdreg s30  }
0x16: {  	s4 =	simm.s32 $0x15000;
	s15 =	simm.s32 $0x400;
	s16 =	simm.s32 $0x10000  }
0x17: {  	s17 =	simm.s32 $0x11000;
	s18 =	simm.s32 $0x1000;
	s19 =	simm.s32 $0x12000  }
0x18: {  	s20 =	simm.s32 $0x13000;
	s9 =	simm.s32 $0x0;
	s0 =	smax.u32 s25, $0x1  }
0x19: {  	v0 =	vlaneseq.u32;
	v2 =	vmov s8;
	s26 =	simm.s32 $0x0;
	s25 =	sadd.s32 $0xB000, s14;
	[dreg:$0x6] =	wrdreg s0  }
0x1a: {  	v1 =	vimm.f32 $0.0e+00;
	vm0 =	veq.s32 v2, v0;
	s14 =	simm.s32 $0x80;
	[dreg:$0x11] =	wrdreg s25;
	s0 =	simm.s32 $0x1  }
.LBB2_1:
0x1b: {  	[dreg:$0x16] =	wrdreg s9;
	s8 =	simm.s32 $0x40;
	s9 =	simm.s32 $0x0  }
.LBB2_2:
0x1c: {  	p0 =	sne.s32 s8, $0x3FC0;
	[tilespmem:s9+$0x14000] =	vst v1;
	s9 =	smov.u32 s8;
	s8 =	sadd.s32 $0x40, s8  }
.Ltmp0:
0x1d: {  	(pc) =	sbr.rel @p0 .LBB2_2-.Ltmp0, $2  }
0x1e: {  	_ =	sdelay $0x2  }
0x1f: {  	s9 =	sshra.s32 s9, $0x2  }
0x20: {  	[tilespmem:s9+$0x14000] =	vst v1;
	s8 =	rddreg [dreg:$0x4]  }
0x21: {  	[spmem:s8] =	stream.linear.scatter [tilespmem:s31], [sflag:$0x1], $0x1000, $0x38;
	[tilespmem:$0x15080] =	vst v63  }
0x22: {  	_ =	swait.ge [sflag:s0], $0x1000  }
0x23: {  	[sflag:s0] =	ssyncset.done $0x0  }
0x24: {  	s23 =	rddreg [dreg:$0x7];
	[sflag:s0] =	ssyncadd.s32 $0xFFFFF000  }
0x25: {  	[spmem:s23] =	stream.linear.scatter [tilespmem:s31], [sflag:$0x1], $0x1000, $0x38;
	[tilespmem:$0x15080] =	vst v63  }
0x26: {  	_ =	swait.ge [sflag:s0], $0x1000  }
0x27: {  	[sflag:s0] =	ssyncset.done $0x0  }
0x28: {  	s24 =	rddreg [dreg:$0x8];
	[sflag:s0] =	ssyncadd.s32 $0xFFFFF000  }
0x29: {  	[spmem:s24] =	stream.linear.scatter [tilespmem:s31], [sflag:$0x1], $0x1000, $0x38;
	[tilespmem:$0x15080] =	vst v63  }
0x2a: {  	_ =	swait.ge [sflag:s0], $0x1000  }
0x2b: {  	[sflag:s0] =	ssyncset.done $0x0  }
0x2c: {  	s25 =	rddreg [dreg:$0x9];
	[sflag:s0] =	ssyncadd.s32 $0xFFFFF000  }
0x2d: {  	[spmem:s25] =	stream.linear.scatter [tilespmem:s31], [sflag:$0x1], $0x1000, $0x38;
	[tilespmem:$0x15080] =	vst v63  }
0x2e: {  	_ =	swait.ge [sflag:s0], $0x1000  }
0x2f: {  	[sflag:s0] =	ssyncset.done $0x0  }
0x30: {  	s28 =	rddreg [dreg:$0xa];
	[sflag:s0] =	ssyncadd.s32 $0xFFFFF000  }
0x31: {  	[spmem:s28] =	stream.linear.scatter [tilespmem:s31], [sflag:$0x1], $0x1000, $0x38;
	[tilespmem:$0x15080] =	vst v63  }
0x32: {  	_ =	swait.ge [sflag:s0], $0x1000  }
0x33: {  	[sflag:s0] =	ssyncset.done $0x0  }
0x34: {  	s29 =	rddreg [dreg:$0xb];
	[sflag:s0] =	ssyncadd.s32 $0xFFFFF000  }
0x35: {  	[spmem:s29] =	stream.linear.scatter [tilespmem:s31], [sflag:$0x1], $0x1000, $0x38;
	[tilespmem:$0x15080] =	vst v63  }
0x36: {  	_ =	swait.ge [sflag:s0], $0x1000  }
0x37: {  	[sflag:s0] =	ssyncset.done $0x0  }
0x38: {  	s30 =	rddreg [dreg:$0xc];
	[sflag:s0] =	ssyncadd.s32 $0xFFFFF000  }
0x39: {  	[spmem:s30] =	stream.linear.scatter [tilespmem:s31], [sflag:$0x1], $0x1000, $0x38;
	[tilespmem:$0x15080] =	vst v63  }
0x3a: {  	_ =	swait.ge [sflag:s0], $0x1000  }
0x3b: {  	[sflag:s0] =	ssyncset.done $0x0  }
0x3c: {  	s9 =	rddreg [dreg:$0xd];
	[sflag:s0] =	ssyncadd.s32 $0xFFFFF000  }
0x3d: {  	[spmem:s9] =	stream.linear.scatter [tilespmem:s31], [sflag:$0x1], $0x1000, $0x38;
	[tilespmem:$0x15080] =	vst v63  }
0x3e: {  	_ =	swait.ge [sflag:s0], $0x1000  }
0x3f: {  	[sflag:s0] =	ssyncset.done $0x0  }
0x40: {  	s21 =	rddreg [dreg:$0xe];
	[sflag:s0] =	ssyncadd.s32 $0xFFFFF000  }
0x41: {  	[spmem:s21] =	stream.linear.scatter [tilespmem:s31], [sflag:$0x1], $0x1000, $0x38;
	[tilespmem:$0x15080] =	vst v63  }
0x42: {  	_ =	swait.ge [sflag:s0], $0x1000  }
0x43: {  	[sflag:s0] =	ssyncset.done $0x0  }
0x44: {  	s22 =	rddreg [dreg:$0xf];
	[sflag:s0] =	ssyncadd.s32 $0xFFFFF000  }
0x45: {  	[spmem:s22] =	stream.linear.scatter [tilespmem:s31], [sflag:$0x1], $0x1000, $0x38;
	[tilespmem:$0x15080] =	vst v63  }
0x46: {  	_ =	swait.ge [sflag:s0], $0x1000  }
0x47: {  	[sflag:s0] =	ssyncset.done $0x0  }
0x48: {  	s23 =	rddreg [dreg:$0x10];
	[sflag:s0] =	ssyncadd.s32 $0xFFFFF000  }
0x49: {  	[spmem:s23] =	stream.linear.scatter [tilespmem:s31], [sflag:$0x1], $0x1000, $0x38;
	[tilespmem:$0x15080] =	vst v63  }
0x4a: {  	_ =	swait.ge [sflag:s0], $0x1000  }
0x4b: {  	[sflag:s0] =	ssyncset.done $0x0  }
0x4c: {  	s24 =	rddreg [dreg:$0x11];
	[sflag:s0] =	ssyncadd.s32 $0xFFFFF000  }
0x4d: {  	[spmem:s24] =	stream.linear.scatter [tilespmem:s31], [sflag:$0x1], $0x1000, $0x38;
	[tilespmem:$0x15080] =	vst v63  }
0x4e: {  	_ =	swait.ge [sflag:s0], $0x1000  }
0x4f: {  	[sflag:s0] =	ssyncset.done $0x0  }
0x50: {  	s25 =	rddreg [dreg:$0x12];
	[sflag:s0] =	ssyncadd.s32 $0xFFFFF000  }
0x51: {  	[spmem:s25] =	stream.linear.scatter [tilespmem:s31], [sflag:$0x1], $0x1000, $0x38;
	[tilespmem:$0x15080] =	vst v63  }
0x52: {  	_ =	swait.ge [sflag:s0], $0x1000  }
0x53: {  	[sflag:s0] =	ssyncset.done $0x0  }
0x54: {  	s28 =	rddreg [dreg:$0x13];
	[sflag:s0] =	ssyncadd.s32 $0xFFFFF000  }
0x55: {  	[spmem:s28] =	stream.linear.scatter [tilespmem:s31], [sflag:$0x1], $0x1000, $0x38;
	[tilespmem:$0x15080] =	vst v63  }
0x56: {  	_ =	swait.ge [sflag:s0], $0x1000  }
0x57: {  	[sflag:s0] =	ssyncset.done $0x0  }
0x58: {  	s29 =	rddreg [dreg:$0x14];
	[sflag:s0] =	ssyncadd.s32 $0xFFFFF000  }
0x59: {  	[spmem:s29] =	stream.linear.scatter [tilespmem:s31], [sflag:$0x1], $0x1000, $0x38;
	[tilespmem:$0x15080] =	vst v63  }
0x5a: {  	_ =	swait.ge [sflag:s0], $0x1000  }
0x5b: {  	[sflag:s0] =	ssyncset.done $0x0  }
0x5c: {  	s30 =	rddreg [dreg:$0x15];
	[sflag:s0] =	ssyncadd.s32 $0xFFFFF000  }
0x5d: {  	[spmem:s30] =	stream.linear.scatter [tilespmem:s31], [sflag:$0x1], $0x1000, $0x38;
	[tilespmem:$0x15080] =	vst v63  }
0x5e: {  	_ =	swait.ge [sflag:s0], $0x1000  }
0x5f: {  	[sflag:s0] =	ssyncset.done $0x0  }
0x60: {  	[sflag:s0] =	ssyncadd.s32 $0xFFFFF000  }
0x61: {  	s8 =	simm.s32 $0x0;
	[bflag:$0x0] =	sbarrier.arrive $0xFFFF  }
.LBB2_4:
.Ltmp1:
0x62: {  	(pc) =	sbr.rel .LBB2_5-.Ltmp1, $4  }
0x63: {  	s30 =	sshll.u32 s8, $0x8;
	s9 =	rddreg [dreg:$0x5]  }
0x64: {  	s23 =	sadd.s32 s9, s30  }
0x65: {  	[dreg:$0x17] =	wrdreg s8;
	s8 =	sshll.u32 s23, $0xC  }
0x66: {  	p1 =	por $0x1, $0x1;
	v2 =	vmov s8;
	s8 =	simm.s32 $0x0  }
.LBB2_10:
.Ltmp2:
0x67: {  	(pc) =	sbr.rel @!p0 .LBB2_11-.Ltmp2, $2  }
0x68: {  	_ =	sdelay $0x2  }
0x69: {  	s8 =	simm.s32 $0x80;
	p1 =	por $0x0, $0x0  }
.LBB2_5:
0x6a: {  	s8 =	sor.u32 s10, s8  }
0x6b: {  	s9 =	sor.u32 s11, s8  }
0x6c: {  	s9 =	sshrl.u32 s9, $0x3  }
0x6d: {  	s9 =	sadd.s32 s7, s9  }
0x6e: {  	[tilespmem:s4], [sflag:$0x1] =	stream.linear.gather [hbm4b:s9+s3], $0x80, $0x38;
	[tilespmem:$0x15080] =	vst v63  }
0x6f: {  	_ =	swait.ge [sflag:s0], $0x80  }
0x70: {  	[sflag:s0] =	ssyncset.done $0x0  }
0x71: {  	[sflag:s0] =	ssyncadd.s32 $0xFFFFFF80  }
0x72: {  	v3 =	vld [tilespmem:$0x15000];
	_ =	sdelay $0x4  }
0x73: {  	v3 =	vnsel vm0, $0x0, v3  }
0x74: {  	(xrf0) =	vadd.scan.msk.s32 $0xffff, v3;
	_ =	sdelay $0x5  }
0x75: {  	v3, _, _ =	vpop (xrf0)  }
0x76: {  	(v2sf) =	vpush v3, $0xF;
	_ =	sdelay $0xe  }
0x77: {  	s24 =	spop (v2sf)  }
0x78: {  	p2 =	slt.s32 s24, $0x1  }
.Ltmp3:
0x79: {  	_ = 	snop;
	(pc) =	sbr.rel @p2 .LBB2_10-.Ltmp3, $2  }
0x7a: {  	_ =	sdelay $0x2  }
0x7b: {  	p0 =	por p1, p1  }
0x7c: {  	s25 =	sor.u32 s8, s12;
	s28 =	simm.s32 $0x0  }
.LBB2_7:
0x7d: {  	s8 =	sshll.u32 s28, $0xF  }
0x7e: {  	s8 =	sadd.s32 s8, s25  }
0x7f: {  	s8 =	sshrl.u32 s8, $0x3  }
0x80: {  	s9 =	sadd.s32 s5, s8  }
0x81: {  	[tilespmem:s16], [sflag:$0x1] =	stream.strided.gather [hbm4b:s9+s14], $0x1000, s15, s14, $0x38;
	[tilespmem:$0x15080] =	vst v63  }
0x82: {  	_ =	swait.ge [sflag:s0], $0x1000  }
0x83: {  	[sflag:s0] =	ssyncset.done $0x0  }
0x84: {  	s8 =	sadd.s32 s6, s8;
	[sflag:s0] =	ssyncadd.s32 $0xFFFFF000  }
0x85: {  	[tilespmem:s17], [sflag:$0x1] =	stream.strided.gather [hbm4b:s8+s14], $0x1000, s15, s14, $0x38;
	[tilespmem:$0x15080] =	vst v63  }
0x86: {  	_ =	swait.ge [sflag:s0], $0x1000  }
0x87: {  	[sflag:s0] =	ssyncset.done $0x0  }
0x88: {  	s29 =	simm.s32 $0x10020;
	[sflag:s0] =	ssyncadd.s32 $0xFFFFF000  }
0x89: {  	v3 =	vld [tilespmem:s29+$0xFFFFFFE0];
	_ =	sdelay $0x4  }
0x8a: {  	v3 =	vsub.s32 v3, v2  }
0x8b: {  	v4 =	vor.u32 s26, v0;
	vm1 =	vlt.u32 v3, $0x100000  }
0x8c: {  	s30 =	simm.s32 $0x12020;
	v3 =	vsel vm1, v3, v4  }
0x8d: {  	s8 =	simm.s32 $0x11020;
	[tilespmem:s30+$0xFFFFFFE0] =	vst v3  }
0x8e: {  	v3 =	vld [tilespmem:s8+$0xFFFFFFE0];
	_ =	sdelay $0x4  }
0x8f: {  	v3 =	vnsel vm1, $0x0, v3  }
0x90: {  	[tilespmem:s8+$0xFFFFFFE0] =	vst v3  }
0x91: {  	v3 =	vld [tilespmem:s29+$0xFFFFFFF0];
	_ =	sdelay $0x4  }
0x92: {  	s22 =	simm.s32 $0x10;
	v3 =	vsub.s32 v3, v2  }
0x93: {  	v4 =	vor.u32 s22, v0;
	vm1 =	vlt.u32 v3, $0x100000  }
0x94: {  	v3 =	vsel vm1, v3, v4  }
0x95: {  	[tilespmem:s30+$0xFFFFFFF0] =	vst v3  }
0x96: {  	v3 =	vld [tilespmem:s8+$0xFFFFFFF0];
	_ =	sdelay $0x4  }
0x97: {  	v3 =	vnsel vm1, $0x0, v3  }
0x98: {  	[tilespmem:s8+$0xFFFFFFF0] =	vst v3  }
0x99: {  	v3 =	vld [tilespmem:s29+$0x0];
	_ =	sdelay $0x4  }
0x9a: {  	s21 =	simm.s32 $0x20;
	v3 =	vsub.s32 v3, v2  }
0x9b: {  	v4 =	vor.u32 s21, v0;
	vm1 =	vlt.u32 v3, $0x100000  }
0x9c: {  	v3 =	vsel vm1, v3, v4  }
0x9d: {  	[tilespmem:s30+$0x0] =	vst v3  }
0x9e: {  	v3 =	vld [tilespmem:s8+$0x0];
	_ =	sdelay $0x4  }
0x9f: {  	v3 =	vnsel vm1, $0x0, v3  }
0xa0: {  	[tilespmem:s8+$0x0] =	vst v3  }
0xa1: {  	v3 =	vld [tilespmem:s29+$0x10];
	_ =	sdelay $0x4  }
0xa2: {  	s22 =	simm.s32 $0x30;
	v3 =	vsub.s32 v3, v2  }
0xa3: {  	v4 =	vor.u32 s22, v0;
	vm1 =	vlt.u32 v3, $0x100000  }
0xa4: {  	v3 =	vsel vm1, v3, v4  }
0xa5: {  	[tilespmem:s30+$0x10] =	vst v3  }
0xa6: {  	v3 =	vld [tilespmem:s8+$0x10];
	_ =	sdelay $0x4  }
0xa7: {  	s21 =	simm.s32 $0x40;
	v3 =	vnsel vm1, $0x0, v3  }
.LBB2_8:
0xa8: {  	[tilespmem:s8+$0x10] =	vst v3;
	s29 =	sadd.s32 $0x40, s29;
	s30 =	sadd.s32 $0x40, s30;
	s8 =	sadd.s32 $0x40, s8  }
0xa9: {  	p1 =	sne.s32 s21, $0xFC0;
	s9 =	smov.u32 s21;
	s21 =	sadd.s32 $0x40, s21;
	v3 =	vld [tilespmem:s29+$0xFFFFFFE0]  }
0xaa: {  	_ =	sdelay $0x3  }
0xab: {  	v3 =	vsub.s32 v3, v2  }
0xac: {  	v4 =	vor.u32 s9, v0;
	vm1 =	vlt.u32 v3, $0x100000  }
0xad: {  	v3 =	vsel vm1, v3, v4  }
0xae: {  	[tilespmem:s30+$0xFFFFFFE0] =	vst v3  }
0xaf: {  	v3 =	vld [tilespmem:s8+$0xFFFFFFE0];
	_ =	sdelay $0x4  }
0xb0: {  	v3 =	vnsel vm1, $0x0, v3  }
0xb1: {  	[tilespmem:s8+$0xFFFFFFE0] =	vst v3  }
0xb2: {  	v3 =	vld [tilespmem:s29+$0xFFFFFFF0];
	_ =	sdelay $0x4  }
0xb3: {  	s22 =	sadd.s32 $0x10, s9;
	v3 =	vsub.s32 v3, v2  }
0xb4: {  	v4 =	vor.u32 s22, v0;
	vm1 =	vlt.u32 v3, $0x100000  }
0xb5: {  	v3 =	vsel vm1, v3, v4  }
0xb6: {  	[tilespmem:s30+$0xFFFFFFF0] =	vst v3  }
0xb7: {  	v3 =	vld [tilespmem:s8+$0xFFFFFFF0];
	_ =	sdelay $0x4  }
0xb8: {  	v3 =	vnsel vm1, $0x0, v3  }
0xb9: {  	[tilespmem:s8+$0xFFFFFFF0] =	vst v3  }
0xba: {  	v3 =	vld [tilespmem:s29+$0x0];
	_ =	sdelay $0x4  }
0xbb: {  	s22 =	sadd.s32 $0x20, s9;
	v3 =	vsub.s32 v3, v2  }
0xbc: {  	v4 =	vor.u32 s22, v0;
	vm1 =	vlt.u32 v3, $0x100000  }
0xbd: {  	v3 =	vsel vm1, v3, v4  }
0xbe: {  	[tilespmem:s30+$0x0] =	vst v3  }
0xbf: {  	v3 =	vld [tilespmem:s8+$0x0];
	_ =	sdelay $0x4  }
0xc0: {  	v3 =	vnsel vm1, $0x0, v3  }
0xc1: {  	[tilespmem:s8+$0x0] =	vst v3  }
0xc2: {  	v3 =	vld [tilespmem:s29+$0x10];
	_ =	sdelay $0x4  }
0xc3: {  	s9 =	sadd.s32 $0x30, s9;
	v3 =	vsub.s32 v3, v2  }
0xc4: {  	v4 =	vor.u32 s9, v0;
	vm1 =	vlt.u32 v3, $0x100000  }
0xc5: {  	v3 =	vsel vm1, v3, v4  }
0xc6: {  	[tilespmem:s30+$0x10] =	vst v3  }
0xc7: {  	v3 =	vld [tilespmem:s8+$0x10]  }
.Ltmp4:
0xc8: {  	(pc) =	sbr.rel @p1 .LBB2_8-.Ltmp4, $2  }
0xc9: {  	_ =	sdelay $0x2  }
0xca: {  	v3 =	vnsel vm1, $0x0, v3  }
0xcb: {  	[tilespmem:s8+$0x10] =	vst v3;
	s28 =	sadd.s32 $0x1, s28  }
0xcc: {  	[spmem:s2] =	stream.indirect.scatter.add.f32 [tilespmem:s17], [sflag:$0x1], $0x1, s19, s18, $0xb8;
	[tilespmem:$0x15080] =	vst v63  }
0xcd: {  	p1 =	sne.s32 s28, s24  }
.Ltmp5:
0xce: {  	_ = 	snop;
	(pc) =	sbr.rel @p1 .LBB2_7-.Ltmp5, $4  }
.Ltmp6:
0xcf: {  	_ = 	snop;
	(pc) =	sbr.rel @!p1 .LBB2_10-.Ltmp6, $4  }
0xd0: {  	_ =	swait.ge [sflag:s0], $0x1000  }
0xd1: {  	[sflag:s0] =	ssyncset.done $0x0  }
0xd2: {  	[sflag:s0] =	ssyncadd.s32 $0xFFFFF000  }
0xd3: {  	_ = 	snop  }
.LBB2_11:
0xd4: {  	[bflag:$0x0] =	sbarrier.arrive $0xFFFF;
	s8 =	simm.s32 $0x0  }
.LBB2_12:
0xd5: {  	s21 =	sadd.s32 s13, s8  }
0xd6: {  	s9 =	sshll.u32 s21, $0xC  }
0xd7: {  	s9 =	sand.u32 $0x3FFFF000, s9  }
0xd8: {  	s9 =	sadd.s32 s9, s2  }
0xd9: {  	[tilespmem:s20], [sflag:$0x1] =	stream.linear.gather [spmem:s9], $0x1000, $0x38;
	[tilespmem:$0x15080] =	vst v63  }
0xda: {  	_ =	swait.ge [sflag:s0], $0x1000  }
0xdb: {  	[sflag:s0] =	ssyncset.done $0x0  }
0xdc: {  	[sflag:s0] =	ssyncadd.s32 $0xFFFFF000  }
0xdd: {  	[spmem:s9] =	stream.linear.scatter [tilespmem:s31], [sflag:$0x1], $0x1000, $0x38;
	[tilespmem:$0x15080] =	vst v63  }
0xde: {  	_ =	swait.ge [sflag:s0], $0x1000  }
0xdf: {  	[sflag:s0] =	ssyncset.done $0x0  }
0xe0: {  	s22 =	simm.s32 $0x0;
	[sflag:s0] =	ssyncadd.s32 $0xFFFFF000  }
0xe1: {  	v3 =	vld [tilespmem:s22+$0x13030]  }
0xe2: {  	v4 =	vld [tilespmem:s22+$0x13000]  }
0xe3: {  	v2 =	vimm.f32 $0.0e+00;
	v5 =	vld [tilespmem:s22+$0x13010]  }
0xe4: {  	v7 =	vimm.f32 $0.0e+00;
	v8 =	vimm.f32 $0.0e+00;
	v9 =	vimm.f32 $0.0e+00;
	s9 =	simm.s32 $0x100;
	v6 =	vld [tilespmem:s22+$0x13020]  }
.LBB2_13:
0xe5: {  	p0 =	sne.s32 s9, $0x3F00  }
.Ltmp7:
0xe6: {  	s22 =	sshra.s32 s9, $0x2;
	s9 =	sadd.s32 $0x100, s9;
	v2 =	vadd.f32 v3, v2;
	(pc) =	sbr.rel @p0 .LBB2_13-.Ltmp7, $4  }
0xe7: {  	v3 =	vld [tilespmem:s22+$0x13030];
	v7 =	vadd.f32 v4, v7  }
0xe8: {  	v4 =	vld [tilespmem:s22+$0x13000];
	v8 =	vadd.f32 v5, v8  }
0xe9: {  	v5 =	vld [tilespmem:s22+$0x13010];
	v9 =	vadd.f32 v6, v9  }
0xea: {  	v6 =	vld [tilespmem:s22+$0x13020]  }
0xeb: {  	_ =	sdelay $0x2  }
0xec: {  	v4 =	vadd.f32 v4, v7;
	v5 =	vadd.f32 v5, v8;
	_ =	sdelay $0x1  }
0xed: {  	v6 =	vadd.f32 v6, v9;
	v4 =	vadd.f32 v5, v4;
	_ =	sdelay $0x1  }
0xee: {  	v2 =	vadd.f32 v3, v2;
	v3 =	vadd.f32 v6, v4;
	_ =	sdelay $0x1  }
0xef: {  	v2 =	vadd.f32 v2, v3;
	_ =	sdelay $0x1  }
0xf0: {  	(xrf2) =	vadd.scan.msk.f32 $0xffff, v2;
	_ =	sdelay $0x9  }
0xf1: {  	v2, _, _ =	vpop (xrf2)  }
0xf2: {  	v2 =	vmul.f32 $2.500000000e-01, v2;
	_ =	sdelay $0x1  }
0xf3: {  	v2 =	vmax.f32 v2, $9.999999970e-07  }
0xf4: {  	v2 =	vbroadcast v2, $0xF;
	_ =	sdelay $0x1  }
0xf5: {  	(erf) = vrcp.f32 v2;
	_ =	sdelay $0x5  }
0xf6: {  	s9 =	simm.s32 $0x0  }
0xf7: {  	v3 =	vld [tilespmem:s9+$0x13000]  }
0xf8: {  	v5 =	vld [tilespmem:s9+$0x13010]  }
0xf9: {  	s24 =	simm.s32 $0x100;
	v4 =	vld [tilespmem:s9+$0x13020];
	v2 =	vpop (erf)  }
.LBB2_15:
0xfa: {  	p0 =	sne.s32 s24, $0x3F00;
	v6 =	vld [tilespmem:s9+$0x13030];
	_ =	sdelay $0x1  }
0xfb: {  	v3 =	vmul.f32 v3, v2  }
.Ltmp8:
0xfc: {  	v5 =	vmul.f32 v5, v2;
	(pc) =	sbr.rel @p0 .LBB2_15-.Ltmp8, $4  }
0xfd: {  	s22 =	sshra.s32 s24, $0x2;
	[tilespmem:s9+$0x13000] =	vst v3;
	v4 =	vmul.f32 v4, v2  }
0xfe: {  	v3 =	vld [tilespmem:s22+$0x13000];
	[tilespmem:s9+$0x13010] =	vst v5;
	v6 =	vmul.f32 v6, v2  }
0xff: {  	v5 =	vld [tilespmem:s22+$0x13010];
	[tilespmem:s9+$0x13020] =	vst v4  }
0x100: {  	s24 =	sadd.s32 $0x100, s24;
	v4 =	vld [tilespmem:s22+$0x13020];
	[tilespmem:s9+$0x13030] =	vst v6;
	s9 =	smov.u32 s22  }
0x101: {  	v6 =	vld [tilespmem:s9+$0x13030];
	_ =	sdelay $0x1  }
0x102: {  	v3 =	vmul.f32 v3, v2  }
0x103: {  	v5 =	vmul.f32 v5, v2  }
0x104: {  	s21 =	sadd.s32 s23, s21;
	s22 =	sshll.u32 s8, $0x4;
	[tilespmem:s9+$0x13000] =	vst v3;
	v3 =	vmul.f32 v4, v2  }
0x105: {  	s8 =	sadd.s32 $0x1, s8;
	s21 =	sshll.u32 s21, $0x9;
	s22 =	sand.u32 $0x70, s22;
	[tilespmem:s9+$0x13010] =	vst v5;
	v2 =	vmul.f32 v6, v2  }
0x106: {  	p0 =	sne.s32 s8, $0x10;
	s21 =	sand.u32 $0x1FF000, s21;
	s22 =	sadd.s32 s1, s22;
	[tilespmem:s9+$0x13020] =	vst v3  }
.Ltmp9:
0x107: {  	s30 =	sadd.s32 s21, s22;
	[tilespmem:s9+$0x13030] =	vst v2;
	(pc) =	sbr.rel @p0 .LBB2_12-.Ltmp9, $4  }
0x108: {  	[hbm4b:s30+s14] =	stream.strided.scatter [tilespmem:s20], [sflag:$0x1], $0x1000, s15, s14, $0x38;
	[tilespmem:$0x15080] =	vst v63  }
0x109: {  	_ =	swait.ge [sflag:s0], $0x1000  }
0x10a: {  	[sflag:s0] =	ssyncset.done $0x0  }
0x10b: {  	[sflag:s0] =	ssyncadd.s32 $0xFFFFF000  }
0x10c: {  	s8 =	rddreg [dreg:$0x17]  }
0x10d: {  	s8 =	sadd.s32 $0x1, s8  }
0x10e: {  	p0 =	sne.s32 s8, $0x8  }
.Ltmp10:
0x10f: {  	_ = 	snop;
	(pc) =	sbr.rel @p0 .LBB2_4-.Ltmp10, $2  }
0x110: {  	_ =	sdelay $0x1  }
0x111: {  	[bflag:$0x0] =	sbarrier.arrive $0xFFFF;
	_ =	sdelay $0x1  }
0x112: {  	s9 =	rddreg [dreg:$0x16]  }
0x113: {  	s8 =	rddreg [dreg:$0x6];
	s9 =	sadd.s32 $0x1, s9  }
0x114: {  	p0 =	sne.s32 s9, s8  }
.Ltmp11:
0x115: {  	_ = 	snop;
	(pc) =	sbr.rel @p0 .LBB2_1-.Ltmp11, $1  }
0x116: {  	_ =	sdelay $0x3  }
0x117: {  	_ =	sfence.sel $0x180000  }
0x118: {  	[bflag:$0x0] =	sbarrier.arrive $0xFFFF  }
0x119: {  	_ =	strace $0x9000004A  }
0x11a: {  	s0 =	stileid.u32;
	[bflag:$0x2] =	sbarrier.arrive $0xFFFF  }
0x11b: {  	p0 =	sne.s32 s0, $0x0;
	s0 =	rddreg [dreg:$0x3]  }
0x11c: {  	s0 =	sadd.s32 @!p0 $0x100000, s0  }
0x11d: {  	[sflag:s0] =	ssyncadd.tile.s32 @!p0 $0x1;
	_ =	shalt  }
.Lfunc_end2:
_tile_overlayer_lowered:
.L_overlay_start_2:
0x11e: {  	(tag) =	ssettag $0x2  }
0x11f: {  	s0 =	rddreg [dreg:$0x0];
	s2 =	stileid.u32  }
0x120: {  	s1 =	rddreg [dreg:$0x1];
	p0 =	sne.s32 s2, $0x0  }
0x121: {  	s3 =	rddreg [dreg:$0x2];
	[bflag:$0x3] =	sbarrier.arrive $0xFFFF;
	s2 =	simm.s32 @!p0 $0x1C01  }
0x122: {  	[timem:s3], [sflag:s2] =	dma.local @!p0 [hbm:s0], s1  }
0x123: {  	s0 =	simm.s32 @!p0 $0x1  }
0x124: {  	_ =	swait.ge @!p0 [sflag:s0], s1  }
0x125: {  	s1 =	ssub.s32 @!p0 $0x0, s1;
	[sflag:s0] =	ssyncset.done @!p0 $0x0  }
0x126: {  	[sflag:s0] =	ssyncadd.s32 @!p0 s1  }
0x127: {  	[bflag:$0x3] =	sbarrier.arrive $0xFFFF  }
0x128: {  	_ =	shalt  }

</sc_bundles>
